<compile_context>
chip_gen: v7x
topology: tpu7x:2x2x1
jax: 0.10.2.dev20260603
libtpu: 0.0.44.dev20260713+nightly
codegen_flags: <defaults>
</compile_context>

<pallas_src>
import jax
import jax.numpy as jnp
from jax import lax
from jax.experimental import pallas as pl
from jax.experimental.pallas import tpu as pltpu
from jax.experimental.pallas import tpu_sc as plsc

_BATCH = 16384
_LATENT = 64
_NC = 2
_NS = 16
_NW = _NC * _NS
_BPW = _BATCH // _NW
_CHUNK = 128
_NCHUNK = _BPW // _CHUNK
_L = 16


def _mf_body(uid_hbm, iid_hbm, p_hbm, q_hbm, ub_hbm, ib_hbm, out_hbm,
             uidx_v, iidx_v, ubidx_v, ibidx_v, prow_v, qrow_v,
             ubias_v, ibias_v, sums_v, out_v, sem):
    wid = lax.axis_index("s") * _NC + lax.axis_index("c")
    base = wid * _BPW

    for j in range(_NCHUNK):
        src = pl.ds(base + j * _CHUNK, _CHUNK)
        pltpu.sync_copy(uid_hbm.at[src], uidx_v.at[j])
        pltpu.sync_copy(iid_hbm.at[src], iidx_v.at[j])

    for j in range(_NCHUNK):
        for v in range(_CHUNK // _L):
            sl = pl.ds(v * _L, _L)
            ubidx_v.at[j][sl] = lax.shift_right_logical(
                uidx_v.at[j][sl], 4)
            ibidx_v.at[j][sl] = lax.shift_right_logical(
                iidx_v.at[j][sl], 4)

    copies = []
    for j in range(_NCHUNK):
        sl = pl.ds(j * _CHUNK, _CHUNK)
        copies.append(pltpu.async_copy(p_hbm.at[uidx_v.at[j]], prow_v.at[sl], sem))
        copies.append(pltpu.async_copy(q_hbm.at[iidx_v.at[j]], qrow_v.at[sl], sem))
        copies.append(pltpu.async_copy(ub_hbm.at[ubidx_v.at[j]], ubias_v.at[sl], sem))
        copies.append(pltpu.async_copy(ib_hbm.at[ibidx_v.at[j]], ibias_v.at[sl], sem))
    for c in copies:
        c.wait()

    def row_body(r, carry):
        acc = prow_v[r, pl.ds(0, _L)] * qrow_v[r, pl.ds(0, _L)]
        acc += prow_v[r, pl.ds(_L, _L)] * qrow_v[r, pl.ds(_L, _L)]
        acc += prow_v[r, pl.ds(2 * _L, _L)] * qrow_v[r, pl.ds(2 * _L, _L)]
        acc += prow_v[r, pl.ds(3 * _L, _L)] * qrow_v[r, pl.ds(3 * _L, _L)]
        sums_v[r] = plsc.cumsum(acc)
        return carry

    lax.fori_loop(0, _BPW, row_body, 0, unroll=8)

    last = jnp.full((_L,), _L - 1, jnp.int32)
    for g in range(_BPW // _L):
        sl = pl.ds(g * _L, _L)
        rows = lax.iota(jnp.int32, _L) + g * _L
        dots = plsc.load_gather(sums_v, [rows, last])
        ub = plsc.load_gather(ubias_v, [rows, uidx_v.at[g // 8][pl.ds((g % 8) * _L, _L)] & (_L - 1)])
        ib = plsc.load_gather(ibias_v, [rows, iidx_v.at[g // 8][pl.ds((g % 8) * _L, _L)] & (_L - 1)])
        out_v[sl] = dots + ub + ib

    pltpu.sync_copy(out_v, out_hbm.at[pl.ds(base, _BPW)])


@jax.jit
def _mf(uid, iid, P, Q, ub, ib):
    mesh = plsc.VectorSubcoreMesh(core_axis_name="c", subcore_axis_name="s")
    f = pl.kernel(
        _mf_body,
        mesh=mesh,
        compiler_params=pltpu.CompilerParams(
            needs_layout_passes=False, use_tc_tiling_on_sc=False),
        out_type=jax.ShapeDtypeStruct((_BATCH,), jnp.float32),
        scratch_types=[
            pltpu.VMEM((_NCHUNK, _CHUNK), jnp.int32),
            pltpu.VMEM((_NCHUNK, _CHUNK), jnp.int32),
            pltpu.VMEM((_NCHUNK, _CHUNK), jnp.int32),
            pltpu.VMEM((_NCHUNK, _CHUNK), jnp.int32),
            pltpu.VMEM((_BPW, _LATENT), jnp.float32),
            pltpu.VMEM((_BPW, _LATENT), jnp.float32),
            pltpu.VMEM((_BPW, _L), jnp.float32),
            pltpu.VMEM((_BPW, _L), jnp.float32),
            pltpu.VMEM((_BPW, _L), jnp.float32),
            pltpu.VMEM((_BPW,), jnp.float32),
            pltpu.SemaphoreType.DMA,
        ],
    )
    return f(uid, iid, P, Q, ub, ib)


def kernel(user_id, item_id, P, Q, user_bias, item_bias):
    nu = user_bias.shape[0] // _L
    ni = item_bias.shape[0] // _L
    return _mf(user_id, item_id, P, Q,
               user_bias.reshape(nu, _L), item_bias.reshape(ni, _L))

# --- scband reference (transcript-rebuilt; emitter-appended) ---
"""Pipeline reference for scband-mf-39024072851615 (READ-ONLY COPY).

The authoritative reference and input builder live on the scoring server;
editing this copy changes nothing except your own understanding.
"""

import jax, jax.numpy as jnp
import numpy as np

NUM_USERS = 1000000
NUM_ITEMS = 1000000
LATENT = 64
BATCH = 16384

def setup_inputs(seed: int = 0) -> dict:
    key = jax.random.key(seed)
    k1, k2, k3, k4, k5, k6 = jax.random.split(key, 6)
    user_id = jax.random.randint(k1, (BATCH,), 0, NUM_USERS, dtype=jnp.int32)
    item_id = jax.random.randint(k2, (BATCH,), 0, NUM_ITEMS, dtype=jnp.int32)
    P = jax.random.normal(k3, (NUM_USERS, LATENT), dtype=jnp.float32)
    Q = jax.random.normal(k4, (NUM_ITEMS, LATENT), dtype=jnp.float32)
    user_bias = jax.random.normal(k5, (NUM_USERS, 1), dtype=jnp.float32)
    item_bias = jax.random.normal(k6, (NUM_ITEMS, 1), dtype=jnp.float32)
    return {"user_id": user_id, "item_id": item_id, "P": P, "Q": Q, "user_bias": user_bias, "item_bias": item_bias}

def reference(user_id, item_id, P, Q, user_bias, item_bias):
    P_u = jnp.take(P, user_id, axis=0)
    Q_i = jnp.take(Q, item_id, axis=0)
    p_bias = jnp.take(user_bias, user_id, axis=0)
    q_bias = jnp.take(item_bias, item_id, axis=0)
    pred_ratings = (P_u * Q_i).sum(axis=1) + jnp.squeeze(p_bias) + jnp.squeeze(q_bias)
    return pred_ratings

if __name__ == "__main__":
    import jax
    _d = setup_inputs()
    print(jax.jit(kernel)(*tuple(_d.values())))

</pallas_src>

<mosaic_0001>
#map = affine_map<(d0, d1) -> (0)>
#map1 = affine_map<(d0, d1) -> (0, 0)>
module attributes {stable_mosaic.version = 14 : i64} {
  func.func @_mf_body(%arg0: i32, %arg1: i32, %arg2: memref<16384xi32, #tpu.memory_space<hbm>>, %arg3: memref<16384xi32, #tpu.memory_space<hbm>>, %arg4: memref<1000000x64xf32, #tpu.memory_space<hbm>>, %arg5: memref<1000000x64xf32, #tpu.memory_space<hbm>>, %arg6: memref<62500x16xf32, #tpu.memory_space<hbm>>, %arg7: memref<62500x16xf32, #tpu.memory_space<hbm>>, %arg8: memref<16384xf32, #tpu.memory_space<hbm>>, %arg9: memref<4x128xi32, #tpu.memory_space<vmem>>, %arg10: memref<4x128xi32, #tpu.memory_space<vmem>>, %arg11: memref<4x128xi32, #tpu.memory_space<vmem>>, %arg12: memref<4x128xi32, #tpu.memory_space<vmem>>, %arg13: memref<512x64xf32, #tpu.memory_space<vmem>>, %arg14: memref<512x64xf32, #tpu.memory_space<vmem>>, %arg15: memref<512x16xf32, #tpu.memory_space<vmem>>, %arg16: memref<512x16xf32, #tpu.memory_space<vmem>>, %arg17: memref<512x16xf32, #tpu.memory_space<vmem>>, %arg18: memref<512xf32, #tpu.memory_space<vmem>>, %arg19: memref<!tpu.dma_semaphore, #tpu.memory_space<semaphore_mem>>) attributes {dimension_semantics = [#tpu.dimension_semantics<core_parallel>, #tpu.dimension_semantics<subcore_parallel>], iteration_bounds = array<i64: 2, 16>, scalar_prefetch = 0 : i64, scratch_operands = 11 : i64, tpu.core_type = #tpu.core_type<sc_vector_subcore>, window_params = [{transform_indices = #map}, {transform_indices = #map}, {transform_indices = #map1}, {transform_indices = #map1}, {transform_indices = #map1}, {transform_indices = #map1}, {transform_indices = #map}]} {
    %mul3A = arith.constant 2 : i32
    %mul3A_0 = arith.muli %arg1, %mul3A : i32
    %add3A = arith.addi %mul3A_0, %arg0 : i32
    %mul3A_1 = arith.constant 512 : i32
    %mul3A_2 = arith.muli %add3A, %mul3A_1 : i32
    %add3A_3 = arith.constant 0 : i32
    %add3A_4 = arith.addi %mul3A_2, %add3A_3 : i32
    %run_scoped3A = arith.constant 0 : i32
    "tpu.region"() ({
      %run_scoped3A_2224 = tpu.sem_alloc : memref<!tpu.dma_semaphore, #tpu.memory_space<semaphore_mem>>
      %dma_start3A_2225 = arith.constant 0 : i32
      %dma_start3A_2226 = tpu.memref_slice %arg9[%run_scoped3A, %dma_start3A_2225] : memref<4x128xi32, #tpu.memory_space<vmem>> -> memref<1x128xi32, #tpu.memory_space<vmem>>
      %dma_start3A_2227 = tpu.memref_squeeze %dma_start3A_2226 : memref<1x128xi32, #tpu.memory_space<vmem>> -> memref<128xi32, #tpu.memory_space<vmem>>
      %dma_start3A_2228 = tpu.memref_slice %arg2[%add3A_4] : memref<16384xi32, #tpu.memory_space<hbm>> -> memref<128xi32, #tpu.memory_space<hbm>>
      %dma_start3A_2229 = arith.constant 0 : i32
      %dma_start3A_2230 = tpu.memref_slice %arg9[%run_scoped3A, %dma_start3A_2229] : memref<4x128xi32, #tpu.memory_space<vmem>> -> memref<1x128xi32, #tpu.memory_space<vmem>>
      %dma_start3A_2231 = tpu.memref_squeeze %dma_start3A_2230 : memref<1x128xi32, #tpu.memory_space<vmem>> -> memref<128xi32, #tpu.memory_space<vmem>>
      %dma_start3A_2232 = tpu.memref_slice %arg2[%add3A_4] : memref<16384xi32, #tpu.memory_space<hbm>> -> memref<128xi32, #tpu.memory_space<hbm>>
      tpu.enqueue_dma source(%dma_start3A_2232 : memref<128xi32, #tpu.memory_space<hbm>>) target(%dma_start3A_2231 : memref<128xi32, #tpu.memory_space<vmem>>) target_semaphore(%run_scoped3A_2224 : memref<!tpu.dma_semaphore, #tpu.memory_space<semaphore_mem>>)
      %dma_wait3A_2233 = arith.constant 0 : i32
      %dma_wait3A_2234 = tpu.memref_slice %arg9[%run_scoped3A, %dma_wait3A_2233] : memref<4x128xi32, #tpu.memory_space<vmem>> -> memref<1x128xi32, #tpu.memory_space<vmem>>
      %dma_wait3A_2235 = tpu.memref_squeeze %dma_wait3A_2234 : memref<1x128xi32, #tpu.memory_space<vmem>> -> memref<128xi32, #tpu.memory_space<vmem>>
      %dma_wait3A_2236 = tpu.memref_slice %arg2[%add3A_4] : memref<16384xi32, #tpu.memory_space<hbm>> -> memref<128xi32, #tpu.memory_space<hbm>>
      %dma_wait3A_2237 = arith.constant 0 : i32
      %dma_wait3A_2238 = tpu.memref_slice %arg9[%run_scoped3A, %dma_wait3A_2237] : memref<4x128xi32, #tpu.memory_space<vmem>> -> memref<1x128xi32, #tpu.memory_space<vmem>>
      %dma_wait3A_2239 = tpu.memref_squeeze %dma_wait3A_2238 : memref<1x128xi32, #tpu.memory_space<vmem>> -> memref<128xi32, #tpu.memory_space<vmem>>
      %dma_wait3A_2240 = tpu.memref_slice %arg2[%add3A_4] : memref<16384xi32, #tpu.memory_space<hbm>> -> memref<128xi32, #tpu.memory_space<hbm>>
      tpu.wait_dma2 semaphore(%run_scoped3A_2224 : memref<!tpu.dma_semaphore, #tpu.memory_space<semaphore_mem>>) src(%dma_wait3A_2240 : memref<128xi32, #tpu.memory_space<hbm>>) dst(%dma_wait3A_2239 : memref<128xi32, #tpu.memory_space<vmem>>)
      tpu.yield
    }) : () -> ()
    %run_scoped3A_5 = arith.constant 0 : i32
    "tpu.region"() ({
      %run_scoped3A_2224 = tpu.sem_alloc : memref<!tpu.dma_semaphore, #tpu.memory_space<semaphore_mem>>
      %dma_start3A_2225 = arith.constant 0 : i32
      %dma_start3A_2226 = tpu.memref_slice %arg10[%run_scoped3A_5, %dma_start3A_2225] : memref<4x128xi32, #tpu.memory_space<vmem>> -> memref<1x128xi32, #tpu.memory_space<vmem>>
      %dma_start3A_2227 = tpu.memref_squeeze %dma_start3A_2226 : memref<1x128xi32, #tpu.memory_space<vmem>> -> memref<128xi32, #tpu.memory_space<vmem>>
      %dma_start3A_2228 = tpu.memref_slice %arg3[%add3A_4] : memref<16384xi32, #tpu.memory_space<hbm>> -> memref<128xi32, #tpu.memory_space<hbm>>
      %dma_start3A_2229 = arith.constant 0 : i32
      %dma_start3A_2230 = tpu.memref_slice %arg10[%run_scoped3A_5, %dma_start3A_2229] : memref<4x128xi32, #tpu.memory_space<vmem>> -> memref<1x128xi32, #tpu.memory_space<vmem>>
      %dma_start3A_2231 = tpu.memref_squeeze %dma_start3A_2230 : memref<1x128xi32, #tpu.memory_space<vmem>> -> memref<128xi32, #tpu.memory_space<vmem>>
      %dma_start3A_2232 = tpu.memref_slice %arg3[%add3A_4] : memref<16384xi32, #tpu.memory_space<hbm>> -> memref<128xi32, #tpu.memory_space<hbm>>
      tpu.enqueue_dma source(%dma_start3A_2232 : memref<128xi32, #tpu.memory_space<hbm>>) target(%dma_start3A_2231 : memref<128xi32, #tpu.memory_space<vmem>>) target_semaphore(%run_scoped3A_2224 : memref<!tpu.dma_semaphore, #tpu.memory_space<semaphore_mem>>)
      %dma_wait3A_2233 = arith.constant 0 : i32
      %dma_wait3A_2234 = tpu.memref_slice %arg10[%run_scoped3A_5, %dma_wait3A_2233] : memref<4x128xi32, #tpu.memory_space<vmem>> -> memref<1x128xi32, #tpu.memory_space<vmem>>
      %dma_wait3A_2235 = tpu.memref_squeeze %dma_wait3A_2234 : memref<1x128xi32, #tpu.memory_space<vmem>> -> memref<128xi32, #tpu.memory_space<vmem>>
      %dma_wait3A_2236 = tpu.memref_slice %arg3[%add3A_4] : memref<16384xi32, #tpu.memory_space<hbm>> -> memref<128xi32, #tpu.memory_space<hbm>>
      %dma_wait3A_2237 = arith.constant 0 : i32
      %dma_wait3A_2238 = tpu.memref_slice %arg10[%run_scoped3A_5, %dma_wait3A_2237] : memref<4x128xi32, #tpu.memory_space<vmem>> -> memref<1x128xi32, #tpu.memory_space<vmem>>
      %dma_wait3A_2239 = tpu.memref_squeeze %dma_wait3A_2238 : memref<1x128xi32, #tpu.memory_space<vmem>> -> memref<128xi32, #tpu.memory_space<vmem>>
      %dma_wait3A_2240 = tpu.memref_slice %arg3[%add3A_4] : memref<16384xi32, #tpu.memory_space<hbm>> -> memref<128xi32, #tpu.memory_space<hbm>>
      tpu.wait_dma2 semaphore(%run_scoped3A_2224 : memref<!tpu.dma_semaphore, #tpu.memory_space<semaphore_mem>>) src(%dma_wait3A_2240 : memref<128xi32, #tpu.memory_space<hbm>>) dst(%dma_wait3A_2239 : memref<128xi32, #tpu.memory_space<vmem>>)
      tpu.yield
    }) : () -> ()
    %add3A_6 = arith.constant 128 : i32
    %add3A_7 = arith.addi %mul3A_2, %add3A_6 : i32
    %run_scoped3A_8 = arith.constant 1 : i32
    "tpu.region"() ({
      %run_scoped3A_2224 = tpu.sem_alloc : memref<!tpu.dma_semaphore, #tpu.memory_space<semaphore_mem>>
      %dma_start3A_2225 = arith.constant 0 : i32
      %dma_start3A_2226 = tpu.memref_slice %arg9[%run_scoped3A_8, %dma_start3A_2225] : memref<4x128xi32, #tpu.memory_space<vmem>> -> memref<1x128xi32, #tpu.memory_space<vmem>>
      %dma_start3A_2227 = tpu.memref_squeeze %dma_start3A_2226 : memref<1x128xi32, #tpu.memory_space<vmem>> -> memref<128xi32, #tpu.memory_space<vmem>>
      %dma_start3A_2228 = tpu.memref_slice %arg2[%add3A_7] : memref<16384xi32, #tpu.memory_space<hbm>> -> memref<128xi32, #tpu.memory_space<hbm>>
      %dma_start3A_2229 = arith.constant 0 : i32
      %dma_start3A_2230 = tpu.memref_slice %arg9[%run_scoped3A_8, %dma_start3A_2229] : memref<4x128xi32, #tpu.memory_space<vmem>> -> memref<1x128xi32, #tpu.memory_space<vmem>>
      %dma_start3A_2231 = tpu.memref_squeeze %dma_start3A_2230 : memref<1x128xi32, #tpu.memory_space<vmem>> -> memref<128xi32, #tpu.memory_space<vmem>>
      %dma_start3A_2232 = tpu.memref_slice %arg2[%add3A_7] : memref<16384xi32, #tpu.memory_space<hbm>> -> memref<128xi32, #tpu.memory_space<hbm>>
      tpu.enqueue_dma source(%dma_start3A_2232 : memref<128xi32, #tpu.memory_space<hbm>>) target(%dma_start3A_2231 : memref<128xi32, #tpu.memory_space<vmem>>) target_semaphore(%run_scoped3A_2224 : memref<!tpu.dma_semaphore, #tpu.memory_space<semaphore_mem>>)
      %dma_wait3A_2233 = arith.constant 0 : i32
      %dma_wait3A_2234 = tpu.memref_slice %arg9[%run_scoped3A_8, %dma_wait3A_2233] : memref<4x128xi32, #tpu.memory_space<vmem>> -> memref<1x128xi32, #tpu.memory_space<vmem>>
      %dma_wait3A_2235 = tpu.memref_squeeze %dma_wait3A_2234 : memref<1x128xi32, #tpu.memory_space<vmem>> -> memref<128xi32, #tpu.memory_space<vmem>>
      %dma_wait3A_2236 = tpu.memref_slice %arg2[%add3A_7] : memref<16384xi32, #tpu.memory_space<hbm>> -> memref<128xi32, #tpu.memory_space<hbm>>
      %dma_wait3A_2237 = arith.constant 0 : i32
      %dma_wait3A_2238 = tpu.memref_slice %arg9[%run_scoped3A_8, %dma_wait3A_2237] : memref<4x128xi32, #tpu.memory_space<vmem>> -> memref<1x128xi32, #tpu.memory_space<vmem>>
      %dma_wait3A_2239 = tpu.memref_squeeze %dma_wait3A_2238 : memref<1x128xi32, #tpu.memory_space<vmem>> -> memref<128xi32, #tpu.memory_space<vmem>>
      %dma_wait3A_2240 = tpu.memref_slice %arg2[%add3A_7] : memref<16384xi32, #tpu.memory_space<hbm>> -> memref<128xi32, #tpu.memory_space<hbm>>
      tpu.wait_dma2 semaphore(%run_scoped3A_2224 : memref<!tpu.dma_semaphore, #tpu.memory_space<semaphore_mem>>) src(%dma_wait3A_2240 : memref<128xi32, #tpu.memory_space<hbm>>) dst(%dma_wait3A_2239 : memref<128xi32, #tpu.memory_space<vmem>>)
      tpu.yield
    }) : () -> ()
    %run_scoped3A_9 = arith.constant 1 : i32
    "tpu.region"() ({
      %run_scoped3A_2224 = tpu.sem_alloc : memref<!tpu.dma_semaphore, #tpu.memory_space<semaphore_mem>>
      %dma_start3A_2225 = arith.constant 0 : i32
      %dma_start3A_2226 = tpu.memref_slice %arg10[%run_scoped3A_9, %dma_start3A_2225] : memref<4x128xi32, #tpu.memory_space<vmem>> -> memref<1x128xi32, #tpu.memory_space<vmem>>
      %dma_start3A_2227 = tpu.memref_squeeze %dma_start3A_2226 : memref<1x128xi32, #tpu.memory_space<vmem>> -> memref<128xi32, #tpu.memory_space<vmem>>
      %dma_start3A_2228 = tpu.memref_slice %arg3[%add3A_7] : memref<16384xi32, #tpu.memory_space<hbm>> -> memref<128xi32, #tpu.memory_space<hbm>>
      %dma_start3A_2229 = arith.constant 0 : i32
      %dma_start3A_2230 = tpu.memref_slice %arg10[%run_scoped3A_9, %dma_start3A_2229] : memref<4x128xi32, #tpu.memory_space<vmem>> -> memref<1x128xi32, #tpu.memory_space<vmem>>
      %dma_start3A_2231 = tpu.memref_squeeze %dma_start3A_2230 : memref<1x128xi32, #tpu.memory_space<vmem>> -> memref<128xi32, #tpu.memory_space<vmem>>
      %dma_start3A_2232 = tpu.memref_slice %arg3[%add3A_7] : memref<16384xi32, #tpu.memory_space<hbm>> -> memref<128xi32, #tpu.memory_space<hbm>>
      tpu.enqueue_dma source(%dma_start3A_2232 : memref<128xi32, #tpu.memory_space<hbm>>) target(%dma_start3A_2231 : memref<128xi32, #tpu.memory_space<vmem>>) target_semaphore(%run_scoped3A_2224 : memref<!tpu.dma_semaphore, #tpu.memory_space<semaphore_mem>>)
      %dma_wait3A_2233 = arith.constant 0 : i32
      %dma_wait3A_2234 = tpu.memref_slice %arg10[%run_scoped3A_9, %dma_wait3A_2233] : memref<4x128xi32, #tpu.memory_space<vmem>> -> memref<1x128xi32, #tpu.memory_space<vmem>>
      %dma_wait3A_2235 = tpu.memref_squeeze %dma_wait3A_2234 : memref<1x128xi32, #tpu.memory_space<vmem>> -> memref<128xi32, #tpu.memory_space<vmem>>
      %dma_wait3A_2236 = tpu.memref_slice %arg3[%add3A_7] : memref<16384xi32, #tpu.memory_space<hbm>> -> memref<128xi32, #tpu.memory_space<hbm>>
      %dma_wait3A_2237 = arith.constant 0 : i32
      %dma_wait3A_2238 = tpu.memref_slice %arg10[%run_scoped3A_9, %dma_wait3A_2237] : memref<4x128xi32, #tpu.memory_space<vmem>> -> memref<1x128xi32, #tpu.memory_space<vmem>>
      %dma_wait3A_2239 = tpu.memref_squeeze %dma_wait3A_2238 : memref<1x128xi32, #tpu.memory_space<vmem>> -> memref<128xi32, #tpu.memory_space<vmem>>
      %dma_wait3A_2240 = tpu.memref_slice %arg3[%add3A_7] : memref<16384xi32, #tpu.memory_space<hbm>> -> memref<128xi32, #tpu.memory_space<hbm>>
      tpu.wait_dma2 semaphore(%run_scoped3A_2224 : memref<!tpu.dma_semaphore, #tpu.memory_space<semaphore_mem>>) src(%dma_wait3A_2240 : memref<128xi32, #tpu.memory_space<hbm>>) dst(%dma_wait3A_2239 : memref<128xi32, #tpu.memory_space<vmem>>)
      tpu.yield
    }) : () -> ()
    %add3A_10 = arith.constant 256 : i32
    %add3A_11 = arith.addi %mul3A_2, %add3A_10 : i32
    %run_scoped3A_12 = arith.constant 2 : i32
    "tpu.region"() ({
      %run_scoped3A_2224 = tpu.sem_alloc : memref<!tpu.dma_semaphore, #tpu.memory_space<semaphore_mem>>
      %dma_start3A_2225 = arith.constant 0 : i32
      %dma_start3A_2226 = tpu.memref_slice %arg9[%run_scoped3A_12, %dma_start3A_2225] : memref<4x128xi32, #tpu.memory_space<vmem>> -> memref<1x128xi32, #tpu.memory_space<vmem>>
      %dma_start3A_2227 = tpu.memref_squeeze %dma_start3A_2226 : memref<1x128xi32, #tpu.memory_space<vmem>> -> memref<128xi32, #tpu.memory_space<vmem>>
      %dma_start3A_2228 = tpu.memref_slice %arg2[%add3A_11] : memref<16384xi32, #tpu.memory_space<hbm>> -> memref<128xi32, #tpu.memory_space<hbm>>
      %dma_start3A_2229 = arith.constant 0 : i32
      %dma_start3A_2230 = tpu.memref_slice %arg9[%run_scoped3A_12, %dma_start3A_2229] : memref<4x128xi32, #tpu.memory_space<vmem>> -> memref<1x128xi32, #tpu.memory_space<vmem>>
      %dma_start3A_2231 = tpu.memref_squeeze %dma_start3A_2230 : memref<1x128xi32, #tpu.memory_space<vmem>> -> memref<128xi32, #tpu.memory_space<vmem>>
      %dma_start3A_2232 = tpu.memref_slice %arg2[%add3A_11] : memref<16384xi32, #tpu.memory_space<hbm>> -> memref<128xi32, #tpu.memory_space<hbm>>
      tpu.enqueue_dma source(%dma_start3A_2232 : memref<128xi32, #tpu.memory_space<hbm>>) target(%dma_start3A_2231 : memref<128xi32, #tpu.memory_space<vmem>>) target_semaphore(%run_scoped3A_2224 : memref<!tpu.dma_semaphore, #tpu.memory_space<semaphore_mem>>)
      %dma_wait3A_2233 = arith.constant 0 : i32
      %dma_wait3A_2234 = tpu.memref_slice %arg9[%run_scoped3A_12, %dma_wait3A_2233] : memref<4x128xi32, #tpu.memory_space<vmem>> -> memref<1x128xi32, #tpu.memory_space<vmem>>
      %dma_wait3A_2235 = tpu.memref_squeeze %dma_wait3A_2234 : memref<1x128xi32, #tpu.memory_space<vmem>> -> memref<128xi32, #tpu.memory_space<vmem>>
      %dma_wait3A_2236 = tpu.memref_slice %arg2[%add3A_11] : memref<16384xi32, #tpu.memory_space<hbm>> -> memref<128xi32, #tpu.memory_space<hbm>>
      %dma_wait3A_2237 = arith.constant 0 : i32
      %dma_wait3A_2238 = tpu.memref_slice %arg9[%run_scoped3A_12, %dma_wait3A_2237] : memref<4x128xi32, #tpu.memory_space<vmem>> -> memref<1x128xi32, #tpu.memory_space<vmem>>
      %dma_wait3A_2239 = tpu.memref_squeeze %dma_wait3A_2238 : memref<1x128xi32, #tpu.memory_space<vmem>> -> memref<128xi32, #tpu.memory_space<vmem>>
      %dma_wait3A_2240 = tpu.memref_slice %arg2[%add3A_11] : memref<16384xi32, #tpu.memory_space<hbm>> -> memref<128xi32, #tpu.memory_space<hbm>>
      tpu.wait_dma2 semaphore(%run_scoped3A_2224 : memref<!tpu.dma_semaphore, #tpu.memory_space<semaphore_mem>>) src(%dma_wait3A_2240 : memref<128xi32, #tpu.memory_space<hbm>>) dst(%dma_wait3A_2239 : memref<128xi32, #tpu.memory_space<vmem>>)
      tpu.yield
    }) : () -> ()
    %run_scoped3A_13 = arith.constant 2 : i32
    "tpu.region"() ({
      %run_scoped3A_2224 = tpu.sem_alloc : memref<!tpu.dma_semaphore, #tpu.memory_space<semaphore_mem>>
      %dma_start3A_2225 = arith.constant 0 : i32
      %dma_start3A_2226 = tpu.memref_slice %arg10[%run_scoped3A_13, %dma_start3A_2225] : memref<4x128xi32, #tpu.memory_space<vmem>> -> memref<1x128xi32, #tpu.memory_space<vmem>>
      %dma_start3A_2227 = tpu.memref_squeeze %dma_start3A_2226 : memref<1x128xi32, #tpu.memory_space<vmem>> -> memref<128xi32, #tpu.memory_space<vmem>>
      %dma_start3A_2228 = tpu.memref_slice %arg3[%add3A_11] : memref<16384xi32, #tpu.memory_space<hbm>> -> memref<128xi32, #tpu.memory_space<hbm>>
      %dma_start3A_2229 = arith.constant 0 : i32
      %dma_start3A_2230 = tpu.memref_slice %arg10[%run_scoped3A_13, %dma_start3A_2229] : memref<4x128xi32, #tpu.memory_space<vmem>> -> memref<1x128xi32, #tpu.memory_space<vmem>>
      %dma_start3A_2231 = tpu.memref_squeeze %dma_start3A_2230 : memref<1x128xi32, #tpu.memory_space<vmem>> -> memref<128xi32, #tpu.memory_space<vmem>>
      %dma_start3A_2232 = tpu.memref_slice %arg3[%add3A_11] : memref<16384xi32, #tpu.memory_space<hbm>> -> memref<128xi32, #tpu.memory_space<hbm>>
      tpu.enqueue_dma source(%dma_start3A_2232 : memref<128xi32, #tpu.memory_space<hbm>>) target(%dma_start3A_2231 : memref<128xi32, #tpu.memory_space<vmem>>) target_semaphore(%run_scoped3A_2224 : memref<!tpu.dma_semaphore, #tpu.memory_space<semaphore_mem>>)
      %dma_wait3A_2233 = arith.constant 0 : i32
      %dma_wait3A_2234 = tpu.memref_slice %arg10[%run_scoped3A_13, %dma_wait3A_2233] : memref<4x128xi32, #tpu.memory_space<vmem>> -> memref<1x128xi32, #tpu.memory_space<vmem>>
      %dma_wait3A_2235 = tpu.memref_squeeze %dma_wait3A_2234 : memref<1x128xi32, #tpu.memory_space<vmem>> -> memref<128xi32, #tpu.memory_space<vmem>>
      %dma_wait3A_2236 = tpu.memref_slice %arg3[%add3A_11] : memref<16384xi32, #tpu.memory_space<hbm>> -> memref<128xi32, #tpu.memory_space<hbm>>
      %dma_wait3A_2237 = arith.constant 0 : i32
      %dma_wait3A_2238 = tpu.memref_slice %arg10[%run_scoped3A_13, %dma_wait3A_2237] : memref<4x128xi32, #tpu.memory_space<vmem>> -> memref<1x128xi32, #tpu.memory_space<vmem>>
      %dma_wait3A_2239 = tpu.memref_squeeze %dma_wait3A_2238 : memref<1x128xi32, #tpu.memory_space<vmem>> -> memref<128xi32, #tpu.memory_space<vmem>>
      %dma_wait3A_2240 = tpu.memref_slice %arg3[%add3A_11] : memref<16384xi32, #tpu.memory_space<hbm>> -> memref<128xi32, #tpu.memory_space<hbm>>
      tpu.wait_dma2 semaphore(%run_scoped3A_2224 : memref<!tpu.dma_semaphore, #tpu.memory_space<semaphore_mem>>) src(%dma_wait3A_2240 : memref<128xi32, #tpu.memory_space<hbm>>) dst(%dma_wait3A_2239 : memref<128xi32, #tpu.memory_space<vmem>>)
      tpu.yield
    }) : () -> ()
    %add3A_14 = arith.constant 384 : i32
    %add3A_15 = arith.addi %mul3A_2, %add3A_14 : i32
    %run_scoped3A_16 = arith.constant 3 : i32
    "tpu.region"() ({
      %run_scoped3A_2224 = tpu.sem_alloc : memref<!tpu.dma_semaphore, #tpu.memory_space<semaphore_mem>>
      %dma_start3A_2225 = arith.constant 0 : i32
      %dma_start3A_2226 = tpu.memref_slice %arg9[%run_scoped3A_16, %dma_start3A_2225] : memref<4x128xi32, #tpu.memory_space<vmem>> -> memref<1x128xi32, #tpu.memory_space<vmem>>
      %dma_start3A_2227 = tpu.memref_squeeze %dma_start3A_2226 : memref<1x128xi32, #tpu.memory_space<vmem>> -> memref<128xi32, #tpu.memory_space<vmem>>
      %dma_start3A_2228 = tpu.memref_slice %arg2[%add3A_15] : memref<16384xi32, #tpu.memory_space<hbm>> -> memref<128xi32, #tpu.memory_space<hbm>>
      %dma_start3A_2229 = arith.constant 0 : i32
      %dma_start3A_2230 = tpu.memref_slice %arg9[%run_scoped3A_16, %dma_start3A_2229] : memref<4x128xi32, #tpu.memory_space<vmem>> -> memref<1x128xi32, #tpu.memory_space<vmem>>
      %dma_start3A_2231 = tpu.memref_squeeze %dma_start3A_2230 : memref<1x128xi32, #tpu.memory_space<vmem>> -> memref<128xi32, #tpu.memory_space<vmem>>
      %dma_start3A_2232 = tpu.memref_slice %arg2[%add3A_15] : memref<16384xi32, #tpu.memory_space<hbm>> -> memref<128xi32, #tpu.memory_space<hbm>>
      tpu.enqueue_dma source(%dma_start3A_2232 : memref<128xi32, #tpu.memory_space<hbm>>) target(%dma_start3A_2231 : memref<128xi32, #tpu.memory_space<vmem>>) target_semaphore(%run_scoped3A_2224 : memref<!tpu.dma_semaphore, #tpu.memory_space<semaphore_mem>>)
      %dma_wait3A_2233 = arith.constant 0 : i32
      %dma_wait3A_2234 = tpu.memref_slice %arg9[%run_scoped3A_16, %dma_wait3A_2233] : memref<4x128xi32, #tpu.memory_space<vmem>> -> memref<1x128xi32, #tpu.memory_space<vmem>>
      %dma_wait3A_2235 = tpu.memref_squeeze %dma_wait3A_2234 : memref<1x128xi32, #tpu.memory_space<vmem>> -> memref<128xi32, #tpu.memory_space<vmem>>
      %dma_wait3A_2236 = tpu.memref_slice %arg2[%add3A_15] : memref<16384xi32, #tpu.memory_space<hbm>> -> memref<128xi32, #tpu.memory_space<hbm>>
      %dma_wait3A_2237 = arith.constant 0 : i32
      %dma_wait3A_2238 = tpu.memref_slice %arg9[%run_scoped3A_16, %dma_wait3A_2237] : memref<4x128xi32, #tpu.memory_space<vmem>> -> memref<1x128xi32, #tpu.memory_space<vmem>>
      %dma_wait3A_2239 = tpu.memref_squeeze %dma_wait3A_2238 : memref<1x128xi32, #tpu.memory_space<vmem>> -> memref<128xi32, #tpu.memory_space<vmem>>
      %dma_wait3A_2240 = tpu.memref_slice %arg2[%add3A_15] : memref<16384xi32, #tpu.memory_space<hbm>> -> memref<128xi32, #tpu.memory_space<hbm>>
      tpu.wait_dma2 semaphore(%run_scoped3A_2224 : memref<!tpu.dma_semaphore, #tpu.memory_space<semaphore_mem>>) src(%dma_wait3A_2240 : memref<128xi32, #tpu.memory_space<hbm>>) dst(%dma_wait3A_2239 : memref<128xi32, #tpu.memory_space<vmem>>)
      tpu.yield
    }) : () -> ()
    %run_scoped3A_17 = arith.constant 3 : i32
    "tpu.region"() ({
      %run_scoped3A_2224 = tpu.sem_alloc : memref<!tpu.dma_semaphore, #tpu.memory_space<semaphore_mem>>
      %dma_start3A_2225 = arith.constant 0 : i32
      %dma_start3A_2226 = tpu.memref_slice %arg10[%run_scoped3A_17, %dma_start3A_2225] : memref<4x128xi32, #tpu.memory_space<vmem>> -> memref<1x128xi32, #tpu.memory_space<vmem>>
      %dma_start3A_2227 = tpu.memref_squeeze %dma_start3A_2226 : memref<1x128xi32, #tpu.memory_space<vmem>> -> memref<128xi32, #tpu.memory_space<vmem>>
      %dma_start3A_2228 = tpu.memref_slice %arg3[%add3A_15] : memref<16384xi32, #tpu.memory_space<hbm>> -> memref<128xi32, #tpu.memory_space<hbm>>
      %dma_start3A_2229 = arith.constant 0 : i32
      %dma_start3A_2230 = tpu.memref_slice %arg10[%run_scoped3A_17, %dma_start3A_2229] : memref<4x128xi32, #tpu.memory_space<vmem>> -> memref<1x128xi32, #tpu.memory_space<vmem>>
      %dma_start3A_2231 = tpu.memref_squeeze %dma_start3A_2230 : memref<1x128xi32, #tpu.memory_space<vmem>> -> memref<128xi32, #tpu.memory_space<vmem>>
      %dma_start3A_2232 = tpu.memref_slice %arg3[%add3A_15] : memref<16384xi32, #tpu.memory_space<hbm>> -> memref<128xi32, #tpu.memory_space<hbm>>
      tpu.enqueue_dma source(%dma_start3A_2232 : memref<128xi32, #tpu.memory_space<hbm>>) target(%dma_start3A_2231 : memref<128xi32, #tpu.memory_space<vmem>>) target_semaphore(%run_scoped3A_2224 : memref<!tpu.dma_semaphore, #tpu.memory_space<semaphore_mem>>)
      %dma_wait3A_2233 = arith.constant 0 : i32
      %dma_wait3A_2234 = tpu.memref_slice %arg10[%run_scoped3A_17, %dma_wait3A_2233] : memref<4x128xi32, #tpu.memory_space<vmem>> -> memref<1x128xi32, #tpu.memory_space<vmem>>
      %dma_wait3A_2235 = tpu.memref_squeeze %dma_wait3A_2234 : memref<1x128xi32, #tpu.memory_space<vmem>> -> memref<128xi32, #tpu.memory_space<vmem>>
      %dma_wait3A_2236 = tpu.memref_slice %arg3[%add3A_15] : memref<16384xi32, #tpu.memory_space<hbm>> -> memref<128xi32, #tpu.memory_space<hbm>>
      %dma_wait3A_2237 = arith.constant 0 : i32
      %dma_wait3A_2238 = tpu.memref_slice %arg10[%run_scoped3A_17, %dma_wait3A_2237] : memref<4x128xi32, #tpu.memory_space<vmem>> -> memref<1x128xi32, #tpu.memory_space<vmem>>
      %dma_wait3A_2239 = tpu.memref_squeeze %dma_wait3A_2238 : memref<1x128xi32, #tpu.memory_space<vmem>> -> memref<128xi32, #tpu.memory_space<vmem>>
      %dma_wait3A_2240 = tpu.memref_slice %arg3[%add3A_15] : memref<16384xi32, #tpu.memory_space<hbm>> -> memref<128xi32, #tpu.memory_space<hbm>>
      tpu.wait_dma2 semaphore(%run_scoped3A_2224 : memref<!tpu.dma_semaphore, #tpu.memory_space<semaphore_mem>>) src(%dma_wait3A_2240 : memref<128xi32, #tpu.memory_space<hbm>>) dst(%dma_wait3A_2239 : memref<128xi32, #tpu.memory_space<vmem>>)
      tpu.yield
    }) : () -> ()
    %get3A = arith.constant 0 : i32
    %get3A_18 = arith.constant 0 : i32
    %get3A_19 = tpu.memref_slice %arg9[%get3A, %get3A_18] : memref<4x128xi32, #tpu.memory_space<vmem>> -> memref<1x128xi32, #tpu.memory_space<vmem>>
    %get3A_20 = tpu.memref_squeeze %get3A_19 : memref<1x128xi32, #tpu.memory_space<vmem>> -> memref<128xi32, #tpu.memory_space<vmem>>
    %get3A_21 = arith.constant 0 : index
    %get3A_22 = tpu.vector_load %get3A_20[%get3A_21] {strides = array<i32>} : memref<128xi32, #tpu.memory_space<vmem>>, vector<16xi32>,
    %shift_right_logical3A = arith.constant 4 : i32
    %shift_right_logical3A_23 = vector.broadcast %shift_right_logical3A : i32 to vector<16xi32>
    %shift_right_logical3A_24 = arith.shrui %get3A_22, %shift_right_logical3A_23 : vector<16xi32>
    %swap3A = arith.constant 0 : i32
    %swap3A_25 = arith.constant 0 : i32
    %swap3A_26 = tpu.memref_slice %arg11[%swap3A, %swap3A_25] : memref<4x128xi32, #tpu.memory_space<vmem>> -> memref<1x128xi32, #tpu.memory_space<vmem>>
    %swap3A_27 = tpu.memref_squeeze %swap3A_26 : memref<1x128xi32, #tpu.memory_space<vmem>> -> memref<128xi32, #tpu.memory_space<vmem>>
    %swap3A_28 = arith.constant 0 : index
    %swap3A_29 = tpu.vector_load %swap3A_27[%swap3A_28] {strides = array<i32>} : memref<128xi32, #tpu.memory_space<vmem>>, vector<16xi32>,
    tpu.vector_store %swap3A_27[%swap3A_28], %shift_right_logical3A_24 {strides = array<i32>} : memref<128xi32, #tpu.memory_space<vmem>>, vector<16xi32>,
    %get3A_30 = arith.constant 0 : i32
    %get3A_31 = arith.constant 0 : i32
    %get3A_32 = tpu.memref_slice %arg10[%get3A_30, %get3A_31] : memref<4x128xi32, #tpu.memory_space<vmem>> -> memref<1x128xi32, #tpu.memory_space<vmem>>
    %get3A_33 = tpu.memref_squeeze %get3A_32 : memref<1x128xi32, #tpu.memory_space<vmem>> -> memref<128xi32, #tpu.memory_space<vmem>>
    %get3A_34 = arith.constant 0 : index
    %get3A_35 = tpu.vector_load %get3A_33[%get3A_34] {strides = array<i32>} : memref<128xi32, #tpu.memory_space<vmem>>, vector<16xi32>,
    %shift_right_logical3A_36 = arith.constant 4 : i32
    %shift_right_logical3A_37 = vector.broadcast %shift_right_logical3A_36 : i32 to vector<16xi32>
    %shift_right_logical3A_38 = arith.shrui %get3A_35, %shift_right_logical3A_37 : vector<16xi32>
    %swap3A_39 = arith.constant 0 : i32
    %swap3A_40 = arith.constant 0 : i32
    %swap3A_41 = tpu.memref_slice %arg12[%swap3A_39, %swap3A_40] : memref<4x128xi32, #tpu.memory_space<vmem>> -> memref<1x128xi32, #tpu.memory_space<vmem>>
    %swap3A_42 = tpu.memref_squeeze %swap3A_41 : memref<1x128xi32, #tpu.memory_space<vmem>> -> memref<128xi32, #tpu.memory_space<vmem>>
    %swap3A_43 = arith.constant 0 : index
    %swap3A_44 = tpu.vector_load %swap3A_42[%swap3A_43] {strides = array<i32>} : memref<128xi32, #tpu.memory_space<vmem>>, vector<16xi32>,
    tpu.vector_store %swap3A_42[%swap3A_43], %shift_right_logical3A_38 {strides = array<i32>} : memref<128xi32, #tpu.memory_space<vmem>>, vector<16xi32>,
    %get3A_45 = arith.constant 0 : i32
    %get3A_46 = arith.constant 0 : i32
    %get3A_47 = tpu.memref_slice %arg9[%get3A_45, %get3A_46] : memref<4x128xi32, #tpu.memory_space<vmem>> -> memref<1x128xi32, #tpu.memory_space<vmem>>
    %get3A_48 = tpu.memref_squeeze %get3A_47 : memref<1x128xi32, #tpu.memory_space<vmem>> -> memref<128xi32, #tpu.memory_space<vmem>>
    %get3A_49 = arith.constant 16 : index
    %get3A_50 = tpu.vector_load %get3A_48[%get3A_49] {strides = array<i32>} : memref<128xi32, #tpu.memory_space<vmem>>, vector<16xi32>,
    %shift_right_logical3A_51 = arith.constant 4 : i32
    %shift_right_logical3A_52 = vector.broadcast %shift_right_logical3A_51 : i32 to vector<16xi32>
    %shift_right_logical3A_53 = arith.shrui %get3A_50, %shift_right_logical3A_52 : vector<16xi32>
    %swap3A_54 = arith.constant 0 : i32
    %swap3A_55 = arith.constant 0 : i32
    %swap3A_56 = tpu.memref_slice %arg11[%swap3A_54, %swap3A_55] : memref<4x128xi32, #tpu.memory_space<vmem>> -> memref<1x128xi32, #tpu.memory_space<vmem>>
    %swap3A_57 = tpu.memref_squeeze %swap3A_56 : memref<1x128xi32, #tpu.memory_space<vmem>> -> memref<128xi32, #tpu.memory_space<vmem>>
    %swap3A_58 = arith.constant 16 : index
    %swap3A_59 = tpu.vector_load %swap3A_57[%swap3A_58] {strides = array<i32>} : memref<128xi32, #tpu.memory_space<vmem>>, vector<16xi32>,
    tpu.vector_store %swap3A_57[%swap3A_58], %shift_right_logical3A_53 {strides = array<i32>} : memref<128xi32, #tpu.memory_space<vmem>>, vector<16xi32>,
    %get3A_60 = arith.constant 0 : i32
    %get3A_61 = arith.constant 0 : i32
    %get3A_62 = tpu.memref_slice %arg10[%get3A_60, %get3A_61] : memref<4x128xi32, #tpu.memory_space<vmem>> -> memref<1x128xi32, #tpu.memory_space<vmem>>
    %get3A_63 = tpu.memref_squeeze %get3A_62 : memref<1x128xi32, #tpu.memory_space<vmem>> -> memref<128xi32, #tpu.memory_space<vmem>>
    %get3A_64 = arith.constant 16 : index
    %get3A_65 = tpu.vector_load %get3A_63[%get3A_64] {strides = array<i32>} : memref<128xi32, #tpu.memory_space<vmem>>, vector<16xi32>,
    %shift_right_logical3A_66 = arith.constant 4 : i32
    %shift_right_logical3A_67 = vector.broadcast %shift_right_logical3A_66 : i32 to vector<16xi32>
    %shift_right_logical3A_68 = arith.shrui %get3A_65, %shift_right_logical3A_67 : vector<16xi32>
    %swap3A_69 = arith.constant 0 : i32
    %swap3A_70 = arith.constant 0 : i32
    %swap3A_71 = tpu.memref_slice %arg12[%swap3A_69, %swap3A_70] : memref<4x128xi32, #tpu.memory_space<vmem>> -> memref<1x128xi32, #tpu.memory_space<vmem>>
    %swap3A_72 = tpu.memref_squeeze %swap3A_71 : memref<1x128xi32, #tpu.memory_space<vmem>> -> memref<128xi32, #tpu.memory_space<vmem>>
    %swap3A_73 = arith.constant 16 : index
    %swap3A_74 = tpu.vector_load %swap3A_72[%swap3A_73] {strides = array<i32>} : memref<128xi32, #tpu.memory_space<vmem>>, vector<16xi32>,
    tpu.vector_store %swap3A_72[%swap3A_73], %shift_right_logical3A_68 {strides = array<i32>} : memref<128xi32, #tpu.memory_space<vmem>>, vector<16xi32>,
    %get3A_75 = arith.constant 0 : i32
    %get3A_76 = arith.constant 0 : i32
    %get3A_77 = tpu.memref_slice %arg9[%get3A_75, %get3A_76] : memref<4x128xi32, #tpu.memory_space<vmem>> -> memref<1x128xi32, #tpu.memory_space<vmem>>
    %get3A_78 = tpu.memref_squeeze %get3A_77 : memref<1x128xi32, #tpu.memory_space<vmem>> -> memref<128xi32, #tpu.memory_space<vmem>>
    %get3A_79 = arith.constant 32 : index
    %get3A_80 = tpu.vector_load %get3A_78[%get3A_79] {strides = array<i32>} : memref<128xi32, #tpu.memory_space<vmem>>, vector<16xi32>,
    %shift_right_logical3A_81 = arith.constant 4 : i32
    %shift_right_logical3A_82 = vector.broadcast %shift_right_logical3A_81 : i32 to vector<16xi32>
    %shift_right_logical3A_83 = arith.shrui %get3A_80, %shift_right_logical3A_82 : vector<16xi32>
    %swap3A_84 = arith.constant 0 : i32
    %swap3A_85 = arith.constant 0 : i32
    %swap3A_86 = tpu.memref_slice %arg11[%swap3A_84, %swap3A_85] : memref<4x128xi32, #tpu.memory_space<vmem>> -> memref<1x128xi32, #tpu.memory_space<vmem>>
    %swap3A_87 = tpu.memref_squeeze %swap3A_86 : memref<1x128xi32, #tpu.memory_space<vmem>> -> memref<128xi32, #tpu.memory_space<vmem>>
    %swap3A_88 = arith.constant 32 : index
    %swap3A_89 = tpu.vector_load %swap3A_87[%swap3A_88] {strides = array<i32>} : memref<128xi32, #tpu.memory_space<vmem>>, vector<16xi32>,
    tpu.vector_store %swap3A_87[%swap3A_88], %shift_right_logical3A_83 {strides = array<i32>} : memref<128xi32, #tpu.memory_space<vmem>>, vector<16xi32>,
    %get3A_90 = arith.constant 0 : i32
    %get3A_91 = arith.constant 0 : i32
    %get3A_92 = tpu.memref_slice %arg10[%get3A_90, %get3A_91] : memref<4x128xi32, #tpu.memory_space<vmem>> -> memref<1x128xi32, #tpu.memory_space<vmem>>
    %get3A_93 = tpu.memref_squeeze %get3A_92 : memref<1x128xi32, #tpu.memory_space<vmem>> -> memref<128xi32, #tpu.memory_space<vmem>>
    %get3A_94 = arith.constant 32 : index
    %get3A_95 = tpu.vector_load %get3A_93[%get3A_94] {strides = array<i32>} : memref<128xi32, #tpu.memory_space<vmem>>, vector<16xi32>,
    %shift_right_logical3A_96 = arith.constant 4 : i32
    %shift_right_logical3A_97 = vector.broadcast %shift_right_logical3A_96 : i32 to vector<16xi32>
    %shift_right_logical3A_98 = arith.shrui %get3A_95, %shift_right_logical3A_97 : vector<16xi32>
    %swap3A_99 = arith.constant 0 : i32
    %swap3A_100 = arith.constant 0 : i32
    %swap3A_101 = tpu.memref_slice %arg12[%swap3A_99, %swap3A_100] : memref<4x128xi32, #tpu.memory_space<vmem>> -> memref<1x128xi32, #tpu.memory_space<vmem>>
    %swap3A_102 = tpu.memref_squeeze %swap3A_101 : memref<1x128xi32, #tpu.memory_space<vmem>> -> memref<128xi32, #tpu.memory_space<vmem>>
    %swap3A_103 = arith.constant 32 : index
    %swap3A_104 = tpu.vector_load %swap3A_102[%swap3A_103] {strides = array<i32>} : memref<128xi32, #tpu.memory_space<vmem>>, vector<16xi32>,
    tpu.vector_store %swap3A_102[%swap3A_103], %shift_right_logical3A_98 {strides = array<i32>} : memref<128xi32, #tpu.memory_space<vmem>>, vector<16xi32>,
    %get3A_105 = arith.constant 0 : i32
    %get3A_106 = arith.constant 0 : i32
    %get3A_107 = tpu.memref_slice %arg9[%get3A_105, %get3A_106] : memref<4x128xi32, #tpu.memory_space<vmem>> -> memref<1x128xi32, #tpu.memory_space<vmem>>
    %get3A_108 = tpu.memref_squeeze %get3A_107 : memref<1x128xi32, #tpu.memory_space<vmem>> -> memref<128xi32, #tpu.memory_space<vmem>>
    %get3A_109 = arith.constant 48 : index
    %get3A_110 = tpu.vector_load %get3A_108[%get3A_109] {strides = array<i32>} : memref<128xi32, #tpu.memory_space<vmem>>, vector<16xi32>,
    %shift_right_logical3A_111 = arith.constant 4 : i32
    %shift_right_logical3A_112 = vector.broadcast %shift_right_logical3A_111 : i32 to vector<16xi32>
    %shift_right_logical3A_113 = arith.shrui %get3A_110, %shift_right_logical3A_112 : vector<16xi32>
    %swap3A_114 = arith.constant 0 : i32
    %swap3A_115 = arith.constant 0 : i32
    %swap3A_116 = tpu.memref_slice %arg11[%swap3A_114, %swap3A_115] : memref<4x128xi32, #tpu.memory_space<vmem>> -> memref<1x128xi32, #tpu.memory_space<vmem>>
    %swap3A_117 = tpu.memref_squeeze %swap3A_116 : memref<1x128xi32, #tpu.memory_space<vmem>> -> memref<128xi32, #tpu.memory_space<vmem>>
    %swap3A_118 = arith.constant 48 : index
    %swap3A_119 = tpu.vector_load %swap3A_117[%swap3A_118] {strides = array<i32>} : memref<128xi32, #tpu.memory_space<vmem>>, vector<16xi32>,
    tpu.vector_store %swap3A_117[%swap3A_118], %shift_right_logical3A_113 {strides = array<i32>} : memref<128xi32, #tpu.memory_space<vmem>>, vector<16xi32>,
    %get3A_120 = arith.constant 0 : i32
    %get3A_121 = arith.constant 0 : i32
    %get3A_122 = tpu.memref_slice %arg10[%get3A_120, %get3A_121] : memref<4x128xi32, #tpu.memory_space<vmem>> -> memref<1x128xi32, #tpu.memory_space<vmem>>
    %get3A_123 = tpu.memref_squeeze %get3A_122 : memref<1x128xi32, #tpu.memory_space<vmem>> -> memref<128xi32, #tpu.memory_space<vmem>>
    %get3A_124 = arith.constant 48 : index
    %get3A_125 = tpu.vector_load %get3A_123[%get3A_124] {strides = array<i32>} : memref<128xi32, #tpu.memory_space<vmem>>, vector<16xi32>,
    %shift_right_logical3A_126 = arith.constant 4 : i32
    %shift_right_logical3A_127 = vector.broadcast %shift_right_logical3A_126 : i32 to vector<16xi32>
    %shift_right_logical3A_128 = arith.shrui %get3A_125, %shift_right_logical3A_127 : vector<16xi32>
    %swap3A_129 = arith.constant 0 : i32
    %swap3A_130 = arith.constant 0 : i32
    %swap3A_131 = tpu.memref_slice %arg12[%swap3A_129, %swap3A_130] : memref<4x128xi32, #tpu.memory_space<vmem>> -> memref<1x128xi32, #tpu.memory_space<vmem>>
    %swap3A_132 = tpu.memref_squeeze %swap3A_131 : memref<1x128xi32, #tpu.memory_space<vmem>> -> memref<128xi32, #tpu.memory_space<vmem>>
    %swap3A_133 = arith.constant 48 : index
    %swap3A_134 = tpu.vector_load %swap3A_132[%swap3A_133] {strides = array<i32>} : memref<128xi32, #tpu.memory_space<vmem>>, vector<16xi32>,
    tpu.vector_store %swap3A_132[%swap3A_133], %shift_right_logical3A_128 {strides = array<i32>} : memref<128xi32, #tpu.memory_space<vmem>>, vector<16xi32>,
    %get3A_135 = arith.constant 0 : i32
    %get3A_136 = arith.constant 0 : i32
    %get3A_137 = tpu.memref_slice %arg9[%get3A_135, %get3A_136] : memref<4x128xi32, #tpu.memory_space<vmem>> -> memref<1x128xi32, #tpu.memory_space<vmem>>
    %get3A_138 = tpu.memref_squeeze %get3A_137 : memref<1x128xi32, #tpu.memory_space<vmem>> -> memref<128xi32, #tpu.memory_space<vmem>>
    %get3A_139 = arith.constant 64 : index
    %get3A_140 = tpu.vector_load %get3A_138[%get3A_139] {strides = array<i32>} : memref<128xi32, #tpu.memory_space<vmem>>, vector<16xi32>,
    %shift_right_logical3A_141 = arith.constant 4 : i32
    %shift_right_logical3A_142 = vector.broadcast %shift_right_logical3A_141 : i32 to vector<16xi32>
    %shift_right_logical3A_143 = arith.shrui %get3A_140, %shift_right_logical3A_142 : vector<16xi32>
    %swap3A_144 = arith.constant 0 : i32
    %swap3A_145 = arith.constant 0 : i32
    %swap3A_146 = tpu.memref_slice %arg11[%swap3A_144, %swap3A_145] : memref<4x128xi32, #tpu.memory_space<vmem>> -> memref<1x128xi32, #tpu.memory_space<vmem>>
    %swap3A_147 = tpu.memref_squeeze %swap3A_146 : memref<1x128xi32, #tpu.memory_space<vmem>> -> memref<128xi32, #tpu.memory_space<vmem>>
    %swap3A_148 = arith.constant 64 : index
    %swap3A_149 = tpu.vector_load %swap3A_147[%swap3A_148] {strides = array<i32>} : memref<128xi32, #tpu.memory_space<vmem>>, vector<16xi32>,
    tpu.vector_store %swap3A_147[%swap3A_148], %shift_right_logical3A_143 {strides = array<i32>} : memref<128xi32, #tpu.memory_space<vmem>>, vector<16xi32>,
    %get3A_150 = arith.constant 0 : i32
    %get3A_151 = arith.constant 0 : i32
    %get3A_152 = tpu.memref_slice %arg10[%get3A_150, %get3A_151] : memref<4x128xi32, #tpu.memory_space<vmem>> -> memref<1x128xi32, #tpu.memory_space<vmem>>
    %get3A_153 = tpu.memref_squeeze %get3A_152 : memref<1x128xi32, #tpu.memory_space<vmem>> -> memref<128xi32, #tpu.memory_space<vmem>>
    %get3A_154 = arith.constant 64 : index
    %get3A_155 = tpu.vector_load %get3A_153[%get3A_154] {strides = array<i32>} : memref<128xi32, #tpu.memory_space<vmem>>, vector<16xi32>,
    %shift_right_logical3A_156 = arith.constant 4 : i32
    %shift_right_logical3A_157 = vector.broadcast %shift_right_logical3A_156 : i32 to vector<16xi32>
    %shift_right_logical3A_158 = arith.shrui %get3A_155, %shift_right_logical3A_157 : vector<16xi32>
    %swap3A_159 = arith.constant 0 : i32
    %swap3A_160 = arith.constant 0 : i32
    %swap3A_161 = tpu.memref_slice %arg12[%swap3A_159, %swap3A_160] : memref<4x128xi32, #tpu.memory_space<vmem>> -> memref<1x128xi32, #tpu.memory_space<vmem>>
    %swap3A_162 = tpu.memref_squeeze %swap3A_161 : memref<1x128xi32, #tpu.memory_space<vmem>> -> memref<128xi32, #tpu.memory_space<vmem>>
    %swap3A_163 = arith.constant 64 : index
    %swap3A_164 = tpu.vector_load %swap3A_162[%swap3A_163] {strides = array<i32>} : memref<128xi32, #tpu.memory_space<vmem>>, vector<16xi32>,
    tpu.vector_store %swap3A_162[%swap3A_163], %shift_right_logical3A_158 {strides = array<i32>} : memref<128xi32, #tpu.memory_space<vmem>>, vector<16xi32>,
    %get3A_165 = arith.constant 0 : i32
    %get3A_166 = arith.constant 0 : i32
    %get3A_167 = tpu.memref_slice %arg9[%get3A_165, %get3A_166] : memref<4x128xi32, #tpu.memory_space<vmem>> -> memref<1x128xi32, #tpu.memory_space<vmem>>
    %get3A_168 = tpu.memref_squeeze %get3A_167 : memref<1x128xi32, #tpu.memory_space<vmem>> -> memref<128xi32, #tpu.memory_space<vmem>>
    %get3A_169 = arith.constant 80 : index
    %get3A_170 = tpu.vector_load %get3A_168[%get3A_169] {strides = array<i32>} : memref<128xi32, #tpu.memory_space<vmem>>, vector<16xi32>,
    %shift_right_logical3A_171 = arith.constant 4 : i32
    %shift_right_logical3A_172 = vector.broadcast %shift_right_logical3A_171 : i32 to vector<16xi32>
    %shift_right_logical3A_173 = arith.shrui %get3A_170, %shift_right_logical3A_172 : vector<16xi32>
    %swap3A_174 = arith.constant 0 : i32
    %swap3A_175 = arith.constant 0 : i32
    %swap3A_176 = tpu.memref_slice %arg11[%swap3A_174, %swap3A_175] : memref<4x128xi32, #tpu.memory_space<vmem>> -> memref<1x128xi32, #tpu.memory_space<vmem>>
    %swap3A_177 = tpu.memref_squeeze %swap3A_176 : memref<1x128xi32, #tpu.memory_space<vmem>> -> memref<128xi32, #tpu.memory_space<vmem>>
    %swap3A_178 = arith.constant 80 : index
    %swap3A_179 = tpu.vector_load %swap3A_177[%swap3A_178] {strides = array<i32>} : memref<128xi32, #tpu.memory_space<vmem>>, vector<16xi32>,
    tpu.vector_store %swap3A_177[%swap3A_178], %shift_right_logical3A_173 {strides = array<i32>} : memref<128xi32, #tpu.memory_space<vmem>>, vector<16xi32>,
    %get3A_180 = arith.constant 0 : i32
    %get3A_181 = arith.constant 0 : i32
    %get3A_182 = tpu.memref_slice %arg10[%get3A_180, %get3A_181] : memref<4x128xi32, #tpu.memory_space<vmem>> -> memref<1x128xi32, #tpu.memory_space<vmem>>
    %get3A_183 = tpu.memref_squeeze %get3A_182 : memref<1x128xi32, #tpu.memory_space<vmem>> -> memref<128xi32, #tpu.memory_space<vmem>>
    %get3A_184 = arith.constant 80 : index
    %get3A_185 = tpu.vector_load %get3A_183[%get3A_184] {strides = array<i32>} : memref<128xi32, #tpu.memory_space<vmem>>, vector<16xi32>,
    %shift_right_logical3A_186 = arith.constant 4 : i32
    %shift_right_logical3A_187 = vector.broadcast %shift_right_logical3A_186 : i32 to vector<16xi32>
    %shift_right_logical3A_188 = arith.shrui %get3A_185, %shift_right_logical3A_187 : vector<16xi32>
    %swap3A_189 = arith.constant 0 : i32
    %swap3A_190 = arith.constant 0 : i32
    %swap3A_191 = tpu.memref_slice %arg12[%swap3A_189, %swap3A_190] : memref<4x128xi32, #tpu.memory_space<vmem>> -> memref<1x128xi32, #tpu.memory_space<vmem>>
    %swap3A_192 = tpu.memref_squeeze %swap3A_191 : memref<1x128xi32, #tpu.memory_space<vmem>> -> memref<128xi32, #tpu.memory_space<vmem>>
    %swap3A_193 = arith.constant 80 : index
    %swap3A_194 = tpu.vector_load %swap3A_192[%swap3A_193] {strides = array<i32>} : memref<128xi32, #tpu.memory_space<vmem>>, vector<16xi32>,
    tpu.vector_store %swap3A_192[%swap3A_193], %shift_right_logical3A_188 {strides = array<i32>} : memref<128xi32, #tpu.memory_space<vmem>>, vector<16xi32>,
    %get3A_195 = arith.constant 0 : i32
    %get3A_196 = arith.constant 0 : i32
    %get3A_197 = tpu.memref_slice %arg9[%get3A_195, %get3A_196] : memref<4x128xi32, #tpu.memory_space<vmem>> -> memref<1x128xi32, #tpu.memory_space<vmem>>
    %get3A_198 = tpu.memref_squeeze %get3A_197 : memref<1x128xi32, #tpu.memory_space<vmem>> -> memref<128xi32, #tpu.memory_space<vmem>>
    %get3A_199 = arith.constant 96 : index
    %get3A_200 = tpu.vector_load %get3A_198[%get3A_199] {strides = array<i32>} : memref<128xi32, #tpu.memory_space<vmem>>, vector<16xi32>,
    %shift_right_logical3A_201 = arith.constant 4 : i32
    %shift_right_logical3A_202 = vector.broadcast %shift_right_logical3A_201 : i32 to vector<16xi32>
    %shift_right_logical3A_203 = arith.shrui %get3A_200, %shift_right_logical3A_202 : vector<16xi32>
    %swap3A_204 = arith.constant 0 : i32
    %swap3A_205 = arith.constant 0 : i32
    %swap3A_206 = tpu.memref_slice %arg11[%swap3A_204, %swap3A_205] : memref<4x128xi32, #tpu.memory_space<vmem>> -> memref<1x128xi32, #tpu.memory_space<vmem>>
    %swap3A_207 = tpu.memref_squeeze %swap3A_206 : memref<1x128xi32, #tpu.memory_space<vmem>> -> memref<128xi32, #tpu.memory_space<vmem>>
    %swap3A_208 = arith.constant 96 : index
    %swap3A_209 = tpu.vector_load %swap3A_207[%swap3A_208] {strides = array<i32>} : memref<128xi32, #tpu.memory_space<vmem>>, vector<16xi32>,
    tpu.vector_store %swap3A_207[%swap3A_208], %shift_right_logical3A_203 {strides = array<i32>} : memref<128xi32, #tpu.memory_space<vmem>>, vector<16xi32>,
    %get3A_210 = arith.constant 0 : i32
    %get3A_211 = arith.constant 0 : i32
    %get3A_212 = tpu.memref_slice %arg10[%get3A_210, %get3A_211] : memref<4x128xi32, #tpu.memory_space<vmem>> -> memref<1x128xi32, #tpu.memory_space<vmem>>
    %get3A_213 = tpu.memref_squeeze %get3A_212 : memref<1x128xi32, #tpu.memory_space<vmem>> -> memref<128xi32, #tpu.memory_space<vmem>>
    %get3A_214 = arith.constant 96 : index
    %get3A_215 = tpu.vector_load %get3A_213[%get3A_214] {strides = array<i32>} : memref<128xi32, #tpu.memory_space<vmem>>, vector<16xi32>,
    %shift_right_logical3A_216 = arith.constant 4 : i32
    %shift_right_logical3A_217 = vector.broadcast %shift_right_logical3A_216 : i32 to vector<16xi32>
    %shift_right_logical3A_218 = arith.shrui %get3A_215, %shift_right_logical3A_217 : vector<16xi32>
    %swap3A_219 = arith.constant 0 : i32
    %swap3A_220 = arith.constant 0 : i32
    %swap3A_221 = tpu.memref_slice %arg12[%swap3A_219, %swap3A_220] : memref<4x128xi32, #tpu.memory_space<vmem>> -> memref<1x128xi32, #tpu.memory_space<vmem>>
    %swap3A_222 = tpu.memref_squeeze %swap3A_221 : memref<1x128xi32, #tpu.memory_space<vmem>> -> memref<128xi32, #tpu.memory_space<vmem>>
    %swap3A_223 = arith.constant 96 : index
    %swap3A_224 = tpu.vector_load %swap3A_222[%swap3A_223] {strides = array<i32>} : memref<128xi32, #tpu.memory_space<vmem>>, vector<16xi32>,
    tpu.vector_store %swap3A_222[%swap3A_223], %shift_right_logical3A_218 {strides = array<i32>} : memref<128xi32, #tpu.memory_space<vmem>>, vector<16xi32>,
    %get3A_225 = arith.constant 0 : i32
    %get3A_226 = arith.constant 0 : i32
    %get3A_227 = tpu.memref_slice %arg9[%get3A_225, %get3A_226] : memref<4x128xi32, #tpu.memory_space<vmem>> -> memref<1x128xi32, #tpu.memory_space<vmem>>
    %get3A_228 = tpu.memref_squeeze %get3A_227 : memref<1x128xi32, #tpu.memory_space<vmem>> -> memref<128xi32, #tpu.memory_space<vmem>>
    %get3A_229 = arith.constant 112 : index
    %get3A_230 = tpu.vector_load %get3A_228[%get3A_229] {strides = array<i32>} : memref<128xi32, #tpu.memory_space<vmem>>, vector<16xi32>,
    %shift_right_logical3A_231 = arith.constant 4 : i32
    %shift_right_logical3A_232 = vector.broadcast %shift_right_logical3A_231 : i32 to vector<16xi32>
    %shift_right_logical3A_233 = arith.shrui %get3A_230, %shift_right_logical3A_232 : vector<16xi32>
    %swap3A_234 = arith.constant 0 : i32
    %swap3A_235 = arith.constant 0 : i32
    %swap3A_236 = tpu.memref_slice %arg11[%swap3A_234, %swap3A_235] : memref<4x128xi32, #tpu.memory_space<vmem>> -> memref<1x128xi32, #tpu.memory_space<vmem>>
    %swap3A_237 = tpu.memref_squeeze %swap3A_236 : memref<1x128xi32, #tpu.memory_space<vmem>> -> memref<128xi32, #tpu.memory_space<vmem>>
    %swap3A_238 = arith.constant 112 : index
    %swap3A_239 = tpu.vector_load %swap3A_237[%swap3A_238] {strides = array<i32>} : memref<128xi32, #tpu.memory_space<vmem>>, vector<16xi32>,
    tpu.vector_store %swap3A_237[%swap3A_238], %shift_right_logical3A_233 {strides = array<i32>} : memref<128xi32, #tpu.memory_space<vmem>>, vector<16xi32>,
    %get3A_240 = arith.constant 0 : i32
    %get3A_241 = arith.constant 0 : i32
    %get3A_242 = tpu.memref_slice %arg10[%get3A_240, %get3A_241] : memref<4x128xi32, #tpu.memory_space<vmem>> -> memref<1x128xi32, #tpu.memory_space<vmem>>
    %get3A_243 = tpu.memref_squeeze %get3A_242 : memref<1x128xi32, #tpu.memory_space<vmem>> -> memref<128xi32, #tpu.memory_space<vmem>>
    %get3A_244 = arith.constant 112 : index
    %get3A_245 = tpu.vector_load %get3A_243[%get3A_244] {strides = array<i32>} : memref<128xi32, #tpu.memory_space<vmem>>, vector<16xi32>,
    %shift_right_logical3A_246 = arith.constant 4 : i32
    %shift_right_logical3A_247 = vector.broadcast %shift_right_logical3A_246 : i32 to vector<16xi32>
    %shift_right_logical3A_248 = arith.shrui %get3A_245, %shift_right_logical3A_247 : vector<16xi32>
    %swap3A_249 = arith.constant 0 : i32
    %swap3A_250 = arith.constant 0 : i32
    %swap3A_251 = tpu.memref_slice %arg12[%swap3A_249, %swap3A_250] : memref<4x128xi32, #tpu.memory_space<vmem>> -> memref<1x128xi32, #tpu.memory_space<vmem>>
    %swap3A_252 = tpu.memref_squeeze %swap3A_251 : memref<1x128xi32, #tpu.memory_space<vmem>> -> memref<128xi32, #tpu.memory_space<vmem>>
    %swap3A_253 = arith.constant 112 : index
    %swap3A_254 = tpu.vector_load %swap3A_252[%swap3A_253] {strides = array<i32>} : memref<128xi32, #tpu.memory_space<vmem>>, vector<16xi32>,
    tpu.vector_store %swap3A_252[%swap3A_253], %shift_right_logical3A_248 {strides = array<i32>} : memref<128xi32, #tpu.memory_space<vmem>>, vector<16xi32>,
    %get3A_255 = arith.constant 1 : i32
    %get3A_256 = arith.constant 0 : i32
    %get3A_257 = tpu.memref_slice %arg9[%get3A_255, %get3A_256] : memref<4x128xi32, #tpu.memory_space<vmem>> -> memref<1x128xi32, #tpu.memory_space<vmem>>
    %get3A_258 = tpu.memref_squeeze %get3A_257 : memref<1x128xi32, #tpu.memory_space<vmem>> -> memref<128xi32, #tpu.memory_space<vmem>>
    %get3A_259 = arith.constant 0 : index
    %get3A_260 = tpu.vector_load %get3A_258[%get3A_259] {strides = array<i32>} : memref<128xi32, #tpu.memory_space<vmem>>, vector<16xi32>,
    %shift_right_logical3A_261 = arith.constant 4 : i32
    %shift_right_logical3A_262 = vector.broadcast %shift_right_logical3A_261 : i32 to vector<16xi32>
    %shift_right_logical3A_263 = arith.shrui %get3A_260, %shift_right_logical3A_262 : vector<16xi32>
    %swap3A_264 = arith.constant 1 : i32
    %swap3A_265 = arith.constant 0 : i32
    %swap3A_266 = tpu.memref_slice %arg11[%swap3A_264, %swap3A_265] : memref<4x128xi32, #tpu.memory_space<vmem>> -> memref<1x128xi32, #tpu.memory_space<vmem>>
    %swap3A_267 = tpu.memref_squeeze %swap3A_266 : memref<1x128xi32, #tpu.memory_space<vmem>> -> memref<128xi32, #tpu.memory_space<vmem>>
    %swap3A_268 = arith.constant 0 : index
    %swap3A_269 = tpu.vector_load %swap3A_267[%swap3A_268] {strides = array<i32>} : memref<128xi32, #tpu.memory_space<vmem>>, vector<16xi32>,
    tpu.vector_store %swap3A_267[%swap3A_268], %shift_right_logical3A_263 {strides = array<i32>} : memref<128xi32, #tpu.memory_space<vmem>>, vector<16xi32>,
    %get3A_270 = arith.constant 1 : i32
    %get3A_271 = arith.constant 0 : i32
    %get3A_272 = tpu.memref_slice %arg10[%get3A_270, %get3A_271] : memref<4x128xi32, #tpu.memory_space<vmem>> -> memref<1x128xi32, #tpu.memory_space<vmem>>
    %get3A_273 = tpu.memref_squeeze %get3A_272 : memref<1x128xi32, #tpu.memory_space<vmem>> -> memref<128xi32, #tpu.memory_space<vmem>>
    %get3A_274 = arith.constant 0 : index
    %get3A_275 = tpu.vector_load %get3A_273[%get3A_274] {strides = array<i32>} : memref<128xi32, #tpu.memory_space<vmem>>, vector<16xi32>,
    %shift_right_logical3A_276 = arith.constant 4 : i32
    %shift_right_logical3A_277 = vector.broadcast %shift_right_logical3A_276 : i32 to vector<16xi32>
    %shift_right_logical3A_278 = arith.shrui %get3A_275, %shift_right_logical3A_277 : vector<16xi32>
    %swap3A_279 = arith.constant 1 : i32
    %swap3A_280 = arith.constant 0 : i32
    %swap3A_281 = tpu.memref_slice %arg12[%swap3A_279, %swap3A_280] : memref<4x128xi32, #tpu.memory_space<vmem>> -> memref<1x128xi32, #tpu.memory_space<vmem>>
    %swap3A_282 = tpu.memref_squeeze %swap3A_281 : memref<1x128xi32, #tpu.memory_space<vmem>> -> memref<128xi32, #tpu.memory_space<vmem>>
    %swap3A_283 = arith.constant 0 : index
    %swap3A_284 = tpu.vector_load %swap3A_282[%swap3A_283] {strides = array<i32>} : memref<128xi32, #tpu.memory_space<vmem>>, vector<16xi32>,
    tpu.vector_store %swap3A_282[%swap3A_283], %shift_right_logical3A_278 {strides = array<i32>} : memref<128xi32, #tpu.memory_space<vmem>>, vector<16xi32>,
    %get3A_285 = arith.constant 1 : i32
    %get3A_286 = arith.constant 0 : i32
    %get3A_287 = tpu.memref_slice %arg9[%get3A_285, %get3A_286] : memref<4x128xi32, #tpu.memory_space<vmem>> -> memref<1x128xi32, #tpu.memory_space<vmem>>
    %get3A_288 = tpu.memref_squeeze %get3A_287 : memref<1x128xi32, #tpu.memory_space<vmem>> -> memref<128xi32, #tpu.memory_space<vmem>>
    %get3A_289 = arith.constant 16 : index
    %get3A_290 = tpu.vector_load %get3A_288[%get3A_289] {strides = array<i32>} : memref<128xi32, #tpu.memory_space<vmem>>, vector<16xi32>,
    %shift_right_logical3A_291 = arith.constant 4 : i32
    %shift_right_logical3A_292 = vector.broadcast %shift_right_logical3A_291 : i32 to vector<16xi32>
    %shift_right_logical3A_293 = arith.shrui %get3A_290, %shift_right_logical3A_292 : vector<16xi32>
    %swap3A_294 = arith.constant 1 : i32
    %swap3A_295 = arith.constant 0 : i32
    %swap3A_296 = tpu.memref_slice %arg11[%swap3A_294, %swap3A_295] : memref<4x128xi32, #tpu.memory_space<vmem>> -> memref<1x128xi32, #tpu.memory_space<vmem>>
    %swap3A_297 = tpu.memref_squeeze %swap3A_296 : memref<1x128xi32, #tpu.memory_space<vmem>> -> memref<128xi32, #tpu.memory_space<vmem>>
    %swap3A_298 = arith.constant 16 : index
    %swap3A_299 = tpu.vector_load %swap3A_297[%swap3A_298] {strides = array<i32>} : memref<128xi32, #tpu.memory_space<vmem>>, vector<16xi32>,
    tpu.vector_store %swap3A_297[%swap3A_298], %shift_right_logical3A_293 {strides = array<i32>} : memref<128xi32, #tpu.memory_space<vmem>>, vector<16xi32>,
    %get3A_300 = arith.constant 1 : i32
    %get3A_301 = arith.constant 0 : i32
    %get3A_302 = tpu.memref_slice %arg10[%get3A_300, %get3A_301] : memref<4x128xi32, #tpu.memory_space<vmem>> -> memref<1x128xi32, #tpu.memory_space<vmem>>
    %get3A_303 = tpu.memref_squeeze %get3A_302 : memref<1x128xi32, #tpu.memory_space<vmem>> -> memref<128xi32, #tpu.memory_space<vmem>>
    %get3A_304 = arith.constant 16 : index
    %get3A_305 = tpu.vector_load %get3A_303[%get3A_304] {strides = array<i32>} : memref<128xi32, #tpu.memory_space<vmem>>, vector<16xi32>,
    %shift_right_logical3A_306 = arith.constant 4 : i32
    %shift_right_logical3A_307 = vector.broadcast %shift_right_logical3A_306 : i32 to vector<16xi32>
    %shift_right_logical3A_308 = arith.shrui %get3A_305, %shift_right_logical3A_307 : vector<16xi32>
    %swap3A_309 = arith.constant 1 : i32
    %swap3A_310 = arith.constant 0 : i32
    %swap3A_311 = tpu.memref_slice %arg12[%swap3A_309, %swap3A_310] : memref<4x128xi32, #tpu.memory_space<vmem>> -> memref<1x128xi32, #tpu.memory_space<vmem>>
    %swap3A_312 = tpu.memref_squeeze %swap3A_311 : memref<1x128xi32, #tpu.memory_space<vmem>> -> memref<128xi32, #tpu.memory_space<vmem>>
    %swap3A_313 = arith.constant 16 : index
    %swap3A_314 = tpu.vector_load %swap3A_312[%swap3A_313] {strides = array<i32>} : memref<128xi32, #tpu.memory_space<vmem>>, vector<16xi32>,
    tpu.vector_store %swap3A_312[%swap3A_313], %shift_right_logical3A_308 {strides = array<i32>} : memref<128xi32, #tpu.memory_space<vmem>>, vector<16xi32>,
    %get3A_315 = arith.constant 1 : i32
    %get3A_316 = arith.constant 0 : i32
    %get3A_317 = tpu.memref_slice %arg9[%get3A_315, %get3A_316] : memref<4x128xi32, #tpu.memory_space<vmem>> -> memref<1x128xi32, #tpu.memory_space<vmem>>
    %get3A_318 = tpu.memref_squeeze %get3A_317 : memref<1x128xi32, #tpu.memory_space<vmem>> -> memref<128xi32, #tpu.memory_space<vmem>>
    %get3A_319 = arith.constant 32 : index
    %get3A_320 = tpu.vector_load %get3A_318[%get3A_319] {strides = array<i32>} : memref<128xi32, #tpu.memory_space<vmem>>, vector<16xi32>,
    %shift_right_logical3A_321 = arith.constant 4 : i32
    %shift_right_logical3A_322 = vector.broadcast %shift_right_logical3A_321 : i32 to vector<16xi32>
    %shift_right_logical3A_323 = arith.shrui %get3A_320, %shift_right_logical3A_322 : vector<16xi32>
    %swap3A_324 = arith.constant 1 : i32
    %swap3A_325 = arith.constant 0 : i32
    %swap3A_326 = tpu.memref_slice %arg11[%swap3A_324, %swap3A_325] : memref<4x128xi32, #tpu.memory_space<vmem>> -> memref<1x128xi32, #tpu.memory_space<vmem>>
    %swap3A_327 = tpu.memref_squeeze %swap3A_326 : memref<1x128xi32, #tpu.memory_space<vmem>> -> memref<128xi32, #tpu.memory_space<vmem>>
    %swap3A_328 = arith.constant 32 : index
    %swap3A_329 = tpu.vector_load %swap3A_327[%swap3A_328] {strides = array<i32>} : memref<128xi32, #tpu.memory_space<vmem>>, vector<16xi32>,
    tpu.vector_store %swap3A_327[%swap3A_328], %shift_right_logical3A_323 {strides = array<i32>} : memref<128xi32, #tpu.memory_space<vmem>>, vector<16xi32>,
    %get3A_330 = arith.constant 1 : i32
    %get3A_331 = arith.constant 0 : i32
    %get3A_332 = tpu.memref_slice %arg10[%get3A_330, %get3A_331] : memref<4x128xi32, #tpu.memory_space<vmem>> -> memref<1x128xi32, #tpu.memory_space<vmem>>
    %get3A_333 = tpu.memref_squeeze %get3A_332 : memref<1x128xi32, #tpu.memory_space<vmem>> -> memref<128xi32, #tpu.memory_space<vmem>>
    %get3A_334 = arith.constant 32 : index
    %get3A_335 = tpu.vector_load %get3A_333[%get3A_334] {strides = array<i32>} : memref<128xi32, #tpu.memory_space<vmem>>, vector<16xi32>,
    %shift_right_logical3A_336 = arith.constant 4 : i32
    %shift_right_logical3A_337 = vector.broadcast %shift_right_logical3A_336 : i32 to vector<16xi32>
    %shift_right_logical3A_338 = arith.shrui %get3A_335, %shift_right_logical3A_337 : vector<16xi32>
    %swap3A_339 = arith.constant 1 : i32
    %swap3A_340 = arith.constant 0 : i32
    %swap3A_341 = tpu.memref_slice %arg12[%swap3A_339, %swap3A_340] : memref<4x128xi32, #tpu.memory_space<vmem>> -> memref<1x128xi32, #tpu.memory_space<vmem>>
    %swap3A_342 = tpu.memref_squeeze %swap3A_341 : memref<1x128xi32, #tpu.memory_space<vmem>> -> memref<128xi32, #tpu.memory_space<vmem>>
    %swap3A_343 = arith.constant 32 : index
    %swap3A_344 = tpu.vector_load %swap3A_342[%swap3A_343] {strides = array<i32>} : memref<128xi32, #tpu.memory_space<vmem>>, vector<16xi32>,
    tpu.vector_store %swap3A_342[%swap3A_343], %shift_right_logical3A_338 {strides = array<i32>} : memref<128xi32, #tpu.memory_space<vmem>>, vector<16xi32>,
    %get3A_345 = arith.constant 1 : i32
    %get3A_346 = arith.constant 0 : i32
    %get3A_347 = tpu.memref_slice %arg9[%get3A_345, %get3A_346] : memref<4x128xi32, #tpu.memory_space<vmem>> -> memref<1x128xi32, #tpu.memory_space<vmem>>
    %get3A_348 = tpu.memref_squeeze %get3A_347 : memref<1x128xi32, #tpu.memory_space<vmem>> -> memref<128xi32, #tpu.memory_space<vmem>>
    %get3A_349 = arith.constant 48 : index
    %get3A_350 = tpu.vector_load %get3A_348[%get3A_349] {strides = array<i32>} : memref<128xi32, #tpu.memory_space<vmem>>, vector<16xi32>,
    %shift_right_logical3A_351 = arith.constant 4 : i32
    %shift_right_logical3A_352 = vector.broadcast %shift_right_logical3A_351 : i32 to vector<16xi32>
    %shift_right_logical3A_353 = arith.shrui %get3A_350, %shift_right_logical3A_352 : vector<16xi32>
    %swap3A_354 = arith.constant 1 : i32
    %swap3A_355 = arith.constant 0 : i32
    %swap3A_356 = tpu.memref_slice %arg11[%swap3A_354, %swap3A_355] : memref<4x128xi32, #tpu.memory_space<vmem>> -> memref<1x128xi32, #tpu.memory_space<vmem>>
    %swap3A_357 = tpu.memref_squeeze %swap3A_356 : memref<1x128xi32, #tpu.memory_space<vmem>> -> memref<128xi32, #tpu.memory_space<vmem>>
    %swap3A_358 = arith.constant 48 : index
    %swap3A_359 = tpu.vector_load %swap3A_357[%swap3A_358] {strides = array<i32>} : memref<128xi32, #tpu.memory_space<vmem>>, vector<16xi32>,
    tpu.vector_store %swap3A_357[%swap3A_358], %shift_right_logical3A_353 {strides = array<i32>} : memref<128xi32, #tpu.memory_space<vmem>>, vector<16xi32>,
    %get3A_360 = arith.constant 1 : i32
    %get3A_361 = arith.constant 0 : i32
    %get3A_362 = tpu.memref_slice %arg10[%get3A_360, %get3A_361] : memref<4x128xi32, #tpu.memory_space<vmem>> -> memref<1x128xi32, #tpu.memory_space<vmem>>
    %get3A_363 = tpu.memref_squeeze %get3A_362 : memref<1x128xi32, #tpu.memory_space<vmem>> -> memref<128xi32, #tpu.memory_space<vmem>>
    %get3A_364 = arith.constant 48 : index
    %get3A_365 = tpu.vector_load %get3A_363[%get3A_364] {strides = array<i32>} : memref<128xi32, #tpu.memory_space<vmem>>, vector<16xi32>,
    %shift_right_logical3A_366 = arith.constant 4 : i32
    %shift_right_logical3A_367 = vector.broadcast %shift_right_logical3A_366 : i32 to vector<16xi32>
    %shift_right_logical3A_368 = arith.shrui %get3A_365, %shift_right_logical3A_367 : vector<16xi32>
    %swap3A_369 = arith.constant 1 : i32
    %swap3A_370 = arith.constant 0 : i32
    %swap3A_371 = tpu.memref_slice %arg12[%swap3A_369, %swap3A_370] : memref<4x128xi32, #tpu.memory_space<vmem>> -> memref<1x128xi32, #tpu.memory_space<vmem>>
    %swap3A_372 = tpu.memref_squeeze %swap3A_371 : memref<1x128xi32, #tpu.memory_space<vmem>> -> memref<128xi32, #tpu.memory_space<vmem>>
    %swap3A_373 = arith.constant 48 : index
    %swap3A_374 = tpu.vector_load %swap3A_372[%swap3A_373] {strides = array<i32>} : memref<128xi32, #tpu.memory_space<vmem>>, vector<16xi32>,
    tpu.vector_store %swap3A_372[%swap3A_373], %shift_right_logical3A_368 {strides = array<i32>} : memref<128xi32, #tpu.memory_space<vmem>>, vector<16xi32>,
    %get3A_375 = arith.constant 1 : i32
    %get3A_376 = arith.constant 0 : i32
    %get3A_377 = tpu.memref_slice %arg9[%get3A_375, %get3A_376] : memref<4x128xi32, #tpu.memory_space<vmem>> -> memref<1x128xi32, #tpu.memory_space<vmem>>
    %get3A_378 = tpu.memref_squeeze %get3A_377 : memref<1x128xi32, #tpu.memory_space<vmem>> -> memref<128xi32, #tpu.memory_space<vmem>>
    %get3A_379 = arith.constant 64 : index
    %get3A_380 = tpu.vector_load %get3A_378[%get3A_379] {strides = array<i32>} : memref<128xi32, #tpu.memory_space<vmem>>, vector<16xi32>,
    %shift_right_logical3A_381 = arith.constant 4 : i32
    %shift_right_logical3A_382 = vector.broadcast %shift_right_logical3A_381 : i32 to vector<16xi32>
    %shift_right_logical3A_383 = arith.shrui %get3A_380, %shift_right_logical3A_382 : vector<16xi32>
    %swap3A_384 = arith.constant 1 : i32
    %swap3A_385 = arith.constant 0 : i32
    %swap3A_386 = tpu.memref_slice %arg11[%swap3A_384, %swap3A_385] : memref<4x128xi32, #tpu.memory_space<vmem>> -> memref<1x128xi32, #tpu.memory_space<vmem>>
    %swap3A_387 = tpu.memref_squeeze %swap3A_386 : memref<1x128xi32, #tpu.memory_space<vmem>> -> memref<128xi32, #tpu.memory_space<vmem>>
    %swap3A_388 = arith.constant 64 : index
    %swap3A_389 = tpu.vector_load %swap3A_387[%swap3A_388] {strides = array<i32>} : memref<128xi32, #tpu.memory_space<vmem>>, vector<16xi32>,
    tpu.vector_store %swap3A_387[%swap3A_388], %shift_right_logical3A_383 {strides = array<i32>} : memref<128xi32, #tpu.memory_space<vmem>>, vector<16xi32>,
    %get3A_390 = arith.constant 1 : i32
    %get3A_391 = arith.constant 0 : i32
    %get3A_392 = tpu.memref_slice %arg10[%get3A_390, %get3A_391] : memref<4x128xi32, #tpu.memory_space<vmem>> -> memref<1x128xi32, #tpu.memory_space<vmem>>
    %get3A_393 = tpu.memref_squeeze %get3A_392 : memref<1x128xi32, #tpu.memory_space<vmem>> -> memref<128xi32, #tpu.memory_space<vmem>>
    %get3A_394 = arith.constant 64 : index
    %get3A_395 = tpu.vector_load %get3A_393[%get3A_394] {strides = array<i32>} : memref<128xi32, #tpu.memory_space<vmem>>, vector<16xi32>,
    %shift_right_logical3A_396 = arith.constant 4 : i32
    %shift_right_logical3A_397 = vector.broadcast %shift_right_logical3A_396 : i32 to vector<16xi32>
    %shift_right_logical3A_398 = arith.shrui %get3A_395, %shift_right_logical3A_397 : vector<16xi32>
    %swap3A_399 = arith.constant 1 : i32
    %swap3A_400 = arith.constant 0 : i32
    %swap3A_401 = tpu.memref_slice %arg12[%swap3A_399, %swap3A_400] : memref<4x128xi32, #tpu.memory_space<vmem>> -> memref<1x128xi32, #tpu.memory_space<vmem>>
    %swap3A_402 = tpu.memref_squeeze %swap3A_401 : memref<1x128xi32, #tpu.memory_space<vmem>> -> memref<128xi32, #tpu.memory_space<vmem>>
    %swap3A_403 = arith.constant 64 : index
    %swap3A_404 = tpu.vector_load %swap3A_402[%swap3A_403] {strides = array<i32>} : memref<128xi32, #tpu.memory_space<vmem>>, vector<16xi32>,
    tpu.vector_store %swap3A_402[%swap3A_403], %shift_right_logical3A_398 {strides = array<i32>} : memref<128xi32, #tpu.memory_space<vmem>>, vector<16xi32>,
    %get3A_405 = arith.constant 1 : i32
    %get3A_406 = arith.constant 0 : i32
    %get3A_407 = tpu.memref_slice %arg9[%get3A_405, %get3A_406] : memref<4x128xi32, #tpu.memory_space<vmem>> -> memref<1x128xi32, #tpu.memory_space<vmem>>
    %get3A_408 = tpu.memref_squeeze %get3A_407 : memref<1x128xi32, #tpu.memory_space<vmem>> -> memref<128xi32, #tpu.memory_space<vmem>>
    %get3A_409 = arith.constant 80 : index
    %get3A_410 = tpu.vector_load %get3A_408[%get3A_409] {strides = array<i32>} : memref<128xi32, #tpu.memory_space<vmem>>, vector<16xi32>,
    %shift_right_logical3A_411 = arith.constant 4 : i32
    %shift_right_logical3A_412 = vector.broadcast %shift_right_logical3A_411 : i32 to vector<16xi32>
    %shift_right_logical3A_413 = arith.shrui %get3A_410, %shift_right_logical3A_412 : vector<16xi32>
    %swap3A_414 = arith.constant 1 : i32
    %swap3A_415 = arith.constant 0 : i32
    %swap3A_416 = tpu.memref_slice %arg11[%swap3A_414, %swap3A_415] : memref<4x128xi32, #tpu.memory_space<vmem>> -> memref<1x128xi32, #tpu.memory_space<vmem>>
    %swap3A_417 = tpu.memref_squeeze %swap3A_416 : memref<1x128xi32, #tpu.memory_space<vmem>> -> memref<128xi32, #tpu.memory_space<vmem>>
    %swap3A_418 = arith.constant 80 : index
    %swap3A_419 = tpu.vector_load %swap3A_417[%swap3A_418] {strides = array<i32>} : memref<128xi32, #tpu.memory_space<vmem>>, vector<16xi32>,
    tpu.vector_store %swap3A_417[%swap3A_418], %shift_right_logical3A_413 {strides = array<i32>} : memref<128xi32, #tpu.memory_space<vmem>>, vector<16xi32>,
    %get3A_420 = arith.constant 1 : i32
    %get3A_421 = arith.constant 0 : i32
    %get3A_422 = tpu.memref_slice %arg10[%get3A_420, %get3A_421] : memref<4x128xi32, #tpu.memory_space<vmem>> -> memref<1x128xi32, #tpu.memory_space<vmem>>
    %get3A_423 = tpu.memref_squeeze %get3A_422 : memref<1x128xi32, #tpu.memory_space<vmem>> -> memref<128xi32, #tpu.memory_space<vmem>>
    %get3A_424 = arith.constant 80 : index
    %get3A_425 = tpu.vector_load %get3A_423[%get3A_424] {strides = array<i32>} : memref<128xi32, #tpu.memory_space<vmem>>, vector<16xi32>,
    %shift_right_logical3A_426 = arith.constant 4 : i32
    %shift_right_logical3A_427 = vector.broadcast %shift_right_logical3A_426 : i32 to vector<16xi32>
    %shift_right_logical3A_428 = arith.shrui %get3A_425, %shift_right_logical3A_427 : vector<16xi32>
    %swap3A_429 = arith.constant 1 : i32
    %swap3A_430 = arith.constant 0 : i32
    %swap3A_431 = tpu.memref_slice %arg12[%swap3A_429, %swap3A_430] : memref<4x128xi32, #tpu.memory_space<vmem>> -> memref<1x128xi32, #tpu.memory_space<vmem>>
    %swap3A_432 = tpu.memref_squeeze %swap3A_431 : memref<1x128xi32, #tpu.memory_space<vmem>> -> memref<128xi32, #tpu.memory_space<vmem>>
    %swap3A_433 = arith.constant 80 : index
    %swap3A_434 = tpu.vector_load %swap3A_432[%swap3A_433] {strides = array<i32>} : memref<128xi32, #tpu.memory_space<vmem>>, vector<16xi32>,
    tpu.vector_store %swap3A_432[%swap3A_433], %shift_right_logical3A_428 {strides = array<i32>} : memref<128xi32, #tpu.memory_space<vmem>>, vector<16xi32>,
    %get3A_435 = arith.constant 1 : i32
    %get3A_436 = arith.constant 0 : i32
    %get3A_437 = tpu.memref_slice %arg9[%get3A_435, %get3A_436] : memref<4x128xi32, #tpu.memory_space<vmem>> -> memref<1x128xi32, #tpu.memory_space<vmem>>
    %get3A_438 = tpu.memref_squeeze %get3A_437 : memref<1x128xi32, #tpu.memory_space<vmem>> -> memref<128xi32, #tpu.memory_space<vmem>>
    %get3A_439 = arith.constant 96 : index
    %get3A_440 = tpu.vector_load %get3A_438[%get3A_439] {strides = array<i32>} : memref<128xi32, #tpu.memory_space<vmem>>, vector<16xi32>,
    %shift_right_logical3A_441 = arith.constant 4 : i32
    %shift_right_logical3A_442 = vector.broadcast %shift_right_logical3A_441 : i32 to vector<16xi32>
    %shift_right_logical3A_443 = arith.shrui %get3A_440, %shift_right_logical3A_442 : vector<16xi32>
    %swap3A_444 = arith.constant 1 : i32
    %swap3A_445 = arith.constant 0 : i32
    %swap3A_446 = tpu.memref_slice %arg11[%swap3A_444, %swap3A_445] : memref<4x128xi32, #tpu.memory_space<vmem>> -> memref<1x128xi32, #tpu.memory_space<vmem>>
    %swap3A_447 = tpu.memref_squeeze %swap3A_446 : memref<1x128xi32, #tpu.memory_space<vmem>> -> memref<128xi32, #tpu.memory_space<vmem>>
    %swap3A_448 = arith.constant 96 : index
    %swap3A_449 = tpu.vector_load %swap3A_447[%swap3A_448] {strides = array<i32>} : memref<128xi32, #tpu.memory_space<vmem>>, vector<16xi32>,
    tpu.vector_store %swap3A_447[%swap3A_448], %shift_right_logical3A_443 {strides = array<i32>} : memref<128xi32, #tpu.memory_space<vmem>>, vector<16xi32>,
    %get3A_450 = arith.constant 1 : i32
    %get3A_451 = arith.constant 0 : i32
    %get3A_452 = tpu.memref_slice %arg10[%get3A_450, %get3A_451] : memref<4x128xi32, #tpu.memory_space<vmem>> -> memref<1x128xi32, #tpu.memory_space<vmem>>
    %get3A_453 = tpu.memref_squeeze %get3A_452 : memref<1x128xi32, #tpu.memory_space<vmem>> -> memref<128xi32, #tpu.memory_space<vmem>>
    %get3A_454 = arith.constant 96 : index
    %get3A_455 = tpu.vector_load %get3A_453[%get3A_454] {strides = array<i32>} : memref<128xi32, #tpu.memory_space<vmem>>, vector<16xi32>,
    %shift_right_logical3A_456 = arith.constant 4 : i32
    %shift_right_logical3A_457 = vector.broadcast %shift_right_logical3A_456 : i32 to vector<16xi32>
    %shift_right_logical3A_458 = arith.shrui %get3A_455, %shift_right_logical3A_457 : vector<16xi32>
    %swap3A_459 = arith.constant 1 : i32
    %swap3A_460 = arith.constant 0 : i32
    %swap3A_461 = tpu.memref_slice %arg12[%swap3A_459, %swap3A_460] : memref<4x128xi32, #tpu.memory_space<vmem>> -> memref<1x128xi32, #tpu.memory_space<vmem>>
    %swap3A_462 = tpu.memref_squeeze %swap3A_461 : memref<1x128xi32, #tpu.memory_space<vmem>> -> memref<128xi32, #tpu.memory_space<vmem>>
    %swap3A_463 = arith.constant 96 : index
    %swap3A_464 = tpu.vector_load %swap3A_462[%swap3A_463] {strides = array<i32>} : memref<128xi32, #tpu.memory_space<vmem>>, vector<16xi32>,
    tpu.vector_store %swap3A_462[%swap3A_463], %shift_right_logical3A_458 {strides = array<i32>} : memref<128xi32, #tpu.memory_space<vmem>>, vector<16xi32>,
    %get3A_465 = arith.constant 1 : i32
    %get3A_466 = arith.constant 0 : i32
    %get3A_467 = tpu.memref_slice %arg9[%get3A_465, %get3A_466] : memref<4x128xi32, #tpu.memory_space<vmem>> -> memref<1x128xi32, #tpu.memory_space<vmem>>
    %get3A_468 = tpu.memref_squeeze %get3A_467 : memref<1x128xi32, #tpu.memory_space<vmem>> -> memref<128xi32, #tpu.memory_space<vmem>>
    %get3A_469 = arith.constant 112 : index
    %get3A_470 = tpu.vector_load %get3A_468[%get3A_469] {strides = array<i32>} : memref<128xi32, #tpu.memory_space<vmem>>, vector<16xi32>,
    %shift_right_logical3A_471 = arith.constant 4 : i32
    %shift_right_logical3A_472 = vector.broadcast %shift_right_logical3A_471 : i32 to vector<16xi32>
    %shift_right_logical3A_473 = arith.shrui %get3A_470, %shift_right_logical3A_472 : vector<16xi32>
    %swap3A_474 = arith.constant 1 : i32
    %swap3A_475 = arith.constant 0 : i32
    %swap3A_476 = tpu.memref_slice %arg11[%swap3A_474, %swap3A_475] : memref<4x128xi32, #tpu.memory_space<vmem>> -> memref<1x128xi32, #tpu.memory_space<vmem>>
    %swap3A_477 = tpu.memref_squeeze %swap3A_476 : memref<1x128xi32, #tpu.memory_space<vmem>> -> memref<128xi32, #tpu.memory_space<vmem>>
    %swap3A_478 = arith.constant 112 : index
    %swap3A_479 = tpu.vector_load %swap3A_477[%swap3A_478] {strides = array<i32>} : memref<128xi32, #tpu.memory_space<vmem>>, vector<16xi32>,
    tpu.vector_store %swap3A_477[%swap3A_478], %shift_right_logical3A_473 {strides = array<i32>} : memref<128xi32, #tpu.memory_space<vmem>>, vector<16xi32>,
    %get3A_480 = arith.constant 1 : i32
    %get3A_481 = arith.constant 0 : i32
    %get3A_482 = tpu.memref_slice %arg10[%get3A_480, %get3A_481] : memref<4x128xi32, #tpu.memory_space<vmem>> -> memref<1x128xi32, #tpu.memory_space<vmem>>
    %get3A_483 = tpu.memref_squeeze %get3A_482 : memref<1x128xi32, #tpu.memory_space<vmem>> -> memref<128xi32, #tpu.memory_space<vmem>>
    %get3A_484 = arith.constant 112 : index
    %get3A_485 = tpu.vector_load %get3A_483[%get3A_484] {strides = array<i32>} : memref<128xi32, #tpu.memory_space<vmem>>, vector<16xi32>,
    %shift_right_logical3A_486 = arith.constant 4 : i32
    %shift_right_logical3A_487 = vector.broadcast %shift_right_logical3A_486 : i32 to vector<16xi32>
    %shift_right_logical3A_488 = arith.shrui %get3A_485, %shift_right_logical3A_487 : vector<16xi32>
    %swap3A_489 = arith.constant 1 : i32
    %swap3A_490 = arith.constant 0 : i32
    %swap3A_491 = tpu.memref_slice %arg12[%swap3A_489, %swap3A_490] : memref<4x128xi32, #tpu.memory_space<vmem>> -> memref<1x128xi32, #tpu.memory_space<vmem>>
    %swap3A_492 = tpu.memref_squeeze %swap3A_491 : memref<1x128xi32, #tpu.memory_space<vmem>> -> memref<128xi32, #tpu.memory_space<vmem>>
    %swap3A_493 = arith.constant 112 : index
    %swap3A_494 = tpu.vector_load %swap3A_492[%swap3A_493] {strides = array<i32>} : memref<128xi32, #tpu.memory_space<vmem>>, vector<16xi32>,
    tpu.vector_store %swap3A_492[%swap3A_493], %shift_right_logical3A_488 {strides = array<i32>} : memref<128xi32, #tpu.memory_space<vmem>>, vector<16xi32>,
    %get3A_495 = arith.constant 2 : i32
    %get3A_496 = arith.constant 0 : i32
    %get3A_497 = tpu.memref_slice %arg9[%get3A_495, %get3A_496] : memref<4x128xi32, #tpu.memory_space<vmem>> -> memref<1x128xi32, #tpu.memory_space<vmem>>
    %get3A_498 = tpu.memref_squeeze %get3A_497 : memref<1x128xi32, #tpu.memory_space<vmem>> -> memref<128xi32, #tpu.memory_space<vmem>>
    %get3A_499 = arith.constant 0 : index
    %get3A_500 = tpu.vector_load %get3A_498[%get3A_499] {strides = array<i32>} : memref<128xi32, #tpu.memory_space<vmem>>, vector<16xi32>,
    %shift_right_logical3A_501 = arith.constant 4 : i32
    %shift_right_logical3A_502 = vector.broadcast %shift_right_logical3A_501 : i32 to vector<16xi32>
    %shift_right_logical3A_503 = arith.shrui %get3A_500, %shift_right_logical3A_502 : vector<16xi32>
    %swap3A_504 = arith.constant 2 : i32
    %swap3A_505 = arith.constant 0 : i32
    %swap3A_506 = tpu.memref_slice %arg11[%swap3A_504, %swap3A_505] : memref<4x128xi32, #tpu.memory_space<vmem>> -> memref<1x128xi32, #tpu.memory_space<vmem>>
    %swap3A_507 = tpu.memref_squeeze %swap3A_506 : memref<1x128xi32, #tpu.memory_space<vmem>> -> memref<128xi32, #tpu.memory_space<vmem>>
    %swap3A_508 = arith.constant 0 : index
    %swap3A_509 = tpu.vector_load %swap3A_507[%swap3A_508] {strides = array<i32>} : memref<128xi32, #tpu.memory_space<vmem>>, vector<16xi32>,
    tpu.vector_store %swap3A_507[%swap3A_508], %shift_right_logical3A_503 {strides = array<i32>} : memref<128xi32, #tpu.memory_space<vmem>>, vector<16xi32>,
    %get3A_510 = arith.constant 2 : i32
    %get3A_511 = arith.constant 0 : i32
    %get3A_512 = tpu.memref_slice %arg10[%get3A_510, %get3A_511] : memref<4x128xi32, #tpu.memory_space<vmem>> -> memref<1x128xi32, #tpu.memory_space<vmem>>
    %get3A_513 = tpu.memref_squeeze %get3A_512 : memref<1x128xi32, #tpu.memory_space<vmem>> -> memref<128xi32, #tpu.memory_space<vmem>>
    %get3A_514 = arith.constant 0 : index
    %get3A_515 = tpu.vector_load %get3A_513[%get3A_514] {strides = array<i32>} : memref<128xi32, #tpu.memory_space<vmem>>, vector<16xi32>,
    %shift_right_logical3A_516 = arith.constant 4 : i32
    %shift_right_logical3A_517 = vector.broadcast %shift_right_logical3A_516 : i32 to vector<16xi32>
    %shift_right_logical3A_518 = arith.shrui %get3A_515, %shift_right_logical3A_517 : vector<16xi32>
    %swap3A_519 = arith.constant 2 : i32
    %swap3A_520 = arith.constant 0 : i32
    %swap3A_521 = tpu.memref_slice %arg12[%swap3A_519, %swap3A_520] : memref<4x128xi32, #tpu.memory_space<vmem>> -> memref<1x128xi32, #tpu.memory_space<vmem>>
    %swap3A_522 = tpu.memref_squeeze %swap3A_521 : memref<1x128xi32, #tpu.memory_space<vmem>> -> memref<128xi32, #tpu.memory_space<vmem>>
    %swap3A_523 = arith.constant 0 : index
    %swap3A_524 = tpu.vector_load %swap3A_522[%swap3A_523] {strides = array<i32>} : memref<128xi32, #tpu.memory_space<vmem>>, vector<16xi32>,
    tpu.vector_store %swap3A_522[%swap3A_523], %shift_right_logical3A_518 {strides = array<i32>} : memref<128xi32, #tpu.memory_space<vmem>>, vector<16xi32>,
    %get3A_525 = arith.constant 2 : i32
    %get3A_526 = arith.constant 0 : i32
    %get3A_527 = tpu.memref_slice %arg9[%get3A_525, %get3A_526] : memref<4x128xi32, #tpu.memory_space<vmem>> -> memref<1x128xi32, #tpu.memory_space<vmem>>
    %get3A_528 = tpu.memref_squeeze %get3A_527 : memref<1x128xi32, #tpu.memory_space<vmem>> -> memref<128xi32, #tpu.memory_space<vmem>>
    %get3A_529 = arith.constant 16 : index
    %get3A_530 = tpu.vector_load %get3A_528[%get3A_529] {strides = array<i32>} : memref<128xi32, #tpu.memory_space<vmem>>, vector<16xi32>,
    %shift_right_logical3A_531 = arith.constant 4 : i32
    %shift_right_logical3A_532 = vector.broadcast %shift_right_logical3A_531 : i32 to vector<16xi32>
    %shift_right_logical3A_533 = arith.shrui %get3A_530, %shift_right_logical3A_532 : vector<16xi32>
    %swap3A_534 = arith.constant 2 : i32
    %swap3A_535 = arith.constant 0 : i32
    %swap3A_536 = tpu.memref_slice %arg11[%swap3A_534, %swap3A_535] : memref<4x128xi32, #tpu.memory_space<vmem>> -> memref<1x128xi32, #tpu.memory_space<vmem>>
    %swap3A_537 = tpu.memref_squeeze %swap3A_536 : memref<1x128xi32, #tpu.memory_space<vmem>> -> memref<128xi32, #tpu.memory_space<vmem>>
    %swap3A_538 = arith.constant 16 : index
    %swap3A_539 = tpu.vector_load %swap3A_537[%swap3A_538] {strides = array<i32>} : memref<128xi32, #tpu.memory_space<vmem>>, vector<16xi32>,
    tpu.vector_store %swap3A_537[%swap3A_538], %shift_right_logical3A_533 {strides = array<i32>} : memref<128xi32, #tpu.memory_space<vmem>>, vector<16xi32>,
    %get3A_540 = arith.constant 2 : i32
    %get3A_541 = arith.constant 0 : i32
    %get3A_542 = tpu.memref_slice %arg10[%get3A_540, %get3A_541] : memref<4x128xi32, #tpu.memory_space<vmem>> -> memref<1x128xi32, #tpu.memory_space<vmem>>
    %get3A_543 = tpu.memref_squeeze %get3A_542 : memref<1x128xi32, #tpu.memory_space<vmem>> -> memref<128xi32, #tpu.memory_space<vmem>>
    %get3A_544 = arith.constant 16 : index
    %get3A_545 = tpu.vector_load %get3A_543[%get3A_544] {strides = array<i32>} : memref<128xi32, #tpu.memory_space<vmem>>, vector<16xi32>,
    %shift_right_logical3A_546 = arith.constant 4 : i32
    %shift_right_logical3A_547 = vector.broadcast %shift_right_logical3A_546 : i32 to vector<16xi32>
    %shift_right_logical3A_548 = arith.shrui %get3A_545, %shift_right_logical3A_547 : vector<16xi32>
    %swap3A_549 = arith.constant 2 : i32
    %swap3A_550 = arith.constant 0 : i32
    %swap3A_551 = tpu.memref_slice %arg12[%swap3A_549, %swap3A_550] : memref<4x128xi32, #tpu.memory_space<vmem>> -> memref<1x128xi32, #tpu.memory_space<vmem>>
    %swap3A_552 = tpu.memref_squeeze %swap3A_551 : memref<1x128xi32, #tpu.memory_space<vmem>> -> memref<128xi32, #tpu.memory_space<vmem>>
    %swap3A_553 = arith.constant 16 : index
    %swap3A_554 = tpu.vector_load %swap3A_552[%swap3A_553] {strides = array<i32>} : memref<128xi32, #tpu.memory_space<vmem>>, vector<16xi32>,
    tpu.vector_store %swap3A_552[%swap3A_553], %shift_right_logical3A_548 {strides = array<i32>} : memref<128xi32, #tpu.memory_space<vmem>>, vector<16xi32>,
    %get3A_555 = arith.constant 2 : i32
    %get3A_556 = arith.constant 0 : i32
    %get3A_557 = tpu.memref_slice %arg9[%get3A_555, %get3A_556] : memref<4x128xi32, #tpu.memory_space<vmem>> -> memref<1x128xi32, #tpu.memory_space<vmem>>
    %get3A_558 = tpu.memref_squeeze %get3A_557 : memref<1x128xi32, #tpu.memory_space<vmem>> -> memref<128xi32, #tpu.memory_space<vmem>>
    %get3A_559 = arith.constant 32 : index
    %get3A_560 = tpu.vector_load %get3A_558[%get3A_559] {strides = array<i32>} : memref<128xi32, #tpu.memory_space<vmem>>, vector<16xi32>,
    %shift_right_logical3A_561 = arith.constant 4 : i32
    %shift_right_logical3A_562 = vector.broadcast %shift_right_logical3A_561 : i32 to vector<16xi32>
    %shift_right_logical3A_563 = arith.shrui %get3A_560, %shift_right_logical3A_562 : vector<16xi32>
    %swap3A_564 = arith.constant 2 : i32
    %swap3A_565 = arith.constant 0 : i32
    %swap3A_566 = tpu.memref_slice %arg11[%swap3A_564, %swap3A_565] : memref<4x128xi32, #tpu.memory_space<vmem>> -> memref<1x128xi32, #tpu.memory_space<vmem>>
    %swap3A_567 = tpu.memref_squeeze %swap3A_566 : memref<1x128xi32, #tpu.memory_space<vmem>> -> memref<128xi32, #tpu.memory_space<vmem>>
    %swap3A_568 = arith.constant 32 : index
    %swap3A_569 = tpu.vector_load %swap3A_567[%swap3A_568] {strides = array<i32>} : memref<128xi32, #tpu.memory_space<vmem>>, vector<16xi32>,
    tpu.vector_store %swap3A_567[%swap3A_568], %shift_right_logical3A_563 {strides = array<i32>} : memref<128xi32, #tpu.memory_space<vmem>>, vector<16xi32>,
    %get3A_570 = arith.constant 2 : i32
    %get3A_571 = arith.constant 0 : i32
    %get3A_572 = tpu.memref_slice %arg10[%get3A_570, %get3A_571] : memref<4x128xi32, #tpu.memory_space<vmem>> -> memref<1x128xi32, #tpu.memory_space<vmem>>
    %get3A_573 = tpu.memref_squeeze %get3A_572 : memref<1x128xi32, #tpu.memory_space<vmem>> -> memref<128xi32, #tpu.memory_space<vmem>>
    %get3A_574 = arith.constant 32 : index
    %get3A_575 = tpu.vector_load %get3A_573[%get3A_574] {strides = array<i32>} : memref<128xi32, #tpu.memory_space<vmem>>, vector<16xi32>,
    %shift_right_logical3A_576 = arith.constant 4 : i32
    %shift_right_logical3A_577 = vector.broadcast %shift_right_logical3A_576 : i32 to vector<16xi32>
    %shift_right_logical3A_578 = arith.shrui %get3A_575, %shift_right_logical3A_577 : vector<16xi32>
    %swap3A_579 = arith.constant 2 : i32
    %swap3A_580 = arith.constant 0 : i32
    %swap3A_581 = tpu.memref_slice %arg12[%swap3A_579, %swap3A_580] : memref<4x128xi32, #tpu.memory_space<vmem>> -> memref<1x128xi32, #tpu.memory_space<vmem>>
    %swap3A_582 = tpu.memref_squeeze %swap3A_581 : memref<1x128xi32, #tpu.memory_space<vmem>> -> memref<128xi32, #tpu.memory_space<vmem>>
    %swap3A_583 = arith.constant 32 : index
    %swap3A_584 = tpu.vector_load %swap3A_582[%swap3A_583] {strides = array<i32>} : memref<128xi32, #tpu.memory_space<vmem>>, vector<16xi32>,
    tpu.vector_store %swap3A_582[%swap3A_583], %shift_right_logical3A_578 {strides = array<i32>} : memref<128xi32, #tpu.memory_space<vmem>>, vector<16xi32>,
    %get3A_585 = arith.constant 2 : i32
    %get3A_586 = arith.constant 0 : i32
    %get3A_587 = tpu.memref_slice %arg9[%get3A_585, %get3A_586] : memref<4x128xi32, #tpu.memory_space<vmem>> -> memref<1x128xi32, #tpu.memory_space<vmem>>
    %get3A_588 = tpu.memref_squeeze %get3A_587 : memref<1x128xi32, #tpu.memory_space<vmem>> -> memref<128xi32, #tpu.memory_space<vmem>>
    %get3A_589 = arith.constant 48 : index
    %get3A_590 = tpu.vector_load %get3A_588[%get3A_589] {strides = array<i32>} : memref<128xi32, #tpu.memory_space<vmem>>, vector<16xi32>,
    %shift_right_logical3A_591 = arith.constant 4 : i32
    %shift_right_logical3A_592 = vector.broadcast %shift_right_logical3A_591 : i32 to vector<16xi32>
    %shift_right_logical3A_593 = arith.shrui %get3A_590, %shift_right_logical3A_592 : vector<16xi32>
    %swap3A_594 = arith.constant 2 : i32
    %swap3A_595 = arith.constant 0 : i32
    %swap3A_596 = tpu.memref_slice %arg11[%swap3A_594, %swap3A_595] : memref<4x128xi32, #tpu.memory_space<vmem>> -> memref<1x128xi32, #tpu.memory_space<vmem>>
    %swap3A_597 = tpu.memref_squeeze %swap3A_596 : memref<1x128xi32, #tpu.memory_space<vmem>> -> memref<128xi32, #tpu.memory_space<vmem>>
    %swap3A_598 = arith.constant 48 : index
    %swap3A_599 = tpu.vector_load %swap3A_597[%swap3A_598] {strides = array<i32>} : memref<128xi32, #tpu.memory_space<vmem>>, vector<16xi32>,
    tpu.vector_store %swap3A_597[%swap3A_598], %shift_right_logical3A_593 {strides = array<i32>} : memref<128xi32, #tpu.memory_space<vmem>>, vector<16xi32>,
    %get3A_600 = arith.constant 2 : i32
    %get3A_601 = arith.constant 0 : i32
    %get3A_602 = tpu.memref_slice %arg10[%get3A_600, %get3A_601] : memref<4x128xi32, #tpu.memory_space<vmem>> -> memref<1x128xi32, #tpu.memory_space<vmem>>
    %get3A_603 = tpu.memref_squeeze %get3A_602 : memref<1x128xi32, #tpu.memory_space<vmem>> -> memref<128xi32, #tpu.memory_space<vmem>>
    %get3A_604 = arith.constant 48 : index
    %get3A_605 = tpu.vector_load %get3A_603[%get3A_604] {strides = array<i32>} : memref<128xi32, #tpu.memory_space<vmem>>, vector<16xi32>,
    %shift_right_logical3A_606 = arith.constant 4 : i32
    %shift_right_logical3A_607 = vector.broadcast %shift_right_logical3A_606 : i32 to vector<16xi32>
    %shift_right_logical3A_608 = arith.shrui %get3A_605, %shift_right_logical3A_607 : vector<16xi32>
    %swap3A_609 = arith.constant 2 : i32
    %swap3A_610 = arith.constant 0 : i32
    %swap3A_611 = tpu.memref_slice %arg12[%swap3A_609, %swap3A_610] : memref<4x128xi32, #tpu.memory_space<vmem>> -> memref<1x128xi32, #tpu.memory_space<vmem>>
    %swap3A_612 = tpu.memref_squeeze %swap3A_611 : memref<1x128xi32, #tpu.memory_space<vmem>> -> memref<128xi32, #tpu.memory_space<vmem>>
    %swap3A_613 = arith.constant 48 : index
    %swap3A_614 = tpu.vector_load %swap3A_612[%swap3A_613] {strides = array<i32>} : memref<128xi32, #tpu.memory_space<vmem>>, vector<16xi32>,
    tpu.vector_store %swap3A_612[%swap3A_613], %shift_right_logical3A_608 {strides = array<i32>} : memref<128xi32, #tpu.memory_space<vmem>>, vector<16xi32>,
    %get3A_615 = arith.constant 2 : i32
    %get3A_616 = arith.constant 0 : i32
    %get3A_617 = tpu.memref_slice %arg9[%get3A_615, %get3A_616] : memref<4x128xi32, #tpu.memory_space<vmem>> -> memref<1x128xi32, #tpu.memory_space<vmem>>
    %get3A_618 = tpu.memref_squeeze %get3A_617 : memref<1x128xi32, #tpu.memory_space<vmem>> -> memref<128xi32, #tpu.memory_space<vmem>>
    %get3A_619 = arith.constant 64 : index
    %get3A_620 = tpu.vector_load %get3A_618[%get3A_619] {strides = array<i32>} : memref<128xi32, #tpu.memory_space<vmem>>, vector<16xi32>,
    %shift_right_logical3A_621 = arith.constant 4 : i32
    %shift_right_logical3A_622 = vector.broadcast %shift_right_logical3A_621 : i32 to vector<16xi32>
    %shift_right_logical3A_623 = arith.shrui %get3A_620, %shift_right_logical3A_622 : vector<16xi32>
    %swap3A_624 = arith.constant 2 : i32
    %swap3A_625 = arith.constant 0 : i32
    %swap3A_626 = tpu.memref_slice %arg11[%swap3A_624, %swap3A_625] : memref<4x128xi32, #tpu.memory_space<vmem>> -> memref<1x128xi32, #tpu.memory_space<vmem>>
    %swap3A_627 = tpu.memref_squeeze %swap3A_626 : memref<1x128xi32, #tpu.memory_space<vmem>> -> memref<128xi32, #tpu.memory_space<vmem>>
    %swap3A_628 = arith.constant 64 : index
    %swap3A_629 = tpu.vector_load %swap3A_627[%swap3A_628] {strides = array<i32>} : memref<128xi32, #tpu.memory_space<vmem>>, vector<16xi32>,
    tpu.vector_store %swap3A_627[%swap3A_628], %shift_right_logical3A_623 {strides = array<i32>} : memref<128xi32, #tpu.memory_space<vmem>>, vector<16xi32>,
    %get3A_630 = arith.constant 2 : i32
    %get3A_631 = arith.constant 0 : i32
    %get3A_632 = tpu.memref_slice %arg10[%get3A_630, %get3A_631] : memref<4x128xi32, #tpu.memory_space<vmem>> -> memref<1x128xi32, #tpu.memory_space<vmem>>
    %get3A_633 = tpu.memref_squeeze %get3A_632 : memref<1x128xi32, #tpu.memory_space<vmem>> -> memref<128xi32, #tpu.memory_space<vmem>>
    %get3A_634 = arith.constant 64 : index
    %get3A_635 = tpu.vector_load %get3A_633[%get3A_634] {strides = array<i32>} : memref<128xi32, #tpu.memory_space<vmem>>, vector<16xi32>,
    %shift_right_logical3A_636 = arith.constant 4 : i32
    %shift_right_logical3A_637 = vector.broadcast %shift_right_logical3A_636 : i32 to vector<16xi32>
    %shift_right_logical3A_638 = arith.shrui %get3A_635, %shift_right_logical3A_637 : vector<16xi32>
    %swap3A_639 = arith.constant 2 : i32
    %swap3A_640 = arith.constant 0 : i32
    %swap3A_641 = tpu.memref_slice %arg12[%swap3A_639, %swap3A_640] : memref<4x128xi32, #tpu.memory_space<vmem>> -> memref<1x128xi32, #tpu.memory_space<vmem>>
    %swap3A_642 = tpu.memref_squeeze %swap3A_641 : memref<1x128xi32, #tpu.memory_space<vmem>> -> memref<128xi32, #tpu.memory_space<vmem>>
    %swap3A_643 = arith.constant 64 : index
    %swap3A_644 = tpu.vector_load %swap3A_642[%swap3A_643] {strides = array<i32>} : memref<128xi32, #tpu.memory_space<vmem>>, vector<16xi32>,
    tpu.vector_store %swap3A_642[%swap3A_643], %shift_right_logical3A_638 {strides = array<i32>} : memref<128xi32, #tpu.memory_space<vmem>>, vector<16xi32>,
    %get3A_645 = arith.constant 2 : i32
    %get3A_646 = arith.constant 0 : i32
    %get3A_647 = tpu.memref_slice %arg9[%get3A_645, %get3A_646] : memref<4x128xi32, #tpu.memory_space<vmem>> -> memref<1x128xi32, #tpu.memory_space<vmem>>
    %get3A_648 = tpu.memref_squeeze %get3A_647 : memref<1x128xi32, #tpu.memory_space<vmem>> -> memref<128xi32, #tpu.memory_space<vmem>>
    %get3A_649 = arith.constant 80 : index
    %get3A_650 = tpu.vector_load %get3A_648[%get3A_649] {strides = array<i32>} : memref<128xi32, #tpu.memory_space<vmem>>, vector<16xi32>,
    %shift_right_logical3A_651 = arith.constant 4 : i32
    %shift_right_logical3A_652 = vector.broadcast %shift_right_logical3A_651 : i32 to vector<16xi32>
    %shift_right_logical3A_653 = arith.shrui %get3A_650, %shift_right_logical3A_652 : vector<16xi32>
    %swap3A_654 = arith.constant 2 : i32
    %swap3A_655 = arith.constant 0 : i32
    %swap3A_656 = tpu.memref_slice %arg11[%swap3A_654, %swap3A_655] : memref<4x128xi32, #tpu.memory_space<vmem>> -> memref<1x128xi32, #tpu.memory_space<vmem>>
    %swap3A_657 = tpu.memref_squeeze %swap3A_656 : memref<1x128xi32, #tpu.memory_space<vmem>> -> memref<128xi32, #tpu.memory_space<vmem>>
    %swap3A_658 = arith.constant 80 : index
    %swap3A_659 = tpu.vector_load %swap3A_657[%swap3A_658] {strides = array<i32>} : memref<128xi32, #tpu.memory_space<vmem>>, vector<16xi32>,
    tpu.vector_store %swap3A_657[%swap3A_658], %shift_right_logical3A_653 {strides = array<i32>} : memref<128xi32, #tpu.memory_space<vmem>>, vector<16xi32>,
    %get3A_660 = arith.constant 2 : i32
    %get3A_661 = arith.constant 0 : i32
    %get3A_662 = tpu.memref_slice %arg10[%get3A_660, %get3A_661] : memref<4x128xi32, #tpu.memory_space<vmem>> -> memref<1x128xi32, #tpu.memory_space<vmem>>
    %get3A_663 = tpu.memref_squeeze %get3A_662 : memref<1x128xi32, #tpu.memory_space<vmem>> -> memref<128xi32, #tpu.memory_space<vmem>>
    %get3A_664 = arith.constant 80 : index
    %get3A_665 = tpu.vector_load %get3A_663[%get3A_664] {strides = array<i32>} : memref<128xi32, #tpu.memory_space<vmem>>, vector<16xi32>,
    %shift_right_logical3A_666 = arith.constant 4 : i32
    %shift_right_logical3A_667 = vector.broadcast %shift_right_logical3A_666 : i32 to vector<16xi32>
    %shift_right_logical3A_668 = arith.shrui %get3A_665, %shift_right_logical3A_667 : vector<16xi32>
    %swap3A_669 = arith.constant 2 : i32
    %swap3A_670 = arith.constant 0 : i32
    %swap3A_671 = tpu.memref_slice %arg12[%swap3A_669, %swap3A_670] : memref<4x128xi32, #tpu.memory_space<vmem>> -> memref<1x128xi32, #tpu.memory_space<vmem>>
    %swap3A_672 = tpu.memref_squeeze %swap3A_671 : memref<1x128xi32, #tpu.memory_space<vmem>> -> memref<128xi32, #tpu.memory_space<vmem>>
    %swap3A_673 = arith.constant 80 : index
    %swap3A_674 = tpu.vector_load %swap3A_672[%swap3A_673] {strides = array<i32>} : memref<128xi32, #tpu.memory_space<vmem>>, vector<16xi32>,
    tpu.vector_store %swap3A_672[%swap3A_673], %shift_right_logical3A_668 {strides = array<i32>} : memref<128xi32, #tpu.memory_space<vmem>>, vector<16xi32>,
    %get3A_675 = arith.constant 2 : i32
    %get3A_676 = arith.constant 0 : i32
    %get3A_677 = tpu.memref_slice %arg9[%get3A_675, %get3A_676] : memref<4x128xi32, #tpu.memory_space<vmem>> -> memref<1x128xi32, #tpu.memory_space<vmem>>
    %get3A_678 = tpu.memref_squeeze %get3A_677 : memref<1x128xi32, #tpu.memory_space<vmem>> -> memref<128xi32, #tpu.memory_space<vmem>>
    %get3A_679 = arith.constant 96 : index
    %get3A_680 = tpu.vector_load %get3A_678[%get3A_679] {strides = array<i32>} : memref<128xi32, #tpu.memory_space<vmem>>, vector<16xi32>,
    %shift_right_logical3A_681 = arith.constant 4 : i32
    %shift_right_logical3A_682 = vector.broadcast %shift_right_logical3A_681 : i32 to vector<16xi32>
    %shift_right_logical3A_683 = arith.shrui %get3A_680, %shift_right_logical3A_682 : vector<16xi32>
    %swap3A_684 = arith.constant 2 : i32
    %swap3A_685 = arith.constant 0 : i32
    %swap3A_686 = tpu.memref_slice %arg11[%swap3A_684, %swap3A_685] : memref<4x128xi32, #tpu.memory_space<vmem>> -> memref<1x128xi32, #tpu.memory_space<vmem>>
    %swap3A_687 = tpu.memref_squeeze %swap3A_686 : memref<1x128xi32, #tpu.memory_space<vmem>> -> memref<128xi32, #tpu.memory_space<vmem>>
    %swap3A_688 = arith.constant 96 : index
    %swap3A_689 = tpu.vector_load %swap3A_687[%swap3A_688] {strides = array<i32>} : memref<128xi32, #tpu.memory_space<vmem>>, vector<16xi32>,
    tpu.vector_store %swap3A_687[%swap3A_688], %shift_right_logical3A_683 {strides = array<i32>} : memref<128xi32, #tpu.memory_space<vmem>>, vector<16xi32>,
    %get3A_690 = arith.constant 2 : i32
    %get3A_691 = arith.constant 0 : i32
    %get3A_692 = tpu.memref_slice %arg10[%get3A_690, %get3A_691] : memref<4x128xi32, #tpu.memory_space<vmem>> -> memref<1x128xi32, #tpu.memory_space<vmem>>
    %get3A_693 = tpu.memref_squeeze %get3A_692 : memref<1x128xi32, #tpu.memory_space<vmem>> -> memref<128xi32, #tpu.memory_space<vmem>>
    %get3A_694 = arith.constant 96 : index
    %get3A_695 = tpu.vector_load %get3A_693[%get3A_694] {strides = array<i32>} : memref<128xi32, #tpu.memory_space<vmem>>, vector<16xi32>,
    %shift_right_logical3A_696 = arith.constant 4 : i32
    %shift_right_logical3A_697 = vector.broadcast %shift_right_logical3A_696 : i32 to vector<16xi32>
    %shift_right_logical3A_698 = arith.shrui %get3A_695, %shift_right_logical3A_697 : vector<16xi32>
    %swap3A_699 = arith.constant 2 : i32
    %swap3A_700 = arith.constant 0 : i32
    %swap3A_701 = tpu.memref_slice %arg12[%swap3A_699, %swap3A_700] : memref<4x128xi32, #tpu.memory_space<vmem>> -> memref<1x128xi32, #tpu.memory_space<vmem>>
    %swap3A_702 = tpu.memref_squeeze %swap3A_701 : memref<1x128xi32, #tpu.memory_space<vmem>> -> memref<128xi32, #tpu.memory_space<vmem>>
    %swap3A_703 = arith.constant 96 : index
    %swap3A_704 = tpu.vector_load %swap3A_702[%swap3A_703] {strides = array<i32>} : memref<128xi32, #tpu.memory_space<vmem>>, vector<16xi32>,
    tpu.vector_store %swap3A_702[%swap3A_703], %shift_right_logical3A_698 {strides = array<i32>} : memref<128xi32, #tpu.memory_space<vmem>>, vector<16xi32>,
    %get3A_705 = arith.constant 2 : i32
    %get3A_706 = arith.constant 0 : i32
    %get3A_707 = tpu.memref_slice %arg9[%get3A_705, %get3A_706] : memref<4x128xi32, #tpu.memory_space<vmem>> -> memref<1x128xi32, #tpu.memory_space<vmem>>
    %get3A_708 = tpu.memref_squeeze %get3A_707 : memref<1x128xi32, #tpu.memory_space<vmem>> -> memref<128xi32, #tpu.memory_space<vmem>>
    %get3A_709 = arith.constant 112 : index
    %get3A_710 = tpu.vector_load %get3A_708[%get3A_709] {strides = array<i32>} : memref<128xi32, #tpu.memory_space<vmem>>, vector<16xi32>,
    %shift_right_logical3A_711 = arith.constant 4 : i32
    %shift_right_logical3A_712 = vector.broadcast %shift_right_logical3A_711 : i32 to vector<16xi32>
    %shift_right_logical3A_713 = arith.shrui %get3A_710, %shift_right_logical3A_712 : vector<16xi32>
    %swap3A_714 = arith.constant 2 : i32
    %swap3A_715 = arith.constant 0 : i32
    %swap3A_716 = tpu.memref_slice %arg11[%swap3A_714, %swap3A_715] : memref<4x128xi32, #tpu.memory_space<vmem>> -> memref<1x128xi32, #tpu.memory_space<vmem>>
    %swap3A_717 = tpu.memref_squeeze %swap3A_716 : memref<1x128xi32, #tpu.memory_space<vmem>> -> memref<128xi32, #tpu.memory_space<vmem>>
    %swap3A_718 = arith.constant 112 : index
    %swap3A_719 = tpu.vector_load %swap3A_717[%swap3A_718] {strides = array<i32>} : memref<128xi32, #tpu.memory_space<vmem>>, vector<16xi32>,
    tpu.vector_store %swap3A_717[%swap3A_718], %shift_right_logical3A_713 {strides = array<i32>} : memref<128xi32, #tpu.memory_space<vmem>>, vector<16xi32>,
    %get3A_720 = arith.constant 2 : i32
    %get3A_721 = arith.constant 0 : i32
    %get3A_722 = tpu.memref_slice %arg10[%get3A_720, %get3A_721] : memref<4x128xi32, #tpu.memory_space<vmem>> -> memref<1x128xi32, #tpu.memory_space<vmem>>
    %get3A_723 = tpu.memref_squeeze %get3A_722 : memref<1x128xi32, #tpu.memory_space<vmem>> -> memref<128xi32, #tpu.memory_space<vmem>>
    %get3A_724 = arith.constant 112 : index
    %get3A_725 = tpu.vector_load %get3A_723[%get3A_724] {strides = array<i32>} : memref<128xi32, #tpu.memory_space<vmem>>, vector<16xi32>,
    %shift_right_logical3A_726 = arith.constant 4 : i32
    %shift_right_logical3A_727 = vector.broadcast %shift_right_logical3A_726 : i32 to vector<16xi32>
    %shift_right_logical3A_728 = arith.shrui %get3A_725, %shift_right_logical3A_727 : vector<16xi32>
    %swap3A_729 = arith.constant 2 : i32
    %swap3A_730 = arith.constant 0 : i32
    %swap3A_731 = tpu.memref_slice %arg12[%swap3A_729, %swap3A_730] : memref<4x128xi32, #tpu.memory_space<vmem>> -> memref<1x128xi32, #tpu.memory_space<vmem>>
    %swap3A_732 = tpu.memref_squeeze %swap3A_731 : memref<1x128xi32, #tpu.memory_space<vmem>> -> memref<128xi32, #tpu.memory_space<vmem>>
    %swap3A_733 = arith.constant 112 : index
    %swap3A_734 = tpu.vector_load %swap3A_732[%swap3A_733] {strides = array<i32>} : memref<128xi32, #tpu.memory_space<vmem>>, vector<16xi32>,
    tpu.vector_store %swap3A_732[%swap3A_733], %shift_right_logical3A_728 {strides = array<i32>} : memref<128xi32, #tpu.memory_space<vmem>>, vector<16xi32>,
    %get3A_735 = arith.constant 3 : i32
    %get3A_736 = arith.constant 0 : i32
    %get3A_737 = tpu.memref_slice %arg9[%get3A_735, %get3A_736] : memref<4x128xi32, #tpu.memory_space<vmem>> -> memref<1x128xi32, #tpu.memory_space<vmem>>
    %get3A_738 = tpu.memref_squeeze %get3A_737 : memref<1x128xi32, #tpu.memory_space<vmem>> -> memref<128xi32, #tpu.memory_space<vmem>>
    %get3A_739 = arith.constant 0 : index
    %get3A_740 = tpu.vector_load %get3A_738[%get3A_739] {strides = array<i32>} : memref<128xi32, #tpu.memory_space<vmem>>, vector<16xi32>,
    %shift_right_logical3A_741 = arith.constant 4 : i32
    %shift_right_logical3A_742 = vector.broadcast %shift_right_logical3A_741 : i32 to vector<16xi32>
    %shift_right_logical3A_743 = arith.shrui %get3A_740, %shift_right_logical3A_742 : vector<16xi32>
    %swap3A_744 = arith.constant 3 : i32
    %swap3A_745 = arith.constant 0 : i32
    %swap3A_746 = tpu.memref_slice %arg11[%swap3A_744, %swap3A_745] : memref<4x128xi32, #tpu.memory_space<vmem>> -> memref<1x128xi32, #tpu.memory_space<vmem>>
    %swap3A_747 = tpu.memref_squeeze %swap3A_746 : memref<1x128xi32, #tpu.memory_space<vmem>> -> memref<128xi32, #tpu.memory_space<vmem>>
    %swap3A_748 = arith.constant 0 : index
    %swap3A_749 = tpu.vector_load %swap3A_747[%swap3A_748] {strides = array<i32>} : memref<128xi32, #tpu.memory_space<vmem>>, vector<16xi32>,
    tpu.vector_store %swap3A_747[%swap3A_748], %shift_right_logical3A_743 {strides = array<i32>} : memref<128xi32, #tpu.memory_space<vmem>>, vector<16xi32>,
    %get3A_750 = arith.constant 3 : i32
    %get3A_751 = arith.constant 0 : i32
    %get3A_752 = tpu.memref_slice %arg10[%get3A_750, %get3A_751] : memref<4x128xi32, #tpu.memory_space<vmem>> -> memref<1x128xi32, #tpu.memory_space<vmem>>
    %get3A_753 = tpu.memref_squeeze %get3A_752 : memref<1x128xi32, #tpu.memory_space<vmem>> -> memref<128xi32, #tpu.memory_space<vmem>>
    %get3A_754 = arith.constant 0 : index
    %get3A_755 = tpu.vector_load %get3A_753[%get3A_754] {strides = array<i32>} : memref<128xi32, #tpu.memory_space<vmem>>, vector<16xi32>,
    %shift_right_logical3A_756 = arith.constant 4 : i32
    %shift_right_logical3A_757 = vector.broadcast %shift_right_logical3A_756 : i32 to vector<16xi32>
    %shift_right_logical3A_758 = arith.shrui %get3A_755, %shift_right_logical3A_757 : vector<16xi32>
    %swap3A_759 = arith.constant 3 : i32
    %swap3A_760 = arith.constant 0 : i32
    %swap3A_761 = tpu.memref_slice %arg12[%swap3A_759, %swap3A_760] : memref<4x128xi32, #tpu.memory_space<vmem>> -> memref<1x128xi32, #tpu.memory_space<vmem>>
    %swap3A_762 = tpu.memref_squeeze %swap3A_761 : memref<1x128xi32, #tpu.memory_space<vmem>> -> memref<128xi32, #tpu.memory_space<vmem>>
    %swap3A_763 = arith.constant 0 : index
    %swap3A_764 = tpu.vector_load %swap3A_762[%swap3A_763] {strides = array<i32>} : memref<128xi32, #tpu.memory_space<vmem>>, vector<16xi32>,
    tpu.vector_store %swap3A_762[%swap3A_763], %shift_right_logical3A_758 {strides = array<i32>} : memref<128xi32, #tpu.memory_space<vmem>>, vector<16xi32>,
    %get3A_765 = arith.constant 3 : i32
    %get3A_766 = arith.constant 0 : i32
    %get3A_767 = tpu.memref_slice %arg9[%get3A_765, %get3A_766] : memref<4x128xi32, #tpu.memory_space<vmem>> -> memref<1x128xi32, #tpu.memory_space<vmem>>
    %get3A_768 = tpu.memref_squeeze %get3A_767 : memref<1x128xi32, #tpu.memory_space<vmem>> -> memref<128xi32, #tpu.memory_space<vmem>>
    %get3A_769 = arith.constant 16 : index
    %get3A_770 = tpu.vector_load %get3A_768[%get3A_769] {strides = array<i32>} : memref<128xi32, #tpu.memory_space<vmem>>, vector<16xi32>,
    %shift_right_logical3A_771 = arith.constant 4 : i32
    %shift_right_logical3A_772 = vector.broadcast %shift_right_logical3A_771 : i32 to vector<16xi32>
    %shift_right_logical3A_773 = arith.shrui %get3A_770, %shift_right_logical3A_772 : vector<16xi32>
    %swap3A_774 = arith.constant 3 : i32
    %swap3A_775 = arith.constant 0 : i32
    %swap3A_776 = tpu.memref_slice %arg11[%swap3A_774, %swap3A_775] : memref<4x128xi32, #tpu.memory_space<vmem>> -> memref<1x128xi32, #tpu.memory_space<vmem>>
    %swap3A_777 = tpu.memref_squeeze %swap3A_776 : memref<1x128xi32, #tpu.memory_space<vmem>> -> memref<128xi32, #tpu.memory_space<vmem>>
    %swap3A_778 = arith.constant 16 : index
    %swap3A_779 = tpu.vector_load %swap3A_777[%swap3A_778] {strides = array<i32>} : memref<128xi32, #tpu.memory_space<vmem>>, vector<16xi32>,
    tpu.vector_store %swap3A_777[%swap3A_778], %shift_right_logical3A_773 {strides = array<i32>} : memref<128xi32, #tpu.memory_space<vmem>>, vector<16xi32>,
    %get3A_780 = arith.constant 3 : i32
    %get3A_781 = arith.constant 0 : i32
    %get3A_782 = tpu.memref_slice %arg10[%get3A_780, %get3A_781] : memref<4x128xi32, #tpu.memory_space<vmem>> -> memref<1x128xi32, #tpu.memory_space<vmem>>
    %get3A_783 = tpu.memref_squeeze %get3A_782 : memref<1x128xi32, #tpu.memory_space<vmem>> -> memref<128xi32, #tpu.memory_space<vmem>>
    %get3A_784 = arith.constant 16 : index
    %get3A_785 = tpu.vector_load %get3A_783[%get3A_784] {strides = array<i32>} : memref<128xi32, #tpu.memory_space<vmem>>, vector<16xi32>,
    %shift_right_logical3A_786 = arith.constant 4 : i32
    %shift_right_logical3A_787 = vector.broadcast %shift_right_logical3A_786 : i32 to vector<16xi32>
    %shift_right_logical3A_788 = arith.shrui %get3A_785, %shift_right_logical3A_787 : vector<16xi32>
    %swap3A_789 = arith.constant 3 : i32
    %swap3A_790 = arith.constant 0 : i32
    %swap3A_791 = tpu.memref_slice %arg12[%swap3A_789, %swap3A_790] : memref<4x128xi32, #tpu.memory_space<vmem>> -> memref<1x128xi32, #tpu.memory_space<vmem>>
    %swap3A_792 = tpu.memref_squeeze %swap3A_791 : memref<1x128xi32, #tpu.memory_space<vmem>> -> memref<128xi32, #tpu.memory_space<vmem>>
    %swap3A_793 = arith.constant 16 : index
    %swap3A_794 = tpu.vector_load %swap3A_792[%swap3A_793] {strides = array<i32>} : memref<128xi32, #tpu.memory_space<vmem>>, vector<16xi32>,
    tpu.vector_store %swap3A_792[%swap3A_793], %shift_right_logical3A_788 {strides = array<i32>} : memref<128xi32, #tpu.memory_space<vmem>>, vector<16xi32>,
    %get3A_795 = arith.constant 3 : i32
    %get3A_796 = arith.constant 0 : i32
    %get3A_797 = tpu.memref_slice %arg9[%get3A_795, %get3A_796] : memref<4x128xi32, #tpu.memory_space<vmem>> -> memref<1x128xi32, #tpu.memory_space<vmem>>
    %get3A_798 = tpu.memref_squeeze %get3A_797 : memref<1x128xi32, #tpu.memory_space<vmem>> -> memref<128xi32, #tpu.memory_space<vmem>>
    %get3A_799 = arith.constant 32 : index
    %get3A_800 = tpu.vector_load %get3A_798[%get3A_799] {strides = array<i32>} : memref<128xi32, #tpu.memory_space<vmem>>, vector<16xi32>,
    %shift_right_logical3A_801 = arith.constant 4 : i32
    %shift_right_logical3A_802 = vector.broadcast %shift_right_logical3A_801 : i32 to vector<16xi32>
    %shift_right_logical3A_803 = arith.shrui %get3A_800, %shift_right_logical3A_802 : vector<16xi32>
    %swap3A_804 = arith.constant 3 : i32
    %swap3A_805 = arith.constant 0 : i32
    %swap3A_806 = tpu.memref_slice %arg11[%swap3A_804, %swap3A_805] : memref<4x128xi32, #tpu.memory_space<vmem>> -> memref<1x128xi32, #tpu.memory_space<vmem>>
    %swap3A_807 = tpu.memref_squeeze %swap3A_806 : memref<1x128xi32, #tpu.memory_space<vmem>> -> memref<128xi32, #tpu.memory_space<vmem>>
    %swap3A_808 = arith.constant 32 : index
    %swap3A_809 = tpu.vector_load %swap3A_807[%swap3A_808] {strides = array<i32>} : memref<128xi32, #tpu.memory_space<vmem>>, vector<16xi32>,
    tpu.vector_store %swap3A_807[%swap3A_808], %shift_right_logical3A_803 {strides = array<i32>} : memref<128xi32, #tpu.memory_space<vmem>>, vector<16xi32>,
    %get3A_810 = arith.constant 3 : i32
    %get3A_811 = arith.constant 0 : i32
    %get3A_812 = tpu.memref_slice %arg10[%get3A_810, %get3A_811] : memref<4x128xi32, #tpu.memory_space<vmem>> -> memref<1x128xi32, #tpu.memory_space<vmem>>
    %get3A_813 = tpu.memref_squeeze %get3A_812 : memref<1x128xi32, #tpu.memory_space<vmem>> -> memref<128xi32, #tpu.memory_space<vmem>>
    %get3A_814 = arith.constant 32 : index
    %get3A_815 = tpu.vector_load %get3A_813[%get3A_814] {strides = array<i32>} : memref<128xi32, #tpu.memory_space<vmem>>, vector<16xi32>,
    %shift_right_logical3A_816 = arith.constant 4 : i32
    %shift_right_logical3A_817 = vector.broadcast %shift_right_logical3A_816 : i32 to vector<16xi32>
    %shift_right_logical3A_818 = arith.shrui %get3A_815, %shift_right_logical3A_817 : vector<16xi32>
    %swap3A_819 = arith.constant 3 : i32
    %swap3A_820 = arith.constant 0 : i32
    %swap3A_821 = tpu.memref_slice %arg12[%swap3A_819, %swap3A_820] : memref<4x128xi32, #tpu.memory_space<vmem>> -> memref<1x128xi32, #tpu.memory_space<vmem>>
    %swap3A_822 = tpu.memref_squeeze %swap3A_821 : memref<1x128xi32, #tpu.memory_space<vmem>> -> memref<128xi32, #tpu.memory_space<vmem>>
    %swap3A_823 = arith.constant 32 : index
    %swap3A_824 = tpu.vector_load %swap3A_822[%swap3A_823] {strides = array<i32>} : memref<128xi32, #tpu.memory_space<vmem>>, vector<16xi32>,
    tpu.vector_store %swap3A_822[%swap3A_823], %shift_right_logical3A_818 {strides = array<i32>} : memref<128xi32, #tpu.memory_space<vmem>>, vector<16xi32>,
    %get3A_825 = arith.constant 3 : i32
    %get3A_826 = arith.constant 0 : i32
    %get3A_827 = tpu.memref_slice %arg9[%get3A_825, %get3A_826] : memref<4x128xi32, #tpu.memory_space<vmem>> -> memref<1x128xi32, #tpu.memory_space<vmem>>
    %get3A_828 = tpu.memref_squeeze %get3A_827 : memref<1x128xi32, #tpu.memory_space<vmem>> -> memref<128xi32, #tpu.memory_space<vmem>>
    %get3A_829 = arith.constant 48 : index
    %get3A_830 = tpu.vector_load %get3A_828[%get3A_829] {strides = array<i32>} : memref<128xi32, #tpu.memory_space<vmem>>, vector<16xi32>,
    %shift_right_logical3A_831 = arith.constant 4 : i32
    %shift_right_logical3A_832 = vector.broadcast %shift_right_logical3A_831 : i32 to vector<16xi32>
    %shift_right_logical3A_833 = arith.shrui %get3A_830, %shift_right_logical3A_832 : vector<16xi32>
    %swap3A_834 = arith.constant 3 : i32
    %swap3A_835 = arith.constant 0 : i32
    %swap3A_836 = tpu.memref_slice %arg11[%swap3A_834, %swap3A_835] : memref<4x128xi32, #tpu.memory_space<vmem>> -> memref<1x128xi32, #tpu.memory_space<vmem>>
    %swap3A_837 = tpu.memref_squeeze %swap3A_836 : memref<1x128xi32, #tpu.memory_space<vmem>> -> memref<128xi32, #tpu.memory_space<vmem>>
    %swap3A_838 = arith.constant 48 : index
    %swap3A_839 = tpu.vector_load %swap3A_837[%swap3A_838] {strides = array<i32>} : memref<128xi32, #tpu.memory_space<vmem>>, vector<16xi32>,
    tpu.vector_store %swap3A_837[%swap3A_838], %shift_right_logical3A_833 {strides = array<i32>} : memref<128xi32, #tpu.memory_space<vmem>>, vector<16xi32>,
    %get3A_840 = arith.constant 3 : i32
    %get3A_841 = arith.constant 0 : i32
    %get3A_842 = tpu.memref_slice %arg10[%get3A_840, %get3A_841] : memref<4x128xi32, #tpu.memory_space<vmem>> -> memref<1x128xi32, #tpu.memory_space<vmem>>
    %get3A_843 = tpu.memref_squeeze %get3A_842 : memref<1x128xi32, #tpu.memory_space<vmem>> -> memref<128xi32, #tpu.memory_space<vmem>>
    %get3A_844 = arith.constant 48 : index
    %get3A_845 = tpu.vector_load %get3A_843[%get3A_844] {strides = array<i32>} : memref<128xi32, #tpu.memory_space<vmem>>, vector<16xi32>,
    %shift_right_logical3A_846 = arith.constant 4 : i32
    %shift_right_logical3A_847 = vector.broadcast %shift_right_logical3A_846 : i32 to vector<16xi32>
    %shift_right_logical3A_848 = arith.shrui %get3A_845, %shift_right_logical3A_847 : vector<16xi32>
    %swap3A_849 = arith.constant 3 : i32
    %swap3A_850 = arith.constant 0 : i32
    %swap3A_851 = tpu.memref_slice %arg12[%swap3A_849, %swap3A_850] : memref<4x128xi32, #tpu.memory_space<vmem>> -> memref<1x128xi32, #tpu.memory_space<vmem>>
    %swap3A_852 = tpu.memref_squeeze %swap3A_851 : memref<1x128xi32, #tpu.memory_space<vmem>> -> memref<128xi32, #tpu.memory_space<vmem>>
    %swap3A_853 = arith.constant 48 : index
    %swap3A_854 = tpu.vector_load %swap3A_852[%swap3A_853] {strides = array<i32>} : memref<128xi32, #tpu.memory_space<vmem>>, vector<16xi32>,
    tpu.vector_store %swap3A_852[%swap3A_853], %shift_right_logical3A_848 {strides = array<i32>} : memref<128xi32, #tpu.memory_space<vmem>>, vector<16xi32>,
    %get3A_855 = arith.constant 3 : i32
    %get3A_856 = arith.constant 0 : i32
    %get3A_857 = tpu.memref_slice %arg9[%get3A_855, %get3A_856] : memref<4x128xi32, #tpu.memory_space<vmem>> -> memref<1x128xi32, #tpu.memory_space<vmem>>
    %get3A_858 = tpu.memref_squeeze %get3A_857 : memref<1x128xi32, #tpu.memory_space<vmem>> -> memref<128xi32, #tpu.memory_space<vmem>>
    %get3A_859 = arith.constant 64 : index
    %get3A_860 = tpu.vector_load %get3A_858[%get3A_859] {strides = array<i32>} : memref<128xi32, #tpu.memory_space<vmem>>, vector<16xi32>,
    %shift_right_logical3A_861 = arith.constant 4 : i32
    %shift_right_logical3A_862 = vector.broadcast %shift_right_logical3A_861 : i32 to vector<16xi32>
    %shift_right_logical3A_863 = arith.shrui %get3A_860, %shift_right_logical3A_862 : vector<16xi32>
    %swap3A_864 = arith.constant 3 : i32
    %swap3A_865 = arith.constant 0 : i32
    %swap3A_866 = tpu.memref_slice %arg11[%swap3A_864, %swap3A_865] : memref<4x128xi32, #tpu.memory_space<vmem>> -> memref<1x128xi32, #tpu.memory_space<vmem>>
    %swap3A_867 = tpu.memref_squeeze %swap3A_866 : memref<1x128xi32, #tpu.memory_space<vmem>> -> memref<128xi32, #tpu.memory_space<vmem>>
    %swap3A_868 = arith.constant 64 : index
    %swap3A_869 = tpu.vector_load %swap3A_867[%swap3A_868] {strides = array<i32>} : memref<128xi32, #tpu.memory_space<vmem>>, vector<16xi32>,
    tpu.vector_store %swap3A_867[%swap3A_868], %shift_right_logical3A_863 {strides = array<i32>} : memref<128xi32, #tpu.memory_space<vmem>>, vector<16xi32>,
    %get3A_870 = arith.constant 3 : i32
    %get3A_871 = arith.constant 0 : i32
    %get3A_872 = tpu.memref_slice %arg10[%get3A_870, %get3A_871] : memref<4x128xi32, #tpu.memory_space<vmem>> -> memref<1x128xi32, #tpu.memory_space<vmem>>
    %get3A_873 = tpu.memref_squeeze %get3A_872 : memref<1x128xi32, #tpu.memory_space<vmem>> -> memref<128xi32, #tpu.memory_space<vmem>>
    %get3A_874 = arith.constant 64 : index
    %get3A_875 = tpu.vector_load %get3A_873[%get3A_874] {strides = array<i32>} : memref<128xi32, #tpu.memory_space<vmem>>, vector<16xi32>,
    %shift_right_logical3A_876 = arith.constant 4 : i32
    %shift_right_logical3A_877 = vector.broadcast %shift_right_logical3A_876 : i32 to vector<16xi32>
    %shift_right_logical3A_878 = arith.shrui %get3A_875, %shift_right_logical3A_877 : vector<16xi32>
    %swap3A_879 = arith.constant 3 : i32
    %swap3A_880 = arith.constant 0 : i32
    %swap3A_881 = tpu.memref_slice %arg12[%swap3A_879, %swap3A_880] : memref<4x128xi32, #tpu.memory_space<vmem>> -> memref<1x128xi32, #tpu.memory_space<vmem>>
    %swap3A_882 = tpu.memref_squeeze %swap3A_881 : memref<1x128xi32, #tpu.memory_space<vmem>> -> memref<128xi32, #tpu.memory_space<vmem>>
    %swap3A_883 = arith.constant 64 : index
    %swap3A_884 = tpu.vector_load %swap3A_882[%swap3A_883] {strides = array<i32>} : memref<128xi32, #tpu.memory_space<vmem>>, vector<16xi32>,
    tpu.vector_store %swap3A_882[%swap3A_883], %shift_right_logical3A_878 {strides = array<i32>} : memref<128xi32, #tpu.memory_space<vmem>>, vector<16xi32>,
    %get3A_885 = arith.constant 3 : i32
    %get3A_886 = arith.constant 0 : i32
    %get3A_887 = tpu.memref_slice %arg9[%get3A_885, %get3A_886] : memref<4x128xi32, #tpu.memory_space<vmem>> -> memref<1x128xi32, #tpu.memory_space<vmem>>
    %get3A_888 = tpu.memref_squeeze %get3A_887 : memref<1x128xi32, #tpu.memory_space<vmem>> -> memref<128xi32, #tpu.memory_space<vmem>>
    %get3A_889 = arith.constant 80 : index
    %get3A_890 = tpu.vector_load %get3A_888[%get3A_889] {strides = array<i32>} : memref<128xi32, #tpu.memory_space<vmem>>, vector<16xi32>,
    %shift_right_logical3A_891 = arith.constant 4 : i32
    %shift_right_logical3A_892 = vector.broadcast %shift_right_logical3A_891 : i32 to vector<16xi32>
    %shift_right_logical3A_893 = arith.shrui %get3A_890, %shift_right_logical3A_892 : vector<16xi32>
    %swap3A_894 = arith.constant 3 : i32
    %swap3A_895 = arith.constant 0 : i32
    %swap3A_896 = tpu.memref_slice %arg11[%swap3A_894, %swap3A_895] : memref<4x128xi32, #tpu.memory_space<vmem>> -> memref<1x128xi32, #tpu.memory_space<vmem>>
    %swap3A_897 = tpu.memref_squeeze %swap3A_896 : memref<1x128xi32, #tpu.memory_space<vmem>> -> memref<128xi32, #tpu.memory_space<vmem>>
    %swap3A_898 = arith.constant 80 : index
    %swap3A_899 = tpu.vector_load %swap3A_897[%swap3A_898] {strides = array<i32>} : memref<128xi32, #tpu.memory_space<vmem>>, vector<16xi32>,
    tpu.vector_store %swap3A_897[%swap3A_898], %shift_right_logical3A_893 {strides = array<i32>} : memref<128xi32, #tpu.memory_space<vmem>>, vector<16xi32>,
    %get3A_900 = arith.constant 3 : i32
    %get3A_901 = arith.constant 0 : i32
    %get3A_902 = tpu.memref_slice %arg10[%get3A_900, %get3A_901] : memref<4x128xi32, #tpu.memory_space<vmem>> -> memref<1x128xi32, #tpu.memory_space<vmem>>
    %get3A_903 = tpu.memref_squeeze %get3A_902 : memref<1x128xi32, #tpu.memory_space<vmem>> -> memref<128xi32, #tpu.memory_space<vmem>>
    %get3A_904 = arith.constant 80 : index
    %get3A_905 = tpu.vector_load %get3A_903[%get3A_904] {strides = array<i32>} : memref<128xi32, #tpu.memory_space<vmem>>, vector<16xi32>,
    %shift_right_logical3A_906 = arith.constant 4 : i32
    %shift_right_logical3A_907 = vector.broadcast %shift_right_logical3A_906 : i32 to vector<16xi32>
    %shift_right_logical3A_908 = arith.shrui %get3A_905, %shift_right_logical3A_907 : vector<16xi32>
    %swap3A_909 = arith.constant 3 : i32
    %swap3A_910 = arith.constant 0 : i32
    %swap3A_911 = tpu.memref_slice %arg12[%swap3A_909, %swap3A_910] : memref<4x128xi32, #tpu.memory_space<vmem>> -> memref<1x128xi32, #tpu.memory_space<vmem>>
    %swap3A_912 = tpu.memref_squeeze %swap3A_911 : memref<1x128xi32, #tpu.memory_space<vmem>> -> memref<128xi32, #tpu.memory_space<vmem>>
    %swap3A_913 = arith.constant 80 : index
    %swap3A_914 = tpu.vector_load %swap3A_912[%swap3A_913] {strides = array<i32>} : memref<128xi32, #tpu.memory_space<vmem>>, vector<16xi32>,
    tpu.vector_store %swap3A_912[%swap3A_913], %shift_right_logical3A_908 {strides = array<i32>} : memref<128xi32, #tpu.memory_space<vmem>>, vector<16xi32>,
    %get3A_915 = arith.constant 3 : i32
    %get3A_916 = arith.constant 0 : i32
    %get3A_917 = tpu.memref_slice %arg9[%get3A_915, %get3A_916] : memref<4x128xi32, #tpu.memory_space<vmem>> -> memref<1x128xi32, #tpu.memory_space<vmem>>
    %get3A_918 = tpu.memref_squeeze %get3A_917 : memref<1x128xi32, #tpu.memory_space<vmem>> -> memref<128xi32, #tpu.memory_space<vmem>>
    %get3A_919 = arith.constant 96 : index
    %get3A_920 = tpu.vector_load %get3A_918[%get3A_919] {strides = array<i32>} : memref<128xi32, #tpu.memory_space<vmem>>, vector<16xi32>,
    %shift_right_logical3A_921 = arith.constant 4 : i32
    %shift_right_logical3A_922 = vector.broadcast %shift_right_logical3A_921 : i32 to vector<16xi32>
    %shift_right_logical3A_923 = arith.shrui %get3A_920, %shift_right_logical3A_922 : vector<16xi32>
    %swap3A_924 = arith.constant 3 : i32
    %swap3A_925 = arith.constant 0 : i32
    %swap3A_926 = tpu.memref_slice %arg11[%swap3A_924, %swap3A_925] : memref<4x128xi32, #tpu.memory_space<vmem>> -> memref<1x128xi32, #tpu.memory_space<vmem>>
    %swap3A_927 = tpu.memref_squeeze %swap3A_926 : memref<1x128xi32, #tpu.memory_space<vmem>> -> memref<128xi32, #tpu.memory_space<vmem>>
    %swap3A_928 = arith.constant 96 : index
    %swap3A_929 = tpu.vector_load %swap3A_927[%swap3A_928] {strides = array<i32>} : memref<128xi32, #tpu.memory_space<vmem>>, vector<16xi32>,
    tpu.vector_store %swap3A_927[%swap3A_928], %shift_right_logical3A_923 {strides = array<i32>} : memref<128xi32, #tpu.memory_space<vmem>>, vector<16xi32>,
    %get3A_930 = arith.constant 3 : i32
    %get3A_931 = arith.constant 0 : i32
    %get3A_932 = tpu.memref_slice %arg10[%get3A_930, %get3A_931] : memref<4x128xi32, #tpu.memory_space<vmem>> -> memref<1x128xi32, #tpu.memory_space<vmem>>
    %get3A_933 = tpu.memref_squeeze %get3A_932 : memref<1x128xi32, #tpu.memory_space<vmem>> -> memref<128xi32, #tpu.memory_space<vmem>>
    %get3A_934 = arith.constant 96 : index
    %get3A_935 = tpu.vector_load %get3A_933[%get3A_934] {strides = array<i32>} : memref<128xi32, #tpu.memory_space<vmem>>, vector<16xi32>,
    %shift_right_logical3A_936 = arith.constant 4 : i32
    %shift_right_logical3A_937 = vector.broadcast %shift_right_logical3A_936 : i32 to vector<16xi32>
    %shift_right_logical3A_938 = arith.shrui %get3A_935, %shift_right_logical3A_937 : vector<16xi32>
    %swap3A_939 = arith.constant 3 : i32
    %swap3A_940 = arith.constant 0 : i32
    %swap3A_941 = tpu.memref_slice %arg12[%swap3A_939, %swap3A_940] : memref<4x128xi32, #tpu.memory_space<vmem>> -> memref<1x128xi32, #tpu.memory_space<vmem>>
    %swap3A_942 = tpu.memref_squeeze %swap3A_941 : memref<1x128xi32, #tpu.memory_space<vmem>> -> memref<128xi32, #tpu.memory_space<vmem>>
    %swap3A_943 = arith.constant 96 : index
    %swap3A_944 = tpu.vector_load %swap3A_942[%swap3A_943] {strides = array<i32>} : memref<128xi32, #tpu.memory_space<vmem>>, vector<16xi32>,
    tpu.vector_store %swap3A_942[%swap3A_943], %shift_right_logical3A_938 {strides = array<i32>} : memref<128xi32, #tpu.memory_space<vmem>>, vector<16xi32>,
    %get3A_945 = arith.constant 3 : i32
    %get3A_946 = arith.constant 0 : i32
    %get3A_947 = tpu.memref_slice %arg9[%get3A_945, %get3A_946] : memref<4x128xi32, #tpu.memory_space<vmem>> -> memref<1x128xi32, #tpu.memory_space<vmem>>
    %get3A_948 = tpu.memref_squeeze %get3A_947 : memref<1x128xi32, #tpu.memory_space<vmem>> -> memref<128xi32, #tpu.memory_space<vmem>>
    %get3A_949 = arith.constant 112 : index
    %get3A_950 = tpu.vector_load %get3A_948[%get3A_949] {strides = array<i32>} : memref<128xi32, #tpu.memory_space<vmem>>, vector<16xi32>,
    %shift_right_logical3A_951 = arith.constant 4 : i32
    %shift_right_logical3A_952 = vector.broadcast %shift_right_logical3A_951 : i32 to vector<16xi32>
    %shift_right_logical3A_953 = arith.shrui %get3A_950, %shift_right_logical3A_952 : vector<16xi32>
    %swap3A_954 = arith.constant 3 : i32
    %swap3A_955 = arith.constant 0 : i32
    %swap3A_956 = tpu.memref_slice %arg11[%swap3A_954, %swap3A_955] : memref<4x128xi32, #tpu.memory_space<vmem>> -> memref<1x128xi32, #tpu.memory_space<vmem>>
    %swap3A_957 = tpu.memref_squeeze %swap3A_956 : memref<1x128xi32, #tpu.memory_space<vmem>> -> memref<128xi32, #tpu.memory_space<vmem>>
    %swap3A_958 = arith.constant 112 : index
    %swap3A_959 = tpu.vector_load %swap3A_957[%swap3A_958] {strides = array<i32>} : memref<128xi32, #tpu.memory_space<vmem>>, vector<16xi32>,
    tpu.vector_store %swap3A_957[%swap3A_958], %shift_right_logical3A_953 {strides = array<i32>} : memref<128xi32, #tpu.memory_space<vmem>>, vector<16xi32>,
    %get3A_960 = arith.constant 3 : i32
    %get3A_961 = arith.constant 0 : i32
    %get3A_962 = tpu.memref_slice %arg10[%get3A_960, %get3A_961] : memref<4x128xi32, #tpu.memory_space<vmem>> -> memref<1x128xi32, #tpu.memory_space<vmem>>
    %get3A_963 = tpu.memref_squeeze %get3A_962 : memref<1x128xi32, #tpu.memory_space<vmem>> -> memref<128xi32, #tpu.memory_space<vmem>>
    %get3A_964 = arith.constant 112 : index
    %get3A_965 = tpu.vector_load %get3A_963[%get3A_964] {strides = array<i32>} : memref<128xi32, #tpu.memory_space<vmem>>, vector<16xi32>,
    %shift_right_logical3A_966 = arith.constant 4 : i32
    %shift_right_logical3A_967 = vector.broadcast %shift_right_logical3A_966 : i32 to vector<16xi32>
    %shift_right_logical3A_968 = arith.shrui %get3A_965, %shift_right_logical3A_967 : vector<16xi32>
    %swap3A_969 = arith.constant 3 : i32
    %swap3A_970 = arith.constant 0 : i32
    %swap3A_971 = tpu.memref_slice %arg12[%swap3A_969, %swap3A_970] : memref<4x128xi32, #tpu.memory_space<vmem>> -> memref<1x128xi32, #tpu.memory_space<vmem>>
    %swap3A_972 = tpu.memref_squeeze %swap3A_971 : memref<1x128xi32, #tpu.memory_space<vmem>> -> memref<128xi32, #tpu.memory_space<vmem>>
    %swap3A_973 = arith.constant 112 : index
    %swap3A_974 = tpu.vector_load %swap3A_972[%swap3A_973] {strides = array<i32>} : memref<128xi32, #tpu.memory_space<vmem>>, vector<16xi32>,
    tpu.vector_store %swap3A_972[%swap3A_973], %shift_right_logical3A_968 {strides = array<i32>} : memref<128xi32, #tpu.memory_space<vmem>>, vector<16xi32>,
    %dma_start3A = arith.constant 0 : i32
    %dma_start3A_975 = arith.constant 0 : i32
    %dma_start3A_976 = arith.constant 0 : i32
    %dma_start3A_977 = tpu.memref_slice %arg13[%dma_start3A_975, %dma_start3A_976] : memref<512x64xf32, #tpu.memory_space<vmem>> -> memref<128x64xf32, #tpu.memory_space<vmem>>
    %dma_start3A_978 = arith.constant 0 : i32
    %dma_start3A_979 = tpu.memref_slice %arg9[%dma_start3A, %dma_start3A_978] : memref<4x128xi32, #tpu.memory_space<vmem>> -> memref<1x128xi32, #tpu.memory_space<vmem>>
    %dma_start3A_980 = tpu.memref_squeeze %dma_start3A_979 : memref<1x128xi32, #tpu.memory_space<vmem>> -> memref<128xi32, #tpu.memory_space<vmem>>
    %dma_start3A_981 = arith.constant 0 : i32
    %dma_start3A_982 = arith.constant 0 : i32
    %dma_start3A_983 = tpu.memref_slice %arg4[%dma_start3A_981, %dma_start3A_982] : memref<1000000x64xf32, #tpu.memory_space<hbm>> -> memref<1000000x64xf32, #tpu.memory_space<hbm>>
    tpu.enqueue_indirect_dma source(%dma_start3A_983 : memref<1000000x64xf32, #tpu.memory_space<hbm>>) target(%dma_start3A_977 : memref<128x64xf32, #tpu.memory_space<vmem>>) offsets(%dma_start3A_980 : memref<128xi32, #tpu.memory_space<vmem>>) semaphore(%arg19 : memref<!tpu.dma_semaphore, #tpu.memory_space<semaphore_mem>>)
    %dma_start3A_984 = arith.constant 0 : i32
    %dma_start3A_985 = arith.constant 0 : i32
    %dma_start3A_986 = arith.constant 0 : i32
    %dma_start3A_987 = tpu.memref_slice %arg14[%dma_start3A_985, %dma_start3A_986] : memref<512x64xf32, #tpu.memory_space<vmem>> -> memref<128x64xf32, #tpu.memory_space<vmem>>
    %dma_start3A_988 = arith.constant 0 : i32
    %dma_start3A_989 = tpu.memref_slice %arg10[%dma_start3A_984, %dma_start3A_988] : memref<4x128xi32, #tpu.memory_space<vmem>> -> memref<1x128xi32, #tpu.memory_space<vmem>>
    %dma_start3A_990 = tpu.memref_squeeze %dma_start3A_989 : memref<1x128xi32, #tpu.memory_space<vmem>> -> memref<128xi32, #tpu.memory_space<vmem>>
    %dma_start3A_991 = arith.constant 0 : i32
    %dma_start3A_992 = arith.constant 0 : i32
    %dma_start3A_993 = tpu.memref_slice %arg5[%dma_start3A_991, %dma_start3A_992] : memref<1000000x64xf32, #tpu.memory_space<hbm>> -> memref<1000000x64xf32, #tpu.memory_space<hbm>>
    tpu.enqueue_indirect_dma source(%dma_start3A_993 : memref<1000000x64xf32, #tpu.memory_space<hbm>>) target(%dma_start3A_987 : memref<128x64xf32, #tpu.memory_space<vmem>>) offsets(%dma_start3A_990 : memref<128xi32, #tpu.memory_space<vmem>>) semaphore(%arg19 : memref<!tpu.dma_semaphore, #tpu.memory_space<semaphore_mem>>)
    %dma_start3A_994 = arith.constant 0 : i32
    %dma_start3A_995 = arith.constant 0 : i32
    %dma_start3A_996 = arith.constant 0 : i32
    %dma_start3A_997 = tpu.memref_slice %arg15[%dma_start3A_995, %dma_start3A_996] : memref<512x16xf32, #tpu.memory_space<vmem>> -> memref<128x16xf32, #tpu.memory_space<vmem>>
    %dma_start3A_998 = arith.constant 0 : i32
    %dma_start3A_999 = tpu.memref_slice %arg11[%dma_start3A_994, %dma_start3A_998] : memref<4x128xi32, #tpu.memory_space<vmem>> -> memref<1x128xi32, #tpu.memory_space<vmem>>
    %dma_start3A_1000 = tpu.memref_squeeze %dma_start3A_999 : memref<1x128xi32, #tpu.memory_space<vmem>> -> memref<128xi32, #tpu.memory_space<vmem>>
    %dma_start3A_1001 = arith.constant 0 : i32
    %dma_start3A_1002 = arith.constant 0 : i32
    %dma_start3A_1003 = tpu.memref_slice %arg6[%dma_start3A_1001, %dma_start3A_1002] : memref<62500x16xf32, #tpu.memory_space<hbm>> -> memref<62500x16xf32, #tpu.memory_space<hbm>>
    tpu.enqueue_indirect_dma source(%dma_start3A_1003 : memref<62500x16xf32, #tpu.memory_space<hbm>>) target(%dma_start3A_997 : memref<128x16xf32, #tpu.memory_space<vmem>>) offsets(%dma_start3A_1000 : memref<128xi32, #tpu.memory_space<vmem>>) semaphore(%arg19 : memref<!tpu.dma_semaphore, #tpu.memory_space<semaphore_mem>>)
    %dma_start3A_1004 = arith.constant 0 : i32
    %dma_start3A_1005 = arith.constant 0 : i32
    %dma_start3A_1006 = arith.constant 0 : i32
    %dma_start3A_1007 = tpu.memref_slice %arg16[%dma_start3A_1005, %dma_start3A_1006] : memref<512x16xf32, #tpu.memory_space<vmem>> -> memref<128x16xf32, #tpu.memory_space<vmem>>
    %dma_start3A_1008 = arith.constant 0 : i32
    %dma_start3A_1009 = tpu.memref_slice %arg12[%dma_start3A_1004, %dma_start3A_1008] : memref<4x128xi32, #tpu.memory_space<vmem>> -> memref<1x128xi32, #tpu.memory_space<vmem>>
    %dma_start3A_1010 = tpu.memref_squeeze %dma_start3A_1009 : memref<1x128xi32, #tpu.memory_space<vmem>> -> memref<128xi32, #tpu.memory_space<vmem>>
    %dma_start3A_1011 = arith.constant 0 : i32
    %dma_start3A_1012 = arith.constant 0 : i32
    %dma_start3A_1013 = tpu.memref_slice %arg7[%dma_start3A_1011, %dma_start3A_1012] : memref<62500x16xf32, #tpu.memory_space<hbm>> -> memref<62500x16xf32, #tpu.memory_space<hbm>>
    tpu.enqueue_indirect_dma source(%dma_start3A_1013 : memref<62500x16xf32, #tpu.memory_space<hbm>>) target(%dma_start3A_1007 : memref<128x16xf32, #tpu.memory_space<vmem>>) offsets(%dma_start3A_1010 : memref<128xi32, #tpu.memory_space<vmem>>) semaphore(%arg19 : memref<!tpu.dma_semaphore, #tpu.memory_space<semaphore_mem>>)
    %dma_start3A_1014 = arith.constant 1 : i32
    %dma_start3A_1015 = arith.constant 128 : i32
    %dma_start3A_1016 = arith.constant 0 : i32
    %dma_start3A_1017 = tpu.memref_slice %arg13[%dma_start3A_1015, %dma_start3A_1016] : memref<512x64xf32, #tpu.memory_space<vmem>> -> memref<128x64xf32, #tpu.memory_space<vmem>>
    %dma_start3A_1018 = arith.constant 0 : i32
    %dma_start3A_1019 = tpu.memref_slice %arg9[%dma_start3A_1014, %dma_start3A_1018] : memref<4x128xi32, #tpu.memory_space<vmem>> -> memref<1x128xi32, #tpu.memory_space<vmem>>
    %dma_start3A_1020 = tpu.memref_squeeze %dma_start3A_1019 : memref<1x128xi32, #tpu.memory_space<vmem>> -> memref<128xi32, #tpu.memory_space<vmem>>
    %dma_start3A_1021 = arith.constant 0 : i32
    %dma_start3A_1022 = arith.constant 0 : i32
    %dma_start3A_1023 = tpu.memref_slice %arg4[%dma_start3A_1021, %dma_start3A_1022] : memref<1000000x64xf32, #tpu.memory_space<hbm>> -> memref<1000000x64xf32, #tpu.memory_space<hbm>>
    tpu.enqueue_indirect_dma source(%dma_start3A_1023 : memref<1000000x64xf32, #tpu.memory_space<hbm>>) target(%dma_start3A_1017 : memref<128x64xf32, #tpu.memory_space<vmem>>) offsets(%dma_start3A_1020 : memref<128xi32, #tpu.memory_space<vmem>>) semaphore(%arg19 : memref<!tpu.dma_semaphore, #tpu.memory_space<semaphore_mem>>)
    %dma_start3A_1024 = arith.constant 1 : i32
    %dma_start3A_1025 = arith.constant 128 : i32
    %dma_start3A_1026 = arith.constant 0 : i32
    %dma_start3A_1027 = tpu.memref_slice %arg14[%dma_start3A_1025, %dma_start3A_1026] : memref<512x64xf32, #tpu.memory_space<vmem>> -> memref<128x64xf32, #tpu.memory_space<vmem>>
    %dma_start3A_1028 = arith.constant 0 : i32
    %dma_start3A_1029 = tpu.memref_slice %arg10[%dma_start3A_1024, %dma_start3A_1028] : memref<4x128xi32, #tpu.memory_space<vmem>> -> memref<1x128xi32, #tpu.memory_space<vmem>>
    %dma_start3A_1030 = tpu.memref_squeeze %dma_start3A_1029 : memref<1x128xi32, #tpu.memory_space<vmem>> -> memref<128xi32, #tpu.memory_space<vmem>>
    %dma_start3A_1031 = arith.constant 0 : i32
    %dma_start3A_1032 = arith.constant 0 : i32
    %dma_start3A_1033 = tpu.memref_slice %arg5[%dma_start3A_1031, %dma_start3A_1032] : memref<1000000x64xf32, #tpu.memory_space<hbm>> -> memref<1000000x64xf32, #tpu.memory_space<hbm>>
    tpu.enqueue_indirect_dma source(%dma_start3A_1033 : memref<1000000x64xf32, #tpu.memory_space<hbm>>) target(%dma_start3A_1027 : memref<128x64xf32, #tpu.memory_space<vmem>>) offsets(%dma_start3A_1030 : memref<128xi32, #tpu.memory_space<vmem>>) semaphore(%arg19 : memref<!tpu.dma_semaphore, #tpu.memory_space<semaphore_mem>>)
    %dma_start3A_1034 = arith.constant 1 : i32
    %dma_start3A_1035 = arith.constant 128 : i32
    %dma_start3A_1036 = arith.constant 0 : i32
    %dma_start3A_1037 = tpu.memref_slice %arg15[%dma_start3A_1035, %dma_start3A_1036] : memref<512x16xf32, #tpu.memory_space<vmem>> -> memref<128x16xf32, #tpu.memory_space<vmem>>
    %dma_start3A_1038 = arith.constant 0 : i32
    %dma_start3A_1039 = tpu.memref_slice %arg11[%dma_start3A_1034, %dma_start3A_1038] : memref<4x128xi32, #tpu.memory_space<vmem>> -> memref<1x128xi32, #tpu.memory_space<vmem>>
    %dma_start3A_1040 = tpu.memref_squeeze %dma_start3A_1039 : memref<1x128xi32, #tpu.memory_space<vmem>> -> memref<128xi32, #tpu.memory_space<vmem>>
    %dma_start3A_1041 = arith.constant 0 : i32
    %dma_start3A_1042 = arith.constant 0 : i32
    %dma_start3A_1043 = tpu.memref_slice %arg6[%dma_start3A_1041, %dma_start3A_1042] : memref<62500x16xf32, #tpu.memory_space<hbm>> -> memref<62500x16xf32, #tpu.memory_space<hbm>>
    tpu.enqueue_indirect_dma source(%dma_start3A_1043 : memref<62500x16xf32, #tpu.memory_space<hbm>>) target(%dma_start3A_1037 : memref<128x16xf32, #tpu.memory_space<vmem>>) offsets(%dma_start3A_1040 : memref<128xi32, #tpu.memory_space<vmem>>) semaphore(%arg19 : memref<!tpu.dma_semaphore, #tpu.memory_space<semaphore_mem>>)
    %dma_start3A_1044 = arith.constant 1 : i32
    %dma_start3A_1045 = arith.constant 128 : i32
    %dma_start3A_1046 = arith.constant 0 : i32
    %dma_start3A_1047 = tpu.memref_slice %arg16[%dma_start3A_1045, %dma_start3A_1046] : memref<512x16xf32, #tpu.memory_space<vmem>> -> memref<128x16xf32, #tpu.memory_space<vmem>>
    %dma_start3A_1048 = arith.constant 0 : i32
    %dma_start3A_1049 = tpu.memref_slice %arg12[%dma_start3A_1044, %dma_start3A_1048] : memref<4x128xi32, #tpu.memory_space<vmem>> -> memref<1x128xi32, #tpu.memory_space<vmem>>
    %dma_start3A_1050 = tpu.memref_squeeze %dma_start3A_1049 : memref<1x128xi32, #tpu.memory_space<vmem>> -> memref<128xi32, #tpu.memory_space<vmem>>
    %dma_start3A_1051 = arith.constant 0 : i32
    %dma_start3A_1052 = arith.constant 0 : i32
    %dma_start3A_1053 = tpu.memref_slice %arg7[%dma_start3A_1051, %dma_start3A_1052] : memref<62500x16xf32, #tpu.memory_space<hbm>> -> memref<62500x16xf32, #tpu.memory_space<hbm>>
    tpu.enqueue_indirect_dma source(%dma_start3A_1053 : memref<62500x16xf32, #tpu.memory_space<hbm>>) target(%dma_start3A_1047 : memref<128x16xf32, #tpu.memory_space<vmem>>) offsets(%dma_start3A_1050 : memref<128xi32, #tpu.memory_space<vmem>>) semaphore(%arg19 : memref<!tpu.dma_semaphore, #tpu.memory_space<semaphore_mem>>)
    %dma_start3A_1054 = arith.constant 2 : i32
    %dma_start3A_1055 = arith.constant 256 : i32
    %dma_start3A_1056 = arith.constant 0 : i32
    %dma_start3A_1057 = tpu.memref_slice %arg13[%dma_start3A_1055, %dma_start3A_1056] : memref<512x64xf32, #tpu.memory_space<vmem>> -> memref<128x64xf32, #tpu.memory_space<vmem>>
    %dma_start3A_1058 = arith.constant 0 : i32
    %dma_start3A_1059 = tpu.memref_slice %arg9[%dma_start3A_1054, %dma_start3A_1058] : memref<4x128xi32, #tpu.memory_space<vmem>> -> memref<1x128xi32, #tpu.memory_space<vmem>>
    %dma_start3A_1060 = tpu.memref_squeeze %dma_start3A_1059 : memref<1x128xi32, #tpu.memory_space<vmem>> -> memref<128xi32, #tpu.memory_space<vmem>>
    %dma_start3A_1061 = arith.constant 0 : i32
    %dma_start3A_1062 = arith.constant 0 : i32
    %dma_start3A_1063 = tpu.memref_slice %arg4[%dma_start3A_1061, %dma_start3A_1062] : memref<1000000x64xf32, #tpu.memory_space<hbm>> -> memref<1000000x64xf32, #tpu.memory_space<hbm>>
    tpu.enqueue_indirect_dma source(%dma_start3A_1063 : memref<1000000x64xf32, #tpu.memory_space<hbm>>) target(%dma_start3A_1057 : memref<128x64xf32, #tpu.memory_space<vmem>>) offsets(%dma_start3A_1060 : memref<128xi32, #tpu.memory_space<vmem>>) semaphore(%arg19 : memref<!tpu.dma_semaphore, #tpu.memory_space<semaphore_mem>>)
    %dma_start3A_1064 = arith.constant 2 : i32
    %dma_start3A_1065 = arith.constant 256 : i32
    %dma_start3A_1066 = arith.constant 0 : i32
    %dma_start3A_1067 = tpu.memref_slice %arg14[%dma_start3A_1065, %dma_start3A_1066] : memref<512x64xf32, #tpu.memory_space<vmem>> -> memref<128x64xf32, #tpu.memory_space<vmem>>
    %dma_start3A_1068 = arith.constant 0 : i32
    %dma_start3A_1069 = tpu.memref_slice %arg10[%dma_start3A_1064, %dma_start3A_1068] : memref<4x128xi32, #tpu.memory_space<vmem>> -> memref<1x128xi32, #tpu.memory_space<vmem>>
    %dma_start3A_1070 = tpu.memref_squeeze %dma_start3A_1069 : memref<1x128xi32, #tpu.memory_space<vmem>> -> memref<128xi32, #tpu.memory_space<vmem>>
    %dma_start3A_1071 = arith.constant 0 : i32
    %dma_start3A_1072 = arith.constant 0 : i32
    %dma_start3A_1073 = tpu.memref_slice %arg5[%dma_start3A_1071, %dma_start3A_1072] : memref<1000000x64xf32, #tpu.memory_space<hbm>> -> memref<1000000x64xf32, #tpu.memory_space<hbm>>
    tpu.enqueue_indirect_dma source(%dma_start3A_1073 : memref<1000000x64xf32, #tpu.memory_space<hbm>>) target(%dma_start3A_1067 : memref<128x64xf32, #tpu.memory_space<vmem>>) offsets(%dma_start3A_1070 : memref<128xi32, #tpu.memory_space<vmem>>) semaphore(%arg19 : memref<!tpu.dma_semaphore, #tpu.memory_space<semaphore_mem>>)
    %dma_start3A_1074 = arith.constant 2 : i32
    %dma_start3A_1075 = arith.constant 256 : i32
    %dma_start3A_1076 = arith.constant 0 : i32
    %dma_start3A_1077 = tpu.memref_slice %arg15[%dma_start3A_1075, %dma_start3A_1076] : memref<512x16xf32, #tpu.memory_space<vmem>> -> memref<128x16xf32, #tpu.memory_space<vmem>>
    %dma_start3A_1078 = arith.constant 0 : i32
    %dma_start3A_1079 = tpu.memref_slice %arg11[%dma_start3A_1074, %dma_start3A_1078] : memref<4x128xi32, #tpu.memory_space<vmem>> -> memref<1x128xi32, #tpu.memory_space<vmem>>
    %dma_start3A_1080 = tpu.memref_squeeze %dma_start3A_1079 : memref<1x128xi32, #tpu.memory_space<vmem>> -> memref<128xi32, #tpu.memory_space<vmem>>
    %dma_start3A_1081 = arith.constant 0 : i32
    %dma_start3A_1082 = arith.constant 0 : i32
    %dma_start3A_1083 = tpu.memref_slice %arg6[%dma_start3A_1081, %dma_start3A_1082] : memref<62500x16xf32, #tpu.memory_space<hbm>> -> memref<62500x16xf32, #tpu.memory_space<hbm>>
    tpu.enqueue_indirect_dma source(%dma_start3A_1083 : memref<62500x16xf32, #tpu.memory_space<hbm>>) target(%dma_start3A_1077 : memref<128x16xf32, #tpu.memory_space<vmem>>) offsets(%dma_start3A_1080 : memref<128xi32, #tpu.memory_space<vmem>>) semaphore(%arg19 : memref<!tpu.dma_semaphore, #tpu.memory_space<semaphore_mem>>)
    %dma_start3A_1084 = arith.constant 2 : i32
    %dma_start3A_1085 = arith.constant 256 : i32
    %dma_start3A_1086 = arith.constant 0 : i32
    %dma_start3A_1087 = tpu.memref_slice %arg16[%dma_start3A_1085, %dma_start3A_1086] : memref<512x16xf32, #tpu.memory_space<vmem>> -> memref<128x16xf32, #tpu.memory_space<vmem>>
    %dma_start3A_1088 = arith.constant 0 : i32
    %dma_start3A_1089 = tpu.memref_slice %arg12[%dma_start3A_1084, %dma_start3A_1088] : memref<4x128xi32, #tpu.memory_space<vmem>> -> memref<1x128xi32, #tpu.memory_space<vmem>>
    %dma_start3A_1090 = tpu.memref_squeeze %dma_start3A_1089 : memref<1x128xi32, #tpu.memory_space<vmem>> -> memref<128xi32, #tpu.memory_space<vmem>>
    %dma_start3A_1091 = arith.constant 0 : i32
    %dma_start3A_1092 = arith.constant 0 : i32
    %dma_start3A_1093 = tpu.memref_slice %arg7[%dma_start3A_1091, %dma_start3A_1092] : memref<62500x16xf32, #tpu.memory_space<hbm>> -> memref<62500x16xf32, #tpu.memory_space<hbm>>
    tpu.enqueue_indirect_dma source(%dma_start3A_1093 : memref<62500x16xf32, #tpu.memory_space<hbm>>) target(%dma_start3A_1087 : memref<128x16xf32, #tpu.memory_space<vmem>>) offsets(%dma_start3A_1090 : memref<128xi32, #tpu.memory_space<vmem>>) semaphore(%arg19 : memref<!tpu.dma_semaphore, #tpu.memory_space<semaphore_mem>>)
    %dma_start3A_1094 = arith.constant 3 : i32
    %dma_start3A_1095 = arith.constant 384 : i32
    %dma_start3A_1096 = arith.constant 0 : i32
    %dma_start3A_1097 = tpu.memref_slice %arg13[%dma_start3A_1095, %dma_start3A_1096] : memref<512x64xf32, #tpu.memory_space<vmem>> -> memref<128x64xf32, #tpu.memory_space<vmem>>
    %dma_start3A_1098 = arith.constant 0 : i32
    %dma_start3A_1099 = tpu.memref_slice %arg9[%dma_start3A_1094, %dma_start3A_1098] : memref<4x128xi32, #tpu.memory_space<vmem>> -> memref<1x128xi32, #tpu.memory_space<vmem>>
    %dma_start3A_1100 = tpu.memref_squeeze %dma_start3A_1099 : memref<1x128xi32, #tpu.memory_space<vmem>> -> memref<128xi32, #tpu.memory_space<vmem>>
    %dma_start3A_1101 = arith.constant 0 : i32
    %dma_start3A_1102 = arith.constant 0 : i32
    %dma_start3A_1103 = tpu.memref_slice %arg4[%dma_start3A_1101, %dma_start3A_1102] : memref<1000000x64xf32, #tpu.memory_space<hbm>> -> memref<1000000x64xf32, #tpu.memory_space<hbm>>
    tpu.enqueue_indirect_dma source(%dma_start3A_1103 : memref<1000000x64xf32, #tpu.memory_space<hbm>>) target(%dma_start3A_1097 : memref<128x64xf32, #tpu.memory_space<vmem>>) offsets(%dma_start3A_1100 : memref<128xi32, #tpu.memory_space<vmem>>) semaphore(%arg19 : memref<!tpu.dma_semaphore, #tpu.memory_space<semaphore_mem>>)
    %dma_start3A_1104 = arith.constant 3 : i32
    %dma_start3A_1105 = arith.constant 384 : i32
    %dma_start3A_1106 = arith.constant 0 : i32
    %dma_start3A_1107 = tpu.memref_slice %arg14[%dma_start3A_1105, %dma_start3A_1106] : memref<512x64xf32, #tpu.memory_space<vmem>> -> memref<128x64xf32, #tpu.memory_space<vmem>>
    %dma_start3A_1108 = arith.constant 0 : i32
    %dma_start3A_1109 = tpu.memref_slice %arg10[%dma_start3A_1104, %dma_start3A_1108] : memref<4x128xi32, #tpu.memory_space<vmem>> -> memref<1x128xi32, #tpu.memory_space<vmem>>
    %dma_start3A_1110 = tpu.memref_squeeze %dma_start3A_1109 : memref<1x128xi32, #tpu.memory_space<vmem>> -> memref<128xi32, #tpu.memory_space<vmem>>
    %dma_start3A_1111 = arith.constant 0 : i32
    %dma_start3A_1112 = arith.constant 0 : i32
    %dma_start3A_1113 = tpu.memref_slice %arg5[%dma_start3A_1111, %dma_start3A_1112] : memref<1000000x64xf32, #tpu.memory_space<hbm>> -> memref<1000000x64xf32, #tpu.memory_space<hbm>>
    tpu.enqueue_indirect_dma source(%dma_start3A_1113 : memref<1000000x64xf32, #tpu.memory_space<hbm>>) target(%dma_start3A_1107 : memref<128x64xf32, #tpu.memory_space<vmem>>) offsets(%dma_start3A_1110 : memref<128xi32, #tpu.memory_space<vmem>>) semaphore(%arg19 : memref<!tpu.dma_semaphore, #tpu.memory_space<semaphore_mem>>)
    %dma_start3A_1114 = arith.constant 3 : i32
    %dma_start3A_1115 = arith.constant 384 : i32
    %dma_start3A_1116 = arith.constant 0 : i32
    %dma_start3A_1117 = tpu.memref_slice %arg15[%dma_start3A_1115, %dma_start3A_1116] : memref<512x16xf32, #tpu.memory_space<vmem>> -> memref<128x16xf32, #tpu.memory_space<vmem>>
    %dma_start3A_1118 = arith.constant 0 : i32
    %dma_start3A_1119 = tpu.memref_slice %arg11[%dma_start3A_1114, %dma_start3A_1118] : memref<4x128xi32, #tpu.memory_space<vmem>> -> memref<1x128xi32, #tpu.memory_space<vmem>>
    %dma_start3A_1120 = tpu.memref_squeeze %dma_start3A_1119 : memref<1x128xi32, #tpu.memory_space<vmem>> -> memref<128xi32, #tpu.memory_space<vmem>>
    %dma_start3A_1121 = arith.constant 0 : i32
    %dma_start3A_1122 = arith.constant 0 : i32
    %dma_start3A_1123 = tpu.memref_slice %arg6[%dma_start3A_1121, %dma_start3A_1122] : memref<62500x16xf32, #tpu.memory_space<hbm>> -> memref<62500x16xf32, #tpu.memory_space<hbm>>
    tpu.enqueue_indirect_dma source(%dma_start3A_1123 : memref<62500x16xf32, #tpu.memory_space<hbm>>) target(%dma_start3A_1117 : memref<128x16xf32, #tpu.memory_space<vmem>>) offsets(%dma_start3A_1120 : memref<128xi32, #tpu.memory_space<vmem>>) semaphore(%arg19 : memref<!tpu.dma_semaphore, #tpu.memory_space<semaphore_mem>>)
    %dma_start3A_1124 = arith.constant 3 : i32
    %dma_start3A_1125 = arith.constant 384 : i32
    %dma_start3A_1126 = arith.constant 0 : i32
    %dma_start3A_1127 = tpu.memref_slice %arg16[%dma_start3A_1125, %dma_start3A_1126] : memref<512x16xf32, #tpu.memory_space<vmem>> -> memref<128x16xf32, #tpu.memory_space<vmem>>
    %dma_start3A_1128 = arith.constant 0 : i32
    %dma_start3A_1129 = tpu.memref_slice %arg12[%dma_start3A_1124, %dma_start3A_1128] : memref<4x128xi32, #tpu.memory_space<vmem>> -> memref<1x128xi32, #tpu.memory_space<vmem>>
    %dma_start3A_1130 = tpu.memref_squeeze %dma_start3A_1129 : memref<1x128xi32, #tpu.memory_space<vmem>> -> memref<128xi32, #tpu.memory_space<vmem>>
    %dma_start3A_1131 = arith.constant 0 : i32
    %dma_start3A_1132 = arith.constant 0 : i32
    %dma_start3A_1133 = tpu.memref_slice %arg7[%dma_start3A_1131, %dma_start3A_1132] : memref<62500x16xf32, #tpu.memory_space<hbm>> -> memref<62500x16xf32, #tpu.memory_space<hbm>>
    tpu.enqueue_indirect_dma source(%dma_start3A_1133 : memref<62500x16xf32, #tpu.memory_space<hbm>>) target(%dma_start3A_1127 : memref<128x16xf32, #tpu.memory_space<vmem>>) offsets(%dma_start3A_1130 : memref<128xi32, #tpu.memory_space<vmem>>) semaphore(%arg19 : memref<!tpu.dma_semaphore, #tpu.memory_space<semaphore_mem>>)
    %dma_wait3A = arith.constant 0 : i32
    %dma_wait3A_1134 = arith.constant 0 : i32
    %dma_wait3A_1135 = arith.constant 0 : i32
    %dma_wait3A_1136 = tpu.memref_slice %arg13[%dma_wait3A_1134, %dma_wait3A_1135] : memref<512x64xf32, #tpu.memory_space<vmem>> -> memref<128x64xf32, #tpu.memory_space<vmem>>
    %dma_wait3A_1137 = arith.constant 0 : i32
    %dma_wait3A_1138 = tpu.memref_slice %arg9[%dma_wait3A, %dma_wait3A_1137] : memref<4x128xi32, #tpu.memory_space<vmem>> -> memref<1x128xi32, #tpu.memory_space<vmem>>
    %dma_wait3A_1139 = tpu.memref_squeeze %dma_wait3A_1138 : memref<1x128xi32, #tpu.memory_space<vmem>> -> memref<128xi32, #tpu.memory_space<vmem>>
    %dma_wait3A_1140 = arith.constant 0 : i32
    %dma_wait3A_1141 = arith.constant 0 : i32
    %dma_wait3A_1142 = tpu.memref_slice %arg4[%dma_wait3A_1140, %dma_wait3A_1141] : memref<1000000x64xf32, #tpu.memory_space<hbm>> -> memref<1000000x64xf32, #tpu.memory_space<hbm>>
    tpu.wait_indirect_dma semaphore(%arg19 : memref<!tpu.dma_semaphore, #tpu.memory_space<semaphore_mem>>) src(%dma_wait3A_1142 : memref<1000000x64xf32, #tpu.memory_space<hbm>>) dst(%dma_wait3A_1136 : memref<128x64xf32, #tpu.memory_space<vmem>>)
    %dma_wait3A_1143 = arith.constant 0 : i32
    %dma_wait3A_1144 = arith.constant 0 : i32
    %dma_wait3A_1145 = arith.constant 0 : i32
    %dma_wait3A_1146 = tpu.memref_slice %arg14[%dma_wait3A_1144, %dma_wait3A_1145] : memref<512x64xf32, #tpu.memory_space<vmem>> -> memref<128x64xf32, #tpu.memory_space<vmem>>
    %dma_wait3A_1147 = arith.constant 0 : i32
    %dma_wait3A_1148 = tpu.memref_slice %arg10[%dma_wait3A_1143, %dma_wait3A_1147] : memref<4x128xi32, #tpu.memory_space<vmem>> -> memref<1x128xi32, #tpu.memory_space<vmem>>
    %dma_wait3A_1149 = tpu.memref_squeeze %dma_wait3A_1148 : memref<1x128xi32, #tpu.memory_space<vmem>> -> memref<128xi32, #tpu.memory_space<vmem>>
    %dma_wait3A_1150 = arith.constant 0 : i32
    %dma_wait3A_1151 = arith.constant 0 : i32
    %dma_wait3A_1152 = tpu.memref_slice %arg5[%dma_wait3A_1150, %dma_wait3A_1151] : memref<1000000x64xf32, #tpu.memory_space<hbm>> -> memref<1000000x64xf32, #tpu.memory_space<hbm>>
    tpu.wait_indirect_dma semaphore(%arg19 : memref<!tpu.dma_semaphore, #tpu.memory_space<semaphore_mem>>) src(%dma_wait3A_1152 : memref<1000000x64xf32, #tpu.memory_space<hbm>>) dst(%dma_wait3A_1146 : memref<128x64xf32, #tpu.memory_space<vmem>>)
    %dma_wait3A_1153 = arith.constant 0 : i32
    %dma_wait3A_1154 = arith.constant 0 : i32
    %dma_wait3A_1155 = arith.constant 0 : i32
    %dma_wait3A_1156 = tpu.memref_slice %arg15[%dma_wait3A_1154, %dma_wait3A_1155] : memref<512x16xf32, #tpu.memory_space<vmem>> -> memref<128x16xf32, #tpu.memory_space<vmem>>
    %dma_wait3A_1157 = arith.constant 0 : i32
    %dma_wait3A_1158 = tpu.memref_slice %arg11[%dma_wait3A_1153, %dma_wait3A_1157] : memref<4x128xi32, #tpu.memory_space<vmem>> -> memref<1x128xi32, #tpu.memory_space<vmem>>
    %dma_wait3A_1159 = tpu.memref_squeeze %dma_wait3A_1158 : memref<1x128xi32, #tpu.memory_space<vmem>> -> memref<128xi32, #tpu.memory_space<vmem>>
    %dma_wait3A_1160 = arith.constant 0 : i32
    %dma_wait3A_1161 = arith.constant 0 : i32
    %dma_wait3A_1162 = tpu.memref_slice %arg6[%dma_wait3A_1160, %dma_wait3A_1161] : memref<62500x16xf32, #tpu.memory_space<hbm>> -> memref<62500x16xf32, #tpu.memory_space<hbm>>
    tpu.wait_indirect_dma semaphore(%arg19 : memref<!tpu.dma_semaphore, #tpu.memory_space<semaphore_mem>>) src(%dma_wait3A_1162 : memref<62500x16xf32, #tpu.memory_space<hbm>>) dst(%dma_wait3A_1156 : memref<128x16xf32, #tpu.memory_space<vmem>>)
    %dma_wait3A_1163 = arith.constant 0 : i32
    %dma_wait3A_1164 = arith.constant 0 : i32
    %dma_wait3A_1165 = arith.constant 0 : i32
    %dma_wait3A_1166 = tpu.memref_slice %arg16[%dma_wait3A_1164, %dma_wait3A_1165] : memref<512x16xf32, #tpu.memory_space<vmem>> -> memref<128x16xf32, #tpu.memory_space<vmem>>
    %dma_wait3A_1167 = arith.constant 0 : i32
    %dma_wait3A_1168 = tpu.memref_slice %arg12[%dma_wait3A_1163, %dma_wait3A_1167] : memref<4x128xi32, #tpu.memory_space<vmem>> -> memref<1x128xi32, #tpu.memory_space<vmem>>
    %dma_wait3A_1169 = tpu.memref_squeeze %dma_wait3A_1168 : memref<1x128xi32, #tpu.memory_space<vmem>> -> memref<128xi32, #tpu.memory_space<vmem>>
    %dma_wait3A_1170 = arith.constant 0 : i32
    %dma_wait3A_1171 = arith.constant 0 : i32
    %dma_wait3A_1172 = tpu.memref_slice %arg7[%dma_wait3A_1170, %dma_wait3A_1171] : memref<62500x16xf32, #tpu.memory_space<hbm>> -> memref<62500x16xf32, #tpu.memory_space<hbm>>
    tpu.wait_indirect_dma semaphore(%arg19 : memref<!tpu.dma_semaphore, #tpu.memory_space<semaphore_mem>>) src(%dma_wait3A_1172 : memref<62500x16xf32, #tpu.memory_space<hbm>>) dst(%dma_wait3A_1166 : memref<128x16xf32, #tpu.memory_space<vmem>>)
    %dma_wait3A_1173 = arith.constant 1 : i32
    %dma_wait3A_1174 = arith.constant 128 : i32
    %dma_wait3A_1175 = arith.constant 0 : i32
    %dma_wait3A_1176 = tpu.memref_slice %arg13[%dma_wait3A_1174, %dma_wait3A_1175] : memref<512x64xf32, #tpu.memory_space<vmem>> -> memref<128x64xf32, #tpu.memory_space<vmem>>
    %dma_wait3A_1177 = arith.constant 0 : i32
    %dma_wait3A_1178 = tpu.memref_slice %arg9[%dma_wait3A_1173, %dma_wait3A_1177] : memref<4x128xi32, #tpu.memory_space<vmem>> -> memref<1x128xi32, #tpu.memory_space<vmem>>
    %dma_wait3A_1179 = tpu.memref_squeeze %dma_wait3A_1178 : memref<1x128xi32, #tpu.memory_space<vmem>> -> memref<128xi32, #tpu.memory_space<vmem>>
    %dma_wait3A_1180 = arith.constant 0 : i32
    %dma_wait3A_1181 = arith.constant 0 : i32
    %dma_wait3A_1182 = tpu.memref_slice %arg4[%dma_wait3A_1180, %dma_wait3A_1181] : memref<1000000x64xf32, #tpu.memory_space<hbm>> -> memref<1000000x64xf32, #tpu.memory_space<hbm>>
    tpu.wait_indirect_dma semaphore(%arg19 : memref<!tpu.dma_semaphore, #tpu.memory_space<semaphore_mem>>) src(%dma_wait3A_1182 : memref<1000000x64xf32, #tpu.memory_space<hbm>>) dst(%dma_wait3A_1176 : memref<128x64xf32, #tpu.memory_space<vmem>>)
    %dma_wait3A_1183 = arith.constant 1 : i32
    %dma_wait3A_1184 = arith.constant 128 : i32
    %dma_wait3A_1185 = arith.constant 0 : i32
    %dma_wait3A_1186 = tpu.memref_slice %arg14[%dma_wait3A_1184, %dma_wait3A_1185] : memref<512x64xf32, #tpu.memory_space<vmem>> -> memref<128x64xf32, #tpu.memory_space<vmem>>
    %dma_wait3A_1187 = arith.constant 0 : i32
    %dma_wait3A_1188 = tpu.memref_slice %arg10[%dma_wait3A_1183, %dma_wait3A_1187] : memref<4x128xi32, #tpu.memory_space<vmem>> -> memref<1x128xi32, #tpu.memory_space<vmem>>
    %dma_wait3A_1189 = tpu.memref_squeeze %dma_wait3A_1188 : memref<1x128xi32, #tpu.memory_space<vmem>> -> memref<128xi32, #tpu.memory_space<vmem>>
    %dma_wait3A_1190 = arith.constant 0 : i32
    %dma_wait3A_1191 = arith.constant 0 : i32
    %dma_wait3A_1192 = tpu.memref_slice %arg5[%dma_wait3A_1190, %dma_wait3A_1191] : memref<1000000x64xf32, #tpu.memory_space<hbm>> -> memref<1000000x64xf32, #tpu.memory_space<hbm>>
    tpu.wait_indirect_dma semaphore(%arg19 : memref<!tpu.dma_semaphore, #tpu.memory_space<semaphore_mem>>) src(%dma_wait3A_1192 : memref<1000000x64xf32, #tpu.memory_space<hbm>>) dst(%dma_wait3A_1186 : memref<128x64xf32, #tpu.memory_space<vmem>>)
    %dma_wait3A_1193 = arith.constant 1 : i32
    %dma_wait3A_1194 = arith.constant 128 : i32
    %dma_wait3A_1195 = arith.constant 0 : i32
    %dma_wait3A_1196 = tpu.memref_slice %arg15[%dma_wait3A_1194, %dma_wait3A_1195] : memref<512x16xf32, #tpu.memory_space<vmem>> -> memref<128x16xf32, #tpu.memory_space<vmem>>
    %dma_wait3A_1197 = arith.constant 0 : i32
    %dma_wait3A_1198 = tpu.memref_slice %arg11[%dma_wait3A_1193, %dma_wait3A_1197] : memref<4x128xi32, #tpu.memory_space<vmem>> -> memref<1x128xi32, #tpu.memory_space<vmem>>
    %dma_wait3A_1199 = tpu.memref_squeeze %dma_wait3A_1198 : memref<1x128xi32, #tpu.memory_space<vmem>> -> memref<128xi32, #tpu.memory_space<vmem>>
    %dma_wait3A_1200 = arith.constant 0 : i32
    %dma_wait3A_1201 = arith.constant 0 : i32
    %dma_wait3A_1202 = tpu.memref_slice %arg6[%dma_wait3A_1200, %dma_wait3A_1201] : memref<62500x16xf32, #tpu.memory_space<hbm>> -> memref<62500x16xf32, #tpu.memory_space<hbm>>
    tpu.wait_indirect_dma semaphore(%arg19 : memref<!tpu.dma_semaphore, #tpu.memory_space<semaphore_mem>>) src(%dma_wait3A_1202 : memref<62500x16xf32, #tpu.memory_space<hbm>>) dst(%dma_wait3A_1196 : memref<128x16xf32, #tpu.memory_space<vmem>>)
    %dma_wait3A_1203 = arith.constant 1 : i32
    %dma_wait3A_1204 = arith.constant 128 : i32
    %dma_wait3A_1205 = arith.constant 0 : i32
    %dma_wait3A_1206 = tpu.memref_slice %arg16[%dma_wait3A_1204, %dma_wait3A_1205] : memref<512x16xf32, #tpu.memory_space<vmem>> -> memref<128x16xf32, #tpu.memory_space<vmem>>
    %dma_wait3A_1207 = arith.constant 0 : i32
    %dma_wait3A_1208 = tpu.memref_slice %arg12[%dma_wait3A_1203, %dma_wait3A_1207] : memref<4x128xi32, #tpu.memory_space<vmem>> -> memref<1x128xi32, #tpu.memory_space<vmem>>
    %dma_wait3A_1209 = tpu.memref_squeeze %dma_wait3A_1208 : memref<1x128xi32, #tpu.memory_space<vmem>> -> memref<128xi32, #tpu.memory_space<vmem>>
    %dma_wait3A_1210 = arith.constant 0 : i32
    %dma_wait3A_1211 = arith.constant 0 : i32
    %dma_wait3A_1212 = tpu.memref_slice %arg7[%dma_wait3A_1210, %dma_wait3A_1211] : memref<62500x16xf32, #tpu.memory_space<hbm>> -> memref<62500x16xf32, #tpu.memory_space<hbm>>
    tpu.wait_indirect_dma semaphore(%arg19 : memref<!tpu.dma_semaphore, #tpu.memory_space<semaphore_mem>>) src(%dma_wait3A_1212 : memref<62500x16xf32, #tpu.memory_space<hbm>>) dst(%dma_wait3A_1206 : memref<128x16xf32, #tpu.memory_space<vmem>>)
    %dma_wait3A_1213 = arith.constant 2 : i32
    %dma_wait3A_1214 = arith.constant 256 : i32
    %dma_wait3A_1215 = arith.constant 0 : i32
    %dma_wait3A_1216 = tpu.memref_slice %arg13[%dma_wait3A_1214, %dma_wait3A_1215] : memref<512x64xf32, #tpu.memory_space<vmem>> -> memref<128x64xf32, #tpu.memory_space<vmem>>
    %dma_wait3A_1217 = arith.constant 0 : i32
    %dma_wait3A_1218 = tpu.memref_slice %arg9[%dma_wait3A_1213, %dma_wait3A_1217] : memref<4x128xi32, #tpu.memory_space<vmem>> -> memref<1x128xi32, #tpu.memory_space<vmem>>
    %dma_wait3A_1219 = tpu.memref_squeeze %dma_wait3A_1218 : memref<1x128xi32, #tpu.memory_space<vmem>> -> memref<128xi32, #tpu.memory_space<vmem>>
    %dma_wait3A_1220 = arith.constant 0 : i32
    %dma_wait3A_1221 = arith.constant 0 : i32
    %dma_wait3A_1222 = tpu.memref_slice %arg4[%dma_wait3A_1220, %dma_wait3A_1221] : memref<1000000x64xf32, #tpu.memory_space<hbm>> -> memref<1000000x64xf32, #tpu.memory_space<hbm>>
    tpu.wait_indirect_dma semaphore(%arg19 : memref<!tpu.dma_semaphore, #tpu.memory_space<semaphore_mem>>) src(%dma_wait3A_1222 : memref<1000000x64xf32, #tpu.memory_space<hbm>>) dst(%dma_wait3A_1216 : memref<128x64xf32, #tpu.memory_space<vmem>>)
    %dma_wait3A_1223 = arith.constant 2 : i32
    %dma_wait3A_1224 = arith.constant 256 : i32
    %dma_wait3A_1225 = arith.constant 0 : i32
    %dma_wait3A_1226 = tpu.memref_slice %arg14[%dma_wait3A_1224, %dma_wait3A_1225] : memref<512x64xf32, #tpu.memory_space<vmem>> -> memref<128x64xf32, #tpu.memory_space<vmem>>
    %dma_wait3A_1227 = arith.constant 0 : i32
    %dma_wait3A_1228 = tpu.memref_slice %arg10[%dma_wait3A_1223, %dma_wait3A_1227] : memref<4x128xi32, #tpu.memory_space<vmem>> -> memref<1x128xi32, #tpu.memory_space<vmem>>
    %dma_wait3A_1229 = tpu.memref_squeeze %dma_wait3A_1228 : memref<1x128xi32, #tpu.memory_space<vmem>> -> memref<128xi32, #tpu.memory_space<vmem>>
    %dma_wait3A_1230 = arith.constant 0 : i32
    %dma_wait3A_1231 = arith.constant 0 : i32
    %dma_wait3A_1232 = tpu.memref_slice %arg5[%dma_wait3A_1230, %dma_wait3A_1231] : memref<1000000x64xf32, #tpu.memory_space<hbm>> -> memref<1000000x64xf32, #tpu.memory_space<hbm>>
    tpu.wait_indirect_dma semaphore(%arg19 : memref<!tpu.dma_semaphore, #tpu.memory_space<semaphore_mem>>) src(%dma_wait3A_1232 : memref<1000000x64xf32, #tpu.memory_space<hbm>>) dst(%dma_wait3A_1226 : memref<128x64xf32, #tpu.memory_space<vmem>>)
    %dma_wait3A_1233 = arith.constant 2 : i32
    %dma_wait3A_1234 = arith.constant 256 : i32
    %dma_wait3A_1235 = arith.constant 0 : i32
    %dma_wait3A_1236 = tpu.memref_slice %arg15[%dma_wait3A_1234, %dma_wait3A_1235] : memref<512x16xf32, #tpu.memory_space<vmem>> -> memref<128x16xf32, #tpu.memory_space<vmem>>
    %dma_wait3A_1237 = arith.constant 0 : i32
    %dma_wait3A_1238 = tpu.memref_slice %arg11[%dma_wait3A_1233, %dma_wait3A_1237] : memref<4x128xi32, #tpu.memory_space<vmem>> -> memref<1x128xi32, #tpu.memory_space<vmem>>
    %dma_wait3A_1239 = tpu.memref_squeeze %dma_wait3A_1238 : memref<1x128xi32, #tpu.memory_space<vmem>> -> memref<128xi32, #tpu.memory_space<vmem>>
    %dma_wait3A_1240 = arith.constant 0 : i32
    %dma_wait3A_1241 = arith.constant 0 : i32
    %dma_wait3A_1242 = tpu.memref_slice %arg6[%dma_wait3A_1240, %dma_wait3A_1241] : memref<62500x16xf32, #tpu.memory_space<hbm>> -> memref<62500x16xf32, #tpu.memory_space<hbm>>
    tpu.wait_indirect_dma semaphore(%arg19 : memref<!tpu.dma_semaphore, #tpu.memory_space<semaphore_mem>>) src(%dma_wait3A_1242 : memref<62500x16xf32, #tpu.memory_space<hbm>>) dst(%dma_wait3A_1236 : memref<128x16xf32, #tpu.memory_space<vmem>>)
    %dma_wait3A_1243 = arith.constant 2 : i32
    %dma_wait3A_1244 = arith.constant 256 : i32
    %dma_wait3A_1245 = arith.constant 0 : i32
    %dma_wait3A_1246 = tpu.memref_slice %arg16[%dma_wait3A_1244, %dma_wait3A_1245] : memref<512x16xf32, #tpu.memory_space<vmem>> -> memref<128x16xf32, #tpu.memory_space<vmem>>
    %dma_wait3A_1247 = arith.constant 0 : i32
    %dma_wait3A_1248 = tpu.memref_slice %arg12[%dma_wait3A_1243, %dma_wait3A_1247] : memref<4x128xi32, #tpu.memory_space<vmem>> -> memref<1x128xi32, #tpu.memory_space<vmem>>
    %dma_wait3A_1249 = tpu.memref_squeeze %dma_wait3A_1248 : memref<1x128xi32, #tpu.memory_space<vmem>> -> memref<128xi32, #tpu.memory_space<vmem>>
    %dma_wait3A_1250 = arith.constant 0 : i32
    %dma_wait3A_1251 = arith.constant 0 : i32
    %dma_wait3A_1252 = tpu.memref_slice %arg7[%dma_wait3A_1250, %dma_wait3A_1251] : memref<62500x16xf32, #tpu.memory_space<hbm>> -> memref<62500x16xf32, #tpu.memory_space<hbm>>
    tpu.wait_indirect_dma semaphore(%arg19 : memref<!tpu.dma_semaphore, #tpu.memory_space<semaphore_mem>>) src(%dma_wait3A_1252 : memref<62500x16xf32, #tpu.memory_space<hbm>>) dst(%dma_wait3A_1246 : memref<128x16xf32, #tpu.memory_space<vmem>>)
    %dma_wait3A_1253 = arith.constant 3 : i32
    %dma_wait3A_1254 = arith.constant 384 : i32
    %dma_wait3A_1255 = arith.constant 0 : i32
    %dma_wait3A_1256 = tpu.memref_slice %arg13[%dma_wait3A_1254, %dma_wait3A_1255] : memref<512x64xf32, #tpu.memory_space<vmem>> -> memref<128x64xf32, #tpu.memory_space<vmem>>
    %dma_wait3A_1257 = arith.constant 0 : i32
    %dma_wait3A_1258 = tpu.memref_slice %arg9[%dma_wait3A_1253, %dma_wait3A_1257] : memref<4x128xi32, #tpu.memory_space<vmem>> -> memref<1x128xi32, #tpu.memory_space<vmem>>
    %dma_wait3A_1259 = tpu.memref_squeeze %dma_wait3A_1258 : memref<1x128xi32, #tpu.memory_space<vmem>> -> memref<128xi32, #tpu.memory_space<vmem>>
    %dma_wait3A_1260 = arith.constant 0 : i32
    %dma_wait3A_1261 = arith.constant 0 : i32
    %dma_wait3A_1262 = tpu.memref_slice %arg4[%dma_wait3A_1260, %dma_wait3A_1261] : memref<1000000x64xf32, #tpu.memory_space<hbm>> -> memref<1000000x64xf32, #tpu.memory_space<hbm>>
    tpu.wait_indirect_dma semaphore(%arg19 : memref<!tpu.dma_semaphore, #tpu.memory_space<semaphore_mem>>) src(%dma_wait3A_1262 : memref<1000000x64xf32, #tpu.memory_space<hbm>>) dst(%dma_wait3A_1256 : memref<128x64xf32, #tpu.memory_space<vmem>>)
    %dma_wait3A_1263 = arith.constant 3 : i32
    %dma_wait3A_1264 = arith.constant 384 : i32
    %dma_wait3A_1265 = arith.constant 0 : i32
    %dma_wait3A_1266 = tpu.memref_slice %arg14[%dma_wait3A_1264, %dma_wait3A_1265] : memref<512x64xf32, #tpu.memory_space<vmem>> -> memref<128x64xf32, #tpu.memory_space<vmem>>
    %dma_wait3A_1267 = arith.constant 0 : i32
    %dma_wait3A_1268 = tpu.memref_slice %arg10[%dma_wait3A_1263, %dma_wait3A_1267] : memref<4x128xi32, #tpu.memory_space<vmem>> -> memref<1x128xi32, #tpu.memory_space<vmem>>
    %dma_wait3A_1269 = tpu.memref_squeeze %dma_wait3A_1268 : memref<1x128xi32, #tpu.memory_space<vmem>> -> memref<128xi32, #tpu.memory_space<vmem>>
    %dma_wait3A_1270 = arith.constant 0 : i32
    %dma_wait3A_1271 = arith.constant 0 : i32
    %dma_wait3A_1272 = tpu.memref_slice %arg5[%dma_wait3A_1270, %dma_wait3A_1271] : memref<1000000x64xf32, #tpu.memory_space<hbm>> -> memref<1000000x64xf32, #tpu.memory_space<hbm>>
    tpu.wait_indirect_dma semaphore(%arg19 : memref<!tpu.dma_semaphore, #tpu.memory_space<semaphore_mem>>) src(%dma_wait3A_1272 : memref<1000000x64xf32, #tpu.memory_space<hbm>>) dst(%dma_wait3A_1266 : memref<128x64xf32, #tpu.memory_space<vmem>>)
    %dma_wait3A_1273 = arith.constant 3 : i32
    %dma_wait3A_1274 = arith.constant 384 : i32
    %dma_wait3A_1275 = arith.constant 0 : i32
    %dma_wait3A_1276 = tpu.memref_slice %arg15[%dma_wait3A_1274, %dma_wait3A_1275] : memref<512x16xf32, #tpu.memory_space<vmem>> -> memref<128x16xf32, #tpu.memory_space<vmem>>
    %dma_wait3A_1277 = arith.constant 0 : i32
    %dma_wait3A_1278 = tpu.memref_slice %arg11[%dma_wait3A_1273, %dma_wait3A_1277] : memref<4x128xi32, #tpu.memory_space<vmem>> -> memref<1x128xi32, #tpu.memory_space<vmem>>
    %dma_wait3A_1279 = tpu.memref_squeeze %dma_wait3A_1278 : memref<1x128xi32, #tpu.memory_space<vmem>> -> memref<128xi32, #tpu.memory_space<vmem>>
    %dma_wait3A_1280 = arith.constant 0 : i32
    %dma_wait3A_1281 = arith.constant 0 : i32
    %dma_wait3A_1282 = tpu.memref_slice %arg6[%dma_wait3A_1280, %dma_wait3A_1281] : memref<62500x16xf32, #tpu.memory_space<hbm>> -> memref<62500x16xf32, #tpu.memory_space<hbm>>
    tpu.wait_indirect_dma semaphore(%arg19 : memref<!tpu.dma_semaphore, #tpu.memory_space<semaphore_mem>>) src(%dma_wait3A_1282 : memref<62500x16xf32, #tpu.memory_space<hbm>>) dst(%dma_wait3A_1276 : memref<128x16xf32, #tpu.memory_space<vmem>>)
    %dma_wait3A_1283 = arith.constant 3 : i32
    %dma_wait3A_1284 = arith.constant 384 : i32
    %dma_wait3A_1285 = arith.constant 0 : i32
    %dma_wait3A_1286 = tpu.memref_slice %arg16[%dma_wait3A_1284, %dma_wait3A_1285] : memref<512x16xf32, #tpu.memory_space<vmem>> -> memref<128x16xf32, #tpu.memory_space<vmem>>
    %dma_wait3A_1287 = arith.constant 0 : i32
    %dma_wait3A_1288 = tpu.memref_slice %arg12[%dma_wait3A_1283, %dma_wait3A_1287] : memref<4x128xi32, #tpu.memory_space<vmem>> -> memref<1x128xi32, #tpu.memory_space<vmem>>
    %dma_wait3A_1289 = tpu.memref_squeeze %dma_wait3A_1288 : memref<1x128xi32, #tpu.memory_space<vmem>> -> memref<128xi32, #tpu.memory_space<vmem>>
    %dma_wait3A_1290 = arith.constant 0 : i32
    %dma_wait3A_1291 = arith.constant 0 : i32
    %dma_wait3A_1292 = tpu.memref_slice %arg7[%dma_wait3A_1290, %dma_wait3A_1291] : memref<62500x16xf32, #tpu.memory_space<hbm>> -> memref<62500x16xf32, #tpu.memory_space<hbm>>
    tpu.wait_indirect_dma semaphore(%arg19 : memref<!tpu.dma_semaphore, #tpu.memory_space<semaphore_mem>>) src(%dma_wait3A_1292 : memref<62500x16xf32, #tpu.memory_space<hbm>>) dst(%dma_wait3A_1286 : memref<128x16xf32, #tpu.memory_space<vmem>>)
    %scan3A = arith.constant 0 : i32
    %scan3A_1293 = arith.constant 0 : i32
    %scan3A_1294 = arith.constant 512 : i32
    %scan3A_1295 = arith.addi %scan3A_1293, %scan3A_1294 : i32
    %scan3A_1296 = arith.constant 8 : i32
    scf.for %scan3A_2224 = %scan3A_1293 to %scan3A_1295 step %scan3A_1296  : i32 {
      %get3A_2225 = arith.index_cast %scan3A_2224 : i32 to index
      %get3A_2226 = arith.constant 0 : index
      %get3A_2227 = tpu.vector_load %arg13[%get3A_2225, %get3A_2226] {strides = array<i32>} : memref<512x64xf32, #tpu.memory_space<vmem>>, vector<16xf32>,
      %get3A_2228 = arith.index_cast %scan3A_2224 : i32 to index
      %get3A_2229 = arith.constant 0 : index
      %get3A_2230 = tpu.vector_load %arg14[%get3A_2228, %get3A_2229] {strides = array<i32>} : memref<512x64xf32, #tpu.memory_space<vmem>>, vector<16xf32>,
      %mul3A_2231 = arith.mulf %get3A_2227, %get3A_2230 : vector<16xf32>
      %get3A_2232 = arith.index_cast %scan3A_2224 : i32 to index
      %get3A_2233 = arith.constant 16 : index
      %get3A_2234 = tpu.vector_load %arg13[%get3A_2232, %get3A_2233] {strides = array<i32>} : memref<512x64xf32, #tpu.memory_space<vmem>>, vector<16xf32>,
      %get3A_2235 = arith.index_cast %scan3A_2224 : i32 to index
      %get3A_2236 = arith.constant 16 : index
      %get3A_2237 = tpu.vector_load %arg14[%get3A_2235, %get3A_2236] {strides = array<i32>} : memref<512x64xf32, #tpu.memory_space<vmem>>, vector<16xf32>,
      %mul3A_2238 = arith.mulf %get3A_2234, %get3A_2237 : vector<16xf32>
      %add3A_2239 = arith.addf %mul3A_2231, %mul3A_2238 : vector<16xf32>
      %get3A_2240 = arith.index_cast %scan3A_2224 : i32 to index
      %get3A_2241 = arith.constant 32 : index
      %get3A_2242 = tpu.vector_load %arg13[%get3A_2240, %get3A_2241] {strides = array<i32>} : memref<512x64xf32, #tpu.memory_space<vmem>>, vector<16xf32>,
      %get3A_2243 = arith.index_cast %scan3A_2224 : i32 to index
      %get3A_2244 = arith.constant 32 : index
      %get3A_2245 = tpu.vector_load %arg14[%get3A_2243, %get3A_2244] {strides = array<i32>} : memref<512x64xf32, #tpu.memory_space<vmem>>, vector<16xf32>,
      %mul3A_2246 = arith.mulf %get3A_2242, %get3A_2245 : vector<16xf32>
      %add3A_2247 = arith.addf %add3A_2239, %mul3A_2246 : vector<16xf32>
      %get3A_2248 = arith.index_cast %scan3A_2224 : i32 to index
      %get3A_2249 = arith.constant 48 : index
      %get3A_2250 = tpu.vector_load %arg13[%get3A_2248, %get3A_2249] {strides = array<i32>} : memref<512x64xf32, #tpu.memory_space<vmem>>, vector<16xf32>,
      %get3A_2251 = arith.index_cast %scan3A_2224 : i32 to index
      %get3A_2252 = arith.constant 48 : index
      %get3A_2253 = tpu.vector_load %arg14[%get3A_2251, %get3A_2252] {strides = array<i32>} : memref<512x64xf32, #tpu.memory_space<vmem>>, vector<16xf32>,
      %mul3A_2254 = arith.mulf %get3A_2250, %get3A_2253 : vector<16xf32>
      %add3A_2255 = arith.addf %add3A_2247, %mul3A_2254 : vector<16xf32>
      %broadcast_in_dim3A_2256 = arith.constant true
      %broadcast_in_dim3A_2257 = vector.broadcast %broadcast_in_dim3A_2256 : i1 to vector<16xi1>
      %masked_cumsum3A = tpu.scan <sum>, %add3A_2255 masked %broadcast_in_dim3A_2257 : vector<16xf32>, vector<16xi1> -> vector<16xf32>
      %swap3A_2258 = arith.index_cast %scan3A_2224 : i32 to index
      %swap3A_2259 = arith.constant 0 : index
      %swap3A_2260 = tpu.vector_load %arg17[%swap3A_2258, %swap3A_2259] {strides = array<i32>} : memref<512x16xf32, #tpu.memory_space<vmem>>, vector<16xf32>,
      tpu.vector_store %arg17[%swap3A_2258, %swap3A_2259], %masked_cumsum3A {strides = array<i32>} : memref<512x16xf32, #tpu.memory_space<vmem>>, vector<16xf32>,
      %scan3A_2261 = arith.constant 1 : i32
      %scan3A_2262 = arith.addi %scan3A_2224, %scan3A_2261 : i32
      %get3A_2263 = arith.index_cast %scan3A_2262 : i32 to index
      %get3A_2264 = arith.constant 0 : index
      %get3A_2265 = tpu.vector_load %arg13[%get3A_2263, %get3A_2264] {strides = array<i32>} : memref<512x64xf32, #tpu.memory_space<vmem>>, vector<16xf32>,
      %get3A_2266 = arith.index_cast %scan3A_2262 : i32 to index
      %get3A_2267 = arith.constant 0 : index
      %get3A_2268 = tpu.vector_load %arg14[%get3A_2266, %get3A_2267] {strides = array<i32>} : memref<512x64xf32, #tpu.memory_space<vmem>>, vector<16xf32>,
      %mul3A_2269 = arith.mulf %get3A_2265, %get3A_2268 : vector<16xf32>
      %get3A_2270 = arith.index_cast %scan3A_2262 : i32 to index
      %get3A_2271 = arith.constant 16 : index
      %get3A_2272 = tpu.vector_load %arg13[%get3A_2270, %get3A_2271] {strides = array<i32>} : memref<512x64xf32, #tpu.memory_space<vmem>>, vector<16xf32>,
      %get3A_2273 = arith.index_cast %scan3A_2262 : i32 to index
      %get3A_2274 = arith.constant 16 : index
      %get3A_2275 = tpu.vector_load %arg14[%get3A_2273, %get3A_2274] {strides = array<i32>} : memref<512x64xf32, #tpu.memory_space<vmem>>, vector<16xf32>,
      %mul3A_2276 = arith.mulf %get3A_2272, %get3A_2275 : vector<16xf32>
      %add3A_2277 = arith.addf %mul3A_2269, %mul3A_2276 : vector<16xf32>
      %get3A_2278 = arith.index_cast %scan3A_2262 : i32 to index
      %get3A_2279 = arith.constant 32 : index
      %get3A_2280 = tpu.vector_load %arg13[%get3A_2278, %get3A_2279] {strides = array<i32>} : memref<512x64xf32, #tpu.memory_space<vmem>>, vector<16xf32>,
      %get3A_2281 = arith.index_cast %scan3A_2262 : i32 to index
      %get3A_2282 = arith.constant 32 : index
      %get3A_2283 = tpu.vector_load %arg14[%get3A_2281, %get3A_2282] {strides = array<i32>} : memref<512x64xf32, #tpu.memory_space<vmem>>, vector<16xf32>,
      %mul3A_2284 = arith.mulf %get3A_2280, %get3A_2283 : vector<16xf32>
      %add3A_2285 = arith.addf %add3A_2277, %mul3A_2284 : vector<16xf32>
      %get3A_2286 = arith.index_cast %scan3A_2262 : i32 to index
      %get3A_2287 = arith.constant 48 : index
      %get3A_2288 = tpu.vector_load %arg13[%get3A_2286, %get3A_2287] {strides = array<i32>} : memref<512x64xf32, #tpu.memory_space<vmem>>, vector<16xf32>,
      %get3A_2289 = arith.index_cast %scan3A_2262 : i32 to index
      %get3A_2290 = arith.constant 48 : index
      %get3A_2291 = tpu.vector_load %arg14[%get3A_2289, %get3A_2290] {strides = array<i32>} : memref<512x64xf32, #tpu.memory_space<vmem>>, vector<16xf32>,
      %mul3A_2292 = arith.mulf %get3A_2288, %get3A_2291 : vector<16xf32>
      %add3A_2293 = arith.addf %add3A_2285, %mul3A_2292 : vector<16xf32>
      %broadcast_in_dim3A_2294 = arith.constant true
      %broadcast_in_dim3A_2295 = vector.broadcast %broadcast_in_dim3A_2294 : i1 to vector<16xi1>
      %masked_cumsum3A_2296 = tpu.scan <sum>, %add3A_2293 masked %broadcast_in_dim3A_2295 : vector<16xf32>, vector<16xi1> -> vector<16xf32>
      %swap3A_2297 = arith.index_cast %scan3A_2262 : i32 to index
      %swap3A_2298 = arith.constant 0 : index
      %swap3A_2299 = tpu.vector_load %arg17[%swap3A_2297, %swap3A_2298] {strides = array<i32>} : memref<512x16xf32, #tpu.memory_space<vmem>>, vector<16xf32>,
      tpu.vector_store %arg17[%swap3A_2297, %swap3A_2298], %masked_cumsum3A_2296 {strides = array<i32>} : memref<512x16xf32, #tpu.memory_space<vmem>>, vector<16xf32>,
      %scan3A_2300 = arith.constant 2 : i32
      %scan3A_2301 = arith.addi %scan3A_2224, %scan3A_2300 : i32
      %get3A_2302 = arith.index_cast %scan3A_2301 : i32 to index
      %get3A_2303 = arith.constant 0 : index
      %get3A_2304 = tpu.vector_load %arg13[%get3A_2302, %get3A_2303] {strides = array<i32>} : memref<512x64xf32, #tpu.memory_space<vmem>>, vector<16xf32>,
      %get3A_2305 = arith.index_cast %scan3A_2301 : i32 to index
      %get3A_2306 = arith.constant 0 : index
      %get3A_2307 = tpu.vector_load %arg14[%get3A_2305, %get3A_2306] {strides = array<i32>} : memref<512x64xf32, #tpu.memory_space<vmem>>, vector<16xf32>,
      %mul3A_2308 = arith.mulf %get3A_2304, %get3A_2307 : vector<16xf32>
      %get3A_2309 = arith.index_cast %scan3A_2301 : i32 to index
      %get3A_2310 = arith.constant 16 : index
      %get3A_2311 = tpu.vector_load %arg13[%get3A_2309, %get3A_2310] {strides = array<i32>} : memref<512x64xf32, #tpu.memory_space<vmem>>, vector<16xf32>,
      %get3A_2312 = arith.index_cast %scan3A_2301 : i32 to index
      %get3A_2313 = arith.constant 16 : index
      %get3A_2314 = tpu.vector_load %arg14[%get3A_2312, %get3A_2313] {strides = array<i32>} : memref<512x64xf32, #tpu.memory_space<vmem>>, vector<16xf32>,
      %mul3A_2315 = arith.mulf %get3A_2311, %get3A_2314 : vector<16xf32>
      %add3A_2316 = arith.addf %mul3A_2308, %mul3A_2315 : vector<16xf32>
      %get3A_2317 = arith.index_cast %scan3A_2301 : i32 to index
      %get3A_2318 = arith.constant 32 : index
      %get3A_2319 = tpu.vector_load %arg13[%get3A_2317, %get3A_2318] {strides = array<i32>} : memref<512x64xf32, #tpu.memory_space<vmem>>, vector<16xf32>,
      %get3A_2320 = arith.index_cast %scan3A_2301 : i32 to index
      %get3A_2321 = arith.constant 32 : index
      %get3A_2322 = tpu.vector_load %arg14[%get3A_2320, %get3A_2321] {strides = array<i32>} : memref<512x64xf32, #tpu.memory_space<vmem>>, vector<16xf32>,
      %mul3A_2323 = arith.mulf %get3A_2319, %get3A_2322 : vector<16xf32>
      %add3A_2324 = arith.addf %add3A_2316, %mul3A_2323 : vector<16xf32>
      %get3A_2325 = arith.index_cast %scan3A_2301 : i32 to index
      %get3A_2326 = arith.constant 48 : index
      %get3A_2327 = tpu.vector_load %arg13[%get3A_2325, %get3A_2326] {strides = array<i32>} : memref<512x64xf32, #tpu.memory_space<vmem>>, vector<16xf32>,
      %get3A_2328 = arith.index_cast %scan3A_2301 : i32 to index
      %get3A_2329 = arith.constant 48 : index
      %get3A_2330 = tpu.vector_load %arg14[%get3A_2328, %get3A_2329] {strides = array<i32>} : memref<512x64xf32, #tpu.memory_space<vmem>>, vector<16xf32>,
      %mul3A_2331 = arith.mulf %get3A_2327, %get3A_2330 : vector<16xf32>
      %add3A_2332 = arith.addf %add3A_2324, %mul3A_2331 : vector<16xf32>
      %broadcast_in_dim3A_2333 = arith.constant true
      %broadcast_in_dim3A_2334 = vector.broadcast %broadcast_in_dim3A_2333 : i1 to vector<16xi1>
      %masked_cumsum3A_2335 = tpu.scan <sum>, %add3A_2332 masked %broadcast_in_dim3A_2334 : vector<16xf32>, vector<16xi1> -> vector<16xf32>
      %swap3A_2336 = arith.index_cast %scan3A_2301 : i32 to index
      %swap3A_2337 = arith.constant 0 : index
      %swap3A_2338 = tpu.vector_load %arg17[%swap3A_2336, %swap3A_2337] {strides = array<i32>} : memref<512x16xf32, #tpu.memory_space<vmem>>, vector<16xf32>,
      tpu.vector_store %arg17[%swap3A_2336, %swap3A_2337], %masked_cumsum3A_2335 {strides = array<i32>} : memref<512x16xf32, #tpu.memory_space<vmem>>, vector<16xf32>,
      %scan3A_2339 = arith.constant 3 : i32
      %scan3A_2340 = arith.addi %scan3A_2224, %scan3A_2339 : i32
      %get3A_2341 = arith.index_cast %scan3A_2340 : i32 to index
      %get3A_2342 = arith.constant 0 : index
      %get3A_2343 = tpu.vector_load %arg13[%get3A_2341, %get3A_2342] {strides = array<i32>} : memref<512x64xf32, #tpu.memory_space<vmem>>, vector<16xf32>,
      %get3A_2344 = arith.index_cast %scan3A_2340 : i32 to index
      %get3A_2345 = arith.constant 0 : index
      %get3A_2346 = tpu.vector_load %arg14[%get3A_2344, %get3A_2345] {strides = array<i32>} : memref<512x64xf32, #tpu.memory_space<vmem>>, vector<16xf32>,
      %mul3A_2347 = arith.mulf %get3A_2343, %get3A_2346 : vector<16xf32>
      %get3A_2348 = arith.index_cast %scan3A_2340 : i32 to index
      %get3A_2349 = arith.constant 16 : index
      %get3A_2350 = tpu.vector_load %arg13[%get3A_2348, %get3A_2349] {strides = array<i32>} : memref<512x64xf32, #tpu.memory_space<vmem>>, vector<16xf32>,
      %get3A_2351 = arith.index_cast %scan3A_2340 : i32 to index
      %get3A_2352 = arith.constant 16 : index
      %get3A_2353 = tpu.vector_load %arg14[%get3A_2351, %get3A_2352] {strides = array<i32>} : memref<512x64xf32, #tpu.memory_space<vmem>>, vector<16xf32>,
      %mul3A_2354 = arith.mulf %get3A_2350, %get3A_2353 : vector<16xf32>
      %add3A_2355 = arith.addf %mul3A_2347, %mul3A_2354 : vector<16xf32>
      %get3A_2356 = arith.index_cast %scan3A_2340 : i32 to index
      %get3A_2357 = arith.constant 32 : index
      %get3A_2358 = tpu.vector_load %arg13[%get3A_2356, %get3A_2357] {strides = array<i32>} : memref<512x64xf32, #tpu.memory_space<vmem>>, vector<16xf32>,
      %get3A_2359 = arith.index_cast %scan3A_2340 : i32 to index
      %get3A_2360 = arith.constant 32 : index
      %get3A_2361 = tpu.vector_load %arg14[%get3A_2359, %get3A_2360] {strides = array<i32>} : memref<512x64xf32, #tpu.memory_space<vmem>>, vector<16xf32>,
      %mul3A_2362 = arith.mulf %get3A_2358, %get3A_2361 : vector<16xf32>
      %add3A_2363 = arith.addf %add3A_2355, %mul3A_2362 : vector<16xf32>
      %get3A_2364 = arith.index_cast %scan3A_2340 : i32 to index
      %get3A_2365 = arith.constant 48 : index
      %get3A_2366 = tpu.vector_load %arg13[%get3A_2364, %get3A_2365] {strides = array<i32>} : memref<512x64xf32, #tpu.memory_space<vmem>>, vector<16xf32>,
      %get3A_2367 = arith.index_cast %scan3A_2340 : i32 to index
      %get3A_2368 = arith.constant 48 : index
      %get3A_2369 = tpu.vector_load %arg14[%get3A_2367, %get3A_2368] {strides = array<i32>} : memref<512x64xf32, #tpu.memory_space<vmem>>, vector<16xf32>,
      %mul3A_2370 = arith.mulf %get3A_2366, %get3A_2369 : vector<16xf32>
      %add3A_2371 = arith.addf %add3A_2363, %mul3A_2370 : vector<16xf32>
      %broadcast_in_dim3A_2372 = arith.constant true
      %broadcast_in_dim3A_2373 = vector.broadcast %broadcast_in_dim3A_2372 : i1 to vector<16xi1>
      %masked_cumsum3A_2374 = tpu.scan <sum>, %add3A_2371 masked %broadcast_in_dim3A_2373 : vector<16xf32>, vector<16xi1> -> vector<16xf32>
      %swap3A_2375 = arith.index_cast %scan3A_2340 : i32 to index
      %swap3A_2376 = arith.constant 0 : index
      %swap3A_2377 = tpu.vector_load %arg17[%swap3A_2375, %swap3A_2376] {strides = array<i32>} : memref<512x16xf32, #tpu.memory_space<vmem>>, vector<16xf32>,
      tpu.vector_store %arg17[%swap3A_2375, %swap3A_2376], %masked_cumsum3A_2374 {strides = array<i32>} : memref<512x16xf32, #tpu.memory_space<vmem>>, vector<16xf32>,
      %scan3A_2378 = arith.constant 4 : i32
      %scan3A_2379 = arith.addi %scan3A_2224, %scan3A_2378 : i32
      %get3A_2380 = arith.index_cast %scan3A_2379 : i32 to index
      %get3A_2381 = arith.constant 0 : index
      %get3A_2382 = tpu.vector_load %arg13[%get3A_2380, %get3A_2381] {strides = array<i32>} : memref<512x64xf32, #tpu.memory_space<vmem>>, vector<16xf32>,
      %get3A_2383 = arith.index_cast %scan3A_2379 : i32 to index
      %get3A_2384 = arith.constant 0 : index
      %get3A_2385 = tpu.vector_load %arg14[%get3A_2383, %get3A_2384] {strides = array<i32>} : memref<512x64xf32, #tpu.memory_space<vmem>>, vector<16xf32>,
      %mul3A_2386 = arith.mulf %get3A_2382, %get3A_2385 : vector<16xf32>
      %get3A_2387 = arith.index_cast %scan3A_2379 : i32 to index
      %get3A_2388 = arith.constant 16 : index
      %get3A_2389 = tpu.vector_load %arg13[%get3A_2387, %get3A_2388] {strides = array<i32>} : memref<512x64xf32, #tpu.memory_space<vmem>>, vector<16xf32>,
      %get3A_2390 = arith.index_cast %scan3A_2379 : i32 to index
      %get3A_2391 = arith.constant 16 : index
      %get3A_2392 = tpu.vector_load %arg14[%get3A_2390, %get3A_2391] {strides = array<i32>} : memref<512x64xf32, #tpu.memory_space<vmem>>, vector<16xf32>,
      %mul3A_2393 = arith.mulf %get3A_2389, %get3A_2392 : vector<16xf32>
      %add3A_2394 = arith.addf %mul3A_2386, %mul3A_2393 : vector<16xf32>
      %get3A_2395 = arith.index_cast %scan3A_2379 : i32 to index
      %get3A_2396 = arith.constant 32 : index
      %get3A_2397 = tpu.vector_load %arg13[%get3A_2395, %get3A_2396] {strides = array<i32>} : memref<512x64xf32, #tpu.memory_space<vmem>>, vector<16xf32>,
      %get3A_2398 = arith.index_cast %scan3A_2379 : i32 to index
      %get3A_2399 = arith.constant 32 : index
      %get3A_2400 = tpu.vector_load %arg14[%get3A_2398, %get3A_2399] {strides = array<i32>} : memref<512x64xf32, #tpu.memory_space<vmem>>, vector<16xf32>,
      %mul3A_2401 = arith.mulf %get3A_2397, %get3A_2400 : vector<16xf32>
      %add3A_2402 = arith.addf %add3A_2394, %mul3A_2401 : vector<16xf32>
      %get3A_2403 = arith.index_cast %scan3A_2379 : i32 to index
      %get3A_2404 = arith.constant 48 : index
      %get3A_2405 = tpu.vector_load %arg13[%get3A_2403, %get3A_2404] {strides = array<i32>} : memref<512x64xf32, #tpu.memory_space<vmem>>, vector<16xf32>,
      %get3A_2406 = arith.index_cast %scan3A_2379 : i32 to index
      %get3A_2407 = arith.constant 48 : index
      %get3A_2408 = tpu.vector_load %arg14[%get3A_2406, %get3A_2407] {strides = array<i32>} : memref<512x64xf32, #tpu.memory_space<vmem>>, vector<16xf32>,
      %mul3A_2409 = arith.mulf %get3A_2405, %get3A_2408 : vector<16xf32>
      %add3A_2410 = arith.addf %add3A_2402, %mul3A_2409 : vector<16xf32>
      %broadcast_in_dim3A_2411 = arith.constant true
      %broadcast_in_dim3A_2412 = vector.broadcast %broadcast_in_dim3A_2411 : i1 to vector<16xi1>
      %masked_cumsum3A_2413 = tpu.scan <sum>, %add3A_2410 masked %broadcast_in_dim3A_2412 : vector<16xf32>, vector<16xi1> -> vector<16xf32>
      %swap3A_2414 = arith.index_cast %scan3A_2379 : i32 to index
      %swap3A_2415 = arith.constant 0 : index
      %swap3A_2416 = tpu.vector_load %arg17[%swap3A_2414, %swap3A_2415] {strides = array<i32>} : memref<512x16xf32, #tpu.memory_space<vmem>>, vector<16xf32>,
      tpu.vector_store %arg17[%swap3A_2414, %swap3A_2415], %masked_cumsum3A_2413 {strides = array<i32>} : memref<512x16xf32, #tpu.memory_space<vmem>>, vector<16xf32>,
      %scan3A_2417 = arith.constant 5 : i32
      %scan3A_2418 = arith.addi %scan3A_2224, %scan3A_2417 : i32
      %get3A_2419 = arith.index_cast %scan3A_2418 : i32 to index
      %get3A_2420 = arith.constant 0 : index
      %get3A_2421 = tpu.vector_load %arg13[%get3A_2419, %get3A_2420] {strides = array<i32>} : memref<512x64xf32, #tpu.memory_space<vmem>>, vector<16xf32>,
      %get3A_2422 = arith.index_cast %scan3A_2418 : i32 to index
      %get3A_2423 = arith.constant 0 : index
      %get3A_2424 = tpu.vector_load %arg14[%get3A_2422, %get3A_2423] {strides = array<i32>} : memref<512x64xf32, #tpu.memory_space<vmem>>, vector<16xf32>,
      %mul3A_2425 = arith.mulf %get3A_2421, %get3A_2424 : vector<16xf32>
      %get3A_2426 = arith.index_cast %scan3A_2418 : i32 to index
      %get3A_2427 = arith.constant 16 : index
      %get3A_2428 = tpu.vector_load %arg13[%get3A_2426, %get3A_2427] {strides = array<i32>} : memref<512x64xf32, #tpu.memory_space<vmem>>, vector<16xf32>,
      %get3A_2429 = arith.index_cast %scan3A_2418 : i32 to index
      %get3A_2430 = arith.constant 16 : index
      %get3A_2431 = tpu.vector_load %arg14[%get3A_2429, %get3A_2430] {strides = array<i32>} : memref<512x64xf32, #tpu.memory_space<vmem>>, vector<16xf32>,
      %mul3A_2432 = arith.mulf %get3A_2428, %get3A_2431 : vector<16xf32>
      %add3A_2433 = arith.addf %mul3A_2425, %mul3A_2432 : vector<16xf32>
      %get3A_2434 = arith.index_cast %scan3A_2418 : i32 to index
      %get3A_2435 = arith.constant 32 : index
      %get3A_2436 = tpu.vector_load %arg13[%get3A_2434, %get3A_2435] {strides = array<i32>} : memref<512x64xf32, #tpu.memory_space<vmem>>, vector<16xf32>,
      %get3A_2437 = arith.index_cast %scan3A_2418 : i32 to index
      %get3A_2438 = arith.constant 32 : index
      %get3A_2439 = tpu.vector_load %arg14[%get3A_2437, %get3A_2438] {strides = array<i32>} : memref<512x64xf32, #tpu.memory_space<vmem>>, vector<16xf32>,
      %mul3A_2440 = arith.mulf %get3A_2436, %get3A_2439 : vector<16xf32>
      %add3A_2441 = arith.addf %add3A_2433, %mul3A_2440 : vector<16xf32>
      %get3A_2442 = arith.index_cast %scan3A_2418 : i32 to index
      %get3A_2443 = arith.constant 48 : index
      %get3A_2444 = tpu.vector_load %arg13[%get3A_2442, %get3A_2443] {strides = array<i32>} : memref<512x64xf32, #tpu.memory_space<vmem>>, vector<16xf32>,
      %get3A_2445 = arith.index_cast %scan3A_2418 : i32 to index
      %get3A_2446 = arith.constant 48 : index
      %get3A_2447 = tpu.vector_load %arg14[%get3A_2445, %get3A_2446] {strides = array<i32>} : memref<512x64xf32, #tpu.memory_space<vmem>>, vector<16xf32>,
      %mul3A_2448 = arith.mulf %get3A_2444, %get3A_2447 : vector<16xf32>
      %add3A_2449 = arith.addf %add3A_2441, %mul3A_2448 : vector<16xf32>
      %broadcast_in_dim3A_2450 = arith.constant true
      %broadcast_in_dim3A_2451 = vector.broadcast %broadcast_in_dim3A_2450 : i1 to vector<16xi1>
      %masked_cumsum3A_2452 = tpu.scan <sum>, %add3A_2449 masked %broadcast_in_dim3A_2451 : vector<16xf32>, vector<16xi1> -> vector<16xf32>
      %swap3A_2453 = arith.index_cast %scan3A_2418 : i32 to index
      %swap3A_2454 = arith.constant 0 : index
      %swap3A_2455 = tpu.vector_load %arg17[%swap3A_2453, %swap3A_2454] {strides = array<i32>} : memref<512x16xf32, #tpu.memory_space<vmem>>, vector<16xf32>,
      tpu.vector_store %arg17[%swap3A_2453, %swap3A_2454], %masked_cumsum3A_2452 {strides = array<i32>} : memref<512x16xf32, #tpu.memory_space<vmem>>, vector<16xf32>,
      %scan3A_2456 = arith.constant 6 : i32
      %scan3A_2457 = arith.addi %scan3A_2224, %scan3A_2456 : i32
      %get3A_2458 = arith.index_cast %scan3A_2457 : i32 to index
      %get3A_2459 = arith.constant 0 : index
      %get3A_2460 = tpu.vector_load %arg13[%get3A_2458, %get3A_2459] {strides = array<i32>} : memref<512x64xf32, #tpu.memory_space<vmem>>, vector<16xf32>,
      %get3A_2461 = arith.index_cast %scan3A_2457 : i32 to index
      %get3A_2462 = arith.constant 0 : index
      %get3A_2463 = tpu.vector_load %arg14[%get3A_2461, %get3A_2462] {strides = array<i32>} : memref<512x64xf32, #tpu.memory_space<vmem>>, vector<16xf32>,
      %mul3A_2464 = arith.mulf %get3A_2460, %get3A_2463 : vector<16xf32>
      %get3A_2465 = arith.index_cast %scan3A_2457 : i32 to index
      %get3A_2466 = arith.constant 16 : index
      %get3A_2467 = tpu.vector_load %arg13[%get3A_2465, %get3A_2466] {strides = array<i32>} : memref<512x64xf32, #tpu.memory_space<vmem>>, vector<16xf32>,
      %get3A_2468 = arith.index_cast %scan3A_2457 : i32 to index
      %get3A_2469 = arith.constant 16 : index
      %get3A_2470 = tpu.vector_load %arg14[%get3A_2468, %get3A_2469] {strides = array<i32>} : memref<512x64xf32, #tpu.memory_space<vmem>>, vector<16xf32>,
      %mul3A_2471 = arith.mulf %get3A_2467, %get3A_2470 : vector<16xf32>
      %add3A_2472 = arith.addf %mul3A_2464, %mul3A_2471 : vector<16xf32>
      %get3A_2473 = arith.index_cast %scan3A_2457 : i32 to index
      %get3A_2474 = arith.constant 32 : index
      %get3A_2475 = tpu.vector_load %arg13[%get3A_2473, %get3A_2474] {strides = array<i32>} : memref<512x64xf32, #tpu.memory_space<vmem>>, vector<16xf32>,
      %get3A_2476 = arith.index_cast %scan3A_2457 : i32 to index
      %get3A_2477 = arith.constant 32 : index
      %get3A_2478 = tpu.vector_load %arg14[%get3A_2476, %get3A_2477] {strides = array<i32>} : memref<512x64xf32, #tpu.memory_space<vmem>>, vector<16xf32>,
      %mul3A_2479 = arith.mulf %get3A_2475, %get3A_2478 : vector<16xf32>
      %add3A_2480 = arith.addf %add3A_2472, %mul3A_2479 : vector<16xf32>
      %get3A_2481 = arith.index_cast %scan3A_2457 : i32 to index
      %get3A_2482 = arith.constant 48 : index
      %get3A_2483 = tpu.vector_load %arg13[%get3A_2481, %get3A_2482] {strides = array<i32>} : memref<512x64xf32, #tpu.memory_space<vmem>>, vector<16xf32>,
      %get3A_2484 = arith.index_cast %scan3A_2457 : i32 to index
      %get3A_2485 = arith.constant 48 : index
      %get3A_2486 = tpu.vector_load %arg14[%get3A_2484, %get3A_2485] {strides = array<i32>} : memref<512x64xf32, #tpu.memory_space<vmem>>, vector<16xf32>,
      %mul3A_2487 = arith.mulf %get3A_2483, %get3A_2486 : vector<16xf32>
      %add3A_2488 = arith.addf %add3A_2480, %mul3A_2487 : vector<16xf32>
      %broadcast_in_dim3A_2489 = arith.constant true
      %broadcast_in_dim3A_2490 = vector.broadcast %broadcast_in_dim3A_2489 : i1 to vector<16xi1>
      %masked_cumsum3A_2491 = tpu.scan <sum>, %add3A_2488 masked %broadcast_in_dim3A_2490 : vector<16xf32>, vector<16xi1> -> vector<16xf32>
      %swap3A_2492 = arith.index_cast %scan3A_2457 : i32 to index
      %swap3A_2493 = arith.constant 0 : index
      %swap3A_2494 = tpu.vector_load %arg17[%swap3A_2492, %swap3A_2493] {strides = array<i32>} : memref<512x16xf32, #tpu.memory_space<vmem>>, vector<16xf32>,
      tpu.vector_store %arg17[%swap3A_2492, %swap3A_2493], %masked_cumsum3A_2491 {strides = array<i32>} : memref<512x16xf32, #tpu.memory_space<vmem>>, vector<16xf32>,
      %scan3A_2495 = arith.constant 7 : i32
      %scan3A_2496 = arith.addi %scan3A_2224, %scan3A_2495 : i32
      %get3A_2497 = arith.index_cast %scan3A_2496 : i32 to index
      %get3A_2498 = arith.constant 0 : index
      %get3A_2499 = tpu.vector_load %arg13[%get3A_2497, %get3A_2498] {strides = array<i32>} : memref<512x64xf32, #tpu.memory_space<vmem>>, vector<16xf32>,
      %get3A_2500 = arith.index_cast %scan3A_2496 : i32 to index
      %get3A_2501 = arith.constant 0 : index
      %get3A_2502 = tpu.vector_load %arg14[%get3A_2500, %get3A_2501] {strides = array<i32>} : memref<512x64xf32, #tpu.memory_space<vmem>>, vector<16xf32>,
      %mul3A_2503 = arith.mulf %get3A_2499, %get3A_2502 : vector<16xf32>
      %get3A_2504 = arith.index_cast %scan3A_2496 : i32 to index
      %get3A_2505 = arith.constant 16 : index
      %get3A_2506 = tpu.vector_load %arg13[%get3A_2504, %get3A_2505] {strides = array<i32>} : memref<512x64xf32, #tpu.memory_space<vmem>>, vector<16xf32>,
      %get3A_2507 = arith.index_cast %scan3A_2496 : i32 to index
      %get3A_2508 = arith.constant 16 : index
      %get3A_2509 = tpu.vector_load %arg14[%get3A_2507, %get3A_2508] {strides = array<i32>} : memref<512x64xf32, #tpu.memory_space<vmem>>, vector<16xf32>,
      %mul3A_2510 = arith.mulf %get3A_2506, %get3A_2509 : vector<16xf32>
      %add3A_2511 = arith.addf %mul3A_2503, %mul3A_2510 : vector<16xf32>
      %get3A_2512 = arith.index_cast %scan3A_2496 : i32 to index
      %get3A_2513 = arith.constant 32 : index
      %get3A_2514 = tpu.vector_load %arg13[%get3A_2512, %get3A_2513] {strides = array<i32>} : memref<512x64xf32, #tpu.memory_space<vmem>>, vector<16xf32>,
      %get3A_2515 = arith.index_cast %scan3A_2496 : i32 to index
      %get3A_2516 = arith.constant 32 : index
      %get3A_2517 = tpu.vector_load %arg14[%get3A_2515, %get3A_2516] {strides = array<i32>} : memref<512x64xf32, #tpu.memory_space<vmem>>, vector<16xf32>,
      %mul3A_2518 = arith.mulf %get3A_2514, %get3A_2517 : vector<16xf32>
      %add3A_2519 = arith.addf %add3A_2511, %mul3A_2518 : vector<16xf32>
      %get3A_2520 = arith.index_cast %scan3A_2496 : i32 to index
      %get3A_2521 = arith.constant 48 : index
      %get3A_2522 = tpu.vector_load %arg13[%get3A_2520, %get3A_2521] {strides = array<i32>} : memref<512x64xf32, #tpu.memory_space<vmem>>, vector<16xf32>,
      %get3A_2523 = arith.index_cast %scan3A_2496 : i32 to index
      %get3A_2524 = arith.constant 48 : index
      %get3A_2525 = tpu.vector_load %arg14[%get3A_2523, %get3A_2524] {strides = array<i32>} : memref<512x64xf32, #tpu.memory_space<vmem>>, vector<16xf32>,
      %mul3A_2526 = arith.mulf %get3A_2522, %get3A_2525 : vector<16xf32>
      %add3A_2527 = arith.addf %add3A_2519, %mul3A_2526 : vector<16xf32>
      %broadcast_in_dim3A_2528 = arith.constant true
      %broadcast_in_dim3A_2529 = vector.broadcast %broadcast_in_dim3A_2528 : i1 to vector<16xi1>
      %masked_cumsum3A_2530 = tpu.scan <sum>, %add3A_2527 masked %broadcast_in_dim3A_2529 : vector<16xf32>, vector<16xi1> -> vector<16xf32>
      %swap3A_2531 = arith.index_cast %scan3A_2496 : i32 to index
      %swap3A_2532 = arith.constant 0 : index
      %swap3A_2533 = tpu.vector_load %arg17[%swap3A_2531, %swap3A_2532] {strides = array<i32>} : memref<512x16xf32, #tpu.memory_space<vmem>>, vector<16xf32>,
      tpu.vector_store %arg17[%swap3A_2531, %swap3A_2532], %masked_cumsum3A_2530 {strides = array<i32>} : memref<512x16xf32, #tpu.memory_space<vmem>>, vector<16xf32>,
    }
    %scan3A_1297 = arith.constant 512 : i32
    %broadcast_in_dim3A = arith.constant 15 : i32
    %broadcast_in_dim3A_1298 = vector.broadcast %broadcast_in_dim3A : i32 to vector<16xi32>
    %iota3A = tpu.iota {dimensions = array<i32: 0>} : vector<16xi32>
    %add3A_1299 = arith.constant 0 : i32
    %add3A_1300 = vector.broadcast %add3A_1299 : i32 to vector<16xi32>
    %add3A_1301 = arith.addi %iota3A, %add3A_1300 : vector<16xi32>
    %gather3A = tpu.vector_load_idx %arg17[%add3A_1301, %broadcast_in_dim3A_1298] : memref<512x16xf32, #tpu.memory_space<vmem>>[vector<16xi32>, vector<16xi32>], vector<16xf32>,
    %get3A_1302 = arith.constant 0 : i32
    %get3A_1303 = arith.constant 0 : i32
    %get3A_1304 = tpu.memref_slice %arg9[%get3A_1302, %get3A_1303] : memref<4x128xi32, #tpu.memory_space<vmem>> -> memref<1x128xi32, #tpu.memory_space<vmem>>
    %get3A_1305 = tpu.memref_squeeze %get3A_1304 : memref<1x128xi32, #tpu.memory_space<vmem>> -> memref<128xi32, #tpu.memory_space<vmem>>
    %get3A_1306 = arith.constant 0 : index
    %get3A_1307 = tpu.vector_load %get3A_1305[%get3A_1306] {strides = array<i32>} : memref<128xi32, #tpu.memory_space<vmem>>, vector<16xi32>,
    %and3A = arith.constant 15 : i32
    %and3A_1308 = vector.broadcast %and3A : i32 to vector<16xi32>
    %and3A_1309 = arith.andi %get3A_1307, %and3A_1308 : vector<16xi32>
    %gather3A_1310 = tpu.vector_load_idx %arg15[%add3A_1301, %and3A_1309] : memref<512x16xf32, #tpu.memory_space<vmem>>[vector<16xi32>, vector<16xi32>], vector<16xf32>,
    %get3A_1311 = arith.constant 0 : i32
    %get3A_1312 = arith.constant 0 : i32
    %get3A_1313 = tpu.memref_slice %arg10[%get3A_1311, %get3A_1312] : memref<4x128xi32, #tpu.memory_space<vmem>> -> memref<1x128xi32, #tpu.memory_space<vmem>>
    %get3A_1314 = tpu.memref_squeeze %get3A_1313 : memref<1x128xi32, #tpu.memory_space<vmem>> -> memref<128xi32, #tpu.memory_space<vmem>>
    %get3A_1315 = arith.constant 0 : index
    %get3A_1316 = tpu.vector_load %get3A_1314[%get3A_1315] {strides = array<i32>} : memref<128xi32, #tpu.memory_space<vmem>>, vector<16xi32>,
    %and3A_1317 = arith.constant 15 : i32
    %and3A_1318 = vector.broadcast %and3A_1317 : i32 to vector<16xi32>
    %and3A_1319 = arith.andi %get3A_1316, %and3A_1318 : vector<16xi32>
    %gather3A_1320 = tpu.vector_load_idx %arg16[%add3A_1301, %and3A_1319] : memref<512x16xf32, #tpu.memory_space<vmem>>[vector<16xi32>, vector<16xi32>], vector<16xf32>,
    %add3A_1321 = arith.addf %gather3A, %gather3A_1310 : vector<16xf32>
    %add3A_1322 = arith.addf %add3A_1321, %gather3A_1320 : vector<16xf32>
    %swap3A_1323 = arith.constant 0 : index
    %swap3A_1324 = tpu.vector_load %arg18[%swap3A_1323] {strides = array<i32>} : memref<512xf32, #tpu.memory_space<vmem>>, vector<16xf32>,
    tpu.vector_store %arg18[%swap3A_1323], %add3A_1322 {strides = array<i32>} : memref<512xf32, #tpu.memory_space<vmem>>, vector<16xf32>,
    %iota3A_1325 = tpu.iota {dimensions = array<i32: 0>} : vector<16xi32>
    %add3A_1326 = arith.constant 16 : i32
    %add3A_1327 = vector.broadcast %add3A_1326 : i32 to vector<16xi32>
    %add3A_1328 = arith.addi %iota3A_1325, %add3A_1327 : vector<16xi32>
    %gather3A_1329 = tpu.vector_load_idx %arg17[%add3A_1328, %broadcast_in_dim3A_1298] : memref<512x16xf32, #tpu.memory_space<vmem>>[vector<16xi32>, vector<16xi32>], vector<16xf32>,
    %get3A_1330 = arith.constant 0 : i32
    %get3A_1331 = arith.constant 0 : i32
    %get3A_1332 = tpu.memref_slice %arg9[%get3A_1330, %get3A_1331] : memref<4x128xi32, #tpu.memory_space<vmem>> -> memref<1x128xi32, #tpu.memory_space<vmem>>
    %get3A_1333 = tpu.memref_squeeze %get3A_1332 : memref<1x128xi32, #tpu.memory_space<vmem>> -> memref<128xi32, #tpu.memory_space<vmem>>
    %get3A_1334 = arith.constant 16 : index
    %get3A_1335 = tpu.vector_load %get3A_1333[%get3A_1334] {strides = array<i32>} : memref<128xi32, #tpu.memory_space<vmem>>, vector<16xi32>,
    %and3A_1336 = arith.constant 15 : i32
    %and3A_1337 = vector.broadcast %and3A_1336 : i32 to vector<16xi32>
    %and3A_1338 = arith.andi %get3A_1335, %and3A_1337 : vector<16xi32>
    %gather3A_1339 = tpu.vector_load_idx %arg15[%add3A_1328, %and3A_1338] : memref<512x16xf32, #tpu.memory_space<vmem>>[vector<16xi32>, vector<16xi32>], vector<16xf32>,
    %get3A_1340 = arith.constant 0 : i32
    %get3A_1341 = arith.constant 0 : i32
    %get3A_1342 = tpu.memref_slice %arg10[%get3A_1340, %get3A_1341] : memref<4x128xi32, #tpu.memory_space<vmem>> -> memref<1x128xi32, #tpu.memory_space<vmem>>
    %get3A_1343 = tpu.memref_squeeze %get3A_1342 : memref<1x128xi32, #tpu.memory_space<vmem>> -> memref<128xi32, #tpu.memory_space<vmem>>
    %get3A_1344 = arith.constant 16 : index
    %get3A_1345 = tpu.vector_load %get3A_1343[%get3A_1344] {strides = array<i32>} : memref<128xi32, #tpu.memory_space<vmem>>, vector<16xi32>,
    %and3A_1346 = arith.constant 15 : i32
    %and3A_1347 = vector.broadcast %and3A_1346 : i32 to vector<16xi32>
    %and3A_1348 = arith.andi %get3A_1345, %and3A_1347 : vector<16xi32>
    %gather3A_1349 = tpu.vector_load_idx %arg16[%add3A_1328, %and3A_1348] : memref<512x16xf32, #tpu.memory_space<vmem>>[vector<16xi32>, vector<16xi32>], vector<16xf32>,
    %add3A_1350 = arith.addf %gather3A_1329, %gather3A_1339 : vector<16xf32>
    %add3A_1351 = arith.addf %add3A_1350, %gather3A_1349 : vector<16xf32>
    %swap3A_1352 = arith.constant 16 : index
    %swap3A_1353 = tpu.vector_load %arg18[%swap3A_1352] {strides = array<i32>} : memref<512xf32, #tpu.memory_space<vmem>>, vector<16xf32>,
    tpu.vector_store %arg18[%swap3A_1352], %add3A_1351 {strides = array<i32>} : memref<512xf32, #tpu.memory_space<vmem>>, vector<16xf32>,
    %iota3A_1354 = tpu.iota {dimensions = array<i32: 0>} : vector<16xi32>
    %add3A_1355 = arith.constant 32 : i32
    %add3A_1356 = vector.broadcast %add3A_1355 : i32 to vector<16xi32>
    %add3A_1357 = arith.addi %iota3A_1354, %add3A_1356 : vector<16xi32>
    %gather3A_1358 = tpu.vector_load_idx %arg17[%add3A_1357, %broadcast_in_dim3A_1298] : memref<512x16xf32, #tpu.memory_space<vmem>>[vector<16xi32>, vector<16xi32>], vector<16xf32>,
    %get3A_1359 = arith.constant 0 : i32
    %get3A_1360 = arith.constant 0 : i32
    %get3A_1361 = tpu.memref_slice %arg9[%get3A_1359, %get3A_1360] : memref<4x128xi32, #tpu.memory_space<vmem>> -> memref<1x128xi32, #tpu.memory_space<vmem>>
    %get3A_1362 = tpu.memref_squeeze %get3A_1361 : memref<1x128xi32, #tpu.memory_space<vmem>> -> memref<128xi32, #tpu.memory_space<vmem>>
    %get3A_1363 = arith.constant 32 : index
    %get3A_1364 = tpu.vector_load %get3A_1362[%get3A_1363] {strides = array<i32>} : memref<128xi32, #tpu.memory_space<vmem>>, vector<16xi32>,
    %and3A_1365 = arith.constant 15 : i32
    %and3A_1366 = vector.broadcast %and3A_1365 : i32 to vector<16xi32>
    %and3A_1367 = arith.andi %get3A_1364, %and3A_1366 : vector<16xi32>
    %gather3A_1368 = tpu.vector_load_idx %arg15[%add3A_1357, %and3A_1367] : memref<512x16xf32, #tpu.memory_space<vmem>>[vector<16xi32>, vector<16xi32>], vector<16xf32>,
    %get3A_1369 = arith.constant 0 : i32
    %get3A_1370 = arith.constant 0 : i32
    %get3A_1371 = tpu.memref_slice %arg10[%get3A_1369, %get3A_1370] : memref<4x128xi32, #tpu.memory_space<vmem>> -> memref<1x128xi32, #tpu.memory_space<vmem>>
    %get3A_1372 = tpu.memref_squeeze %get3A_1371 : memref<1x128xi32, #tpu.memory_space<vmem>> -> memref<128xi32, #tpu.memory_space<vmem>>
    %get3A_1373 = arith.constant 32 : index
    %get3A_1374 = tpu.vector_load %get3A_1372[%get3A_1373] {strides = array<i32>} : memref<128xi32, #tpu.memory_space<vmem>>, vector<16xi32>,
    %and3A_1375 = arith.constant 15 : i32
    %and3A_1376 = vector.broadcast %and3A_1375 : i32 to vector<16xi32>
    %and3A_1377 = arith.andi %get3A_1374, %and3A_1376 : vector<16xi32>
    %gather3A_1378 = tpu.vector_load_idx %arg16[%add3A_1357, %and3A_1377] : memref<512x16xf32, #tpu.memory_space<vmem>>[vector<16xi32>, vector<16xi32>], vector<16xf32>,
    %add3A_1379 = arith.addf %gather3A_1358, %gather3A_1368 : vector<16xf32>
    %add3A_1380 = arith.addf %add3A_1379, %gather3A_1378 : vector<16xf32>
    %swap3A_1381 = arith.constant 32 : index
    %swap3A_1382 = tpu.vector_load %arg18[%swap3A_1381] {strides = array<i32>} : memref<512xf32, #tpu.memory_space<vmem>>, vector<16xf32>,
    tpu.vector_store %arg18[%swap3A_1381], %add3A_1380 {strides = array<i32>} : memref<512xf32, #tpu.memory_space<vmem>>, vector<16xf32>,
    %iota3A_1383 = tpu.iota {dimensions = array<i32: 0>} : vector<16xi32>
    %add3A_1384 = arith.constant 48 : i32
    %add3A_1385 = vector.broadcast %add3A_1384 : i32 to vector<16xi32>
    %add3A_1386 = arith.addi %iota3A_1383, %add3A_1385 : vector<16xi32>
    %gather3A_1387 = tpu.vector_load_idx %arg17[%add3A_1386, %broadcast_in_dim3A_1298] : memref<512x16xf32, #tpu.memory_space<vmem>>[vector<16xi32>, vector<16xi32>], vector<16xf32>,
    %get3A_1388 = arith.constant 0 : i32
    %get3A_1389 = arith.constant 0 : i32
    %get3A_1390 = tpu.memref_slice %arg9[%get3A_1388, %get3A_1389] : memref<4x128xi32, #tpu.memory_space<vmem>> -> memref<1x128xi32, #tpu.memory_space<vmem>>
    %get3A_1391 = tpu.memref_squeeze %get3A_1390 : memref<1x128xi32, #tpu.memory_space<vmem>> -> memref<128xi32, #tpu.memory_space<vmem>>
    %get3A_1392 = arith.constant 48 : index
    %get3A_1393 = tpu.vector_load %get3A_1391[%get3A_1392] {strides = array<i32>} : memref<128xi32, #tpu.memory_space<vmem>>, vector<16xi32>,
    %and3A_1394 = arith.constant 15 : i32
    %and3A_1395 = vector.broadcast %and3A_1394 : i32 to vector<16xi32>
    %and3A_1396 = arith.andi %get3A_1393, %and3A_1395 : vector<16xi32>
    %gather3A_1397 = tpu.vector_load_idx %arg15[%add3A_1386, %and3A_1396] : memref<512x16xf32, #tpu.memory_space<vmem>>[vector<16xi32>, vector<16xi32>], vector<16xf32>,
    %get3A_1398 = arith.constant 0 : i32
    %get3A_1399 = arith.constant 0 : i32
    %get3A_1400 = tpu.memref_slice %arg10[%get3A_1398, %get3A_1399] : memref<4x128xi32, #tpu.memory_space<vmem>> -> memref<1x128xi32, #tpu.memory_space<vmem>>
    %get3A_1401 = tpu.memref_squeeze %get3A_1400 : memref<1x128xi32, #tpu.memory_space<vmem>> -> memref<128xi32, #tpu.memory_space<vmem>>
    %get3A_1402 = arith.constant 48 : index
    %get3A_1403 = tpu.vector_load %get3A_1401[%get3A_1402] {strides = array<i32>} : memref<128xi32, #tpu.memory_space<vmem>>, vector<16xi32>,
    %and3A_1404 = arith.constant 15 : i32
    %and3A_1405 = vector.broadcast %and3A_1404 : i32 to vector<16xi32>
    %and3A_1406 = arith.andi %get3A_1403, %and3A_1405 : vector<16xi32>
    %gather3A_1407 = tpu.vector_load_idx %arg16[%add3A_1386, %and3A_1406] : memref<512x16xf32, #tpu.memory_space<vmem>>[vector<16xi32>, vector<16xi32>], vector<16xf32>,
    %add3A_1408 = arith.addf %gather3A_1387, %gather3A_1397 : vector<16xf32>
    %add3A_1409 = arith.addf %add3A_1408, %gather3A_1407 : vector<16xf32>
    %swap3A_1410 = arith.constant 48 : index
    %swap3A_1411 = tpu.vector_load %arg18[%swap3A_1410] {strides = array<i32>} : memref<512xf32, #tpu.memory_space<vmem>>, vector<16xf32>,
    tpu.vector_store %arg18[%swap3A_1410], %add3A_1409 {strides = array<i32>} : memref<512xf32, #tpu.memory_space<vmem>>, vector<16xf32>,
    %iota3A_1412 = tpu.iota {dimensions = array<i32: 0>} : vector<16xi32>
    %add3A_1413 = arith.constant 64 : i32
    %add3A_1414 = vector.broadcast %add3A_1413 : i32 to vector<16xi32>
    %add3A_1415 = arith.addi %iota3A_1412, %add3A_1414 : vector<16xi32>
    %gather3A_1416 = tpu.vector_load_idx %arg17[%add3A_1415, %broadcast_in_dim3A_1298] : memref<512x16xf32, #tpu.memory_space<vmem>>[vector<16xi32>, vector<16xi32>], vector<16xf32>,
    %get3A_1417 = arith.constant 0 : i32
    %get3A_1418 = arith.constant 0 : i32
    %get3A_1419 = tpu.memref_slice %arg9[%get3A_1417, %get3A_1418] : memref<4x128xi32, #tpu.memory_space<vmem>> -> memref<1x128xi32, #tpu.memory_space<vmem>>
    %get3A_1420 = tpu.memref_squeeze %get3A_1419 : memref<1x128xi32, #tpu.memory_space<vmem>> -> memref<128xi32, #tpu.memory_space<vmem>>
    %get3A_1421 = arith.constant 64 : index
    %get3A_1422 = tpu.vector_load %get3A_1420[%get3A_1421] {strides = array<i32>} : memref<128xi32, #tpu.memory_space<vmem>>, vector<16xi32>,
    %and3A_1423 = arith.constant 15 : i32
    %and3A_1424 = vector.broadcast %and3A_1423 : i32 to vector<16xi32>
    %and3A_1425 = arith.andi %get3A_1422, %and3A_1424 : vector<16xi32>
    %gather3A_1426 = tpu.vector_load_idx %arg15[%add3A_1415, %and3A_1425] : memref<512x16xf32, #tpu.memory_space<vmem>>[vector<16xi32>, vector<16xi32>], vector<16xf32>,
    %get3A_1427 = arith.constant 0 : i32
    %get3A_1428 = arith.constant 0 : i32
    %get3A_1429 = tpu.memref_slice %arg10[%get3A_1427, %get3A_1428] : memref<4x128xi32, #tpu.memory_space<vmem>> -> memref<1x128xi32, #tpu.memory_space<vmem>>
    %get3A_1430 = tpu.memref_squeeze %get3A_1429 : memref<1x128xi32, #tpu.memory_space<vmem>> -> memref<128xi32, #tpu.memory_space<vmem>>
    %get3A_1431 = arith.constant 64 : index
    %get3A_1432 = tpu.vector_load %get3A_1430[%get3A_1431] {strides = array<i32>} : memref<128xi32, #tpu.memory_space<vmem>>, vector<16xi32>,
    %and3A_1433 = arith.constant 15 : i32
    %and3A_1434 = vector.broadcast %and3A_1433 : i32 to vector<16xi32>
    %and3A_1435 = arith.andi %get3A_1432, %and3A_1434 : vector<16xi32>
    %gather3A_1436 = tpu.vector_load_idx %arg16[%add3A_1415, %and3A_1435] : memref<512x16xf32, #tpu.memory_space<vmem>>[vector<16xi32>, vector<16xi32>], vector<16xf32>,
    %add3A_1437 = arith.addf %gather3A_1416, %gather3A_1426 : vector<16xf32>
    %add3A_1438 = arith.addf %add3A_1437, %gather3A_1436 : vector<16xf32>
    %swap3A_1439 = arith.constant 64 : index
    %swap3A_1440 = tpu.vector_load %arg18[%swap3A_1439] {strides = array<i32>} : memref<512xf32, #tpu.memory_space<vmem>>, vector<16xf32>,
    tpu.vector_store %arg18[%swap3A_1439], %add3A_1438 {strides = array<i32>} : memref<512xf32, #tpu.memory_space<vmem>>, vector<16xf32>,
    %iota3A_1441 = tpu.iota {dimensions = array<i32: 0>} : vector<16xi32>
    %add3A_1442 = arith.constant 80 : i32
    %add3A_1443 = vector.broadcast %add3A_1442 : i32 to vector<16xi32>
    %add3A_1444 = arith.addi %iota3A_1441, %add3A_1443 : vector<16xi32>
    %gather3A_1445 = tpu.vector_load_idx %arg17[%add3A_1444, %broadcast_in_dim3A_1298] : memref<512x16xf32, #tpu.memory_space<vmem>>[vector<16xi32>, vector<16xi32>], vector<16xf32>,
    %get3A_1446 = arith.constant 0 : i32
    %get3A_1447 = arith.constant 0 : i32
    %get3A_1448 = tpu.memref_slice %arg9[%get3A_1446, %get3A_1447] : memref<4x128xi32, #tpu.memory_space<vmem>> -> memref<1x128xi32, #tpu.memory_space<vmem>>
    %get3A_1449 = tpu.memref_squeeze %get3A_1448 : memref<1x128xi32, #tpu.memory_space<vmem>> -> memref<128xi32, #tpu.memory_space<vmem>>
    %get3A_1450 = arith.constant 80 : index
    %get3A_1451 = tpu.vector_load %get3A_1449[%get3A_1450] {strides = array<i32>} : memref<128xi32, #tpu.memory_space<vmem>>, vector<16xi32>,
    %and3A_1452 = arith.constant 15 : i32
    %and3A_1453 = vector.broadcast %and3A_1452 : i32 to vector<16xi32>
    %and3A_1454 = arith.andi %get3A_1451, %and3A_1453 : vector<16xi32>
    %gather3A_1455 = tpu.vector_load_idx %arg15[%add3A_1444, %and3A_1454] : memref<512x16xf32, #tpu.memory_space<vmem>>[vector<16xi32>, vector<16xi32>], vector<16xf32>,
    %get3A_1456 = arith.constant 0 : i32
    %get3A_1457 = arith.constant 0 : i32
    %get3A_1458 = tpu.memref_slice %arg10[%get3A_1456, %get3A_1457] : memref<4x128xi32, #tpu.memory_space<vmem>> -> memref<1x128xi32, #tpu.memory_space<vmem>>
    %get3A_1459 = tpu.memref_squeeze %get3A_1458 : memref<1x128xi32, #tpu.memory_space<vmem>> -> memref<128xi32, #tpu.memory_space<vmem>>
    %get3A_1460 = arith.constant 80 : index
    %get3A_1461 = tpu.vector_load %get3A_1459[%get3A_1460] {strides = array<i32>} : memref<128xi32, #tpu.memory_space<vmem>>, vector<16xi32>,
    %and3A_1462 = arith.constant 15 : i32
    %and3A_1463 = vector.broadcast %and3A_1462 : i32 to vector<16xi32>
    %and3A_1464 = arith.andi %get3A_1461, %and3A_1463 : vector<16xi32>
    %gather3A_1465 = tpu.vector_load_idx %arg16[%add3A_1444, %and3A_1464] : memref<512x16xf32, #tpu.memory_space<vmem>>[vector<16xi32>, vector<16xi32>], vector<16xf32>,
    %add3A_1466 = arith.addf %gather3A_1445, %gather3A_1455 : vector<16xf32>
    %add3A_1467 = arith.addf %add3A_1466, %gather3A_1465 : vector<16xf32>
    %swap3A_1468 = arith.constant 80 : index
    %swap3A_1469 = tpu.vector_load %arg18[%swap3A_1468] {strides = array<i32>} : memref<512xf32, #tpu.memory_space<vmem>>, vector<16xf32>,
    tpu.vector_store %arg18[%swap3A_1468], %add3A_1467 {strides = array<i32>} : memref<512xf32, #tpu.memory_space<vmem>>, vector<16xf32>,
    %iota3A_1470 = tpu.iota {dimensions = array<i32: 0>} : vector<16xi32>
    %add3A_1471 = arith.constant 96 : i32
    %add3A_1472 = vector.broadcast %add3A_1471 : i32 to vector<16xi32>
    %add3A_1473 = arith.addi %iota3A_1470, %add3A_1472 : vector<16xi32>
    %gather3A_1474 = tpu.vector_load_idx %arg17[%add3A_1473, %broadcast_in_dim3A_1298] : memref<512x16xf32, #tpu.memory_space<vmem>>[vector<16xi32>, vector<16xi32>], vector<16xf32>,
    %get3A_1475 = arith.constant 0 : i32
    %get3A_1476 = arith.constant 0 : i32
    %get3A_1477 = tpu.memref_slice %arg9[%get3A_1475, %get3A_1476] : memref<4x128xi32, #tpu.memory_space<vmem>> -> memref<1x128xi32, #tpu.memory_space<vmem>>
    %get3A_1478 = tpu.memref_squeeze %get3A_1477 : memref<1x128xi32, #tpu.memory_space<vmem>> -> memref<128xi32, #tpu.memory_space<vmem>>
    %get3A_1479 = arith.constant 96 : index
    %get3A_1480 = tpu.vector_load %get3A_1478[%get3A_1479] {strides = array<i32>} : memref<128xi32, #tpu.memory_space<vmem>>, vector<16xi32>,
    %and3A_1481 = arith.constant 15 : i32
    %and3A_1482 = vector.broadcast %and3A_1481 : i32 to vector<16xi32>
    %and3A_1483 = arith.andi %get3A_1480, %and3A_1482 : vector<16xi32>
    %gather3A_1484 = tpu.vector_load_idx %arg15[%add3A_1473, %and3A_1483] : memref<512x16xf32, #tpu.memory_space<vmem>>[vector<16xi32>, vector<16xi32>], vector<16xf32>,
    %get3A_1485 = arith.constant 0 : i32
    %get3A_1486 = arith.constant 0 : i32
    %get3A_1487 = tpu.memref_slice %arg10[%get3A_1485, %get3A_1486] : memref<4x128xi32, #tpu.memory_space<vmem>> -> memref<1x128xi32, #tpu.memory_space<vmem>>
    %get3A_1488 = tpu.memref_squeeze %get3A_1487 : memref<1x128xi32, #tpu.memory_space<vmem>> -> memref<128xi32, #tpu.memory_space<vmem>>
    %get3A_1489 = arith.constant 96 : index
    %get3A_1490 = tpu.vector_load %get3A_1488[%get3A_1489] {strides = array<i32>} : memref<128xi32, #tpu.memory_space<vmem>>, vector<16xi32>,
    %and3A_1491 = arith.constant 15 : i32
    %and3A_1492 = vector.broadcast %and3A_1491 : i32 to vector<16xi32>
    %and3A_1493 = arith.andi %get3A_1490, %and3A_1492 : vector<16xi32>
    %gather3A_1494 = tpu.vector_load_idx %arg16[%add3A_1473, %and3A_1493] : memref<512x16xf32, #tpu.memory_space<vmem>>[vector<16xi32>, vector<16xi32>], vector<16xf32>,
    %add3A_1495 = arith.addf %gather3A_1474, %gather3A_1484 : vector<16xf32>
    %add3A_1496 = arith.addf %add3A_1495, %gather3A_1494 : vector<16xf32>
    %swap3A_1497 = arith.constant 96 : index
    %swap3A_1498 = tpu.vector_load %arg18[%swap3A_1497] {strides = array<i32>} : memref<512xf32, #tpu.memory_space<vmem>>, vector<16xf32>,
    tpu.vector_store %arg18[%swap3A_1497], %add3A_1496 {strides = array<i32>} : memref<512xf32, #tpu.memory_space<vmem>>, vector<16xf32>,
    %iota3A_1499 = tpu.iota {dimensions = array<i32: 0>} : vector<16xi32>
    %add3A_1500 = arith.constant 112 : i32
    %add3A_1501 = vector.broadcast %add3A_1500 : i32 to vector<16xi32>
    %add3A_1502 = arith.addi %iota3A_1499, %add3A_1501 : vector<16xi32>
    %gather3A_1503 = tpu.vector_load_idx %arg17[%add3A_1502, %broadcast_in_dim3A_1298] : memref<512x16xf32, #tpu.memory_space<vmem>>[vector<16xi32>, vector<16xi32>], vector<16xf32>,
    %get3A_1504 = arith.constant 0 : i32
    %get3A_1505 = arith.constant 0 : i32
    %get3A_1506 = tpu.memref_slice %arg9[%get3A_1504, %get3A_1505] : memref<4x128xi32, #tpu.memory_space<vmem>> -> memref<1x128xi32, #tpu.memory_space<vmem>>
    %get3A_1507 = tpu.memref_squeeze %get3A_1506 : memref<1x128xi32, #tpu.memory_space<vmem>> -> memref<128xi32, #tpu.memory_space<vmem>>
    %get3A_1508 = arith.constant 112 : index
    %get3A_1509 = tpu.vector_load %get3A_1507[%get3A_1508] {strides = array<i32>} : memref<128xi32, #tpu.memory_space<vmem>>, vector<16xi32>,
    %and3A_1510 = arith.constant 15 : i32
    %and3A_1511 = vector.broadcast %and3A_1510 : i32 to vector<16xi32>
    %and3A_1512 = arith.andi %get3A_1509, %and3A_1511 : vector<16xi32>
    %gather3A_1513 = tpu.vector_load_idx %arg15[%add3A_1502, %and3A_1512] : memref<512x16xf32, #tpu.memory_space<vmem>>[vector<16xi32>, vector<16xi32>], vector<16xf32>,
    %get3A_1514 = arith.constant 0 : i32
    %get3A_1515 = arith.constant 0 : i32
    %get3A_1516 = tpu.memref_slice %arg10[%get3A_1514, %get3A_1515] : memref<4x128xi32, #tpu.memory_space<vmem>> -> memref<1x128xi32, #tpu.memory_space<vmem>>
    %get3A_1517 = tpu.memref_squeeze %get3A_1516 : memref<1x128xi32, #tpu.memory_space<vmem>> -> memref<128xi32, #tpu.memory_space<vmem>>
    %get3A_1518 = arith.constant 112 : index
    %get3A_1519 = tpu.vector_load %get3A_1517[%get3A_1518] {strides = array<i32>} : memref<128xi32, #tpu.memory_space<vmem>>, vector<16xi32>,
    %and3A_1520 = arith.constant 15 : i32
    %and3A_1521 = vector.broadcast %and3A_1520 : i32 to vector<16xi32>
    %and3A_1522 = arith.andi %get3A_1519, %and3A_1521 : vector<16xi32>
    %gather3A_1523 = tpu.vector_load_idx %arg16[%add3A_1502, %and3A_1522] : memref<512x16xf32, #tpu.memory_space<vmem>>[vector<16xi32>, vector<16xi32>], vector<16xf32>,
    %add3A_1524 = arith.addf %gather3A_1503, %gather3A_1513 : vector<16xf32>
    %add3A_1525 = arith.addf %add3A_1524, %gather3A_1523 : vector<16xf32>
    %swap3A_1526 = arith.constant 112 : index
    %swap3A_1527 = tpu.vector_load %arg18[%swap3A_1526] {strides = array<i32>} : memref<512xf32, #tpu.memory_space<vmem>>, vector<16xf32>,
    tpu.vector_store %arg18[%swap3A_1526], %add3A_1525 {strides = array<i32>} : memref<512xf32, #tpu.memory_space<vmem>>, vector<16xf32>,
    %iota3A_1528 = tpu.iota {dimensions = array<i32: 0>} : vector<16xi32>
    %add3A_1529 = arith.constant 128 : i32
    %add3A_1530 = vector.broadcast %add3A_1529 : i32 to vector<16xi32>
    %add3A_1531 = arith.addi %iota3A_1528, %add3A_1530 : vector<16xi32>
    %gather3A_1532 = tpu.vector_load_idx %arg17[%add3A_1531, %broadcast_in_dim3A_1298] : memref<512x16xf32, #tpu.memory_space<vmem>>[vector<16xi32>, vector<16xi32>], vector<16xf32>,
    %get3A_1533 = arith.constant 1 : i32
    %get3A_1534 = arith.constant 0 : i32
    %get3A_1535 = tpu.memref_slice %arg9[%get3A_1533, %get3A_1534] : memref<4x128xi32, #tpu.memory_space<vmem>> -> memref<1x128xi32, #tpu.memory_space<vmem>>
    %get3A_1536 = tpu.memref_squeeze %get3A_1535 : memref<1x128xi32, #tpu.memory_space<vmem>> -> memref<128xi32, #tpu.memory_space<vmem>>
    %get3A_1537 = arith.constant 0 : index
    %get3A_1538 = tpu.vector_load %get3A_1536[%get3A_1537] {strides = array<i32>} : memref<128xi32, #tpu.memory_space<vmem>>, vector<16xi32>,
    %and3A_1539 = arith.constant 15 : i32
    %and3A_1540 = vector.broadcast %and3A_1539 : i32 to vector<16xi32>
    %and3A_1541 = arith.andi %get3A_1538, %and3A_1540 : vector<16xi32>
    %gather3A_1542 = tpu.vector_load_idx %arg15[%add3A_1531, %and3A_1541] : memref<512x16xf32, #tpu.memory_space<vmem>>[vector<16xi32>, vector<16xi32>], vector<16xf32>,
    %get3A_1543 = arith.constant 1 : i32
    %get3A_1544 = arith.constant 0 : i32
    %get3A_1545 = tpu.memref_slice %arg10[%get3A_1543, %get3A_1544] : memref<4x128xi32, #tpu.memory_space<vmem>> -> memref<1x128xi32, #tpu.memory_space<vmem>>
    %get3A_1546 = tpu.memref_squeeze %get3A_1545 : memref<1x128xi32, #tpu.memory_space<vmem>> -> memref<128xi32, #tpu.memory_space<vmem>>
    %get3A_1547 = arith.constant 0 : index
    %get3A_1548 = tpu.vector_load %get3A_1546[%get3A_1547] {strides = array<i32>} : memref<128xi32, #tpu.memory_space<vmem>>, vector<16xi32>,
    %and3A_1549 = arith.constant 15 : i32
    %and3A_1550 = vector.broadcast %and3A_1549 : i32 to vector<16xi32>
    %and3A_1551 = arith.andi %get3A_1548, %and3A_1550 : vector<16xi32>
    %gather3A_1552 = tpu.vector_load_idx %arg16[%add3A_1531, %and3A_1551] : memref<512x16xf32, #tpu.memory_space<vmem>>[vector<16xi32>, vector<16xi32>], vector<16xf32>,
    %add3A_1553 = arith.addf %gather3A_1532, %gather3A_1542 : vector<16xf32>
    %add3A_1554 = arith.addf %add3A_1553, %gather3A_1552 : vector<16xf32>
    %swap3A_1555 = arith.constant 128 : index
    %swap3A_1556 = tpu.vector_load %arg18[%swap3A_1555] {strides = array<i32>} : memref<512xf32, #tpu.memory_space<vmem>>, vector<16xf32>,
    tpu.vector_store %arg18[%swap3A_1555], %add3A_1554 {strides = array<i32>} : memref<512xf32, #tpu.memory_space<vmem>>, vector<16xf32>,
    %iota3A_1557 = tpu.iota {dimensions = array<i32: 0>} : vector<16xi32>
    %add3A_1558 = arith.constant 144 : i32
    %add3A_1559 = vector.broadcast %add3A_1558 : i32 to vector<16xi32>
    %add3A_1560 = arith.addi %iota3A_1557, %add3A_1559 : vector<16xi32>
    %gather3A_1561 = tpu.vector_load_idx %arg17[%add3A_1560, %broadcast_in_dim3A_1298] : memref<512x16xf32, #tpu.memory_space<vmem>>[vector<16xi32>, vector<16xi32>], vector<16xf32>,
    %get3A_1562 = arith.constant 1 : i32
    %get3A_1563 = arith.constant 0 : i32
    %get3A_1564 = tpu.memref_slice %arg9[%get3A_1562, %get3A_1563] : memref<4x128xi32, #tpu.memory_space<vmem>> -> memref<1x128xi32, #tpu.memory_space<vmem>>
    %get3A_1565 = tpu.memref_squeeze %get3A_1564 : memref<1x128xi32, #tpu.memory_space<vmem>> -> memref<128xi32, #tpu.memory_space<vmem>>
    %get3A_1566 = arith.constant 16 : index
    %get3A_1567 = tpu.vector_load %get3A_1565[%get3A_1566] {strides = array<i32>} : memref<128xi32, #tpu.memory_space<vmem>>, vector<16xi32>,
    %and3A_1568 = arith.constant 15 : i32
    %and3A_1569 = vector.broadcast %and3A_1568 : i32 to vector<16xi32>
    %and3A_1570 = arith.andi %get3A_1567, %and3A_1569 : vector<16xi32>
    %gather3A_1571 = tpu.vector_load_idx %arg15[%add3A_1560, %and3A_1570] : memref<512x16xf32, #tpu.memory_space<vmem>>[vector<16xi32>, vector<16xi32>], vector<16xf32>,
    %get3A_1572 = arith.constant 1 : i32
    %get3A_1573 = arith.constant 0 : i32
    %get3A_1574 = tpu.memref_slice %arg10[%get3A_1572, %get3A_1573] : memref<4x128xi32, #tpu.memory_space<vmem>> -> memref<1x128xi32, #tpu.memory_space<vmem>>
    %get3A_1575 = tpu.memref_squeeze %get3A_1574 : memref<1x128xi32, #tpu.memory_space<vmem>> -> memref<128xi32, #tpu.memory_space<vmem>>
    %get3A_1576 = arith.constant 16 : index
    %get3A_1577 = tpu.vector_load %get3A_1575[%get3A_1576] {strides = array<i32>} : memref<128xi32, #tpu.memory_space<vmem>>, vector<16xi32>,
    %and3A_1578 = arith.constant 15 : i32
    %and3A_1579 = vector.broadcast %and3A_1578 : i32 to vector<16xi32>
    %and3A_1580 = arith.andi %get3A_1577, %and3A_1579 : vector<16xi32>
    %gather3A_1581 = tpu.vector_load_idx %arg16[%add3A_1560, %and3A_1580] : memref<512x16xf32, #tpu.memory_space<vmem>>[vector<16xi32>, vector<16xi32>], vector<16xf32>,
    %add3A_1582 = arith.addf %gather3A_1561, %gather3A_1571 : vector<16xf32>
    %add3A_1583 = arith.addf %add3A_1582, %gather3A_1581 : vector<16xf32>
    %swap3A_1584 = arith.constant 144 : index
    %swap3A_1585 = tpu.vector_load %arg18[%swap3A_1584] {strides = array<i32>} : memref<512xf32, #tpu.memory_space<vmem>>, vector<16xf32>,
    tpu.vector_store %arg18[%swap3A_1584], %add3A_1583 {strides = array<i32>} : memref<512xf32, #tpu.memory_space<vmem>>, vector<16xf32>,
    %iota3A_1586 = tpu.iota {dimensions = array<i32: 0>} : vector<16xi32>
    %add3A_1587 = arith.constant 160 : i32
    %add3A_1588 = vector.broadcast %add3A_1587 : i32 to vector<16xi32>
    %add3A_1589 = arith.addi %iota3A_1586, %add3A_1588 : vector<16xi32>
    %gather3A_1590 = tpu.vector_load_idx %arg17[%add3A_1589, %broadcast_in_dim3A_1298] : memref<512x16xf32, #tpu.memory_space<vmem>>[vector<16xi32>, vector<16xi32>], vector<16xf32>,
    %get3A_1591 = arith.constant 1 : i32
    %get3A_1592 = arith.constant 0 : i32
    %get3A_1593 = tpu.memref_slice %arg9[%get3A_1591, %get3A_1592] : memref<4x128xi32, #tpu.memory_space<vmem>> -> memref<1x128xi32, #tpu.memory_space<vmem>>
    %get3A_1594 = tpu.memref_squeeze %get3A_1593 : memref<1x128xi32, #tpu.memory_space<vmem>> -> memref<128xi32, #tpu.memory_space<vmem>>
    %get3A_1595 = arith.constant 32 : index
    %get3A_1596 = tpu.vector_load %get3A_1594[%get3A_1595] {strides = array<i32>} : memref<128xi32, #tpu.memory_space<vmem>>, vector<16xi32>,
    %and3A_1597 = arith.constant 15 : i32
    %and3A_1598 = vector.broadcast %and3A_1597 : i32 to vector<16xi32>
    %and3A_1599 = arith.andi %get3A_1596, %and3A_1598 : vector<16xi32>
    %gather3A_1600 = tpu.vector_load_idx %arg15[%add3A_1589, %and3A_1599] : memref<512x16xf32, #tpu.memory_space<vmem>>[vector<16xi32>, vector<16xi32>], vector<16xf32>,
    %get3A_1601 = arith.constant 1 : i32
    %get3A_1602 = arith.constant 0 : i32
    %get3A_1603 = tpu.memref_slice %arg10[%get3A_1601, %get3A_1602] : memref<4x128xi32, #tpu.memory_space<vmem>> -> memref<1x128xi32, #tpu.memory_space<vmem>>
    %get3A_1604 = tpu.memref_squeeze %get3A_1603 : memref<1x128xi32, #tpu.memory_space<vmem>> -> memref<128xi32, #tpu.memory_space<vmem>>
    %get3A_1605 = arith.constant 32 : index
    %get3A_1606 = tpu.vector_load %get3A_1604[%get3A_1605] {strides = array<i32>} : memref<128xi32, #tpu.memory_space<vmem>>, vector<16xi32>,
    %and3A_1607 = arith.constant 15 : i32
    %and3A_1608 = vector.broadcast %and3A_1607 : i32 to vector<16xi32>
    %and3A_1609 = arith.andi %get3A_1606, %and3A_1608 : vector<16xi32>
    %gather3A_1610 = tpu.vector_load_idx %arg16[%add3A_1589, %and3A_1609] : memref<512x16xf32, #tpu.memory_space<vmem>>[vector<16xi32>, vector<16xi32>], vector<16xf32>,
    %add3A_1611 = arith.addf %gather3A_1590, %gather3A_1600 : vector<16xf32>
    %add3A_1612 = arith.addf %add3A_1611, %gather3A_1610 : vector<16xf32>
    %swap3A_1613 = arith.constant 160 : index
    %swap3A_1614 = tpu.vector_load %arg18[%swap3A_1613] {strides = array<i32>} : memref<512xf32, #tpu.memory_space<vmem>>, vector<16xf32>,
    tpu.vector_store %arg18[%swap3A_1613], %add3A_1612 {strides = array<i32>} : memref<512xf32, #tpu.memory_space<vmem>>, vector<16xf32>,
    %iota3A_1615 = tpu.iota {dimensions = array<i32: 0>} : vector<16xi32>
    %add3A_1616 = arith.constant 176 : i32
    %add3A_1617 = vector.broadcast %add3A_1616 : i32 to vector<16xi32>
    %add3A_1618 = arith.addi %iota3A_1615, %add3A_1617 : vector<16xi32>
    %gather3A_1619 = tpu.vector_load_idx %arg17[%add3A_1618, %broadcast_in_dim3A_1298] : memref<512x16xf32, #tpu.memory_space<vmem>>[vector<16xi32>, vector<16xi32>], vector<16xf32>,
    %get3A_1620 = arith.constant 1 : i32
    %get3A_1621 = arith.constant 0 : i32
    %get3A_1622 = tpu.memref_slice %arg9[%get3A_1620, %get3A_1621] : memref<4x128xi32, #tpu.memory_space<vmem>> -> memref<1x128xi32, #tpu.memory_space<vmem>>
    %get3A_1623 = tpu.memref_squeeze %get3A_1622 : memref<1x128xi32, #tpu.memory_space<vmem>> -> memref<128xi32, #tpu.memory_space<vmem>>
    %get3A_1624 = arith.constant 48 : index
    %get3A_1625 = tpu.vector_load %get3A_1623[%get3A_1624] {strides = array<i32>} : memref<128xi32, #tpu.memory_space<vmem>>, vector<16xi32>,
    %and3A_1626 = arith.constant 15 : i32
    %and3A_1627 = vector.broadcast %and3A_1626 : i32 to vector<16xi32>
    %and3A_1628 = arith.andi %get3A_1625, %and3A_1627 : vector<16xi32>
    %gather3A_1629 = tpu.vector_load_idx %arg15[%add3A_1618, %and3A_1628] : memref<512x16xf32, #tpu.memory_space<vmem>>[vector<16xi32>, vector<16xi32>], vector<16xf32>,
    %get3A_1630 = arith.constant 1 : i32
    %get3A_1631 = arith.constant 0 : i32
    %get3A_1632 = tpu.memref_slice %arg10[%get3A_1630, %get3A_1631] : memref<4x128xi32, #tpu.memory_space<vmem>> -> memref<1x128xi32, #tpu.memory_space<vmem>>
    %get3A_1633 = tpu.memref_squeeze %get3A_1632 : memref<1x128xi32, #tpu.memory_space<vmem>> -> memref<128xi32, #tpu.memory_space<vmem>>
    %get3A_1634 = arith.constant 48 : index
    %get3A_1635 = tpu.vector_load %get3A_1633[%get3A_1634] {strides = array<i32>} : memref<128xi32, #tpu.memory_space<vmem>>, vector<16xi32>,
    %and3A_1636 = arith.constant 15 : i32
    %and3A_1637 = vector.broadcast %and3A_1636 : i32 to vector<16xi32>
    %and3A_1638 = arith.andi %get3A_1635, %and3A_1637 : vector<16xi32>
    %gather3A_1639 = tpu.vector_load_idx %arg16[%add3A_1618, %and3A_1638] : memref<512x16xf32, #tpu.memory_space<vmem>>[vector<16xi32>, vector<16xi32>], vector<16xf32>,
    %add3A_1640 = arith.addf %gather3A_1619, %gather3A_1629 : vector<16xf32>
    %add3A_1641 = arith.addf %add3A_1640, %gather3A_1639 : vector<16xf32>
    %swap3A_1642 = arith.constant 176 : index
    %swap3A_1643 = tpu.vector_load %arg18[%swap3A_1642] {strides = array<i32>} : memref<512xf32, #tpu.memory_space<vmem>>, vector<16xf32>,
    tpu.vector_store %arg18[%swap3A_1642], %add3A_1641 {strides = array<i32>} : memref<512xf32, #tpu.memory_space<vmem>>, vector<16xf32>,
    %iota3A_1644 = tpu.iota {dimensions = array<i32: 0>} : vector<16xi32>
    %add3A_1645 = arith.constant 192 : i32
    %add3A_1646 = vector.broadcast %add3A_1645 : i32 to vector<16xi32>
    %add3A_1647 = arith.addi %iota3A_1644, %add3A_1646 : vector<16xi32>
    %gather3A_1648 = tpu.vector_load_idx %arg17[%add3A_1647, %broadcast_in_dim3A_1298] : memref<512x16xf32, #tpu.memory_space<vmem>>[vector<16xi32>, vector<16xi32>], vector<16xf32>,
    %get3A_1649 = arith.constant 1 : i32
    %get3A_1650 = arith.constant 0 : i32
    %get3A_1651 = tpu.memref_slice %arg9[%get3A_1649, %get3A_1650] : memref<4x128xi32, #tpu.memory_space<vmem>> -> memref<1x128xi32, #tpu.memory_space<vmem>>
    %get3A_1652 = tpu.memref_squeeze %get3A_1651 : memref<1x128xi32, #tpu.memory_space<vmem>> -> memref<128xi32, #tpu.memory_space<vmem>>
    %get3A_1653 = arith.constant 64 : index
    %get3A_1654 = tpu.vector_load %get3A_1652[%get3A_1653] {strides = array<i32>} : memref<128xi32, #tpu.memory_space<vmem>>, vector<16xi32>,
    %and3A_1655 = arith.constant 15 : i32
    %and3A_1656 = vector.broadcast %and3A_1655 : i32 to vector<16xi32>
    %and3A_1657 = arith.andi %get3A_1654, %and3A_1656 : vector<16xi32>
    %gather3A_1658 = tpu.vector_load_idx %arg15[%add3A_1647, %and3A_1657] : memref<512x16xf32, #tpu.memory_space<vmem>>[vector<16xi32>, vector<16xi32>], vector<16xf32>,
    %get3A_1659 = arith.constant 1 : i32
    %get3A_1660 = arith.constant 0 : i32
    %get3A_1661 = tpu.memref_slice %arg10[%get3A_1659, %get3A_1660] : memref<4x128xi32, #tpu.memory_space<vmem>> -> memref<1x128xi32, #tpu.memory_space<vmem>>
    %get3A_1662 = tpu.memref_squeeze %get3A_1661 : memref<1x128xi32, #tpu.memory_space<vmem>> -> memref<128xi32, #tpu.memory_space<vmem>>
    %get3A_1663 = arith.constant 64 : index
    %get3A_1664 = tpu.vector_load %get3A_1662[%get3A_1663] {strides = array<i32>} : memref<128xi32, #tpu.memory_space<vmem>>, vector<16xi32>,
    %and3A_1665 = arith.constant 15 : i32
    %and3A_1666 = vector.broadcast %and3A_1665 : i32 to vector<16xi32>
    %and3A_1667 = arith.andi %get3A_1664, %and3A_1666 : vector<16xi32>
    %gather3A_1668 = tpu.vector_load_idx %arg16[%add3A_1647, %and3A_1667] : memref<512x16xf32, #tpu.memory_space<vmem>>[vector<16xi32>, vector<16xi32>], vector<16xf32>,
    %add3A_1669 = arith.addf %gather3A_1648, %gather3A_1658 : vector<16xf32>
    %add3A_1670 = arith.addf %add3A_1669, %gather3A_1668 : vector<16xf32>
    %swap3A_1671 = arith.constant 192 : index
    %swap3A_1672 = tpu.vector_load %arg18[%swap3A_1671] {strides = array<i32>} : memref<512xf32, #tpu.memory_space<vmem>>, vector<16xf32>,
    tpu.vector_store %arg18[%swap3A_1671], %add3A_1670 {strides = array<i32>} : memref<512xf32, #tpu.memory_space<vmem>>, vector<16xf32>,
    %iota3A_1673 = tpu.iota {dimensions = array<i32: 0>} : vector<16xi32>
    %add3A_1674 = arith.constant 208 : i32
    %add3A_1675 = vector.broadcast %add3A_1674 : i32 to vector<16xi32>
    %add3A_1676 = arith.addi %iota3A_1673, %add3A_1675 : vector<16xi32>
    %gather3A_1677 = tpu.vector_load_idx %arg17[%add3A_1676, %broadcast_in_dim3A_1298] : memref<512x16xf32, #tpu.memory_space<vmem>>[vector<16xi32>, vector<16xi32>], vector<16xf32>,
    %get3A_1678 = arith.constant 1 : i32
    %get3A_1679 = arith.constant 0 : i32
    %get3A_1680 = tpu.memref_slice %arg9[%get3A_1678, %get3A_1679] : memref<4x128xi32, #tpu.memory_space<vmem>> -> memref<1x128xi32, #tpu.memory_space<vmem>>
    %get3A_1681 = tpu.memref_squeeze %get3A_1680 : memref<1x128xi32, #tpu.memory_space<vmem>> -> memref<128xi32, #tpu.memory_space<vmem>>
    %get3A_1682 = arith.constant 80 : index
    %get3A_1683 = tpu.vector_load %get3A_1681[%get3A_1682] {strides = array<i32>} : memref<128xi32, #tpu.memory_space<vmem>>, vector<16xi32>,
    %and3A_1684 = arith.constant 15 : i32
    %and3A_1685 = vector.broadcast %and3A_1684 : i32 to vector<16xi32>
    %and3A_1686 = arith.andi %get3A_1683, %and3A_1685 : vector<16xi32>
    %gather3A_1687 = tpu.vector_load_idx %arg15[%add3A_1676, %and3A_1686] : memref<512x16xf32, #tpu.memory_space<vmem>>[vector<16xi32>, vector<16xi32>], vector<16xf32>,
    %get3A_1688 = arith.constant 1 : i32
    %get3A_1689 = arith.constant 0 : i32
    %get3A_1690 = tpu.memref_slice %arg10[%get3A_1688, %get3A_1689] : memref<4x128xi32, #tpu.memory_space<vmem>> -> memref<1x128xi32, #tpu.memory_space<vmem>>
    %get3A_1691 = tpu.memref_squeeze %get3A_1690 : memref<1x128xi32, #tpu.memory_space<vmem>> -> memref<128xi32, #tpu.memory_space<vmem>>
    %get3A_1692 = arith.constant 80 : index
    %get3A_1693 = tpu.vector_load %get3A_1691[%get3A_1692] {strides = array<i32>} : memref<128xi32, #tpu.memory_space<vmem>>, vector<16xi32>,
    %and3A_1694 = arith.constant 15 : i32
    %and3A_1695 = vector.broadcast %and3A_1694 : i32 to vector<16xi32>
    %and3A_1696 = arith.andi %get3A_1693, %and3A_1695 : vector<16xi32>
    %gather3A_1697 = tpu.vector_load_idx %arg16[%add3A_1676, %and3A_1696] : memref<512x16xf32, #tpu.memory_space<vmem>>[vector<16xi32>, vector<16xi32>], vector<16xf32>,
    %add3A_1698 = arith.addf %gather3A_1677, %gather3A_1687 : vector<16xf32>
    %add3A_1699 = arith.addf %add3A_1698, %gather3A_1697 : vector<16xf32>
    %swap3A_1700 = arith.constant 208 : index
    %swap3A_1701 = tpu.vector_load %arg18[%swap3A_1700] {strides = array<i32>} : memref<512xf32, #tpu.memory_space<vmem>>, vector<16xf32>,
    tpu.vector_store %arg18[%swap3A_1700], %add3A_1699 {strides = array<i32>} : memref<512xf32, #tpu.memory_space<vmem>>, vector<16xf32>,
    %iota3A_1702 = tpu.iota {dimensions = array<i32: 0>} : vector<16xi32>
    %add3A_1703 = arith.constant 224 : i32
    %add3A_1704 = vector.broadcast %add3A_1703 : i32 to vector<16xi32>
    %add3A_1705 = arith.addi %iota3A_1702, %add3A_1704 : vector<16xi32>
    %gather3A_1706 = tpu.vector_load_idx %arg17[%add3A_1705, %broadcast_in_dim3A_1298] : memref<512x16xf32, #tpu.memory_space<vmem>>[vector<16xi32>, vector<16xi32>], vector<16xf32>,
    %get3A_1707 = arith.constant 1 : i32
    %get3A_1708 = arith.constant 0 : i32
    %get3A_1709 = tpu.memref_slice %arg9[%get3A_1707, %get3A_1708] : memref<4x128xi32, #tpu.memory_space<vmem>> -> memref<1x128xi32, #tpu.memory_space<vmem>>
    %get3A_1710 = tpu.memref_squeeze %get3A_1709 : memref<1x128xi32, #tpu.memory_space<vmem>> -> memref<128xi32, #tpu.memory_space<vmem>>
    %get3A_1711 = arith.constant 96 : index
    %get3A_1712 = tpu.vector_load %get3A_1710[%get3A_1711] {strides = array<i32>} : memref<128xi32, #tpu.memory_space<vmem>>, vector<16xi32>,
    %and3A_1713 = arith.constant 15 : i32
    %and3A_1714 = vector.broadcast %and3A_1713 : i32 to vector<16xi32>
    %and3A_1715 = arith.andi %get3A_1712, %and3A_1714 : vector<16xi32>
    %gather3A_1716 = tpu.vector_load_idx %arg15[%add3A_1705, %and3A_1715] : memref<512x16xf32, #tpu.memory_space<vmem>>[vector<16xi32>, vector<16xi32>], vector<16xf32>,
    %get3A_1717 = arith.constant 1 : i32
    %get3A_1718 = arith.constant 0 : i32
    %get3A_1719 = tpu.memref_slice %arg10[%get3A_1717, %get3A_1718] : memref<4x128xi32, #tpu.memory_space<vmem>> -> memref<1x128xi32, #tpu.memory_space<vmem>>
    %get3A_1720 = tpu.memref_squeeze %get3A_1719 : memref<1x128xi32, #tpu.memory_space<vmem>> -> memref<128xi32, #tpu.memory_space<vmem>>
    %get3A_1721 = arith.constant 96 : index
    %get3A_1722 = tpu.vector_load %get3A_1720[%get3A_1721] {strides = array<i32>} : memref<128xi32, #tpu.memory_space<vmem>>, vector<16xi32>,
    %and3A_1723 = arith.constant 15 : i32
    %and3A_1724 = vector.broadcast %and3A_1723 : i32 to vector<16xi32>
    %and3A_1725 = arith.andi %get3A_1722, %and3A_1724 : vector<16xi32>
    %gather3A_1726 = tpu.vector_load_idx %arg16[%add3A_1705, %and3A_1725] : memref<512x16xf32, #tpu.memory_space<vmem>>[vector<16xi32>, vector<16xi32>], vector<16xf32>,
    %add3A_1727 = arith.addf %gather3A_1706, %gather3A_1716 : vector<16xf32>
    %add3A_1728 = arith.addf %add3A_1727, %gather3A_1726 : vector<16xf32>
    %swap3A_1729 = arith.constant 224 : index
    %swap3A_1730 = tpu.vector_load %arg18[%swap3A_1729] {strides = array<i32>} : memref<512xf32, #tpu.memory_space<vmem>>, vector<16xf32>,
    tpu.vector_store %arg18[%swap3A_1729], %add3A_1728 {strides = array<i32>} : memref<512xf32, #tpu.memory_space<vmem>>, vector<16xf32>,
    %iota3A_1731 = tpu.iota {dimensions = array<i32: 0>} : vector<16xi32>
    %add3A_1732 = arith.constant 240 : i32
    %add3A_1733 = vector.broadcast %add3A_1732 : i32 to vector<16xi32>
    %add3A_1734 = arith.addi %iota3A_1731, %add3A_1733 : vector<16xi32>
    %gather3A_1735 = tpu.vector_load_idx %arg17[%add3A_1734, %broadcast_in_dim3A_1298] : memref<512x16xf32, #tpu.memory_space<vmem>>[vector<16xi32>, vector<16xi32>], vector<16xf32>,
    %get3A_1736 = arith.constant 1 : i32
    %get3A_1737 = arith.constant 0 : i32
    %get3A_1738 = tpu.memref_slice %arg9[%get3A_1736, %get3A_1737] : memref<4x128xi32, #tpu.memory_space<vmem>> -> memref<1x128xi32, #tpu.memory_space<vmem>>
    %get3A_1739 = tpu.memref_squeeze %get3A_1738 : memref<1x128xi32, #tpu.memory_space<vmem>> -> memref<128xi32, #tpu.memory_space<vmem>>
    %get3A_1740 = arith.constant 112 : index
    %get3A_1741 = tpu.vector_load %get3A_1739[%get3A_1740] {strides = array<i32>} : memref<128xi32, #tpu.memory_space<vmem>>, vector<16xi32>,
    %and3A_1742 = arith.constant 15 : i32
    %and3A_1743 = vector.broadcast %and3A_1742 : i32 to vector<16xi32>
    %and3A_1744 = arith.andi %get3A_1741, %and3A_1743 : vector<16xi32>
    %gather3A_1745 = tpu.vector_load_idx %arg15[%add3A_1734, %and3A_1744] : memref<512x16xf32, #tpu.memory_space<vmem>>[vector<16xi32>, vector<16xi32>], vector<16xf32>,
    %get3A_1746 = arith.constant 1 : i32
    %get3A_1747 = arith.constant 0 : i32
    %get3A_1748 = tpu.memref_slice %arg10[%get3A_1746, %get3A_1747] : memref<4x128xi32, #tpu.memory_space<vmem>> -> memref<1x128xi32, #tpu.memory_space<vmem>>
    %get3A_1749 = tpu.memref_squeeze %get3A_1748 : memref<1x128xi32, #tpu.memory_space<vmem>> -> memref<128xi32, #tpu.memory_space<vmem>>
    %get3A_1750 = arith.constant 112 : index
    %get3A_1751 = tpu.vector_load %get3A_1749[%get3A_1750] {strides = array<i32>} : memref<128xi32, #tpu.memory_space<vmem>>, vector<16xi32>,
    %and3A_1752 = arith.constant 15 : i32
    %and3A_1753 = vector.broadcast %and3A_1752 : i32 to vector<16xi32>
    %and3A_1754 = arith.andi %get3A_1751, %and3A_1753 : vector<16xi32>
    %gather3A_1755 = tpu.vector_load_idx %arg16[%add3A_1734, %and3A_1754] : memref<512x16xf32, #tpu.memory_space<vmem>>[vector<16xi32>, vector<16xi32>], vector<16xf32>,
    %add3A_1756 = arith.addf %gather3A_1735, %gather3A_1745 : vector<16xf32>
    %add3A_1757 = arith.addf %add3A_1756, %gather3A_1755 : vector<16xf32>
    %swap3A_1758 = arith.constant 240 : index
    %swap3A_1759 = tpu.vector_load %arg18[%swap3A_1758] {strides = array<i32>} : memref<512xf32, #tpu.memory_space<vmem>>, vector<16xf32>,
    tpu.vector_store %arg18[%swap3A_1758], %add3A_1757 {strides = array<i32>} : memref<512xf32, #tpu.memory_space<vmem>>, vector<16xf32>,
    %iota3A_1760 = tpu.iota {dimensions = array<i32: 0>} : vector<16xi32>
    %add3A_1761 = arith.constant 256 : i32
    %add3A_1762 = vector.broadcast %add3A_1761 : i32 to vector<16xi32>
    %add3A_1763 = arith.addi %iota3A_1760, %add3A_1762 : vector<16xi32>
    %gather3A_1764 = tpu.vector_load_idx %arg17[%add3A_1763, %broadcast_in_dim3A_1298] : memref<512x16xf32, #tpu.memory_space<vmem>>[vector<16xi32>, vector<16xi32>], vector<16xf32>,
    %get3A_1765 = arith.constant 2 : i32
    %get3A_1766 = arith.constant 0 : i32
    %get3A_1767 = tpu.memref_slice %arg9[%get3A_1765, %get3A_1766] : memref<4x128xi32, #tpu.memory_space<vmem>> -> memref<1x128xi32, #tpu.memory_space<vmem>>
    %get3A_1768 = tpu.memref_squeeze %get3A_1767 : memref<1x128xi32, #tpu.memory_space<vmem>> -> memref<128xi32, #tpu.memory_space<vmem>>
    %get3A_1769 = arith.constant 0 : index
    %get3A_1770 = tpu.vector_load %get3A_1768[%get3A_1769] {strides = array<i32>} : memref<128xi32, #tpu.memory_space<vmem>>, vector<16xi32>,
    %and3A_1771 = arith.constant 15 : i32
    %and3A_1772 = vector.broadcast %and3A_1771 : i32 to vector<16xi32>
    %and3A_1773 = arith.andi %get3A_1770, %and3A_1772 : vector<16xi32>
    %gather3A_1774 = tpu.vector_load_idx %arg15[%add3A_1763, %and3A_1773] : memref<512x16xf32, #tpu.memory_space<vmem>>[vector<16xi32>, vector<16xi32>], vector<16xf32>,
    %get3A_1775 = arith.constant 2 : i32
    %get3A_1776 = arith.constant 0 : i32
    %get3A_1777 = tpu.memref_slice %arg10[%get3A_1775, %get3A_1776] : memref<4x128xi32, #tpu.memory_space<vmem>> -> memref<1x128xi32, #tpu.memory_space<vmem>>
    %get3A_1778 = tpu.memref_squeeze %get3A_1777 : memref<1x128xi32, #tpu.memory_space<vmem>> -> memref<128xi32, #tpu.memory_space<vmem>>
    %get3A_1779 = arith.constant 0 : index
    %get3A_1780 = tpu.vector_load %get3A_1778[%get3A_1779] {strides = array<i32>} : memref<128xi32, #tpu.memory_space<vmem>>, vector<16xi32>,
    %and3A_1781 = arith.constant 15 : i32
    %and3A_1782 = vector.broadcast %and3A_1781 : i32 to vector<16xi32>
    %and3A_1783 = arith.andi %get3A_1780, %and3A_1782 : vector<16xi32>
    %gather3A_1784 = tpu.vector_load_idx %arg16[%add3A_1763, %and3A_1783] : memref<512x16xf32, #tpu.memory_space<vmem>>[vector<16xi32>, vector<16xi32>], vector<16xf32>,
    %add3A_1785 = arith.addf %gather3A_1764, %gather3A_1774 : vector<16xf32>
    %add3A_1786 = arith.addf %add3A_1785, %gather3A_1784 : vector<16xf32>
    %swap3A_1787 = arith.constant 256 : index
    %swap3A_1788 = tpu.vector_load %arg18[%swap3A_1787] {strides = array<i32>} : memref<512xf32, #tpu.memory_space<vmem>>, vector<16xf32>,
    tpu.vector_store %arg18[%swap3A_1787], %add3A_1786 {strides = array<i32>} : memref<512xf32, #tpu.memory_space<vmem>>, vector<16xf32>,
    %iota3A_1789 = tpu.iota {dimensions = array<i32: 0>} : vector<16xi32>
    %add3A_1790 = arith.constant 272 : i32
    %add3A_1791 = vector.broadcast %add3A_1790 : i32 to vector<16xi32>
    %add3A_1792 = arith.addi %iota3A_1789, %add3A_1791 : vector<16xi32>
    %gather3A_1793 = tpu.vector_load_idx %arg17[%add3A_1792, %broadcast_in_dim3A_1298] : memref<512x16xf32, #tpu.memory_space<vmem>>[vector<16xi32>, vector<16xi32>], vector<16xf32>,
    %get3A_1794 = arith.constant 2 : i32
    %get3A_1795 = arith.constant 0 : i32
    %get3A_1796 = tpu.memref_slice %arg9[%get3A_1794, %get3A_1795] : memref<4x128xi32, #tpu.memory_space<vmem>> -> memref<1x128xi32, #tpu.memory_space<vmem>>
    %get3A_1797 = tpu.memref_squeeze %get3A_1796 : memref<1x128xi32, #tpu.memory_space<vmem>> -> memref<128xi32, #tpu.memory_space<vmem>>
    %get3A_1798 = arith.constant 16 : index
    %get3A_1799 = tpu.vector_load %get3A_1797[%get3A_1798] {strides = array<i32>} : memref<128xi32, #tpu.memory_space<vmem>>, vector<16xi32>,
    %and3A_1800 = arith.constant 15 : i32
    %and3A_1801 = vector.broadcast %and3A_1800 : i32 to vector<16xi32>
    %and3A_1802 = arith.andi %get3A_1799, %and3A_1801 : vector<16xi32>
    %gather3A_1803 = tpu.vector_load_idx %arg15[%add3A_1792, %and3A_1802] : memref<512x16xf32, #tpu.memory_space<vmem>>[vector<16xi32>, vector<16xi32>], vector<16xf32>,
    %get3A_1804 = arith.constant 2 : i32
    %get3A_1805 = arith.constant 0 : i32
    %get3A_1806 = tpu.memref_slice %arg10[%get3A_1804, %get3A_1805] : memref<4x128xi32, #tpu.memory_space<vmem>> -> memref<1x128xi32, #tpu.memory_space<vmem>>
    %get3A_1807 = tpu.memref_squeeze %get3A_1806 : memref<1x128xi32, #tpu.memory_space<vmem>> -> memref<128xi32, #tpu.memory_space<vmem>>
    %get3A_1808 = arith.constant 16 : index
    %get3A_1809 = tpu.vector_load %get3A_1807[%get3A_1808] {strides = array<i32>} : memref<128xi32, #tpu.memory_space<vmem>>, vector<16xi32>,
    %and3A_1810 = arith.constant 15 : i32
    %and3A_1811 = vector.broadcast %and3A_1810 : i32 to vector<16xi32>
    %and3A_1812 = arith.andi %get3A_1809, %and3A_1811 : vector<16xi32>
    %gather3A_1813 = tpu.vector_load_idx %arg16[%add3A_1792, %and3A_1812] : memref<512x16xf32, #tpu.memory_space<vmem>>[vector<16xi32>, vector<16xi32>], vector<16xf32>,
    %add3A_1814 = arith.addf %gather3A_1793, %gather3A_1803 : vector<16xf32>
    %add3A_1815 = arith.addf %add3A_1814, %gather3A_1813 : vector<16xf32>
    %swap3A_1816 = arith.constant 272 : index
    %swap3A_1817 = tpu.vector_load %arg18[%swap3A_1816] {strides = array<i32>} : memref<512xf32, #tpu.memory_space<vmem>>, vector<16xf32>,
    tpu.vector_store %arg18[%swap3A_1816], %add3A_1815 {strides = array<i32>} : memref<512xf32, #tpu.memory_space<vmem>>, vector<16xf32>,
    %iota3A_1818 = tpu.iota {dimensions = array<i32: 0>} : vector<16xi32>
    %add3A_1819 = arith.constant 288 : i32
    %add3A_1820 = vector.broadcast %add3A_1819 : i32 to vector<16xi32>
    %add3A_1821 = arith.addi %iota3A_1818, %add3A_1820 : vector<16xi32>
    %gather3A_1822 = tpu.vector_load_idx %arg17[%add3A_1821, %broadcast_in_dim3A_1298] : memref<512x16xf32, #tpu.memory_space<vmem>>[vector<16xi32>, vector<16xi32>], vector<16xf32>,
    %get3A_1823 = arith.constant 2 : i32
    %get3A_1824 = arith.constant 0 : i32
    %get3A_1825 = tpu.memref_slice %arg9[%get3A_1823, %get3A_1824] : memref<4x128xi32, #tpu.memory_space<vmem>> -> memref<1x128xi32, #tpu.memory_space<vmem>>
    %get3A_1826 = tpu.memref_squeeze %get3A_1825 : memref<1x128xi32, #tpu.memory_space<vmem>> -> memref<128xi32, #tpu.memory_space<vmem>>
    %get3A_1827 = arith.constant 32 : index
    %get3A_1828 = tpu.vector_load %get3A_1826[%get3A_1827] {strides = array<i32>} : memref<128xi32, #tpu.memory_space<vmem>>, vector<16xi32>,
    %and3A_1829 = arith.constant 15 : i32
    %and3A_1830 = vector.broadcast %and3A_1829 : i32 to vector<16xi32>
    %and3A_1831 = arith.andi %get3A_1828, %and3A_1830 : vector<16xi32>
    %gather3A_1832 = tpu.vector_load_idx %arg15[%add3A_1821, %and3A_1831] : memref<512x16xf32, #tpu.memory_space<vmem>>[vector<16xi32>, vector<16xi32>], vector<16xf32>,
    %get3A_1833 = arith.constant 2 : i32
    %get3A_1834 = arith.constant 0 : i32
    %get3A_1835 = tpu.memref_slice %arg10[%get3A_1833, %get3A_1834] : memref<4x128xi32, #tpu.memory_space<vmem>> -> memref<1x128xi32, #tpu.memory_space<vmem>>
    %get3A_1836 = tpu.memref_squeeze %get3A_1835 : memref<1x128xi32, #tpu.memory_space<vmem>> -> memref<128xi32, #tpu.memory_space<vmem>>
    %get3A_1837 = arith.constant 32 : index
    %get3A_1838 = tpu.vector_load %get3A_1836[%get3A_1837] {strides = array<i32>} : memref<128xi32, #tpu.memory_space<vmem>>, vector<16xi32>,
    %and3A_1839 = arith.constant 15 : i32
    %and3A_1840 = vector.broadcast %and3A_1839 : i32 to vector<16xi32>
    %and3A_1841 = arith.andi %get3A_1838, %and3A_1840 : vector<16xi32>
    %gather3A_1842 = tpu.vector_load_idx %arg16[%add3A_1821, %and3A_1841] : memref<512x16xf32, #tpu.memory_space<vmem>>[vector<16xi32>, vector<16xi32>], vector<16xf32>,
    %add3A_1843 = arith.addf %gather3A_1822, %gather3A_1832 : vector<16xf32>
    %add3A_1844 = arith.addf %add3A_1843, %gather3A_1842 : vector<16xf32>
    %swap3A_1845 = arith.constant 288 : index
    %swap3A_1846 = tpu.vector_load %arg18[%swap3A_1845] {strides = array<i32>} : memref<512xf32, #tpu.memory_space<vmem>>, vector<16xf32>,
    tpu.vector_store %arg18[%swap3A_1845], %add3A_1844 {strides = array<i32>} : memref<512xf32, #tpu.memory_space<vmem>>, vector<16xf32>,
    %iota3A_1847 = tpu.iota {dimensions = array<i32: 0>} : vector<16xi32>
    %add3A_1848 = arith.constant 304 : i32
    %add3A_1849 = vector.broadcast %add3A_1848 : i32 to vector<16xi32>
    %add3A_1850 = arith.addi %iota3A_1847, %add3A_1849 : vector<16xi32>
    %gather3A_1851 = tpu.vector_load_idx %arg17[%add3A_1850, %broadcast_in_dim3A_1298] : memref<512x16xf32, #tpu.memory_space<vmem>>[vector<16xi32>, vector<16xi32>], vector<16xf32>,
    %get3A_1852 = arith.constant 2 : i32
    %get3A_1853 = arith.constant 0 : i32
    %get3A_1854 = tpu.memref_slice %arg9[%get3A_1852, %get3A_1853] : memref<4x128xi32, #tpu.memory_space<vmem>> -> memref<1x128xi32, #tpu.memory_space<vmem>>
    %get3A_1855 = tpu.memref_squeeze %get3A_1854 : memref<1x128xi32, #tpu.memory_space<vmem>> -> memref<128xi32, #tpu.memory_space<vmem>>
    %get3A_1856 = arith.constant 48 : index
    %get3A_1857 = tpu.vector_load %get3A_1855[%get3A_1856] {strides = array<i32>} : memref<128xi32, #tpu.memory_space<vmem>>, vector<16xi32>,
    %and3A_1858 = arith.constant 15 : i32
    %and3A_1859 = vector.broadcast %and3A_1858 : i32 to vector<16xi32>
    %and3A_1860 = arith.andi %get3A_1857, %and3A_1859 : vector<16xi32>
    %gather3A_1861 = tpu.vector_load_idx %arg15[%add3A_1850, %and3A_1860] : memref<512x16xf32, #tpu.memory_space<vmem>>[vector<16xi32>, vector<16xi32>], vector<16xf32>,
    %get3A_1862 = arith.constant 2 : i32
    %get3A_1863 = arith.constant 0 : i32
    %get3A_1864 = tpu.memref_slice %arg10[%get3A_1862, %get3A_1863] : memref<4x128xi32, #tpu.memory_space<vmem>> -> memref<1x128xi32, #tpu.memory_space<vmem>>
    %get3A_1865 = tpu.memref_squeeze %get3A_1864 : memref<1x128xi32, #tpu.memory_space<vmem>> -> memref<128xi32, #tpu.memory_space<vmem>>
    %get3A_1866 = arith.constant 48 : index
    %get3A_1867 = tpu.vector_load %get3A_1865[%get3A_1866] {strides = array<i32>} : memref<128xi32, #tpu.memory_space<vmem>>, vector<16xi32>,
    %and3A_1868 = arith.constant 15 : i32
    %and3A_1869 = vector.broadcast %and3A_1868 : i32 to vector<16xi32>
    %and3A_1870 = arith.andi %get3A_1867, %and3A_1869 : vector<16xi32>
    %gather3A_1871 = tpu.vector_load_idx %arg16[%add3A_1850, %and3A_1870] : memref<512x16xf32, #tpu.memory_space<vmem>>[vector<16xi32>, vector<16xi32>], vector<16xf32>,
    %add3A_1872 = arith.addf %gather3A_1851, %gather3A_1861 : vector<16xf32>
    %add3A_1873 = arith.addf %add3A_1872, %gather3A_1871 : vector<16xf32>
    %swap3A_1874 = arith.constant 304 : index
    %swap3A_1875 = tpu.vector_load %arg18[%swap3A_1874] {strides = array<i32>} : memref<512xf32, #tpu.memory_space<vmem>>, vector<16xf32>,
    tpu.vector_store %arg18[%swap3A_1874], %add3A_1873 {strides = array<i32>} : memref<512xf32, #tpu.memory_space<vmem>>, vector<16xf32>,
    %iota3A_1876 = tpu.iota {dimensions = array<i32: 0>} : vector<16xi32>
    %add3A_1877 = arith.constant 320 : i32
    %add3A_1878 = vector.broadcast %add3A_1877 : i32 to vector<16xi32>
    %add3A_1879 = arith.addi %iota3A_1876, %add3A_1878 : vector<16xi32>
    %gather3A_1880 = tpu.vector_load_idx %arg17[%add3A_1879, %broadcast_in_dim3A_1298] : memref<512x16xf32, #tpu.memory_space<vmem>>[vector<16xi32>, vector<16xi32>], vector<16xf32>,
    %get3A_1881 = arith.constant 2 : i32
    %get3A_1882 = arith.constant 0 : i32
    %get3A_1883 = tpu.memref_slice %arg9[%get3A_1881, %get3A_1882] : memref<4x128xi32, #tpu.memory_space<vmem>> -> memref<1x128xi32, #tpu.memory_space<vmem>>
    %get3A_1884 = tpu.memref_squeeze %get3A_1883 : memref<1x128xi32, #tpu.memory_space<vmem>> -> memref<128xi32, #tpu.memory_space<vmem>>
    %get3A_1885 = arith.constant 64 : index
    %get3A_1886 = tpu.vector_load %get3A_1884[%get3A_1885] {strides = array<i32>} : memref<128xi32, #tpu.memory_space<vmem>>, vector<16xi32>,
    %and3A_1887 = arith.constant 15 : i32
    %and3A_1888 = vector.broadcast %and3A_1887 : i32 to vector<16xi32>
    %and3A_1889 = arith.andi %get3A_1886, %and3A_1888 : vector<16xi32>
    %gather3A_1890 = tpu.vector_load_idx %arg15[%add3A_1879, %and3A_1889] : memref<512x16xf32, #tpu.memory_space<vmem>>[vector<16xi32>, vector<16xi32>], vector<16xf32>,
    %get3A_1891 = arith.constant 2 : i32
    %get3A_1892 = arith.constant 0 : i32
    %get3A_1893 = tpu.memref_slice %arg10[%get3A_1891, %get3A_1892] : memref<4x128xi32, #tpu.memory_space<vmem>> -> memref<1x128xi32, #tpu.memory_space<vmem>>
    %get3A_1894 = tpu.memref_squeeze %get3A_1893 : memref<1x128xi32, #tpu.memory_space<vmem>> -> memref<128xi32, #tpu.memory_space<vmem>>
    %get3A_1895 = arith.constant 64 : index
    %get3A_1896 = tpu.vector_load %get3A_1894[%get3A_1895] {strides = array<i32>} : memref<128xi32, #tpu.memory_space<vmem>>, vector<16xi32>,
    %and3A_1897 = arith.constant 15 : i32
    %and3A_1898 = vector.broadcast %and3A_1897 : i32 to vector<16xi32>
    %and3A_1899 = arith.andi %get3A_1896, %and3A_1898 : vector<16xi32>
    %gather3A_1900 = tpu.vector_load_idx %arg16[%add3A_1879, %and3A_1899] : memref<512x16xf32, #tpu.memory_space<vmem>>[vector<16xi32>, vector<16xi32>], vector<16xf32>,
    %add3A_1901 = arith.addf %gather3A_1880, %gather3A_1890 : vector<16xf32>
    %add3A_1902 = arith.addf %add3A_1901, %gather3A_1900 : vector<16xf32>
    %swap3A_1903 = arith.constant 320 : index
    %swap3A_1904 = tpu.vector_load %arg18[%swap3A_1903] {strides = array<i32>} : memref<512xf32, #tpu.memory_space<vmem>>, vector<16xf32>,
    tpu.vector_store %arg18[%swap3A_1903], %add3A_1902 {strides = array<i32>} : memref<512xf32, #tpu.memory_space<vmem>>, vector<16xf32>,
    %iota3A_1905 = tpu.iota {dimensions = array<i32: 0>} : vector<16xi32>
    %add3A_1906 = arith.constant 336 : i32
    %add3A_1907 = vector.broadcast %add3A_1906 : i32 to vector<16xi32>
    %add3A_1908 = arith.addi %iota3A_1905, %add3A_1907 : vector<16xi32>
    %gather3A_1909 = tpu.vector_load_idx %arg17[%add3A_1908, %broadcast_in_dim3A_1298] : memref<512x16xf32, #tpu.memory_space<vmem>>[vector<16xi32>, vector<16xi32>], vector<16xf32>,
    %get3A_1910 = arith.constant 2 : i32
    %get3A_1911 = arith.constant 0 : i32
    %get3A_1912 = tpu.memref_slice %arg9[%get3A_1910, %get3A_1911] : memref<4x128xi32, #tpu.memory_space<vmem>> -> memref<1x128xi32, #tpu.memory_space<vmem>>
    %get3A_1913 = tpu.memref_squeeze %get3A_1912 : memref<1x128xi32, #tpu.memory_space<vmem>> -> memref<128xi32, #tpu.memory_space<vmem>>
    %get3A_1914 = arith.constant 80 : index
    %get3A_1915 = tpu.vector_load %get3A_1913[%get3A_1914] {strides = array<i32>} : memref<128xi32, #tpu.memory_space<vmem>>, vector<16xi32>,
    %and3A_1916 = arith.constant 15 : i32
    %and3A_1917 = vector.broadcast %and3A_1916 : i32 to vector<16xi32>
    %and3A_1918 = arith.andi %get3A_1915, %and3A_1917 : vector<16xi32>
    %gather3A_1919 = tpu.vector_load_idx %arg15[%add3A_1908, %and3A_1918] : memref<512x16xf32, #tpu.memory_space<vmem>>[vector<16xi32>, vector<16xi32>], vector<16xf32>,
    %get3A_1920 = arith.constant 2 : i32
    %get3A_1921 = arith.constant 0 : i32
    %get3A_1922 = tpu.memref_slice %arg10[%get3A_1920, %get3A_1921] : memref<4x128xi32, #tpu.memory_space<vmem>> -> memref<1x128xi32, #tpu.memory_space<vmem>>
    %get3A_1923 = tpu.memref_squeeze %get3A_1922 : memref<1x128xi32, #tpu.memory_space<vmem>> -> memref<128xi32, #tpu.memory_space<vmem>>
    %get3A_1924 = arith.constant 80 : index
    %get3A_1925 = tpu.vector_load %get3A_1923[%get3A_1924] {strides = array<i32>} : memref<128xi32, #tpu.memory_space<vmem>>, vector<16xi32>,
    %and3A_1926 = arith.constant 15 : i32
    %and3A_1927 = vector.broadcast %and3A_1926 : i32 to vector<16xi32>
    %and3A_1928 = arith.andi %get3A_1925, %and3A_1927 : vector<16xi32>
    %gather3A_1929 = tpu.vector_load_idx %arg16[%add3A_1908, %and3A_1928] : memref<512x16xf32, #tpu.memory_space<vmem>>[vector<16xi32>, vector<16xi32>], vector<16xf32>,
    %add3A_1930 = arith.addf %gather3A_1909, %gather3A_1919 : vector<16xf32>
    %add3A_1931 = arith.addf %add3A_1930, %gather3A_1929 : vector<16xf32>
    %swap3A_1932 = arith.constant 336 : index
    %swap3A_1933 = tpu.vector_load %arg18[%swap3A_1932] {strides = array<i32>} : memref<512xf32, #tpu.memory_space<vmem>>, vector<16xf32>,
    tpu.vector_store %arg18[%swap3A_1932], %add3A_1931 {strides = array<i32>} : memref<512xf32, #tpu.memory_space<vmem>>, vector<16xf32>,
    %iota3A_1934 = tpu.iota {dimensions = array<i32: 0>} : vector<16xi32>
    %add3A_1935 = arith.constant 352 : i32
    %add3A_1936 = vector.broadcast %add3A_1935 : i32 to vector<16xi32>
    %add3A_1937 = arith.addi %iota3A_1934, %add3A_1936 : vector<16xi32>
    %gather3A_1938 = tpu.vector_load_idx %arg17[%add3A_1937, %broadcast_in_dim3A_1298] : memref<512x16xf32, #tpu.memory_space<vmem>>[vector<16xi32>, vector<16xi32>], vector<16xf32>,
    %get3A_1939 = arith.constant 2 : i32
    %get3A_1940 = arith.constant 0 : i32
    %get3A_1941 = tpu.memref_slice %arg9[%get3A_1939, %get3A_1940] : memref<4x128xi32, #tpu.memory_space<vmem>> -> memref<1x128xi32, #tpu.memory_space<vmem>>
    %get3A_1942 = tpu.memref_squeeze %get3A_1941 : memref<1x128xi32, #tpu.memory_space<vmem>> -> memref<128xi32, #tpu.memory_space<vmem>>
    %get3A_1943 = arith.constant 96 : index
    %get3A_1944 = tpu.vector_load %get3A_1942[%get3A_1943] {strides = array<i32>} : memref<128xi32, #tpu.memory_space<vmem>>, vector<16xi32>,
    %and3A_1945 = arith.constant 15 : i32
    %and3A_1946 = vector.broadcast %and3A_1945 : i32 to vector<16xi32>
    %and3A_1947 = arith.andi %get3A_1944, %and3A_1946 : vector<16xi32>
    %gather3A_1948 = tpu.vector_load_idx %arg15[%add3A_1937, %and3A_1947] : memref<512x16xf32, #tpu.memory_space<vmem>>[vector<16xi32>, vector<16xi32>], vector<16xf32>,
    %get3A_1949 = arith.constant 2 : i32
    %get3A_1950 = arith.constant 0 : i32
    %get3A_1951 = tpu.memref_slice %arg10[%get3A_1949, %get3A_1950] : memref<4x128xi32, #tpu.memory_space<vmem>> -> memref<1x128xi32, #tpu.memory_space<vmem>>
    %get3A_1952 = tpu.memref_squeeze %get3A_1951 : memref<1x128xi32, #tpu.memory_space<vmem>> -> memref<128xi32, #tpu.memory_space<vmem>>
    %get3A_1953 = arith.constant 96 : index
    %get3A_1954 = tpu.vector_load %get3A_1952[%get3A_1953] {strides = array<i32>} : memref<128xi32, #tpu.memory_space<vmem>>, vector<16xi32>,
    %and3A_1955 = arith.constant 15 : i32
    %and3A_1956 = vector.broadcast %and3A_1955 : i32 to vector<16xi32>
    %and3A_1957 = arith.andi %get3A_1954, %and3A_1956 : vector<16xi32>
    %gather3A_1958 = tpu.vector_load_idx %arg16[%add3A_1937, %and3A_1957] : memref<512x16xf32, #tpu.memory_space<vmem>>[vector<16xi32>, vector<16xi32>], vector<16xf32>,
    %add3A_1959 = arith.addf %gather3A_1938, %gather3A_1948 : vector<16xf32>
    %add3A_1960 = arith.addf %add3A_1959, %gather3A_1958 : vector<16xf32>
    %swap3A_1961 = arith.constant 352 : index
    %swap3A_1962 = tpu.vector_load %arg18[%swap3A_1961] {strides = array<i32>} : memref<512xf32, #tpu.memory_space<vmem>>, vector<16xf32>,
    tpu.vector_store %arg18[%swap3A_1961], %add3A_1960 {strides = array<i32>} : memref<512xf32, #tpu.memory_space<vmem>>, vector<16xf32>,
    %iota3A_1963 = tpu.iota {dimensions = array<i32: 0>} : vector<16xi32>
    %add3A_1964 = arith.constant 368 : i32
    %add3A_1965 = vector.broadcast %add3A_1964 : i32 to vector<16xi32>
    %add3A_1966 = arith.addi %iota3A_1963, %add3A_1965 : vector<16xi32>
    %gather3A_1967 = tpu.vector_load_idx %arg17[%add3A_1966, %broadcast_in_dim3A_1298] : memref<512x16xf32, #tpu.memory_space<vmem>>[vector<16xi32>, vector<16xi32>], vector<16xf32>,
    %get3A_1968 = arith.constant 2 : i32
    %get3A_1969 = arith.constant 0 : i32
    %get3A_1970 = tpu.memref_slice %arg9[%get3A_1968, %get3A_1969] : memref<4x128xi32, #tpu.memory_space<vmem>> -> memref<1x128xi32, #tpu.memory_space<vmem>>
    %get3A_1971 = tpu.memref_squeeze %get3A_1970 : memref<1x128xi32, #tpu.memory_space<vmem>> -> memref<128xi32, #tpu.memory_space<vmem>>
    %get3A_1972 = arith.constant 112 : index
    %get3A_1973 = tpu.vector_load %get3A_1971[%get3A_1972] {strides = array<i32>} : memref<128xi32, #tpu.memory_space<vmem>>, vector<16xi32>,
    %and3A_1974 = arith.constant 15 : i32
    %and3A_1975 = vector.broadcast %and3A_1974 : i32 to vector<16xi32>
    %and3A_1976 = arith.andi %get3A_1973, %and3A_1975 : vector<16xi32>
    %gather3A_1977 = tpu.vector_load_idx %arg15[%add3A_1966, %and3A_1976] : memref<512x16xf32, #tpu.memory_space<vmem>>[vector<16xi32>, vector<16xi32>], vector<16xf32>,
    %get3A_1978 = arith.constant 2 : i32
    %get3A_1979 = arith.constant 0 : i32
    %get3A_1980 = tpu.memref_slice %arg10[%get3A_1978, %get3A_1979] : memref<4x128xi32, #tpu.memory_space<vmem>> -> memref<1x128xi32, #tpu.memory_space<vmem>>
    %get3A_1981 = tpu.memref_squeeze %get3A_1980 : memref<1x128xi32, #tpu.memory_space<vmem>> -> memref<128xi32, #tpu.memory_space<vmem>>
    %get3A_1982 = arith.constant 112 : index
    %get3A_1983 = tpu.vector_load %get3A_1981[%get3A_1982] {strides = array<i32>} : memref<128xi32, #tpu.memory_space<vmem>>, vector<16xi32>,
    %and3A_1984 = arith.constant 15 : i32
    %and3A_1985 = vector.broadcast %and3A_1984 : i32 to vector<16xi32>
    %and3A_1986 = arith.andi %get3A_1983, %and3A_1985 : vector<16xi32>
    %gather3A_1987 = tpu.vector_load_idx %arg16[%add3A_1966, %and3A_1986] : memref<512x16xf32, #tpu.memory_space<vmem>>[vector<16xi32>, vector<16xi32>], vector<16xf32>,
    %add3A_1988 = arith.addf %gather3A_1967, %gather3A_1977 : vector<16xf32>
    %add3A_1989 = arith.addf %add3A_1988, %gather3A_1987 : vector<16xf32>
    %swap3A_1990 = arith.constant 368 : index
    %swap3A_1991 = tpu.vector_load %arg18[%swap3A_1990] {strides = array<i32>} : memref<512xf32, #tpu.memory_space<vmem>>, vector<16xf32>,
    tpu.vector_store %arg18[%swap3A_1990], %add3A_1989 {strides = array<i32>} : memref<512xf32, #tpu.memory_space<vmem>>, vector<16xf32>,
    %iota3A_1992 = tpu.iota {dimensions = array<i32: 0>} : vector<16xi32>
    %add3A_1993 = arith.constant 384 : i32
    %add3A_1994 = vector.broadcast %add3A_1993 : i32 to vector<16xi32>
    %add3A_1995 = arith.addi %iota3A_1992, %add3A_1994 : vector<16xi32>
    %gather3A_1996 = tpu.vector_load_idx %arg17[%add3A_1995, %broadcast_in_dim3A_1298] : memref<512x16xf32, #tpu.memory_space<vmem>>[vector<16xi32>, vector<16xi32>], vector<16xf32>,
    %get3A_1997 = arith.constant 3 : i32
    %get3A_1998 = arith.constant 0 : i32
    %get3A_1999 = tpu.memref_slice %arg9[%get3A_1997, %get3A_1998] : memref<4x128xi32, #tpu.memory_space<vmem>> -> memref<1x128xi32, #tpu.memory_space<vmem>>
    %get3A_2000 = tpu.memref_squeeze %get3A_1999 : memref<1x128xi32, #tpu.memory_space<vmem>> -> memref<128xi32, #tpu.memory_space<vmem>>
    %get3A_2001 = arith.constant 0 : index
    %get3A_2002 = tpu.vector_load %get3A_2000[%get3A_2001] {strides = array<i32>} : memref<128xi32, #tpu.memory_space<vmem>>, vector<16xi32>,
    %and3A_2003 = arith.constant 15 : i32
    %and3A_2004 = vector.broadcast %and3A_2003 : i32 to vector<16xi32>
    %and3A_2005 = arith.andi %get3A_2002, %and3A_2004 : vector<16xi32>
    %gather3A_2006 = tpu.vector_load_idx %arg15[%add3A_1995, %and3A_2005] : memref<512x16xf32, #tpu.memory_space<vmem>>[vector<16xi32>, vector<16xi32>], vector<16xf32>,
    %get3A_2007 = arith.constant 3 : i32
    %get3A_2008 = arith.constant 0 : i32
    %get3A_2009 = tpu.memref_slice %arg10[%get3A_2007, %get3A_2008] : memref<4x128xi32, #tpu.memory_space<vmem>> -> memref<1x128xi32, #tpu.memory_space<vmem>>
    %get3A_2010 = tpu.memref_squeeze %get3A_2009 : memref<1x128xi32, #tpu.memory_space<vmem>> -> memref<128xi32, #tpu.memory_space<vmem>>
    %get3A_2011 = arith.constant 0 : index
    %get3A_2012 = tpu.vector_load %get3A_2010[%get3A_2011] {strides = array<i32>} : memref<128xi32, #tpu.memory_space<vmem>>, vector<16xi32>,
    %and3A_2013 = arith.constant 15 : i32
    %and3A_2014 = vector.broadcast %and3A_2013 : i32 to vector<16xi32>
    %and3A_2015 = arith.andi %get3A_2012, %and3A_2014 : vector<16xi32>
    %gather3A_2016 = tpu.vector_load_idx %arg16[%add3A_1995, %and3A_2015] : memref<512x16xf32, #tpu.memory_space<vmem>>[vector<16xi32>, vector<16xi32>], vector<16xf32>,
    %add3A_2017 = arith.addf %gather3A_1996, %gather3A_2006 : vector<16xf32>
    %add3A_2018 = arith.addf %add3A_2017, %gather3A_2016 : vector<16xf32>
    %swap3A_2019 = arith.constant 384 : index
    %swap3A_2020 = tpu.vector_load %arg18[%swap3A_2019] {strides = array<i32>} : memref<512xf32, #tpu.memory_space<vmem>>, vector<16xf32>,
    tpu.vector_store %arg18[%swap3A_2019], %add3A_2018 {strides = array<i32>} : memref<512xf32, #tpu.memory_space<vmem>>, vector<16xf32>,
    %iota3A_2021 = tpu.iota {dimensions = array<i32: 0>} : vector<16xi32>
    %add3A_2022 = arith.constant 400 : i32
    %add3A_2023 = vector.broadcast %add3A_2022 : i32 to vector<16xi32>
    %add3A_2024 = arith.addi %iota3A_2021, %add3A_2023 : vector<16xi32>
    %gather3A_2025 = tpu.vector_load_idx %arg17[%add3A_2024, %broadcast_in_dim3A_1298] : memref<512x16xf32, #tpu.memory_space<vmem>>[vector<16xi32>, vector<16xi32>], vector<16xf32>,
    %get3A_2026 = arith.constant 3 : i32
    %get3A_2027 = arith.constant 0 : i32
    %get3A_2028 = tpu.memref_slice %arg9[%get3A_2026, %get3A_2027] : memref<4x128xi32, #tpu.memory_space<vmem>> -> memref<1x128xi32, #tpu.memory_space<vmem>>
    %get3A_2029 = tpu.memref_squeeze %get3A_2028 : memref<1x128xi32, #tpu.memory_space<vmem>> -> memref<128xi32, #tpu.memory_space<vmem>>
    %get3A_2030 = arith.constant 16 : index
    %get3A_2031 = tpu.vector_load %get3A_2029[%get3A_2030] {strides = array<i32>} : memref<128xi32, #tpu.memory_space<vmem>>, vector<16xi32>,
    %and3A_2032 = arith.constant 15 : i32
    %and3A_2033 = vector.broadcast %and3A_2032 : i32 to vector<16xi32>
    %and3A_2034 = arith.andi %get3A_2031, %and3A_2033 : vector<16xi32>
    %gather3A_2035 = tpu.vector_load_idx %arg15[%add3A_2024, %and3A_2034] : memref<512x16xf32, #tpu.memory_space<vmem>>[vector<16xi32>, vector<16xi32>], vector<16xf32>,
    %get3A_2036 = arith.constant 3 : i32
    %get3A_2037 = arith.constant 0 : i32
    %get3A_2038 = tpu.memref_slice %arg10[%get3A_2036, %get3A_2037] : memref<4x128xi32, #tpu.memory_space<vmem>> -> memref<1x128xi32, #tpu.memory_space<vmem>>
    %get3A_2039 = tpu.memref_squeeze %get3A_2038 : memref<1x128xi32, #tpu.memory_space<vmem>> -> memref<128xi32, #tpu.memory_space<vmem>>
    %get3A_2040 = arith.constant 16 : index
    %get3A_2041 = tpu.vector_load %get3A_2039[%get3A_2040] {strides = array<i32>} : memref<128xi32, #tpu.memory_space<vmem>>, vector<16xi32>,
    %and3A_2042 = arith.constant 15 : i32
    %and3A_2043 = vector.broadcast %and3A_2042 : i32 to vector<16xi32>
    %and3A_2044 = arith.andi %get3A_2041, %and3A_2043 : vector<16xi32>
    %gather3A_2045 = tpu.vector_load_idx %arg16[%add3A_2024, %and3A_2044] : memref<512x16xf32, #tpu.memory_space<vmem>>[vector<16xi32>, vector<16xi32>], vector<16xf32>,
    %add3A_2046 = arith.addf %gather3A_2025, %gather3A_2035 : vector<16xf32>
    %add3A_2047 = arith.addf %add3A_2046, %gather3A_2045 : vector<16xf32>
    %swap3A_2048 = arith.constant 400 : index
    %swap3A_2049 = tpu.vector_load %arg18[%swap3A_2048] {strides = array<i32>} : memref<512xf32, #tpu.memory_space<vmem>>, vector<16xf32>,
    tpu.vector_store %arg18[%swap3A_2048], %add3A_2047 {strides = array<i32>} : memref<512xf32, #tpu.memory_space<vmem>>, vector<16xf32>,
    %iota3A_2050 = tpu.iota {dimensions = array<i32: 0>} : vector<16xi32>
    %add3A_2051 = arith.constant 416 : i32
    %add3A_2052 = vector.broadcast %add3A_2051 : i32 to vector<16xi32>
    %add3A_2053 = arith.addi %iota3A_2050, %add3A_2052 : vector<16xi32>
    %gather3A_2054 = tpu.vector_load_idx %arg17[%add3A_2053, %broadcast_in_dim3A_1298] : memref<512x16xf32, #tpu.memory_space<vmem>>[vector<16xi32>, vector<16xi32>], vector<16xf32>,
    %get3A_2055 = arith.constant 3 : i32
    %get3A_2056 = arith.constant 0 : i32
    %get3A_2057 = tpu.memref_slice %arg9[%get3A_2055, %get3A_2056] : memref<4x128xi32, #tpu.memory_space<vmem>> -> memref<1x128xi32, #tpu.memory_space<vmem>>
    %get3A_2058 = tpu.memref_squeeze %get3A_2057 : memref<1x128xi32, #tpu.memory_space<vmem>> -> memref<128xi32, #tpu.memory_space<vmem>>
    %get3A_2059 = arith.constant 32 : index
    %get3A_2060 = tpu.vector_load %get3A_2058[%get3A_2059] {strides = array<i32>} : memref<128xi32, #tpu.memory_space<vmem>>, vector<16xi32>,
    %and3A_2061 = arith.constant 15 : i32
    %and3A_2062 = vector.broadcast %and3A_2061 : i32 to vector<16xi32>
    %and3A_2063 = arith.andi %get3A_2060, %and3A_2062 : vector<16xi32>
    %gather3A_2064 = tpu.vector_load_idx %arg15[%add3A_2053, %and3A_2063] : memref<512x16xf32, #tpu.memory_space<vmem>>[vector<16xi32>, vector<16xi32>], vector<16xf32>,
    %get3A_2065 = arith.constant 3 : i32
    %get3A_2066 = arith.constant 0 : i32
    %get3A_2067 = tpu.memref_slice %arg10[%get3A_2065, %get3A_2066] : memref<4x128xi32, #tpu.memory_space<vmem>> -> memref<1x128xi32, #tpu.memory_space<vmem>>
    %get3A_2068 = tpu.memref_squeeze %get3A_2067 : memref<1x128xi32, #tpu.memory_space<vmem>> -> memref<128xi32, #tpu.memory_space<vmem>>
    %get3A_2069 = arith.constant 32 : index
    %get3A_2070 = tpu.vector_load %get3A_2068[%get3A_2069] {strides = array<i32>} : memref<128xi32, #tpu.memory_space<vmem>>, vector<16xi32>,
    %and3A_2071 = arith.constant 15 : i32
    %and3A_2072 = vector.broadcast %and3A_2071 : i32 to vector<16xi32>
    %and3A_2073 = arith.andi %get3A_2070, %and3A_2072 : vector<16xi32>
    %gather3A_2074 = tpu.vector_load_idx %arg16[%add3A_2053, %and3A_2073] : memref<512x16xf32, #tpu.memory_space<vmem>>[vector<16xi32>, vector<16xi32>], vector<16xf32>,
    %add3A_2075 = arith.addf %gather3A_2054, %gather3A_2064 : vector<16xf32>
    %add3A_2076 = arith.addf %add3A_2075, %gather3A_2074 : vector<16xf32>
    %swap3A_2077 = arith.constant 416 : index
    %swap3A_2078 = tpu.vector_load %arg18[%swap3A_2077] {strides = array<i32>} : memref<512xf32, #tpu.memory_space<vmem>>, vector<16xf32>,
    tpu.vector_store %arg18[%swap3A_2077], %add3A_2076 {strides = array<i32>} : memref<512xf32, #tpu.memory_space<vmem>>, vector<16xf32>,
    %iota3A_2079 = tpu.iota {dimensions = array<i32: 0>} : vector<16xi32>
    %add3A_2080 = arith.constant 432 : i32
    %add3A_2081 = vector.broadcast %add3A_2080 : i32 to vector<16xi32>
    %add3A_2082 = arith.addi %iota3A_2079, %add3A_2081 : vector<16xi32>
    %gather3A_2083 = tpu.vector_load_idx %arg17[%add3A_2082, %broadcast_in_dim3A_1298] : memref<512x16xf32, #tpu.memory_space<vmem>>[vector<16xi32>, vector<16xi32>], vector<16xf32>,
    %get3A_2084 = arith.constant 3 : i32
    %get3A_2085 = arith.constant 0 : i32
    %get3A_2086 = tpu.memref_slice %arg9[%get3A_2084, %get3A_2085] : memref<4x128xi32, #tpu.memory_space<vmem>> -> memref<1x128xi32, #tpu.memory_space<vmem>>
    %get3A_2087 = tpu.memref_squeeze %get3A_2086 : memref<1x128xi32, #tpu.memory_space<vmem>> -> memref<128xi32, #tpu.memory_space<vmem>>
    %get3A_2088 = arith.constant 48 : index
    %get3A_2089 = tpu.vector_load %get3A_2087[%get3A_2088] {strides = array<i32>} : memref<128xi32, #tpu.memory_space<vmem>>, vector<16xi32>,
    %and3A_2090 = arith.constant 15 : i32
    %and3A_2091 = vector.broadcast %and3A_2090 : i32 to vector<16xi32>
    %and3A_2092 = arith.andi %get3A_2089, %and3A_2091 : vector<16xi32>
    %gather3A_2093 = tpu.vector_load_idx %arg15[%add3A_2082, %and3A_2092] : memref<512x16xf32, #tpu.memory_space<vmem>>[vector<16xi32>, vector<16xi32>], vector<16xf32>,
    %get3A_2094 = arith.constant 3 : i32
    %get3A_2095 = arith.constant 0 : i32
    %get3A_2096 = tpu.memref_slice %arg10[%get3A_2094, %get3A_2095] : memref<4x128xi32, #tpu.memory_space<vmem>> -> memref<1x128xi32, #tpu.memory_space<vmem>>
    %get3A_2097 = tpu.memref_squeeze %get3A_2096 : memref<1x128xi32, #tpu.memory_space<vmem>> -> memref<128xi32, #tpu.memory_space<vmem>>
    %get3A_2098 = arith.constant 48 : index
    %get3A_2099 = tpu.vector_load %get3A_2097[%get3A_2098] {strides = array<i32>} : memref<128xi32, #tpu.memory_space<vmem>>, vector<16xi32>,
    %and3A_2100 = arith.constant 15 : i32
    %and3A_2101 = vector.broadcast %and3A_2100 : i32 to vector<16xi32>
    %and3A_2102 = arith.andi %get3A_2099, %and3A_2101 : vector<16xi32>
    %gather3A_2103 = tpu.vector_load_idx %arg16[%add3A_2082, %and3A_2102] : memref<512x16xf32, #tpu.memory_space<vmem>>[vector<16xi32>, vector<16xi32>], vector<16xf32>,
    %add3A_2104 = arith.addf %gather3A_2083, %gather3A_2093 : vector<16xf32>
    %add3A_2105 = arith.addf %add3A_2104, %gather3A_2103 : vector<16xf32>
    %swap3A_2106 = arith.constant 432 : index
    %swap3A_2107 = tpu.vector_load %arg18[%swap3A_2106] {strides = array<i32>} : memref<512xf32, #tpu.memory_space<vmem>>, vector<16xf32>,
    tpu.vector_store %arg18[%swap3A_2106], %add3A_2105 {strides = array<i32>} : memref<512xf32, #tpu.memory_space<vmem>>, vector<16xf32>,
    %iota3A_2108 = tpu.iota {dimensions = array<i32: 0>} : vector<16xi32>
    %add3A_2109 = arith.constant 448 : i32
    %add3A_2110 = vector.broadcast %add3A_2109 : i32 to vector<16xi32>
    %add3A_2111 = arith.addi %iota3A_2108, %add3A_2110 : vector<16xi32>
    %gather3A_2112 = tpu.vector_load_idx %arg17[%add3A_2111, %broadcast_in_dim3A_1298] : memref<512x16xf32, #tpu.memory_space<vmem>>[vector<16xi32>, vector<16xi32>], vector<16xf32>,
    %get3A_2113 = arith.constant 3 : i32
    %get3A_2114 = arith.constant 0 : i32
    %get3A_2115 = tpu.memref_slice %arg9[%get3A_2113, %get3A_2114] : memref<4x128xi32, #tpu.memory_space<vmem>> -> memref<1x128xi32, #tpu.memory_space<vmem>>
    %get3A_2116 = tpu.memref_squeeze %get3A_2115 : memref<1x128xi32, #tpu.memory_space<vmem>> -> memref<128xi32, #tpu.memory_space<vmem>>
    %get3A_2117 = arith.constant 64 : index
    %get3A_2118 = tpu.vector_load %get3A_2116[%get3A_2117] {strides = array<i32>} : memref<128xi32, #tpu.memory_space<vmem>>, vector<16xi32>,
    %and3A_2119 = arith.constant 15 : i32
    %and3A_2120 = vector.broadcast %and3A_2119 : i32 to vector<16xi32>
    %and3A_2121 = arith.andi %get3A_2118, %and3A_2120 : vector<16xi32>
    %gather3A_2122 = tpu.vector_load_idx %arg15[%add3A_2111, %and3A_2121] : memref<512x16xf32, #tpu.memory_space<vmem>>[vector<16xi32>, vector<16xi32>], vector<16xf32>,
    %get3A_2123 = arith.constant 3 : i32
    %get3A_2124 = arith.constant 0 : i32
    %get3A_2125 = tpu.memref_slice %arg10[%get3A_2123, %get3A_2124] : memref<4x128xi32, #tpu.memory_space<vmem>> -> memref<1x128xi32, #tpu.memory_space<vmem>>
    %get3A_2126 = tpu.memref_squeeze %get3A_2125 : memref<1x128xi32, #tpu.memory_space<vmem>> -> memref<128xi32, #tpu.memory_space<vmem>>
    %get3A_2127 = arith.constant 64 : index
    %get3A_2128 = tpu.vector_load %get3A_2126[%get3A_2127] {strides = array<i32>} : memref<128xi32, #tpu.memory_space<vmem>>, vector<16xi32>,
    %and3A_2129 = arith.constant 15 : i32
    %and3A_2130 = vector.broadcast %and3A_2129 : i32 to vector<16xi32>
    %and3A_2131 = arith.andi %get3A_2128, %and3A_2130 : vector<16xi32>
    %gather3A_2132 = tpu.vector_load_idx %arg16[%add3A_2111, %and3A_2131] : memref<512x16xf32, #tpu.memory_space<vmem>>[vector<16xi32>, vector<16xi32>], vector<16xf32>,
    %add3A_2133 = arith.addf %gather3A_2112, %gather3A_2122 : vector<16xf32>
    %add3A_2134 = arith.addf %add3A_2133, %gather3A_2132 : vector<16xf32>
    %swap3A_2135 = arith.constant 448 : index
    %swap3A_2136 = tpu.vector_load %arg18[%swap3A_2135] {strides = array<i32>} : memref<512xf32, #tpu.memory_space<vmem>>, vector<16xf32>,
    tpu.vector_store %arg18[%swap3A_2135], %add3A_2134 {strides = array<i32>} : memref<512xf32, #tpu.memory_space<vmem>>, vector<16xf32>,
    %iota3A_2137 = tpu.iota {dimensions = array<i32: 0>} : vector<16xi32>
    %add3A_2138 = arith.constant 464 : i32
    %add3A_2139 = vector.broadcast %add3A_2138 : i32 to vector<16xi32>
    %add3A_2140 = arith.addi %iota3A_2137, %add3A_2139 : vector<16xi32>
    %gather3A_2141 = tpu.vector_load_idx %arg17[%add3A_2140, %broadcast_in_dim3A_1298] : memref<512x16xf32, #tpu.memory_space<vmem>>[vector<16xi32>, vector<16xi32>], vector<16xf32>,
    %get3A_2142 = arith.constant 3 : i32
    %get3A_2143 = arith.constant 0 : i32
    %get3A_2144 = tpu.memref_slice %arg9[%get3A_2142, %get3A_2143] : memref<4x128xi32, #tpu.memory_space<vmem>> -> memref<1x128xi32, #tpu.memory_space<vmem>>
    %get3A_2145 = tpu.memref_squeeze %get3A_2144 : memref<1x128xi32, #tpu.memory_space<vmem>> -> memref<128xi32, #tpu.memory_space<vmem>>
    %get3A_2146 = arith.constant 80 : index
    %get3A_2147 = tpu.vector_load %get3A_2145[%get3A_2146] {strides = array<i32>} : memref<128xi32, #tpu.memory_space<vmem>>, vector<16xi32>,
    %and3A_2148 = arith.constant 15 : i32
    %and3A_2149 = vector.broadcast %and3A_2148 : i32 to vector<16xi32>
    %and3A_2150 = arith.andi %get3A_2147, %and3A_2149 : vector<16xi32>
    %gather3A_2151 = tpu.vector_load_idx %arg15[%add3A_2140, %and3A_2150] : memref<512x16xf32, #tpu.memory_space<vmem>>[vector<16xi32>, vector<16xi32>], vector<16xf32>,
    %get3A_2152 = arith.constant 3 : i32
    %get3A_2153 = arith.constant 0 : i32
    %get3A_2154 = tpu.memref_slice %arg10[%get3A_2152, %get3A_2153] : memref<4x128xi32, #tpu.memory_space<vmem>> -> memref<1x128xi32, #tpu.memory_space<vmem>>
    %get3A_2155 = tpu.memref_squeeze %get3A_2154 : memref<1x128xi32, #tpu.memory_space<vmem>> -> memref<128xi32, #tpu.memory_space<vmem>>
    %get3A_2156 = arith.constant 80 : index
    %get3A_2157 = tpu.vector_load %get3A_2155[%get3A_2156] {strides = array<i32>} : memref<128xi32, #tpu.memory_space<vmem>>, vector<16xi32>,
    %and3A_2158 = arith.constant 15 : i32
    %and3A_2159 = vector.broadcast %and3A_2158 : i32 to vector<16xi32>
    %and3A_2160 = arith.andi %get3A_2157, %and3A_2159 : vector<16xi32>
    %gather3A_2161 = tpu.vector_load_idx %arg16[%add3A_2140, %and3A_2160] : memref<512x16xf32, #tpu.memory_space<vmem>>[vector<16xi32>, vector<16xi32>], vector<16xf32>,
    %add3A_2162 = arith.addf %gather3A_2141, %gather3A_2151 : vector<16xf32>
    %add3A_2163 = arith.addf %add3A_2162, %gather3A_2161 : vector<16xf32>
    %swap3A_2164 = arith.constant 464 : index
    %swap3A_2165 = tpu.vector_load %arg18[%swap3A_2164] {strides = array<i32>} : memref<512xf32, #tpu.memory_space<vmem>>, vector<16xf32>,
    tpu.vector_store %arg18[%swap3A_2164], %add3A_2163 {strides = array<i32>} : memref<512xf32, #tpu.memory_space<vmem>>, vector<16xf32>,
    %iota3A_2166 = tpu.iota {dimensions = array<i32: 0>} : vector<16xi32>
    %add3A_2167 = arith.constant 480 : i32
    %add3A_2168 = vector.broadcast %add3A_2167 : i32 to vector<16xi32>
    %add3A_2169 = arith.addi %iota3A_2166, %add3A_2168 : vector<16xi32>
    %gather3A_2170 = tpu.vector_load_idx %arg17[%add3A_2169, %broadcast_in_dim3A_1298] : memref<512x16xf32, #tpu.memory_space<vmem>>[vector<16xi32>, vector<16xi32>], vector<16xf32>,
    %get3A_2171 = arith.constant 3 : i32
    %get3A_2172 = arith.constant 0 : i32
    %get3A_2173 = tpu.memref_slice %arg9[%get3A_2171, %get3A_2172] : memref<4x128xi32, #tpu.memory_space<vmem>> -> memref<1x128xi32, #tpu.memory_space<vmem>>
    %get3A_2174 = tpu.memref_squeeze %get3A_2173 : memref<1x128xi32, #tpu.memory_space<vmem>> -> memref<128xi32, #tpu.memory_space<vmem>>
    %get3A_2175 = arith.constant 96 : index
    %get3A_2176 = tpu.vector_load %get3A_2174[%get3A_2175] {strides = array<i32>} : memref<128xi32, #tpu.memory_space<vmem>>, vector<16xi32>,
    %and3A_2177 = arith.constant 15 : i32
    %and3A_2178 = vector.broadcast %and3A_2177 : i32 to vector<16xi32>
    %and3A_2179 = arith.andi %get3A_2176, %and3A_2178 : vector<16xi32>
    %gather3A_2180 = tpu.vector_load_idx %arg15[%add3A_2169, %and3A_2179] : memref<512x16xf32, #tpu.memory_space<vmem>>[vector<16xi32>, vector<16xi32>], vector<16xf32>,
    %get3A_2181 = arith.constant 3 : i32
    %get3A_2182 = arith.constant 0 : i32
    %get3A_2183 = tpu.memref_slice %arg10[%get3A_2181, %get3A_2182] : memref<4x128xi32, #tpu.memory_space<vmem>> -> memref<1x128xi32, #tpu.memory_space<vmem>>
    %get3A_2184 = tpu.memref_squeeze %get3A_2183 : memref<1x128xi32, #tpu.memory_space<vmem>> -> memref<128xi32, #tpu.memory_space<vmem>>
    %get3A_2185 = arith.constant 96 : index
    %get3A_2186 = tpu.vector_load %get3A_2184[%get3A_2185] {strides = array<i32>} : memref<128xi32, #tpu.memory_space<vmem>>, vector<16xi32>,
    %and3A_2187 = arith.constant 15 : i32
    %and3A_2188 = vector.broadcast %and3A_2187 : i32 to vector<16xi32>
    %and3A_2189 = arith.andi %get3A_2186, %and3A_2188 : vector<16xi32>
    %gather3A_2190 = tpu.vector_load_idx %arg16[%add3A_2169, %and3A_2189] : memref<512x16xf32, #tpu.memory_space<vmem>>[vector<16xi32>, vector<16xi32>], vector<16xf32>,
    %add3A_2191 = arith.addf %gather3A_2170, %gather3A_2180 : vector<16xf32>
    %add3A_2192 = arith.addf %add3A_2191, %gather3A_2190 : vector<16xf32>
    %swap3A_2193 = arith.constant 480 : index
    %swap3A_2194 = tpu.vector_load %arg18[%swap3A_2193] {strides = array<i32>} : memref<512xf32, #tpu.memory_space<vmem>>, vector<16xf32>,
    tpu.vector_store %arg18[%swap3A_2193], %add3A_2192 {strides = array<i32>} : memref<512xf32, #tpu.memory_space<vmem>>, vector<16xf32>,
    %iota3A_2195 = tpu.iota {dimensions = array<i32: 0>} : vector<16xi32>
    %add3A_2196 = arith.constant 496 : i32
    %add3A_2197 = vector.broadcast %add3A_2196 : i32 to vector<16xi32>
    %add3A_2198 = arith.addi %iota3A_2195, %add3A_2197 : vector<16xi32>
    %gather3A_2199 = tpu.vector_load_idx %arg17[%add3A_2198, %broadcast_in_dim3A_1298] : memref<512x16xf32, #tpu.memory_space<vmem>>[vector<16xi32>, vector<16xi32>], vector<16xf32>,
    %get3A_2200 = arith.constant 3 : i32
    %get3A_2201 = arith.constant 0 : i32
    %get3A_2202 = tpu.memref_slice %arg9[%get3A_2200, %get3A_2201] : memref<4x128xi32, #tpu.memory_space<vmem>> -> memref<1x128xi32, #tpu.memory_space<vmem>>
    %get3A_2203 = tpu.memref_squeeze %get3A_2202 : memref<1x128xi32, #tpu.memory_space<vmem>> -> memref<128xi32, #tpu.memory_space<vmem>>
    %get3A_2204 = arith.constant 112 : index
    %get3A_2205 = tpu.vector_load %get3A_2203[%get3A_2204] {strides = array<i32>} : memref<128xi32, #tpu.memory_space<vmem>>, vector<16xi32>,
    %and3A_2206 = arith.constant 15 : i32
    %and3A_2207 = vector.broadcast %and3A_2206 : i32 to vector<16xi32>
    %and3A_2208 = arith.andi %get3A_2205, %and3A_2207 : vector<16xi32>
    %gather3A_2209 = tpu.vector_load_idx %arg15[%add3A_2198, %and3A_2208] : memref<512x16xf32, #tpu.memory_space<vmem>>[vector<16xi32>, vector<16xi32>], vector<16xf32>,
    %get3A_2210 = arith.constant 3 : i32
    %get3A_2211 = arith.constant 0 : i32
    %get3A_2212 = tpu.memref_slice %arg10[%get3A_2210, %get3A_2211] : memref<4x128xi32, #tpu.memory_space<vmem>> -> memref<1x128xi32, #tpu.memory_space<vmem>>
    %get3A_2213 = tpu.memref_squeeze %get3A_2212 : memref<1x128xi32, #tpu.memory_space<vmem>> -> memref<128xi32, #tpu.memory_space<vmem>>
    %get3A_2214 = arith.constant 112 : index
    %get3A_2215 = tpu.vector_load %get3A_2213[%get3A_2214] {strides = array<i32>} : memref<128xi32, #tpu.memory_space<vmem>>, vector<16xi32>,
    %and3A_2216 = arith.constant 15 : i32
    %and3A_2217 = vector.broadcast %and3A_2216 : i32 to vector<16xi32>
    %and3A_2218 = arith.andi %get3A_2215, %and3A_2217 : vector<16xi32>
    %gather3A_2219 = tpu.vector_load_idx %arg16[%add3A_2198, %and3A_2218] : memref<512x16xf32, #tpu.memory_space<vmem>>[vector<16xi32>, vector<16xi32>], vector<16xf32>,
    %add3A_2220 = arith.addf %gather3A_2199, %gather3A_2209 : vector<16xf32>
    %add3A_2221 = arith.addf %add3A_2220, %gather3A_2219 : vector<16xf32>
    %swap3A_2222 = arith.constant 496 : index
    %swap3A_2223 = tpu.vector_load %arg18[%swap3A_2222] {strides = array<i32>} : memref<512xf32, #tpu.memory_space<vmem>>, vector<16xf32>,
    tpu.vector_store %arg18[%swap3A_2222], %add3A_2221 {strides = array<i32>} : memref<512xf32, #tpu.memory_space<vmem>>, vector<16xf32>,
    "tpu.region"() ({
      %run_scoped3A_2224 = tpu.sem_alloc : memref<!tpu.dma_semaphore, #tpu.memory_space<semaphore_mem>>
      %dma_start3A_2225 = tpu.memref_slice %arg8[%mul3A_2] : memref<16384xf32, #tpu.memory_space<hbm>> -> memref<512xf32, #tpu.memory_space<hbm>>
      %dma_start3A_2226 = tpu.memref_slice %arg8[%mul3A_2] : memref<16384xf32, #tpu.memory_space<hbm>> -> memref<512xf32, #tpu.memory_space<hbm>>
      tpu.enqueue_dma source(%arg18 : memref<512xf32, #tpu.memory_space<vmem>>) target(%dma_start3A_2226 : memref<512xf32, #tpu.memory_space<hbm>>) target_semaphore(%run_scoped3A_2224 : memref<!tpu.dma_semaphore, #tpu.memory_space<semaphore_mem>>)
      %dma_wait3A_2227 = tpu.memref_slice %arg8[%mul3A_2] : memref<16384xf32, #tpu.memory_space<hbm>> -> memref<512xf32, #tpu.memory_space<hbm>>
      %dma_wait3A_2228 = tpu.memref_slice %arg8[%mul3A_2] : memref<16384xf32, #tpu.memory_space<hbm>> -> memref<512xf32, #tpu.memory_space<hbm>>
      tpu.wait_dma2 semaphore(%run_scoped3A_2224 : memref<!tpu.dma_semaphore, #tpu.memory_space<semaphore_mem>>) src(%arg18 : memref<512xf32, #tpu.memory_space<vmem>>) dst(%dma_wait3A_2228 : memref<512xf32, #tpu.memory_space<hbm>>)
      tpu.yield
    }) : () -> ()
    return
  }
}

</mosaic_0001>

<sc_bundles>
// kernel: _mf.3.cloned.1.call-start
scs
__scs_entry_jumppad:
0x0: {  	(pc) =	sbr.rel $0x88, $3  }
0x1: {  	(tag) =	ssettag $0x0;
	lr =	simm.s32 $0x1  }
0x2: {  	[smem:$0x3F9B] =	sst lr;
	_ =	strace $0xD0000000  }
0x3: {  	_ = 	snop  }
0x4: {  	_ = 	snop  }
0x5: {  	_ = 	snop  }
0x6: {  	_ = 	snop  }
0x7: {  	_ = 	snop  }
__scs_overlays_trampoline_lowered:
0x8: {  	[smem:$0x3FAA] =	sst s0  }
0x9: {  	[smem:$0x3FAB] =	sst s1  }
0xa: {  	[smem:$0x3FAC] =	sst s2  }
0xb: {  	[smem:$0x3FAD] =	sst s3  }
0xc: {  	[smem:$0x3FAE] =	sst s4  }
0xd: {  	[smem:$0x3FAF] =	sst s5  }
0xe: {  	[smem:$0x3FB0] =	sst s6  }
0xf: {  	[smem:$0x3FB1] =	sst s7  }
0x10: {  	[smem:$0x3FB2] =	sst s8  }
0x11: {  	[smem:$0x3FB3] =	sst s9;
	s0 =	simm.s32 @!p0 $0x0  }
0x12: {  	s1 =	sld [smem:$0x3F99];
	s0 =	simm.s32 @p0 $0x1  }
0x13: {  	[smem:$0x3FB4] =	sst s0;
	s0 =	simm.s32 @!p1 $0x0  }
0x14: {  	s2 =	sld [smem:$0x3F98];
	s0 =	simm.s32 @p1 $0x1  }
0x15: {  	[smem:$0x3FB5] =	sst s0;
	s0 =	simm.s32 @!p2 $0x0  }
0x16: {  	s3 =	sld [smem:$0x3FDB];
	s0 =	simm.s32 @p2 $0x1  }
0x17: {  	s4 =	simm.s32 $0x1BF5;
	[smem:$0x3FB7] =	sst s0  }
0x18: {  	s0 =	sld [smem:$0x3F9A];
	_ =	swait.ge [sflag:s4], $0x0  }
0x19: {  	s7 =	sld [smem:$0x3F9B]  }
0x1a: {  	s8 =	sadd.s32 $0xFFFFE003, lr  }
0x1b: {  	s9 =	sadd.s32 $0xFFFFFEF7, lr;
	s5 =	simm.s32 $0xFFFFFFFF;
	p2 =	slt.u32 s8, $0xFFFFF086  }
0x1c: {  	p1 =	slt.u32 s9, $0xF7A;
	s5 =	simm.s32 @!p2 $0x0  }
0x1d: {  	s5 =	simm.s32 @p1 $0x1;
	p0 =	seq.s32 s7, s2  }
0x1e: {  	s7 =	smul.u32 @!p0 $0xF7A, s2;
	p2 =	seq.s32 @!p0 s5, $0x0  }
0x1f: {  	s9 =	smul.u32 $0xF7A, s1;
	s8 =	simm.s32 @!p0 $0x1BF5;
	p2 =	por !p2, p0  }
0x20: {  	[sflag:s8] =	ssyncset.s32 @!p0 $0xFFFFF086;
	s6 =	sadd.s32 @!p0 s3, s7;
	s7 =	simm.s32 @!p0 $0x108  }
0x21: {  	s3 =	sadd.s32 s3, s9;
	s6 =	sadd.s32 @!p0 $0x88, s6;
	s7 =	simm.s32 @p2 $0x1082  }
0x22: {  	[simem:s7], [sflag:s8] =	dma.local @!p0 [hbm:s6], $0xF7A  }
0x23: {  	s9 =	sor.u32 $0xD0000000, s2;
	s6 =	simm.s32 $0x108;
	_ =	swait.ge @!p0 [sflag:s8], $0x0  }
0x24: {  	s3 =	sadd.s32 $0x88, s3;
	s6 =	simm.s32 @!p1 $0x1082;
	[sflag:s4] =	ssyncset.s32 $0xFFFFF086  }
0x25: {  	[simem:s6], [sflag:s4] =	dma.local [hbm:s3], $0xF7A  }
0x26: {  	[smem:$0x3F9B] =	sst s1;
	(tag) =	ssettag s2;
	_ =	strace s9  }
0x27: {  	s1 =	sld [smem:$0x3FAB]  }
0x28: {  	s2 =	sld [smem:$0x3FAC]  }
0x29: {  	s4 =	sld [smem:$0x3FAE]  }
0x2a: {  	p0 =	seq.s32 s5, $0x0;
	s5 =	sld [smem:$0x3FAF]  }
0x2b: {  	s6 =	sld [smem:$0x3FB0]  }
0x2c: {  	s7 =	sld [smem:$0x3FB1]  }
0x2d: {  	s3 =	simm.s32 $0x108;
	s8 =	sld [smem:$0x3FB2]  }
0x2e: {  	s3 =	simm.s32 @!p0 $0x1082;
	s9 =	sld [smem:$0x3FB3]  }
0x2f: {  	lr =	sadd.s32 s0, s3;
	s0 =	sld [smem:$0x3FAA]  }
0x30: {  	s3 =	sld [smem:$0x3FAD]  }
0x31: {  	[smem:$0x3FB6] =	sst s10  }
0x32: {  	s10 =	sld [smem:$0x3FB4];
	_ =	sdelay $0x3  }
0x33: {  	p0 =	seq.s32 s10, $0x1;
	s10 =	sld [smem:$0x3FB6];
	_ =	sdelay $0x3  }
0x34: {  	[smem:$0x3FB6] =	sst s10  }
0x35: {  	s10 =	sld [smem:$0x3FB5];
	_ =	sdelay $0x3  }
0x36: {  	p1 =	seq.s32 s10, $0x1;
	s10 =	sld [smem:$0x3FB6];
	_ =	sdelay $0x3  }
0x37: {  	[smem:$0x3FB6] =	sst s10  }
0x38: {  	s10 =	sld [smem:$0x3FB7]  }
0x39: {  	_ = 	snop;
	(pc) =	sbr.ind lr, $3  }
0x3a: {  	_ = 	snop  }
0x3b: {  	_ = 	snop  }
0x3c: {  	p2 =	seq.s32 s10, $0x1;
	s10 =	sld [smem:$0x3FB6]  }
0x3d: {  	_ =	shalt  }
0x3e: {  	_ =	shalt  }
0x3f: {  	_ =	shalt  }
0x40: {  	_ =	shalt  }
0x41: {  	_ =	shalt  }
0x42: {  	_ =	shalt  }
0x43: {  	_ =	shalt  }
0x44: {  	_ =	shalt  }
0x45: {  	_ =	shalt  }
0x46: {  	_ =	shalt  }
0x47: {  	_ =	shalt  }
0x48: {  	_ =	shalt  }
0x49: {  	_ =	shalt  }
0x4a: {  	_ =	shalt  }
0x4b: {  	_ =	shalt  }
0x4c: {  	_ =	shalt  }
0x4d: {  	_ =	shalt  }
0x4e: {  	_ =	shalt  }
0x4f: {  	_ =	shalt  }
0x50: {  	_ =	shalt  }
0x51: {  	_ =	shalt  }
0x52: {  	_ =	shalt  }
0x53: {  	_ =	shalt  }
0x54: {  	_ =	shalt  }
0x55: {  	_ =	shalt  }
0x56: {  	_ =	shalt  }
0x57: {  	_ =	shalt  }
0x58: {  	_ =	shalt  }
0x59: {  	_ =	shalt  }
0x5a: {  	_ =	shalt  }
0x5b: {  	_ =	shalt  }
0x5c: {  	_ =	shalt  }
0x5d: {  	_ =	shalt  }
0x5e: {  	_ =	shalt  }
0x5f: {  	_ =	shalt  }
0x60: {  	_ =	shalt  }
0x61: {  	_ =	shalt  }
0x62: {  	_ =	shalt  }
0x63: {  	_ =	shalt  }
0x64: {  	_ =	shalt  }
0x65: {  	_ =	shalt  }
0x66: {  	_ =	shalt  }
0x67: {  	_ =	shalt  }
0x68: {  	_ =	shalt  }
0x69: {  	_ =	shalt  }
0x6a: {  	_ =	shalt  }
0x6b: {  	_ =	shalt  }
0x6c: {  	_ =	shalt  }
0x6d: {  	_ =	shalt  }
0x6e: {  	_ =	shalt  }
0x6f: {  	_ =	shalt  }
0x70: {  	_ =	shalt  }
0x71: {  	_ =	shalt  }
0x72: {  	_ =	shalt  }
0x73: {  	_ =	shalt  }
0x74: {  	_ =	shalt  }
0x75: {  	_ =	shalt  }
0x76: {  	_ =	shalt  }
0x77: {  	_ =	shalt  }
0x78: {  	_ =	shalt  }
0x79: {  	_ =	shalt  }
0x7a: {  	_ =	shalt  }
0x7b: {  	_ =	shalt  }
0x7c: {  	_ =	shalt  }
0x7d: {  	_ =	shalt  }
0x7e: {  	_ =	shalt  }
0x7f: {  	_ =	shalt  }
0x80: {  	_ =	shalt  }
0x81: {  	_ =	shalt  }
0x82: {  	_ =	shalt  }
0x83: {  	_ =	shalt  }
0x84: {  	_ =	shalt  }
0x85: {  	_ =	shalt  }
0x86: {  	_ =	shalt  }
0x87: {  	_ =	shalt  }
.Lfunc_end0:
.L_simem_size_0:
called_computation_lowered:
.L_overlay_start_0:
0x88: {  	s2 =	sld [smem:$0x3FD9]  }
0x89: {  	s3 =	sld [smem:$0x3FFE];
	_ =	sdelay $0x1  }
0x8a: {  	s1 =	srdreg.scid  }
0x8b: {  	s0 =	sand.u32 $0x1, s1  }
0x8c: {  	s17 =	sshll.u32 s0, $0xA;
	s2 =	sadd.s32 s3, s2  }
0x8d: {  	s2 =	sadd.s32 s2, s17  }
0x8e: {  	[smem:$0x3FC2] =	sst s2  }
0x8f: {  	_ = 	snop  }
0x90: {  	s2 =	sld [smem:$0x3FC9]  }
0x91: {  	s18 =	sld [smem:$0x3FC8]  }
0x92: {  	s4 =	sld [smem:$0x3FD0];
	(tm) =	ssettm $0x1  }
0x93: {  	s5 =	sld [smem:$0x3FFB];
	_ =	sdelay $0x3  }
0x94: {  	_ =	strace s5  }
0x95: {  	s5 =	sld [smem:$0x3FFC];
	_ =	sdelay $0x3  }
0x96: {  	_ =	strace s5  }
0x97: {  	s5 =	sld [smem:$0x3FFD];
	_ =	sdelay $0x3  }
0x98: {  	_ =	strace s5  }
0x99: {  	_ =	strace $0x8FFFFFFF  }
0x9a: {  	s19 =	sld [smem:$0x3FDB];
	_ =	sdelay $0x1  }
0x9b: {  	s6 =	simm.s32 $_scs_section_size  }
0x9c: {  	s7 =	simm.s32 $_size__tile_overlayer_lowered;
	s8 =	simm.s32 $_tile_overlayer_lowered  }
0x9d: {  	s22 =	simm.s32 $0x1BFF;
	s21 =	sshll.u32 s8, $0x1;
	s5 =	sadd.s32 s6, s19  }
0x9e: {  	s9 =	simm.s32 $0x0;
	s20 =	sshll.u32 s7, $0x1;
	s7 =	sadd.s32 s21, s5  }
0x9f: {  	[timem:s9], [sflag:s22] =	dma.local [hbm:s7], s20  }
0xa0: {  	_ =	swait.ge [sflag:s22], s20  }
0xa1: {  	s6 =	ssub.s32 $0x0, s20;
	[sflag:s22] =	ssyncset.done $0x0  }
0xa2: {  	[sflag:s22] =	ssyncadd.s32 s6;
	_ =	sdelay $0x1  }
0xa3: {  	s23 =	simm.s32 $0x1B8B  }
0xa4: {  	_ =	swait.ge [sflag:s23], $0x1  }
0xa5: {  	[sflag:s23] =	ssyncset.done $0x0  }
0xa6: {  	s25 =	simm.s32 $0x1B8E;
	s24 =	sld [smem:$0x3FFE];
	[sflag:s23] =	ssyncadd.s32 $0xFFFFFFFF  }
0xa7: {  	s26 =	simm.s32 $execute0_lowered;
	[smem:$0x3FD2] =	sst s25  }
0xa8: {  	s7 =	sshll.u32 s26, $0x1;
	_ =	strace $0x80000046;
	[dreg:$0x1] =	wrdreg $0xFFFFFFFF  }
0xa9: {  	s28 =	simm.s32 $_size_execute0_lowered;
	s5 =	sadd.s32 s5, s7;
	[dreg:$0x0] =	wrdreg $0x0  }
0xaa: {  	s7 =	sshll.u32 s28, $0x1;
	[dreg:$0x2] =	wrdreg s5  }
0xab: {  	[dreg:$0x3] =	wrdreg s7  }
0xac: {  	[dreg:$0x4] =	wrdreg $0xC0  }
0xad: {  	_ =	task [dreg:s9], $0x5FFFF  }
0xae: {  	[dreg:$0x1] =	wrdreg $0xFFFFFFFF  }
0xaf: {  	[dreg:$0x0] =	wrdreg $0x60  }
0xb0: {  	[dreg:$0x2] =	wrdreg s2  }
0xb1: {  	[dreg:$0x3] =	wrdreg s18  }
0xb2: {  	[dreg:$0x4] =	wrdreg s24  }
0xb3: {  	[dreg:$0x5] =	wrdreg s4  }
0xb4: {  	[dreg:$0x6] =	wrdreg $0x9  }
0xb5: {  	_ =	task.clear_ibuf [dreg:s9], $0x7FFFF;
	_ =	strace $0x90000046  }
0xb6: {  	s29 =	simm.s32 $0x9;
	_ =	strace $0x80000048  }
0xb7: {  	_ =	swait.ge [sflag:s29], $0x1  }
0xb8: {  	[sflag:s29] =	ssyncadd.s32 $0xFFFFFFFF  }
0xb9: {  	_ =	strace $0x90000048  }
0xba: {  	_ =	sfence  }
0xbb: {  	s30 =	sld [smem:$0x0];
	_ =	sdelay $0x2  }
0xbc: {  	s31 =	sshll.u32 s1, $0xD;
	s1 =	sshrl.u32 s1, $0x2  }
0xbd: {  	s3 =	sand.u32 $0x4000, s31;
	s1 =	sadd.s32 s1, s30  }
0xbe: {  	s0 =	sor.u32 s3, s0;
	s1 =	sshll.u32 s1, $0x11  }
0xbf: {  	s0 =	sor.u32 s1, s0  }
0xc0: {  	s0 =	sadd.s32 $0x8F2B, s0  }
0xc1: {  	[sflag:s0] =	ssyncadd.remote.s32 $0x1  }
0xc2: {  	_ =	sfence.sel $0xFFFF  }
0xc3: {  	[dreg:$0x0] =	wrdreg $0xFFFFFFFF;
	(pc) =	sbr.abs _section_cstart, $3  }
0xc4: {  	[dreg:$0x1] =	wrdreg $0xFFFFFFFF  }
0xc5: {  	_ =	task.clear_ibuf [dreg:s9], $0x2FFFF;
	_ =	strace $0x9FFFFFFF  }
0xc6: {  	(tm) =	ssettm $0x7FFFFFFF  }
0xc7: {  	_ =	shalt  }
tec
execute0_lowered:
.L_overlay_start_1:
0x0: {  	(tag) =	ssettag $0x1  }
0x1: {  	v0 =	vlaneseq.u32  }
0x2: {  	v0 =	vmul.u32 $0x10, v0;
	_ =	sdelay $0x1  }
0x3: {  	s0 =	rddreg [dreg:$0x0];
	v1 =	vor.u32 $0xF, v0  }
0x4: {  	s2 =	rddreg [dreg:$0x1];
	v2 =	vor.u32 $0x10F, v0;
	v3 =	vor.u32 $0x100, v0;
	v4 =	vor.u32 $0x20F, v0  }
0x5: {  	s6 =	rddreg [dreg:$0x2];
	v5 =	vor.u32 $0x200, v0;
	v6 =	vor.u32 $0x30F, v0;
	v7 =	vor.u32 $0x300, v0  }
0x6: {  	s7 =	rddreg [dreg:$0x3];
	v8 =	vor.u32 $0x40F, v0;
	v9 =	vor.u32 $0x400, v0;
	v10 =	vor.u32 $0x50F, v0  }
0x7: {  	s1 =	simm.s32 $0x0;
	s5 =	srdreg.scid;
	s9 =	stileid.u32;
	v11 =	vor.u32 $0x500, v0;
	v12 =	vor.u32 $0x60F, v0;
	v13 =	vor.u32 $0x600, v0  }
0x8: {  	s17 =	simm.s32 $0x2;
	s18 =	simm.s32 $0x200;
	s19 =	simm.s32 $0x80;
	v14 =	vor.u32 $0x70F, v0;
	v15 =	vor.u32 $0x700, v0;
	v16 =	vor.u32 $0x80F, v0  }
0x9: {  	s20 =	simm.s32 $0x280;
	s22 =	simm.s32 $0x300;
	s23 =	simm.s32 $0x180;
	v17 =	vor.u32 $0x800, v0;
	v18 =	vor.u32 $0x90F, v0;
	v19 =	vor.u32 $0x900, v0  }
0xa: {  	s24 =	simm.s32 $0x380;
	s29 =	simm.s32 $0x10800;
	s31 =	simm.s32 $0x12800;
	v20 =	vor.u32 $0xA0F, v0;
	v21 =	vor.u32 $0xA00, v0;
	v22 =	vor.u32 $0xB0F, v0  }
0xb: {  	s21 =	simm.s32 $0x100;
	[smem:$0x7FF] =	sst s1;
	s3 =	sadd.s32 $0x16E3A00, s6;
	v23 =	vor.u32 $0xB00, v0;
	v24 =	vor.u32 $0xC0F, v0;
	v25 =	vor.u32 $0xC00, v0  }
0xc: {  	s4 =	sadd.s32 $0xF42800, s6;
	s5 =	sand.u32 $0x1, s5;
	s9 =	sshll.u32 s9, $0x7;
	v26 =	vor.u32 $0xD0F, v0;
	v27 =	vor.u32 $0xD00, v0;
	v28 =	vor.u32 $0xE0F, v0  }
0xd: {  	_ =	strace $0x80000047;
	s8 =	ssub.s32 $0x2, s5;
	s10 =	sshll.u32 s5, $0x6;
	v29 =	vor.u32 $0xE00, v0;
	v30 =	vor.u32 $0xF0F, v0;
	v31 =	vor.u32 $0xF00, v0  }
0xe: {  	s5 =	sadd.s32 $0x1EE00, s6;
	s11 =	sshrl.u32 s8, $0x1;
	s9 =	sor.u32 s10, s9;
	v32 =	vor.u32 $0x100F, v0;
	v33 =	vor.u32 $0x1000, v0;
	v34 =	vor.u32 $0x110F, v0  }
0xf: {  	s6 =	sadd.s32 $0x400, s6;
	v35 =	vor.u32 $0x1100, v0;
	v36 =	vor.u32 $0x120F, v0;
	v37 =	vor.u32 $0x1200, v0;
	s8 =	ssub.s32 s8, s11;
	s10 =	sor.u32 $0x10, s9  }
0x10: {  	v38 =	vor.u32 $0x130F, v0;
	v39 =	vor.u32 $0x1300, v0;
	v40 =	vor.u32 $0x140F, v0;
	s26 =	sadd.s32 s0, s9;
	s28 =	sadd.s32 s2, s9;
	s12 =	sor.u32 $0x20, s9  }
0x11: {  	v41 =	vor.u32 $0x1400, v0;
	v42 =	vor.u32 $0x150F, v0;
	v43 =	vor.u32 $0x1500, v0;
	s14 =	sor.u32 $0x30, s9;
	s15 =	sadd.s32 s7, s9;
	[dreg:$0x5] =	wrdreg s26  }
0x12: {  	v44 =	vor.u32 $0x160F, v0;
	v45 =	vor.u32 $0x1600, v0;
	v46 =	vor.u32 $0x170F, v0;
	[dreg:$0x6] =	wrdreg s28;
	s30 =	sadd.s32 s0, s10;
	s10 =	sadd.s32 s2, s10  }
0x13: {  	v47 =	vor.u32 $0x1700, v0;
	v48 =	vor.u32 $0x180F, v0;
	v49 =	vor.u32 $0x1800, v0;
	s11 =	sadd.s32 s0, s12;
	s12 =	sadd.s32 s2, s12;
	s13 =	sadd.s32 s0, s14  }
0x14: {  	v50 =	vor.u32 $0x190F, v0;
	v51 =	vor.u32 $0x1900, v0;
	v52 =	vor.u32 $0x1A0F, v0;
	s14 =	sadd.s32 s2, s14;
	s16 =	smax.u32 s8, $0x1;
	s0 =	simm.s32 $0x1  }
0x15: {  	v53 =	vor.u32 $0x1A00, v0;
	v54 =	vor.u32 $0x1B0F, v0;
	v55 =	vor.u32 $0x1B00, v0;
	s2 =	simm.s32 $0x14800;
	s26 =	simm.s32 $0x0;
	[dreg:$0x7] =	wrdreg s30  }
.LBB2_1:
0x16: {  	s7 =	rddreg [dreg:$0x5]  }
0x17: {  	[tilespmem:s1], [sflag:$0x2] =	stream.linear.gather [hbm4b:s7+s1], $0x80, $0x38;
	[tilespmem:$0x16A00] =	vst v63  }
0x18: {  	_ =	swait.ge [sflag:s17], $0x80  }
0x19: {  	[sflag:s17] =	ssyncset.done $0x0  }
0x1a: {  	s8 =	rddreg [dreg:$0x6];
	[sflag:s17] =	ssyncadd.s32 $0xFFFFFF80  }
0x1b: {  	[tilespmem:s18], [sflag:$0x2] =	stream.linear.gather [hbm4b:s8+s1], $0x80, $0x38;
	[tilespmem:$0x16A00] =	vst v63  }
0x1c: {  	_ =	swait.ge [sflag:s17], $0x80  }
0x1d: {  	[sflag:s17] =	ssyncset.done $0x0  }
0x1e: {  	s9 =	rddreg [dreg:$0x7];
	[sflag:s17] =	ssyncadd.s32 $0xFFFFFF80  }
0x1f: {  	[tilespmem:s19], [sflag:$0x2] =	stream.linear.gather [hbm4b:s9+s1], $0x80, $0x38;
	[tilespmem:$0x16A00] =	vst v63  }
0x20: {  	_ =	swait.ge [sflag:s17], $0x80  }
0x21: {  	[sflag:s17] =	ssyncset.done $0x0  }
0x22: {  	[sflag:s17] =	ssyncadd.s32 $0xFFFFFF80  }
0x23: {  	[tilespmem:s20], [sflag:$0x2] =	stream.linear.gather [hbm4b:s10+s1], $0x80, $0x38;
	[tilespmem:$0x16A00] =	vst v63  }
0x24: {  	_ =	swait.ge [sflag:s17], $0x80  }
0x25: {  	[sflag:s17] =	ssyncset.done $0x0  }
0x26: {  	[sflag:s17] =	ssyncadd.s32 $0xFFFFFF80  }
0x27: {  	[tilespmem:s21], [sflag:$0x2] =	stream.linear.gather [hbm4b:s11+s1], $0x80, $0x38;
	[tilespmem:$0x16A00] =	vst v63  }
0x28: {  	_ =	swait.ge [sflag:s17], $0x80  }
0x29: {  	[sflag:s17] =	ssyncset.done $0x0  }
0x2a: {  	[sflag:s17] =	ssyncadd.s32 $0xFFFFFF80  }
0x2b: {  	[tilespmem:s22], [sflag:$0x2] =	stream.linear.gather [hbm4b:s12+s1], $0x80, $0x38;
	[tilespmem:$0x16A00] =	vst v63  }
0x2c: {  	_ =	swait.ge [sflag:s17], $0x80  }
0x2d: {  	[sflag:s17] =	ssyncset.done $0x0  }
0x2e: {  	[sflag:s17] =	ssyncadd.s32 $0xFFFFFF80  }
0x2f: {  	[tilespmem:s23], [sflag:$0x2] =	stream.linear.gather [hbm4b:s13+s1], $0x80, $0x38;
	[tilespmem:$0x16A00] =	vst v63  }
0x30: {  	_ =	swait.ge [sflag:s17], $0x80  }
0x31: {  	[sflag:s17] =	ssyncset.done $0x0  }
0x32: {  	[sflag:s17] =	ssyncadd.s32 $0xFFFFFF80  }
0x33: {  	[tilespmem:s24], [sflag:$0x2] =	stream.linear.gather [hbm4b:s14+s1], $0x80, $0x38;
	[tilespmem:$0x16A00] =	vst v63  }
0x34: {  	_ =	swait.ge [sflag:s17], $0x80  }
0x35: {  	[sflag:s17] =	ssyncset.done $0x0  }
0x36: {  	[sflag:s17] =	ssyncadd.s32 $0xFFFFFF80  }
0x37: {  	v56 =	vld [tilespmem:$0x0]  }
0x38: {  	v57 =	vld [tilespmem:$0x200]  }
0x39: {  	v58 =	vld [tilespmem:$0x10]  }
0x3a: {  	v59 =	vld [tilespmem:$0x210]  }
0x3b: {  	v60 =	vld [tilespmem:$0x20]  }
0x3c: {  	v61 =	vld [tilespmem:$0x220];
	v56 =	vshrl.u32 v56, $0x4  }
0x3d: {  	v62 =	vshrl.u32 v57, $0x4;
	v57 =	vld [tilespmem:$0x30];
	[tilespmem:$0x400] =	vst v56  }
0x3e: {  	v63 =	vshrl.u32 v58, $0x4;
	v58 =	vld [tilespmem:$0x230];
	[tilespmem:$0x600] =	vst v62  }
0x3f: {  	[tilespmem:$0x410] =	vst v63;
	v62 =	vshrl.u32 v59, $0x4;
	v59 =	vld [tilespmem:$0x40]  }
0x40: {  	v56 =	vshrl.u32 v60, $0x4;
	v60 =	vld [tilespmem:$0x240];
	[tilespmem:$0x610] =	vst v62  }
0x41: {  	[tilespmem:$0x420] =	vst v56;
	v56 =	vshrl.u32 v61, $0x4;
	v61 =	vld [tilespmem:$0x50]  }
0x42: {  	[tilespmem:$0x620] =	vst v56;
	v63 =	vshrl.u32 v57, $0x4;
	v57 =	vld [tilespmem:$0x250]  }
0x43: {  	v62 =	vshrl.u32 v58, $0x4;
	v58 =	vld [tilespmem:$0x60];
	[tilespmem:$0x430] =	vst v63  }
0x44: {  	[tilespmem:$0x630] =	vst v62;
	v63 =	vshrl.u32 v59, $0x4;
	v59 =	vld [tilespmem:$0x260]  }
0x45: {  	v56 =	vshrl.u32 v60, $0x4;
	v60 =	vld [tilespmem:$0x70];
	[tilespmem:$0x440] =	vst v63  }
0x46: {  	[tilespmem:$0x640] =	vst v56;
	v56 =	vshrl.u32 v61, $0x4;
	v61 =	vld [tilespmem:$0x270]  }
0x47: {  	[tilespmem:$0x450] =	vst v56;
	v62 =	vshrl.u32 v57, $0x4;
	v57 =	vld [tilespmem:$0x80]  }
0x48: {  	v63 =	vshrl.u32 v58, $0x4;
	v58 =	vld [tilespmem:$0x280];
	[tilespmem:$0x650] =	vst v62  }
0x49: {  	[tilespmem:$0x460] =	vst v63;
	v62 =	vshrl.u32 v59, $0x4;
	v59 =	vld [tilespmem:$0x90]  }
0x4a: {  	v56 =	vshrl.u32 v60, $0x4;
	v60 =	vld [tilespmem:$0x290];
	[tilespmem:$0x660] =	vst v62  }
0x4b: {  	[tilespmem:$0x470] =	vst v56;
	v56 =	vshrl.u32 v61, $0x4;
	v61 =	vld [tilespmem:$0xA0]  }
0x4c: {  	[tilespmem:$0x670] =	vst v56;
	v63 =	vshrl.u32 v57, $0x4;
	v57 =	vld [tilespmem:$0x2A0]  }
0x4d: {  	v62 =	vshrl.u32 v58, $0x4;
	v58 =	vld [tilespmem:$0xB0];
	[tilespmem:$0x480] =	vst v63  }
0x4e: {  	[tilespmem:$0x680] =	vst v62;
	v63 =	vshrl.u32 v59, $0x4;
	v59 =	vld [tilespmem:$0x2B0]  }
0x4f: {  	v56 =	vshrl.u32 v60, $0x4;
	v60 =	vld [tilespmem:$0xC0];
	[tilespmem:$0x490] =	vst v63  }
0x50: {  	[tilespmem:$0x690] =	vst v56;
	v56 =	vshrl.u32 v61, $0x4;
	v61 =	vld [tilespmem:$0x2C0]  }
0x51: {  	[tilespmem:$0x4A0] =	vst v56;
	v62 =	vshrl.u32 v57, $0x4;
	v57 =	vld [tilespmem:$0xD0]  }
0x52: {  	v63 =	vshrl.u32 v58, $0x4;
	v58 =	vld [tilespmem:$0x2D0];
	[tilespmem:$0x6A0] =	vst v62  }
0x53: {  	[tilespmem:$0x4B0] =	vst v63;
	v62 =	vshrl.u32 v59, $0x4;
	v59 =	vld [tilespmem:$0xE0]  }
0x54: {  	v56 =	vshrl.u32 v60, $0x4;
	v60 =	vld [tilespmem:$0x2E0];
	[tilespmem:$0x6B0] =	vst v62  }
0x55: {  	[tilespmem:$0x4C0] =	vst v56;
	v56 =	vshrl.u32 v61, $0x4;
	v61 =	vld [tilespmem:$0xF0]  }
0x56: {  	[tilespmem:$0x6C0] =	vst v56;
	v63 =	vshrl.u32 v57, $0x4;
	v57 =	vld [tilespmem:$0x2F0]  }
0x57: {  	v62 =	vshrl.u32 v58, $0x4;
	v58 =	vld [tilespmem:$0x100];
	[tilespmem:$0x4D0] =	vst v63  }
0x58: {  	[tilespmem:$0x6D0] =	vst v62;
	v63 =	vshrl.u32 v59, $0x4;
	v59 =	vld [tilespmem:$0x300]  }
0x59: {  	v56 =	vshrl.u32 v60, $0x4;
	v60 =	vld [tilespmem:$0x110];
	[tilespmem:$0x4E0] =	vst v63  }
0x5a: {  	[tilespmem:$0x6E0] =	vst v56;
	v56 =	vshrl.u32 v61, $0x4;
	v61 =	vld [tilespmem:$0x310]  }
0x5b: {  	[tilespmem:$0x4F0] =	vst v56;
	v62 =	vshrl.u32 v57, $0x4;
	v57 =	vld [tilespmem:$0x120]  }
0x5c: {  	v63 =	vshrl.u32 v58, $0x4;
	v58 =	vld [tilespmem:$0x320];
	[tilespmem:$0x6F0] =	vst v62  }
0x5d: {  	[tilespmem:$0x500] =	vst v63;
	v62 =	vshrl.u32 v59, $0x4;
	v59 =	vld [tilespmem:$0x130]  }
0x5e: {  	v56 =	vshrl.u32 v60, $0x4;
	v60 =	vld [tilespmem:$0x330];
	[tilespmem:$0x700] =	vst v62  }
0x5f: {  	[tilespmem:$0x510] =	vst v56;
	v56 =	vshrl.u32 v61, $0x4;
	v61 =	vld [tilespmem:$0x140]  }
0x60: {  	[tilespmem:$0x710] =	vst v56;
	v63 =	vshrl.u32 v57, $0x4;
	v57 =	vld [tilespmem:$0x340]  }
0x61: {  	v62 =	vshrl.u32 v58, $0x4;
	v58 =	vld [tilespmem:$0x150];
	[tilespmem:$0x520] =	vst v63  }
0x62: {  	[tilespmem:$0x720] =	vst v62;
	v63 =	vshrl.u32 v59, $0x4;
	v59 =	vld [tilespmem:$0x350]  }
0x63: {  	v56 =	vshrl.u32 v60, $0x4;
	v60 =	vld [tilespmem:$0x160];
	[tilespmem:$0x530] =	vst v63  }
0x64: {  	[tilespmem:$0x730] =	vst v56;
	v56 =	vshrl.u32 v61, $0x4;
	v61 =	vld [tilespmem:$0x360]  }
0x65: {  	[tilespmem:$0x540] =	vst v56;
	v62 =	vshrl.u32 v57, $0x4;
	v57 =	vld [tilespmem:$0x170]  }
0x66: {  	v63 =	vshrl.u32 v58, $0x4;
	v58 =	vld [tilespmem:$0x370];
	[tilespmem:$0x740] =	vst v62  }
0x67: {  	[tilespmem:$0x550] =	vst v63;
	v62 =	vshrl.u32 v59, $0x4;
	v59 =	vld [tilespmem:$0x180]  }
0x68: {  	v56 =	vshrl.u32 v60, $0x4;
	v60 =	vld [tilespmem:$0x380];
	[tilespmem:$0x750] =	vst v62  }
0x69: {  	[tilespmem:$0x560] =	vst v56;
	v56 =	vshrl.u32 v61, $0x4;
	v61 =	vld [tilespmem:$0x190]  }
0x6a: {  	[tilespmem:$0x760] =	vst v56;
	v63 =	vshrl.u32 v57, $0x4;
	v57 =	vld [tilespmem:$0x390]  }
0x6b: {  	v62 =	vshrl.u32 v58, $0x4;
	v58 =	vld [tilespmem:$0x1A0];
	[tilespmem:$0x570] =	vst v63  }
0x6c: {  	[tilespmem:$0x770] =	vst v62;
	v63 =	vshrl.u32 v59, $0x4;
	v59 =	vld [tilespmem:$0x3A0]  }
0x6d: {  	v56 =	vshrl.u32 v60, $0x4;
	v60 =	vld [tilespmem:$0x1B0];
	[tilespmem:$0x580] =	vst v63  }
0x6e: {  	[tilespmem:$0x780] =	vst v56;
	v56 =	vshrl.u32 v61, $0x4;
	v61 =	vld [tilespmem:$0x3B0]  }
0x6f: {  	[tilespmem:$0x590] =	vst v56;
	v62 =	vshrl.u32 v57, $0x4;
	v57 =	vld [tilespmem:$0x1C0]  }
0x70: {  	v63 =	vshrl.u32 v58, $0x4;
	v58 =	vld [tilespmem:$0x3C0];
	[tilespmem:$0x790] =	vst v62  }
0x71: {  	[tilespmem:$0x5A0] =	vst v63;
	v62 =	vshrl.u32 v59, $0x4;
	v59 =	vld [tilespmem:$0x1D0]  }
0x72: {  	v56 =	vshrl.u32 v60, $0x4;
	v60 =	vld [tilespmem:$0x3D0];
	[tilespmem:$0x7A0] =	vst v62  }
0x73: {  	[tilespmem:$0x5B0] =	vst v56;
	v56 =	vshrl.u32 v61, $0x4;
	v61 =	vld [tilespmem:$0x1E0]  }
0x74: {  	[tilespmem:$0x7B0] =	vst v56;
	v63 =	vshrl.u32 v57, $0x4;
	v57 =	vld [tilespmem:$0x3E0]  }
0x75: {  	v62 =	vshrl.u32 v58, $0x4;
	v58 =	vld [tilespmem:$0x1F0];
	[tilespmem:$0x5C0] =	vst v63  }
0x76: {  	[tilespmem:$0x7C0] =	vst v62;
	v63 =	vshrl.u32 v59, $0x4;
	v59 =	vld [tilespmem:$0x3F0]  }
0x77: {  	v60 =	vshrl.u32 v60, $0x4;
	[tilespmem:$0x5D0] =	vst v63  }
0x78: {  	[tilespmem:$0x7D0] =	vst v60;
	v61 =	vshrl.u32 v61, $0x4  }
0x79: {  	[tilespmem:$0x5E0] =	vst v61;
	v62 =	vshrl.u32 v57, $0x4  }
0x7a: {  	v63 =	vshrl.u32 v58, $0x4;
	[tilespmem:$0x7E0] =	vst v62  }
0x7b: {  	[tilespmem:$0x5F0] =	vst v63;
	v60 =	vshrl.u32 v59, $0x4  }
0x7c: {  	s25 =	simm.s32 $0x800;
	[tilespmem:$0x7F0] =	vst v60  }
0x7d: {  	[tilespmem:s25], [sflag:$0x1] =	stream.indirect.gather [hbm4b:s3+s19], $0x40, s1, s19, $0xb8;
	[tilespmem:$0x16A00] =	vst v63  }
0x7e: {  	s8 =	simm.s32 $0x8800  }
0x7f: {  	[tilespmem:s8], [sflag:$0x1] =	stream.indirect.gather [hbm4b:s4+s19], $0x40, s18, s19, $0xb8;
	[tilespmem:$0x16A00] =	vst v63  }
0x80: {  	s9 =	simm.s32 $0x400  }
0x81: {  	[tilespmem:s29], [sflag:$0x1] =	stream.indirect.gather [hbm4b:s5+s19], $0x10, s9, s19, $0xb8;
	[tilespmem:$0x16A00] =	vst v63  }
0x82: {  	s25 =	simm.s32 $0x600  }
0x83: {  	[tilespmem:s31], [sflag:$0x1] =	stream.indirect.gather [hbm4b:s6+s19], $0x10, s25, s19, $0xb8;
	[tilespmem:$0x16A00] =	vst v63  }
0x84: {  	s8 =	simm.s32 $0x2800  }
0x85: {  	[tilespmem:s8], [sflag:$0x1] =	stream.indirect.gather [hbm4b:s3+s19], $0x40, s19, s19, $0xb8;
	[tilespmem:$0x16A00] =	vst v63  }
0x86: {  	s9 =	simm.s32 $0xA800  }
0x87: {  	[tilespmem:s9], [sflag:$0x1] =	stream.indirect.gather [hbm4b:s4+s19], $0x40, s20, s19, $0xb8;
	[tilespmem:$0x16A00] =	vst v63  }
0x88: {  	s25 =	simm.s32 $0x480;
	s8 =	simm.s32 $0x11000  }
0x89: {  	[tilespmem:s8], [sflag:$0x1] =	stream.indirect.gather [hbm4b:s5+s19], $0x10, s25, s19, $0xb8;
	[tilespmem:$0x16A00] =	vst v63  }
0x8a: {  	s9 =	simm.s32 $0x13000;
	s8 =	simm.s32 $0x680  }
0x8b: {  	[tilespmem:s9], [sflag:$0x1] =	stream.indirect.gather [hbm4b:s6+s19], $0x10, s8, s19, $0xb8;
	[tilespmem:$0x16A00] =	vst v63  }
0x8c: {  	s25 =	simm.s32 $0x4800  }
0x8d: {  	[tilespmem:s25], [sflag:$0x1] =	stream.indirect.gather [hbm4b:s3+s19], $0x40, s21, s19, $0xb8;
	[tilespmem:$0x16A00] =	vst v63  }
0x8e: {  	s8 =	simm.s32 $0xC800  }
0x8f: {  	[tilespmem:s8], [sflag:$0x1] =	stream.indirect.gather [hbm4b:s4+s19], $0x40, s22, s19, $0xb8;
	[tilespmem:$0x16A00] =	vst v63  }
0x90: {  	s9 =	simm.s32 $0x500;
	s25 =	simm.s32 $0x11800  }
0x91: {  	[tilespmem:s25], [sflag:$0x1] =	stream.indirect.gather [hbm4b:s5+s19], $0x10, s9, s19, $0xb8;
	[tilespmem:$0x16A00] =	vst v63  }
0x92: {  	s8 =	simm.s32 $0x700;
	s9 =	simm.s32 $0x13800  }
0x93: {  	[tilespmem:s9], [sflag:$0x1] =	stream.indirect.gather [hbm4b:s6+s19], $0x10, s8, s19, $0xb8;
	[tilespmem:$0x16A00] =	vst v63  }
0x94: {  	s25 =	simm.s32 $0x6800  }
0x95: {  	[tilespmem:s25], [sflag:$0x1] =	stream.indirect.gather [hbm4b:s3+s19], $0x40, s23, s19, $0xb8;
	[tilespmem:$0x16A00] =	vst v63  }
0x96: {  	s8 =	simm.s32 $0xE800  }
0x97: {  	[tilespmem:s8], [sflag:$0x1] =	stream.indirect.gather [hbm4b:s4+s19], $0x40, s24, s19, $0xb8;
	[tilespmem:$0x16A00] =	vst v63  }
0x98: {  	s9 =	simm.s32 $0x580;
	s25 =	simm.s32 $0x12000  }
0x99: {  	[tilespmem:s25], [sflag:$0x1] =	stream.indirect.gather [hbm4b:s5+s19], $0x10, s9, s19, $0xb8;
	[tilespmem:$0x16A00] =	vst v63  }
0x9a: {  	s9 =	simm.s32 $0x780;
	s25 =	simm.s32 $0x14000  }
0x9b: {  	[tilespmem:s25], [sflag:$0x1] =	stream.indirect.gather [hbm4b:s6+s19], $0x10, s9, s19, $0xb8;
	[tilespmem:$0x16A00] =	vst v63  }
0x9c: {  	_ =	swait.ge [sflag:s0], $0x2000  }
0x9d: {  	[sflag:s0] =	ssyncset.done $0x0  }
0x9e: {  	[sflag:s0] =	ssyncadd.s32 $0xFFFFE000  }
0x9f: {  	_ =	swait.ge [sflag:s0], $0x2000  }
0xa0: {  	[sflag:s0] =	ssyncset.done $0x0  }
0xa1: {  	[sflag:s0] =	ssyncadd.s32 $0xFFFFE000  }
0xa2: {  	_ =	swait.ge [sflag:s0], $0x800  }
0xa3: {  	[sflag:s0] =	ssyncset.done $0x0  }
0xa4: {  	[sflag:s0] =	ssyncadd.s32 $0xFFFFF800  }
0xa5: {  	_ =	swait.ge [sflag:s0], $0x800  }
0xa6: {  	[sflag:s0] =	ssyncset.done $0x0  }
0xa7: {  	[sflag:s0] =	ssyncadd.s32 $0xFFFFF800  }
0xa8: {  	_ =	swait.ge [sflag:s0], $0x2000  }
0xa9: {  	[sflag:s0] =	ssyncset.done $0x0  }
0xaa: {  	[sflag:s0] =	ssyncadd.s32 $0xFFFFE000  }
0xab: {  	_ =	swait.ge [sflag:s0], $0x2000  }
0xac: {  	[sflag:s0] =	ssyncset.done $0x0  }
0xad: {  	[sflag:s0] =	ssyncadd.s32 $0xFFFFE000  }
0xae: {  	_ =	swait.ge [sflag:s0], $0x800  }
0xaf: {  	[sflag:s0] =	ssyncset.done $0x0  }
0xb0: {  	[sflag:s0] =	ssyncadd.s32 $0xFFFFF800  }
0xb1: {  	_ =	swait.ge [sflag:s0], $0x800  }
0xb2: {  	[sflag:s0] =	ssyncset.done $0x0  }
0xb3: {  	[sflag:s0] =	ssyncadd.s32 $0xFFFFF800  }
0xb4: {  	_ =	swait.ge [sflag:s0], $0x2000  }
0xb5: {  	[sflag:s0] =	ssyncset.done $0x0  }
0xb6: {  	[sflag:s0] =	ssyncadd.s32 $0xFFFFE000  }
0xb7: {  	_ =	swait.ge [sflag:s0], $0x2000  }
0xb8: {  	[sflag:s0] =	ssyncset.done $0x0  }
0xb9: {  	[sflag:s0] =	ssyncadd.s32 $0xFFFFE000  }
0xba: {  	_ =	swait.ge [sflag:s0], $0x800  }
0xbb: {  	[sflag:s0] =	ssyncset.done $0x0  }
0xbc: {  	[sflag:s0] =	ssyncadd.s32 $0xFFFFF800  }
0xbd: {  	_ =	swait.ge [sflag:s0], $0x800  }
0xbe: {  	[sflag:s0] =	ssyncset.done $0x0  }
0xbf: {  	[sflag:s0] =	ssyncadd.s32 $0xFFFFF800  }
0xc0: {  	_ =	swait.ge [sflag:s0], $0x2000  }
0xc1: {  	[sflag:s0] =	ssyncset.done $0x0  }
0xc2: {  	[sflag:s0] =	ssyncadd.s32 $0xFFFFE000  }
0xc3: {  	_ =	swait.ge [sflag:s0], $0x2000  }
0xc4: {  	[sflag:s0] =	ssyncset.done $0x0  }
0xc5: {  	[sflag:s0] =	ssyncadd.s32 $0xFFFFE000  }
0xc6: {  	_ =	swait.ge [sflag:s0], $0x800  }
0xc7: {  	[sflag:s0] =	ssyncset.done $0x0  }
0xc8: {  	[sflag:s0] =	ssyncadd.s32 $0xFFFFF800  }
0xc9: {  	_ =	swait.ge [sflag:s0], $0x800  }
0xca: {  	[sflag:s0] =	ssyncset.done $0x0  }
0xcb: {  	s28 =	simm.s32 $0x900;
	[sflag:s0] =	ssyncadd.s32 $0xFFFFF800  }
0xcc: {  	s30 =	simm.s32 $0x8900;
	v56 =	vld [tilespmem:s28+$0xFFFFFF00]  }
0xcd: {  	v57 =	vld [tilespmem:s30+$0xFFFFFF10]  }
0xce: {  	v58 =	vld [tilespmem:s28+$0xFFFFFF10]  }
0xcf: {  	v59 =	vld [tilespmem:s30+$0xFFFFFF00]  }
0xd0: {  	v60 =	vld [tilespmem:s30+$0xFFFFFF20]  }
0xd1: {  	v61 =	vld [tilespmem:s28+$0xFFFFFF20]  }
0xd2: {  	v62 =	vld [tilespmem:s30+$0xFFFFFF30]  }
0xd3: {  	v63 =	vld [tilespmem:s28+$0xFFFFFF30]  }
0xd4: {  	v57 =	vmul.f32 v57, v58;
	v56 =	vmul.f32 v59, v56;
	_ =	sdelay $0x1  }
0xd5: {  	v61 =	vmul.f32 v60, v61;
	v56 =	vadd.f32 v57, v56;
	_ =	sdelay $0x1  }
0xd6: {  	v60 =	vmul.f32 v62, v63;
	v56 =	vadd.f32 v61, v56;
	_ =	sdelay $0x1  }
0xd7: {  	v56 =	vadd.f32 v60, v56;
	_ =	sdelay $0x1  }
0xd8: {  	(xrf2) =	vadd.scan.msk.f32 $0xffff, v56;
	_ =	sdelay $0x9  }
0xd9: {  	s25 =	simm.s32 $0x14840;
	v56, _, _ =	vpop (xrf2)  }
0xda: {  	[tilespmem:s25+$0xFFFFFFC0] =	vst v56  }
0xdb: {  	v56 =	vld [tilespmem:s30+$0xFFFFFF50]  }
0xdc: {  	v57 =	vld [tilespmem:s28+$0xFFFFFF40]  }
0xdd: {  	v58 =	vld [tilespmem:s28+$0xFFFFFF50]  }
0xde: {  	v59 =	vld [tilespmem:s30+$0xFFFFFF40]  }
0xdf: {  	v60 =	vld [tilespmem:s30+$0xFFFFFF60]  }
0xe0: {  	v61 =	vld [tilespmem:s28+$0xFFFFFF60]  }
0xe1: {  	v62 =	vld [tilespmem:s30+$0xFFFFFF70]  }
0xe2: {  	v63 =	vld [tilespmem:s28+$0xFFFFFF70]  }
0xe3: {  	v56 =	vmul.f32 v56, v58;
	v57 =	vmul.f32 v59, v57;
	_ =	sdelay $0x1  }
0xe4: {  	v61 =	vmul.f32 v60, v61;
	v56 =	vadd.f32 v56, v57;
	_ =	sdelay $0x1  }
0xe5: {  	v60 =	vmul.f32 v62, v63;
	v56 =	vadd.f32 v61, v56;
	_ =	sdelay $0x1  }
0xe6: {  	v56 =	vadd.f32 v60, v56;
	_ =	sdelay $0x1  }
0xe7: {  	(xrf2) =	vadd.scan.msk.f32 $0xffff, v56;
	_ =	sdelay $0x9  }
0xe8: {  	v56, _, _ =	vpop (xrf2)  }
0xe9: {  	[tilespmem:s25+$0xFFFFFFD0] =	vst v56  }
0xea: {  	v56 =	vld [tilespmem:s28+$0xFFFFFF80]  }
0xeb: {  	v57 =	vld [tilespmem:s30+$0xFFFFFF80]  }
0xec: {  	v58 =	vld [tilespmem:s30+$0xFFFFFF90]  }
0xed: {  	v59 =	vld [tilespmem:s28+$0xFFFFFF90]  }
0xee: {  	v60 =	vld [tilespmem:s28+$0xFFFFFFA0]  }
0xef: {  	v61 =	vld [tilespmem:s30+$0xFFFFFFA0]  }
0xf0: {  	v62 =	vld [tilespmem:s28+$0xFFFFFFB0]  }
0xf1: {  	v63 =	vld [tilespmem:s30+$0xFFFFFFB0]  }
0xf2: {  	v56 =	vmul.f32 v57, v56;
	v57 =	vmul.f32 v58, v59;
	_ =	sdelay $0x1  }
0xf3: {  	v61 =	vmul.f32 v61, v60;
	v56 =	vadd.f32 v57, v56;
	_ =	sdelay $0x1  }
0xf4: {  	v60 =	vmul.f32 v63, v62;
	v56 =	vadd.f32 v61, v56;
	_ =	sdelay $0x1  }
0xf5: {  	v56 =	vadd.f32 v60, v56;
	_ =	sdelay $0x1  }
0xf6: {  	(xrf2) =	vadd.scan.msk.f32 $0xffff, v56;
	_ =	sdelay $0x9  }
0xf7: {  	v56, _, _ =	vpop (xrf2)  }
0xf8: {  	[tilespmem:s25+$0xFFFFFFE0] =	vst v56  }
0xf9: {  	v56 =	vld [tilespmem:s30+$0xFFFFFFC0]  }
0xfa: {  	v57 =	vld [tilespmem:s28+$0xFFFFFFC0]  }
0xfb: {  	v58 =	vld [tilespmem:s30+$0xFFFFFFD0]  }
0xfc: {  	v59 =	vld [tilespmem:s28+$0xFFFFFFD0]  }
0xfd: {  	v60 =	vld [tilespmem:s30+$0xFFFFFFE0]  }
0xfe: {  	v61 =	vld [tilespmem:s28+$0xFFFFFFE0]  }
0xff: {  	v62 =	vld [tilespmem:s30+$0xFFFFFFF0]  }
0x100: {  	v63 =	vld [tilespmem:s28+$0xFFFFFFF0]  }
0x101: {  	v56 =	vmul.f32 v56, v57;
	v57 =	vmul.f32 v58, v59;
	_ =	sdelay $0x1  }
0x102: {  	v61 =	vmul.f32 v60, v61;
	v56 =	vadd.f32 v57, v56;
	_ =	sdelay $0x1  }
0x103: {  	v60 =	vmul.f32 v62, v63;
	v56 =	vadd.f32 v61, v56;
	_ =	sdelay $0x1  }
0x104: {  	v56 =	vadd.f32 v60, v56;
	_ =	sdelay $0x1  }
0x105: {  	(xrf2) =	vadd.scan.msk.f32 $0xffff, v56;
	_ =	sdelay $0x9  }
0x106: {  	v56, _, _ =	vpop (xrf2)  }
0x107: {  	[tilespmem:s25+$0xFFFFFFF0] =	vst v56  }
0x108: {  	v56 =	vld [tilespmem:s30+$0x0]  }
0x109: {  	v57 =	vld [tilespmem:s28+$0x0]  }
0x10a: {  	v58 =	vld [tilespmem:s30+$0x10]  }
0x10b: {  	v59 =	vld [tilespmem:s28+$0x10]  }
0x10c: {  	v60 =	vld [tilespmem:s30+$0x20]  }
0x10d: {  	v61 =	vld [tilespmem:s28+$0x20]  }
0x10e: {  	v62 =	vld [tilespmem:s30+$0x30]  }
0x10f: {  	v63 =	vld [tilespmem:s28+$0x30]  }
0x110: {  	v56 =	vmul.f32 v56, v57;
	v57 =	vmul.f32 v58, v59;
	_ =	sdelay $0x1  }
0x111: {  	v61 =	vmul.f32 v60, v61;
	v56 =	vadd.f32 v57, v56;
	_ =	sdelay $0x1  }
0x112: {  	v60 =	vmul.f32 v62, v63;
	v56 =	vadd.f32 v61, v56;
	_ =	sdelay $0x1  }
0x113: {  	v56 =	vadd.f32 v60, v56;
	_ =	sdelay $0x1  }
0x114: {  	(xrf2) =	vadd.scan.msk.f32 $0xffff, v56;
	_ =	sdelay $0x9  }
0x115: {  	v56, _, _ =	vpop (xrf2)  }
0x116: {  	[tilespmem:s25+$0x0] =	vst v56  }
0x117: {  	v56 =	vld [tilespmem:s30+$0x50]  }
0x118: {  	v57 =	vld [tilespmem:s28+$0x40]  }
0x119: {  	v58 =	vld [tilespmem:s30+$0x40]  }
0x11a: {  	v59 =	vld [tilespmem:s28+$0x50]  }
0x11b: {  	v60 =	vld [tilespmem:s28+$0x60]  }
0x11c: {  	v61 =	vld [tilespmem:s30+$0x60]  }
0x11d: {  	v62 =	vld [tilespmem:s28+$0x70]  }
0x11e: {  	v63 =	vld [tilespmem:s30+$0x70]  }
0x11f: {  	v57 =	vmul.f32 v58, v57;
	v56 =	vmul.f32 v56, v59;
	_ =	sdelay $0x1  }
0x120: {  	v61 =	vmul.f32 v61, v60;
	v56 =	vadd.f32 v56, v57;
	_ =	sdelay $0x1  }
0x121: {  	v60 =	vmul.f32 v63, v62;
	v56 =	vadd.f32 v61, v56;
	_ =	sdelay $0x1  }
0x122: {  	v56 =	vadd.f32 v60, v56;
	_ =	sdelay $0x1  }
0x123: {  	(xrf2) =	vadd.scan.msk.f32 $0xffff, v56;
	_ =	sdelay $0x9  }
0x124: {  	v56, _, _ =	vpop (xrf2)  }
0x125: {  	[tilespmem:s25+$0x10] =	vst v56  }
0x126: {  	v56 =	vld [tilespmem:s28+$0x80]  }
0x127: {  	v57 =	vld [tilespmem:s30+$0x80]  }
0x128: {  	v58 =	vld [tilespmem:s30+$0x90]  }
0x129: {  	v59 =	vld [tilespmem:s28+$0x90]  }
0x12a: {  	v60 =	vld [tilespmem:s28+$0xA0]  }
0x12b: {  	v61 =	vld [tilespmem:s30+$0xA0]  }
0x12c: {  	v62 =	vld [tilespmem:s28+$0xB0]  }
0x12d: {  	v63 =	vld [tilespmem:s30+$0xB0]  }
0x12e: {  	v56 =	vmul.f32 v57, v56;
	v57 =	vmul.f32 v58, v59;
	_ =	sdelay $0x1  }
0x12f: {  	v61 =	vmul.f32 v61, v60;
	v56 =	vadd.f32 v57, v56;
	_ =	sdelay $0x1  }
0x130: {  	v63 =	vmul.f32 v63, v62;
	v56 =	vadd.f32 v61, v56;
	_ =	sdelay $0x1  }
0x131: {  	v56 =	vadd.f32 v63, v56;
	_ =	sdelay $0x1  }
0x132: {  	(xrf2) =	vadd.scan.msk.f32 $0xffff, v56;
	_ =	sdelay $0x9  }
0x133: {  	v56, _, _ =	vpop (xrf2)  }
0x134: {  	[tilespmem:s25+$0x20] =	vst v56  }
0x135: {  	v56 =	vld [tilespmem:s28+$0xE0]  }
0x136: {  	v57 =	vld [tilespmem:s28+$0xC0]  }
0x137: {  	v58 =	vld [tilespmem:s30+$0xE0]  }
0x138: {  	v59 =	vld [tilespmem:s30+$0xD0]  }
0x139: {  	v60 =	vld [tilespmem:s30+$0xC0]  }
0x13a: {  	s7 =	simm.s32 $0x0;
	s8 =	simm.s32 $0x8900;
	s9 =	simm.s32 $0x148C0;
	v61 =	vld [tilespmem:s28+$0xD0]  }
.LBB2_2:
0x13b: {  	s7 =	sadd.s32 $0x8, s7;
	v62 =	vld [tilespmem:s28+$0xF0];
	s30 =	sadd.s32 $0x200, s30;
	s28 =	sadd.s32 $0x200, s28  }
0x13c: {  	p0 =	slt.u32 s7, $0x1F8;
	v63 =	vld [tilespmem:s8+$0xF0];
	s8 =	smov.u32 s30;
	_ =	sdelay $0x1  }
0x13d: {  	v56 =	vmul.f32 v58, v56;
	v57 =	vmul.f32 v60, v57  }
0x13e: {  	v58 =	vmul.f32 v59, v61;
	_ =	sdelay $0x1  }
0x13f: {  	v57 =	vadd.f32 v58, v57  }
0x140: {  	v58 =	vmul.f32 v63, v62  }
0x141: {  	v56 =	vadd.f32 v56, v57;
	_ =	sdelay $0x1  }
0x142: {  	v56 =	vadd.f32 v58, v56;
	_ =	sdelay $0x1  }
0x143: {  	(xrf2) =	vadd.scan.msk.f32 $0xffff, v56;
	_ =	sdelay $0x9  }
0x144: {  	v56, _, _ =	vpop (xrf2)  }
0x145: {  	[tilespmem:s25+$0x30] =	vst v56;
	s25 =	smov.u32 s9;
	_ =	sdelay $0x1  }
0x146: {  	v56 =	vld [tilespmem:s28+$0xFFFFFF00]  }
0x147: {  	v57 =	vld [tilespmem:s30+$0xFFFFFF10]  }
0x148: {  	v58 =	vld [tilespmem:s28+$0xFFFFFF10]  }
0x149: {  	v59 =	vld [tilespmem:s30+$0xFFFFFF00]  }
0x14a: {  	v60 =	vld [tilespmem:s30+$0xFFFFFF20]  }
0x14b: {  	v61 =	vld [tilespmem:s28+$0xFFFFFF20]  }
0x14c: {  	v62 =	vld [tilespmem:s30+$0xFFFFFF30]  }
0x14d: {  	v57 =	vmul.f32 v57, v58;
	v58 =	vld [tilespmem:s28+$0xFFFFFF30]  }
0x14e: {  	v56 =	vmul.f32 v59, v56;
	_ =	sdelay $0x1  }
0x14f: {  	v56 =	vadd.f32 v57, v56;
	v57 =	vmul.f32 v60, v61;
	_ =	sdelay $0x1  }
0x150: {  	v56 =	vadd.f32 v57, v56;
	v57 =	vmul.f32 v62, v58;
	_ =	sdelay $0x1  }
0x151: {  	v56 =	vadd.f32 v57, v56;
	_ =	sdelay $0x1  }
0x152: {  	(xrf2) =	vadd.scan.msk.f32 $0xffff, v56;
	_ =	sdelay $0x9  }
0x153: {  	v56, _, _ =	vpop (xrf2)  }
0x154: {  	[tilespmem:s9+$0xFFFFFFC0] =	vst v56  }
0x155: {  	v56 =	vld [tilespmem:s30+$0xFFFFFF50]  }
0x156: {  	v57 =	vld [tilespmem:s28+$0xFFFFFF40]  }
0x157: {  	v58 =	vld [tilespmem:s28+$0xFFFFFF50]  }
0x158: {  	v59 =	vld [tilespmem:s30+$0xFFFFFF40]  }
0x159: {  	v60 =	vld [tilespmem:s30+$0xFFFFFF60]  }
0x15a: {  	v61 =	vld [tilespmem:s28+$0xFFFFFF60]  }
0x15b: {  	v62 =	vld [tilespmem:s30+$0xFFFFFF70]  }
0x15c: {  	v56 =	vmul.f32 v56, v58;
	v58 =	vld [tilespmem:s28+$0xFFFFFF70]  }
0x15d: {  	v57 =	vmul.f32 v59, v57;
	_ =	sdelay $0x1  }
0x15e: {  	v56 =	vadd.f32 v56, v57;
	v57 =	vmul.f32 v60, v61;
	_ =	sdelay $0x1  }
0x15f: {  	v56 =	vadd.f32 v57, v56;
	v57 =	vmul.f32 v62, v58;
	_ =	sdelay $0x1  }
0x160: {  	v56 =	vadd.f32 v57, v56;
	_ =	sdelay $0x1  }
0x161: {  	(xrf2) =	vadd.scan.msk.f32 $0xffff, v56;
	_ =	sdelay $0x9  }
0x162: {  	v56, _, _ =	vpop (xrf2)  }
0x163: {  	[tilespmem:s9+$0xFFFFFFD0] =	vst v56  }
0x164: {  	v56 =	vld [tilespmem:s28+$0xFFFFFF80]  }
0x165: {  	v57 =	vld [tilespmem:s30+$0xFFFFFF80]  }
0x166: {  	v58 =	vld [tilespmem:s30+$0xFFFFFF90]  }
0x167: {  	v59 =	vld [tilespmem:s28+$0xFFFFFF90]  }
0x168: {  	v60 =	vld [tilespmem:s28+$0xFFFFFFA0]  }
0x169: {  	v61 =	vld [tilespmem:s30+$0xFFFFFFA0]  }
0x16a: {  	v56 =	vmul.f32 v57, v56;
	v57 =	vld [tilespmem:s28+$0xFFFFFFB0]  }
0x16b: {  	v62 =	vld [tilespmem:s30+$0xFFFFFFB0]  }
0x16c: {  	v58 =	vmul.f32 v58, v59;
	_ =	sdelay $0x1  }
0x16d: {  	v56 =	vadd.f32 v58, v56;
	v58 =	vmul.f32 v61, v60;
	_ =	sdelay $0x1  }
0x16e: {  	v56 =	vadd.f32 v58, v56;
	v57 =	vmul.f32 v62, v57;
	_ =	sdelay $0x1  }
0x16f: {  	v56 =	vadd.f32 v57, v56;
	_ =	sdelay $0x1  }
0x170: {  	(xrf2) =	vadd.scan.msk.f32 $0xffff, v56;
	_ =	sdelay $0x9  }
0x171: {  	v56, _, _ =	vpop (xrf2)  }
0x172: {  	[tilespmem:s9+$0xFFFFFFE0] =	vst v56  }
0x173: {  	v56 =	vld [tilespmem:s30+$0xFFFFFFC0]  }
0x174: {  	v57 =	vld [tilespmem:s28+$0xFFFFFFC0]  }
0x175: {  	v58 =	vld [tilespmem:s30+$0xFFFFFFD0]  }
0x176: {  	v59 =	vld [tilespmem:s28+$0xFFFFFFD0]  }
0x177: {  	v60 =	vld [tilespmem:s30+$0xFFFFFFE0]  }
0x178: {  	v61 =	vld [tilespmem:s28+$0xFFFFFFE0]  }
0x179: {  	v56 =	vmul.f32 v56, v57;
	v57 =	vld [tilespmem:s30+$0xFFFFFFF0]  }
0x17a: {  	v62 =	vld [tilespmem:s28+$0xFFFFFFF0]  }
0x17b: {  	v58 =	vmul.f32 v58, v59;
	_ =	sdelay $0x1  }
0x17c: {  	v56 =	vadd.f32 v58, v56;
	v58 =	vmul.f32 v60, v61;
	_ =	sdelay $0x1  }
0x17d: {  	v56 =	vadd.f32 v58, v56;
	v57 =	vmul.f32 v57, v62;
	_ =	sdelay $0x1  }
0x17e: {  	v56 =	vadd.f32 v57, v56;
	_ =	sdelay $0x1  }
0x17f: {  	(xrf2) =	vadd.scan.msk.f32 $0xffff, v56;
	_ =	sdelay $0x9  }
0x180: {  	v56, _, _ =	vpop (xrf2)  }
0x181: {  	[tilespmem:s9+$0xFFFFFFF0] =	vst v56  }
0x182: {  	v56 =	vld [tilespmem:s30+$0x0]  }
0x183: {  	v57 =	vld [tilespmem:s28+$0x0]  }
0x184: {  	v58 =	vld [tilespmem:s30+$0x10]  }
0x185: {  	v59 =	vld [tilespmem:s28+$0x10]  }
0x186: {  	v60 =	vld [tilespmem:s30+$0x20]  }
0x187: {  	v61 =	vld [tilespmem:s28+$0x20]  }
0x188: {  	v62 =	vld [tilespmem:s30+$0x30]  }
0x189: {  	v56 =	vmul.f32 v56, v57;
	v57 =	vld [tilespmem:s28+$0x30]  }
0x18a: {  	v58 =	vmul.f32 v58, v59;
	_ =	sdelay $0x1  }
0x18b: {  	v56 =	vadd.f32 v58, v56;
	v58 =	vmul.f32 v60, v61;
	_ =	sdelay $0x1  }
0x18c: {  	v56 =	vadd.f32 v58, v56;
	v57 =	vmul.f32 v62, v57;
	_ =	sdelay $0x1  }
0x18d: {  	v56 =	vadd.f32 v57, v56;
	_ =	sdelay $0x1  }
0x18e: {  	(xrf2) =	vadd.scan.msk.f32 $0xffff, v56;
	_ =	sdelay $0x9  }
0x18f: {  	v56, _, _ =	vpop (xrf2)  }
0x190: {  	[tilespmem:s9+$0x0] =	vst v56  }
0x191: {  	v56 =	vld [tilespmem:s30+$0x50]  }
0x192: {  	v57 =	vld [tilespmem:s28+$0x40]  }
0x193: {  	v58 =	vld [tilespmem:s30+$0x40]  }
0x194: {  	v59 =	vld [tilespmem:s28+$0x50]  }
0x195: {  	v60 =	vld [tilespmem:s28+$0x60]  }
0x196: {  	v61 =	vld [tilespmem:s30+$0x60]  }
0x197: {  	v62 =	vld [tilespmem:s28+$0x70]  }
0x198: {  	v57 =	vmul.f32 v58, v57;
	v58 =	vld [tilespmem:s30+$0x70]  }
0x199: {  	v56 =	vmul.f32 v56, v59;
	_ =	sdelay $0x1  }
0x19a: {  	v56 =	vadd.f32 v56, v57;
	v57 =	vmul.f32 v61, v60;
	_ =	sdelay $0x1  }
0x19b: {  	v56 =	vadd.f32 v57, v56;
	v57 =	vmul.f32 v58, v62;
	_ =	sdelay $0x1  }
0x19c: {  	v56 =	vadd.f32 v57, v56;
	_ =	sdelay $0x1  }
0x19d: {  	(xrf2) =	vadd.scan.msk.f32 $0xffff, v56;
	_ =	sdelay $0x9  }
0x19e: {  	v56, _, _ =	vpop (xrf2)  }
0x19f: {  	[tilespmem:s9+$0x10] =	vst v56  }
0x1a0: {  	v56 =	vld [tilespmem:s28+$0x80]  }
0x1a1: {  	v57 =	vld [tilespmem:s30+$0x80]  }
0x1a2: {  	v58 =	vld [tilespmem:s30+$0x90]  }
0x1a3: {  	v59 =	vld [tilespmem:s28+$0x90]  }
0x1a4: {  	v60 =	vld [tilespmem:s28+$0xA0]  }
0x1a5: {  	v61 =	vld [tilespmem:s30+$0xA0]  }
0x1a6: {  	v56 =	vmul.f32 v57, v56;
	v57 =	vld [tilespmem:s28+$0xB0]  }
0x1a7: {  	v62 =	vld [tilespmem:s30+$0xB0]  }
0x1a8: {  	v58 =	vmul.f32 v58, v59;
	_ =	sdelay $0x1  }
0x1a9: {  	v56 =	vadd.f32 v58, v56;
	v58 =	vmul.f32 v61, v60;
	_ =	sdelay $0x1  }
0x1aa: {  	v56 =	vadd.f32 v58, v56;
	v57 =	vmul.f32 v62, v57;
	_ =	sdelay $0x1  }
0x1ab: {  	v56 =	vadd.f32 v57, v56;
	_ =	sdelay $0x1  }
0x1ac: {  	(xrf2) =	vadd.scan.msk.f32 $0xffff, v56;
	_ =	sdelay $0x9  }
0x1ad: {  	v56, _, _ =	vpop (xrf2)  }
0x1ae: {  	[tilespmem:s9+$0x20] =	vst v56  }
0x1af: {  	v56 =	vld [tilespmem:s28+$0xE0]  }
.Ltmp0:
0x1b0: {  	v57 =	vld [tilespmem:s28+$0xC0];
	(pc) =	sbr.rel @p0 .LBB2_2-.Ltmp0, $4  }
0x1b1: {  	v58 =	vld [tilespmem:s30+$0xE0]  }
0x1b2: {  	v59 =	vld [tilespmem:s30+$0xD0]  }
0x1b3: {  	v60 =	vld [tilespmem:s30+$0xC0]  }
0x1b4: {  	s9 =	sadd.s32 $0x80, s9;
	v61 =	vld [tilespmem:s28+$0xD0]  }
0x1b5: {  	_ =	sdelay $0x1  }
0x1b6: {  	v62 =	vld [tilespmem:s28+$0xF0]  }
0x1b7: {  	v63 =	vld [tilespmem:s8+$0xF0]  }
0x1b8: {  	v57 =	vmul.f32 v60, v57;
	v59 =	vmul.f32 v59, v61;
	_ =	sdelay $0x1  }
0x1b9: {  	v56 =	vmul.f32 v58, v56;
	v57 =	vadd.f32 v59, v57;
	_ =	sdelay $0x1  }
0x1ba: {  	v61 =	vmul.f32 v63, v62;
	v56 =	vadd.f32 v56, v57;
	_ =	sdelay $0x1  }
0x1bb: {  	v56 =	vadd.f32 v61, v56;
	_ =	sdelay $0x1  }
0x1bc: {  	(xrf2) =	vadd.scan.msk.f32 $0xffff, v56;
	_ =	sdelay $0x9  }
0x1bd: {  	v56, _, _ =	vpop (xrf2)  }
0x1be: {  	[tilespmem:s25+$0x30] =	vst v56  }
0x1bf: {  	v56 =	vld [tilespmem:$0x0];
	_ =	sdelay $0x1  }
0x1c0: {  	v62 =	vld [tilespmem:$0x200];
	_ =	sdelay $0x2  }
0x1c1: {  	v56 =	vand.u32 $0xF, v56  }
0x1c2: {  	v56 =	vor.u32 v0, v56  }
0x1c3: {  	v57 =	vand.u32 $0xF, v62  }
0x1c4: {  	v57 =	vor.u32 v0, v57  }
0x1c5: {  	v58 =	vld.idx.msk [tilespmem:v1+s2+$0x0], $0xffff  }
0x1c6: {  	v59 =	vld [tilespmem:$0x10]  }
0x1c7: {  	v56 =	vld.idx.msk [tilespmem:v56+s29+$0x0], $0xffff  }
0x1c8: {  	v60 =	vld [tilespmem:$0x210]  }
0x1c9: {  	v57 =	vld.idx.msk [tilespmem:v57+s31+$0x0], $0xffff;
	_ =	sdelay $0x2  }
0x1ca: {  	v63 =	vand.u32 $0xF, v59;
	v56 =	vadd.f32 v56, v58  }
0x1cb: {  	v58 =	vor.u32 v3, v63  }
0x1cc: {  	v60 =	vand.u32 $0xF, v60;
	v56 =	vadd.f32 v57, v56  }
0x1cd: {  	v57 =	vor.u32 v3, v60  }
0x1ce: {  	v59 =	vld [tilespmem:$0x20];
	[tilespmem:$0x16800] =	vst v56  }
0x1cf: {  	v56 =	vld.idx.msk [tilespmem:v2+s2+$0x0], $0xffff  }
0x1d0: {  	v58 =	vld.idx.msk [tilespmem:v58+s29+$0x0], $0xffff  }
0x1d1: {  	v60 =	vld [tilespmem:$0x220]  }
0x1d2: {  	v57 =	vld.idx.msk [tilespmem:v57+s31+$0x0], $0xffff;
	_ =	sdelay $0x2  }
0x1d3: {  	v61 =	vand.u32 $0xF, v59;
	v56 =	vadd.f32 v58, v56  }
0x1d4: {  	v58 =	vor.u32 v5, v61  }
0x1d5: {  	v62 =	vand.u32 $0xF, v60;
	v56 =	vadd.f32 v57, v56  }
0x1d6: {  	v57 =	vor.u32 v5, v62  }
0x1d7: {  	v59 =	vld [tilespmem:$0x30];
	[tilespmem:$0x16810] =	vst v56  }
0x1d8: {  	v56 =	vld.idx.msk [tilespmem:v4+s2+$0x0], $0xffff  }
0x1d9: {  	v58 =	vld.idx.msk [tilespmem:v58+s29+$0x0], $0xffff  }
0x1da: {  	v60 =	vld [tilespmem:$0x230]  }
0x1db: {  	v57 =	vld.idx.msk [tilespmem:v57+s31+$0x0], $0xffff;
	_ =	sdelay $0x2  }
0x1dc: {  	v63 =	vand.u32 $0xF, v59;
	v56 =	vadd.f32 v58, v56  }
0x1dd: {  	v58 =	vor.u32 v7, v63  }
0x1de: {  	v60 =	vand.u32 $0xF, v60;
	v56 =	vadd.f32 v57, v56  }
0x1df: {  	v57 =	vor.u32 v7, v60  }
0x1e0: {  	v59 =	vld [tilespmem:$0x40];
	[tilespmem:$0x16820] =	vst v56  }
0x1e1: {  	v56 =	vld.idx.msk [tilespmem:v6+s2+$0x0], $0xffff  }
0x1e2: {  	v58 =	vld.idx.msk [tilespmem:v58+s29+$0x0], $0xffff  }
0x1e3: {  	v60 =	vld [tilespmem:$0x240]  }
0x1e4: {  	v57 =	vld.idx.msk [tilespmem:v57+s31+$0x0], $0xffff;
	_ =	sdelay $0x2  }
0x1e5: {  	v61 =	vand.u32 $0xF, v59;
	v56 =	vadd.f32 v58, v56  }
0x1e6: {  	v58 =	vor.u32 v9, v61  }
0x1e7: {  	v62 =	vand.u32 $0xF, v60;
	v56 =	vadd.f32 v57, v56  }
0x1e8: {  	v57 =	vor.u32 v9, v62  }
0x1e9: {  	v59 =	vld [tilespmem:$0x50];
	[tilespmem:$0x16830] =	vst v56  }
0x1ea: {  	v56 =	vld.idx.msk [tilespmem:v8+s2+$0x0], $0xffff  }
0x1eb: {  	v58 =	vld.idx.msk [tilespmem:v58+s29+$0x0], $0xffff  }
0x1ec: {  	v60 =	vld [tilespmem:$0x250]  }
0x1ed: {  	v57 =	vld.idx.msk [tilespmem:v57+s31+$0x0], $0xffff;
	_ =	sdelay $0x2  }
0x1ee: {  	v63 =	vand.u32 $0xF, v59;
	v56 =	vadd.f32 v58, v56  }
0x1ef: {  	v58 =	vor.u32 v11, v63  }
0x1f0: {  	v60 =	vand.u32 $0xF, v60;
	v56 =	vadd.f32 v57, v56  }
0x1f1: {  	v57 =	vor.u32 v11, v60  }
0x1f2: {  	v59 =	vld [tilespmem:$0x60];
	[tilespmem:$0x16840] =	vst v56  }
0x1f3: {  	v56 =	vld.idx.msk [tilespmem:v10+s2+$0x0], $0xffff  }
0x1f4: {  	v58 =	vld.idx.msk [tilespmem:v58+s29+$0x0], $0xffff  }
0x1f5: {  	v60 =	vld [tilespmem:$0x260]  }
0x1f6: {  	v57 =	vld.idx.msk [tilespmem:v57+s31+$0x0], $0xffff;
	_ =	sdelay $0x2  }
0x1f7: {  	v61 =	vand.u32 $0xF, v59;
	v56 =	vadd.f32 v58, v56  }
0x1f8: {  	v58 =	vor.u32 v13, v61  }
0x1f9: {  	v62 =	vand.u32 $0xF, v60;
	v56 =	vadd.f32 v57, v56  }
0x1fa: {  	v57 =	vor.u32 v13, v62  }
0x1fb: {  	v59 =	vld [tilespmem:$0x70];
	[tilespmem:$0x16850] =	vst v56  }
0x1fc: {  	v56 =	vld.idx.msk [tilespmem:v12+s2+$0x0], $0xffff  }
0x1fd: {  	v58 =	vld.idx.msk [tilespmem:v58+s29+$0x0], $0xffff  }
0x1fe: {  	v60 =	vld [tilespmem:$0x270]  }
0x1ff: {  	v57 =	vld.idx.msk [tilespmem:v57+s31+$0x0], $0xffff;
	_ =	sdelay $0x2  }
0x200: {  	v63 =	vand.u32 $0xF, v59;
	v56 =	vadd.f32 v58, v56  }
0x201: {  	v58 =	vor.u32 v15, v63  }
0x202: {  	v60 =	vand.u32 $0xF, v60;
	v56 =	vadd.f32 v57, v56  }
0x203: {  	v57 =	vor.u32 v15, v60  }
0x204: {  	v59 =	vld [tilespmem:$0x80];
	[tilespmem:$0x16860] =	vst v56  }
0x205: {  	v56 =	vld.idx.msk [tilespmem:v14+s2+$0x0], $0xffff  }
0x206: {  	v58 =	vld.idx.msk [tilespmem:v58+s29+$0x0], $0xffff  }
0x207: {  	v60 =	vld [tilespmem:$0x280]  }
0x208: {  	v57 =	vld.idx.msk [tilespmem:v57+s31+$0x0], $0xffff;
	_ =	sdelay $0x2  }
0x209: {  	v61 =	vand.u32 $0xF, v59;
	v56 =	vadd.f32 v58, v56  }
0x20a: {  	v58 =	vor.u32 v17, v61  }
0x20b: {  	v62 =	vand.u32 $0xF, v60;
	v56 =	vadd.f32 v57, v56  }
0x20c: {  	v57 =	vor.u32 v17, v62  }
0x20d: {  	v59 =	vld [tilespmem:$0x90];
	[tilespmem:$0x16870] =	vst v56  }
0x20e: {  	v56 =	vld.idx.msk [tilespmem:v16+s2+$0x0], $0xffff  }
0x20f: {  	v58 =	vld.idx.msk [tilespmem:v58+s29+$0x0], $0xffff  }
0x210: {  	v60 =	vld [tilespmem:$0x290]  }
0x211: {  	v57 =	vld.idx.msk [tilespmem:v57+s31+$0x0], $0xffff;
	_ =	sdelay $0x2  }
0x212: {  	v63 =	vand.u32 $0xF, v59;
	v56 =	vadd.f32 v58, v56  }
0x213: {  	v58 =	vor.u32 v19, v63  }
0x214: {  	v60 =	vand.u32 $0xF, v60;
	v56 =	vadd.f32 v57, v56  }
0x215: {  	v57 =	vor.u32 v19, v60  }
0x216: {  	v59 =	vld [tilespmem:$0xA0];
	[tilespmem:$0x16880] =	vst v56  }
0x217: {  	v56 =	vld.idx.msk [tilespmem:v18+s2+$0x0], $0xffff  }
0x218: {  	v58 =	vld.idx.msk [tilespmem:v58+s29+$0x0], $0xffff  }
0x219: {  	v60 =	vld [tilespmem:$0x2A0]  }
0x21a: {  	v57 =	vld.idx.msk [tilespmem:v57+s31+$0x0], $0xffff;
	_ =	sdelay $0x2  }
0x21b: {  	v61 =	vand.u32 $0xF, v59;
	v56 =	vadd.f32 v58, v56  }
0x21c: {  	v58 =	vor.u32 v21, v61  }
0x21d: {  	v62 =	vand.u32 $0xF, v60;
	v56 =	vadd.f32 v57, v56  }
0x21e: {  	v57 =	vor.u32 v21, v62  }
0x21f: {  	v59 =	vld [tilespmem:$0xB0];
	[tilespmem:$0x16890] =	vst v56  }
0x220: {  	v56 =	vld.idx.msk [tilespmem:v20+s2+$0x0], $0xffff  }
0x221: {  	v58 =	vld.idx.msk [tilespmem:v58+s29+$0x0], $0xffff  }
0x222: {  	v60 =	vld [tilespmem:$0x2B0]  }
0x223: {  	v57 =	vld.idx.msk [tilespmem:v57+s31+$0x0], $0xffff;
	_ =	sdelay $0x2  }
0x224: {  	v63 =	vand.u32 $0xF, v59;
	v56 =	vadd.f32 v58, v56  }
0x225: {  	v58 =	vor.u32 v23, v63  }
0x226: {  	v60 =	vand.u32 $0xF, v60;
	v56 =	vadd.f32 v57, v56  }
0x227: {  	v57 =	vor.u32 v23, v60  }
0x228: {  	v59 =	vld [tilespmem:$0xC0];
	[tilespmem:$0x168A0] =	vst v56  }
0x229: {  	v56 =	vld.idx.msk [tilespmem:v22+s2+$0x0], $0xffff  }
0x22a: {  	v58 =	vld.idx.msk [tilespmem:v58+s29+$0x0], $0xffff  }
0x22b: {  	v60 =	vld [tilespmem:$0x2C0]  }
0x22c: {  	v57 =	vld.idx.msk [tilespmem:v57+s31+$0x0], $0xffff;
	_ =	sdelay $0x2  }
0x22d: {  	v61 =	vand.u32 $0xF, v59;
	v56 =	vadd.f32 v58, v56  }
0x22e: {  	v58 =	vor.u32 v25, v61  }
0x22f: {  	v62 =	vand.u32 $0xF, v60;
	v56 =	vadd.f32 v57, v56  }
0x230: {  	v57 =	vor.u32 v25, v62  }
0x231: {  	v59 =	vld [tilespmem:$0xD0];
	[tilespmem:$0x168B0] =	vst v56  }
0x232: {  	v56 =	vld.idx.msk [tilespmem:v24+s2+$0x0], $0xffff  }
0x233: {  	v58 =	vld.idx.msk [tilespmem:v58+s29+$0x0], $0xffff  }
0x234: {  	v60 =	vld [tilespmem:$0x2D0]  }
0x235: {  	v57 =	vld.idx.msk [tilespmem:v57+s31+$0x0], $0xffff;
	_ =	sdelay $0x2  }
0x236: {  	v63 =	vand.u32 $0xF, v59;
	v56 =	vadd.f32 v58, v56  }
0x237: {  	v58 =	vor.u32 v27, v63  }
0x238: {  	v60 =	vand.u32 $0xF, v60;
	v56 =	vadd.f32 v57, v56  }
0x239: {  	v57 =	vor.u32 v27, v60  }
0x23a: {  	v59 =	vld [tilespmem:$0xE0];
	[tilespmem:$0x168C0] =	vst v56  }
0x23b: {  	v56 =	vld.idx.msk [tilespmem:v26+s2+$0x0], $0xffff  }
0x23c: {  	v58 =	vld.idx.msk [tilespmem:v58+s29+$0x0], $0xffff  }
0x23d: {  	v60 =	vld [tilespmem:$0x2E0]  }
0x23e: {  	v57 =	vld.idx.msk [tilespmem:v57+s31+$0x0], $0xffff;
	_ =	sdelay $0x2  }
0x23f: {  	v61 =	vand.u32 $0xF, v59;
	v56 =	vadd.f32 v58, v56  }
0x240: {  	v58 =	vor.u32 v29, v61  }
0x241: {  	v62 =	vand.u32 $0xF, v60;
	v56 =	vadd.f32 v57, v56  }
0x242: {  	v57 =	vor.u32 v29, v62  }
0x243: {  	v59 =	vld [tilespmem:$0xF0];
	[tilespmem:$0x168D0] =	vst v56  }
0x244: {  	v56 =	vld.idx.msk [tilespmem:v28+s2+$0x0], $0xffff  }
0x245: {  	v58 =	vld.idx.msk [tilespmem:v58+s29+$0x0], $0xffff  }
0x246: {  	v60 =	vld [tilespmem:$0x2F0]  }
0x247: {  	v57 =	vld.idx.msk [tilespmem:v57+s31+$0x0], $0xffff;
	_ =	sdelay $0x2  }
0x248: {  	v63 =	vand.u32 $0xF, v59;
	v56 =	vadd.f32 v58, v56  }
0x249: {  	v58 =	vor.u32 v31, v63  }
0x24a: {  	v60 =	vand.u32 $0xF, v60;
	v56 =	vadd.f32 v57, v56  }
0x24b: {  	v57 =	vor.u32 v31, v60  }
0x24c: {  	v59 =	vld [tilespmem:$0x100];
	[tilespmem:$0x168E0] =	vst v56  }
0x24d: {  	v56 =	vld.idx.msk [tilespmem:v30+s2+$0x0], $0xffff  }
0x24e: {  	v58 =	vld.idx.msk [tilespmem:v58+s29+$0x0], $0xffff  }
0x24f: {  	v60 =	vld [tilespmem:$0x300]  }
0x250: {  	v57 =	vld.idx.msk [tilespmem:v57+s31+$0x0], $0xffff;
	_ =	sdelay $0x2  }
0x251: {  	v61 =	vand.u32 $0xF, v59;
	v56 =	vadd.f32 v58, v56  }
0x252: {  	v58 =	vor.u32 v33, v61  }
0x253: {  	v62 =	vand.u32 $0xF, v60;
	v56 =	vadd.f32 v57, v56  }
0x254: {  	v57 =	vor.u32 v33, v62  }
0x255: {  	v59 =	vld [tilespmem:$0x110];
	[tilespmem:$0x168F0] =	vst v56  }
0x256: {  	v56 =	vld.idx.msk [tilespmem:v32+s2+$0x0], $0xffff  }
0x257: {  	v58 =	vld.idx.msk [tilespmem:v58+s29+$0x0], $0xffff  }
0x258: {  	v60 =	vld [tilespmem:$0x310]  }
0x259: {  	v57 =	vld.idx.msk [tilespmem:v57+s31+$0x0], $0xffff;
	_ =	sdelay $0x2  }
0x25a: {  	v63 =	vand.u32 $0xF, v59;
	v56 =	vadd.f32 v58, v56  }
0x25b: {  	v58 =	vor.u32 v35, v63  }
0x25c: {  	v60 =	vand.u32 $0xF, v60;
	v56 =	vadd.f32 v57, v56  }
0x25d: {  	v57 =	vor.u32 v35, v60  }
0x25e: {  	v59 =	vld [tilespmem:$0x120];
	[tilespmem:$0x16900] =	vst v56  }
0x25f: {  	v56 =	vld.idx.msk [tilespmem:v34+s2+$0x0], $0xffff  }
0x260: {  	v58 =	vld.idx.msk [tilespmem:v58+s29+$0x0], $0xffff  }
0x261: {  	v60 =	vld [tilespmem:$0x320]  }
0x262: {  	v57 =	vld.idx.msk [tilespmem:v57+s31+$0x0], $0xffff;
	_ =	sdelay $0x2  }
0x263: {  	v61 =	vand.u32 $0xF, v59;
	v56 =	vadd.f32 v58, v56  }
0x264: {  	v58 =	vor.u32 v37, v61  }
0x265: {  	v62 =	vand.u32 $0xF, v60;
	v56 =	vadd.f32 v57, v56  }
0x266: {  	v57 =	vor.u32 v37, v62  }
0x267: {  	v59 =	vld [tilespmem:$0x130];
	[tilespmem:$0x16910] =	vst v56  }
0x268: {  	v56 =	vld.idx.msk [tilespmem:v36+s2+$0x0], $0xffff  }
0x269: {  	v58 =	vld.idx.msk [tilespmem:v58+s29+$0x0], $0xffff  }
0x26a: {  	v60 =	vld [tilespmem:$0x330]  }
0x26b: {  	v57 =	vld.idx.msk [tilespmem:v57+s31+$0x0], $0xffff;
	_ =	sdelay $0x2  }
0x26c: {  	v63 =	vand.u32 $0xF, v59;
	v56 =	vadd.f32 v58, v56  }
0x26d: {  	v58 =	vor.u32 v39, v63  }
0x26e: {  	v60 =	vand.u32 $0xF, v60;
	v56 =	vadd.f32 v57, v56  }
0x26f: {  	v57 =	vor.u32 v39, v60  }
0x270: {  	v59 =	vld [tilespmem:$0x140];
	[tilespmem:$0x16920] =	vst v56  }
0x271: {  	v56 =	vld.idx.msk [tilespmem:v38+s2+$0x0], $0xffff  }
0x272: {  	v58 =	vld.idx.msk [tilespmem:v58+s29+$0x0], $0xffff  }
0x273: {  	v60 =	vld [tilespmem:$0x340]  }
0x274: {  	v57 =	vld.idx.msk [tilespmem:v57+s31+$0x0], $0xffff;
	_ =	sdelay $0x2  }
0x275: {  	v61 =	vand.u32 $0xF, v59;
	v56 =	vadd.f32 v58, v56  }
0x276: {  	v58 =	vor.u32 v41, v61  }
0x277: {  	v62 =	vand.u32 $0xF, v60;
	v56 =	vadd.f32 v57, v56  }
0x278: {  	v57 =	vor.u32 v41, v62  }
0x279: {  	v59 =	vld [tilespmem:$0x150];
	[tilespmem:$0x16930] =	vst v56  }
0x27a: {  	v56 =	vld.idx.msk [tilespmem:v40+s2+$0x0], $0xffff  }
0x27b: {  	v58 =	vld.idx.msk [tilespmem:v58+s29+$0x0], $0xffff  }
0x27c: {  	v60 =	vld [tilespmem:$0x350]  }
0x27d: {  	v57 =	vld.idx.msk [tilespmem:v57+s31+$0x0], $0xffff;
	_ =	sdelay $0x2  }
0x27e: {  	v63 =	vand.u32 $0xF, v59;
	v56 =	vadd.f32 v58, v56  }
0x27f: {  	v58 =	vor.u32 v43, v63  }
0x280: {  	v60 =	vand.u32 $0xF, v60;
	v56 =	vadd.f32 v57, v56  }
0x281: {  	v57 =	vor.u32 v43, v60  }
0x282: {  	v59 =	vld [tilespmem:$0x160];
	[tilespmem:$0x16940] =	vst v56  }
0x283: {  	v56 =	vld.idx.msk [tilespmem:v42+s2+$0x0], $0xffff  }
0x284: {  	v58 =	vld.idx.msk [tilespmem:v58+s29+$0x0], $0xffff  }
0x285: {  	v60 =	vld [tilespmem:$0x360]  }
0x286: {  	v57 =	vld.idx.msk [tilespmem:v57+s31+$0x0], $0xffff;
	_ =	sdelay $0x2  }
0x287: {  	v61 =	vand.u32 $0xF, v59;
	v56 =	vadd.f32 v58, v56  }
0x288: {  	v58 =	vor.u32 v45, v61  }
0x289: {  	v62 =	vand.u32 $0xF, v60;
	v56 =	vadd.f32 v57, v56  }
0x28a: {  	v57 =	vor.u32 v45, v62  }
0x28b: {  	v59 =	vld [tilespmem:$0x170];
	[tilespmem:$0x16950] =	vst v56  }
0x28c: {  	v56 =	vld.idx.msk [tilespmem:v44+s2+$0x0], $0xffff  }
0x28d: {  	v58 =	vld.idx.msk [tilespmem:v58+s29+$0x0], $0xffff  }
0x28e: {  	v60 =	vld [tilespmem:$0x370]  }
0x28f: {  	v57 =	vld.idx.msk [tilespmem:v57+s31+$0x0], $0xffff;
	_ =	sdelay $0x2  }
0x290: {  	v63 =	vand.u32 $0xF, v59;
	v56 =	vadd.f32 v58, v56  }
0x291: {  	v58 =	vor.u32 v47, v63  }
0x292: {  	v60 =	vand.u32 $0xF, v60;
	v56 =	vadd.f32 v57, v56  }
0x293: {  	v57 =	vor.u32 v47, v60  }
0x294: {  	v59 =	vld [tilespmem:$0x180];
	[tilespmem:$0x16960] =	vst v56  }
0x295: {  	v56 =	vld.idx.msk [tilespmem:v46+s2+$0x0], $0xffff  }
0x296: {  	v58 =	vld.idx.msk [tilespmem:v58+s29+$0x0], $0xffff  }
0x297: {  	v60 =	vld [tilespmem:$0x380]  }
0x298: {  	v57 =	vld.idx.msk [tilespmem:v57+s31+$0x0], $0xffff;
	_ =	sdelay $0x2  }
0x299: {  	v61 =	vand.u32 $0xF, v59;
	v56 =	vadd.f32 v58, v56  }
0x29a: {  	v58 =	vor.u32 v49, v61  }
0x29b: {  	v62 =	vand.u32 $0xF, v60;
	v56 =	vadd.f32 v57, v56  }
0x29c: {  	v57 =	vor.u32 v49, v62  }
0x29d: {  	v59 =	vld [tilespmem:$0x190];
	[tilespmem:$0x16970] =	vst v56  }
0x29e: {  	v56 =	vld.idx.msk [tilespmem:v48+s2+$0x0], $0xffff  }
0x29f: {  	v58 =	vld.idx.msk [tilespmem:v58+s29+$0x0], $0xffff  }
0x2a0: {  	v60 =	vld [tilespmem:$0x390]  }
0x2a1: {  	v57 =	vld.idx.msk [tilespmem:v57+s31+$0x0], $0xffff;
	_ =	sdelay $0x2  }
0x2a2: {  	v63 =	vand.u32 $0xF, v59;
	v56 =	vadd.f32 v58, v56  }
0x2a3: {  	v58 =	vor.u32 v51, v63  }
0x2a4: {  	v60 =	vand.u32 $0xF, v60;
	v56 =	vadd.f32 v57, v56  }
0x2a5: {  	v57 =	vor.u32 v51, v60  }
0x2a6: {  	v59 =	vld [tilespmem:$0x1A0];
	[tilespmem:$0x16980] =	vst v56  }
0x2a7: {  	v56 =	vld.idx.msk [tilespmem:v50+s2+$0x0], $0xffff  }
0x2a8: {  	v58 =	vld.idx.msk [tilespmem:v58+s29+$0x0], $0xffff  }
0x2a9: {  	v60 =	vld [tilespmem:$0x3A0]  }
0x2aa: {  	v57 =	vld.idx.msk [tilespmem:v57+s31+$0x0], $0xffff;
	_ =	sdelay $0x2  }
0x2ab: {  	v61 =	vand.u32 $0xF, v59;
	v56 =	vadd.f32 v58, v56  }
0x2ac: {  	v58 =	vor.u32 v53, v61  }
0x2ad: {  	v62 =	vand.u32 $0xF, v60;
	v56 =	vadd.f32 v57, v56  }
0x2ae: {  	v57 =	vor.u32 v53, v62  }
0x2af: {  	v59 =	vld [tilespmem:$0x1B0];
	[tilespmem:$0x16990] =	vst v56  }
0x2b0: {  	v56 =	vld.idx.msk [tilespmem:v52+s2+$0x0], $0xffff  }
0x2b1: {  	v58 =	vld.idx.msk [tilespmem:v58+s29+$0x0], $0xffff  }
0x2b2: {  	v60 =	vld [tilespmem:$0x3B0]  }
0x2b3: {  	v57 =	vld.idx.msk [tilespmem:v57+s31+$0x0], $0xffff;
	_ =	sdelay $0x2  }
0x2b4: {  	v63 =	vand.u32 $0xF, v59;
	v56 =	vadd.f32 v58, v56  }
0x2b5: {  	v58 =	vor.u32 v55, v63  }
0x2b6: {  	v61 =	vand.u32 $0xF, v60;
	v56 =	vadd.f32 v57, v56  }
0x2b7: {  	v57 =	vor.u32 v55, v61  }
0x2b8: {  	v59 =	vld [tilespmem:$0x1C0];
	[tilespmem:$0x169A0] =	vst v56  }
0x2b9: {  	v56 =	vld.idx.msk [tilespmem:v54+s2+$0x0], $0xffff  }
0x2ba: {  	v58 =	vld.idx.msk [tilespmem:v58+s29+$0x0], $0xffff;
	_ =	sdelay $0x1  }
0x2bb: {  	v57 =	vld.idx.msk [tilespmem:v57+s31+$0x0], $0xffff  }
0x2bc: {  	v60 =	vld [tilespmem:$0x3C0]  }
0x2bd: {  	v59 =	vand.u32 $0xF, v59  }
0x2be: {  	v61 =	vor.u32 $0x1C00, v0;
	v56 =	vadd.f32 v58, v56;
	v58 =	vor.u32 $0x1C0F, v0  }
0x2bf: {  	v59 =	vor.u32 v61, v59  }
0x2c0: {  	v56 =	vadd.f32 v57, v56  }
0x2c1: {  	v62 =	vand.u32 $0xF, v60  }
0x2c2: {  	v57 =	vor.u32 v61, v62;
	[tilespmem:$0x169B0] =	vst v56  }
0x2c3: {  	v56 =	vld.idx.msk [tilespmem:v58+s2+$0x0], $0xffff  }
0x2c4: {  	v58 =	vld.idx.msk [tilespmem:v59+s29+$0x0], $0xffff  }
0x2c5: {  	v59 =	vld [tilespmem:$0x1D0];
	_ =	sdelay $0x1  }
0x2c6: {  	v57 =	vld.idx.msk [tilespmem:v57+s31+$0x0], $0xffff  }
0x2c7: {  	v60 =	vld [tilespmem:$0x3D0]  }
0x2c8: {  	v61 =	vor.u32 $0x1D00, v0  }
0x2c9: {  	v56 =	vadd.f32 v58, v56;
	v58 =	vor.u32 $0x1D0F, v0;
	v59 =	vand.u32 $0xF, v59  }
0x2ca: {  	v59 =	vor.u32 v61, v59  }
0x2cb: {  	v56 =	vadd.f32 v57, v56  }
0x2cc: {  	v63 =	vand.u32 $0xF, v60  }
0x2cd: {  	v57 =	vor.u32 v61, v63;
	[tilespmem:$0x169C0] =	vst v56  }
0x2ce: {  	v56 =	vld.idx.msk [tilespmem:v58+s2+$0x0], $0xffff  }
0x2cf: {  	v58 =	vld.idx.msk [tilespmem:v59+s29+$0x0], $0xffff  }
0x2d0: {  	v59 =	vld [tilespmem:$0x1E0];
	_ =	sdelay $0x1  }
0x2d1: {  	v57 =	vld.idx.msk [tilespmem:v57+s31+$0x0], $0xffff  }
0x2d2: {  	v60 =	vld [tilespmem:$0x3E0]  }
0x2d3: {  	v61 =	vor.u32 $0x1E00, v0  }
0x2d4: {  	v56 =	vadd.f32 v58, v56;
	v58 =	vor.u32 $0x1E0F, v0;
	v59 =	vand.u32 $0xF, v59  }
0x2d5: {  	v59 =	vor.u32 v61, v59  }
0x2d6: {  	v56 =	vadd.f32 v57, v56  }
0x2d7: {  	v60 =	vand.u32 $0xF, v60  }
0x2d8: {  	v57 =	vor.u32 v61, v60;
	[tilespmem:$0x169D0] =	vst v56  }
0x2d9: {  	v56 =	vld.idx.msk [tilespmem:v58+s2+$0x0], $0xffff  }
0x2da: {  	v58 =	vld.idx.msk [tilespmem:v59+s29+$0x0], $0xffff  }
0x2db: {  	v59 =	vld [tilespmem:$0x1F0]  }
0x2dc: {  	v60 =	vld [tilespmem:$0x3F0]  }
0x2dd: {  	v57 =	vld.idx.msk [tilespmem:v57+s31+$0x0], $0xffff;
	_ =	sdelay $0x1  }
0x2de: {  	v61 =	vor.u32 $0x1F00, v0  }
0x2df: {  	v56 =	vadd.f32 v58, v56;
	v58 =	vor.u32 $0x1F0F, v0;
	v59 =	vand.u32 $0xF, v59  }
0x2e0: {  	v59 =	vor.u32 v61, v59  }
0x2e1: {  	v62 =	vand.u32 $0xF, v60;
	v56 =	vadd.f32 v57, v56  }
0x2e2: {  	v57 =	vor.u32 v61, v62  }
0x2e3: {  	[tilespmem:$0x169E0] =	vst v56  }
0x2e4: {  	v56 =	vld.idx.msk [tilespmem:v58+s2+$0x0], $0xffff  }
0x2e5: {  	v63 =	vld.idx.msk [tilespmem:v59+s29+$0x0], $0xffff;
	_ =	sdelay $0x1  }
0x2e6: {  	v57 =	vld.idx.msk [tilespmem:v57+s31+$0x0], $0xffff;
	_ =	sdelay $0x2  }
0x2e7: {  	v56 =	vadd.f32 v63, v56;
	_ =	sdelay $0x1  }
0x2e8: {  	s26 =	sadd.s32 $0x1, s26;
	v56 =	vadd.f32 v57, v56  }
0x2e9: {  	p0 =	sne.s32 s26, s16  }
.Ltmp1:
0x2ea: {  	s7 =	simm.s32 $0x16800;
	[tilespmem:$0x169F0] =	vst v56;
	(pc) =	sbr.rel @p0 .LBB2_1-.Ltmp1, $4  }
0x2eb: {  	[hbm4b:s15+s1] =	stream.linear.scatter [tilespmem:s7], [sflag:$0x2], $0x200, $0x38;
	[tilespmem:$0x16A00] =	vst v63  }
0x2ec: {  	_ =	swait.ge [sflag:s17], $0x200  }
0x2ed: {  	[sflag:s17] =	ssyncset.done $0x0  }
0x2ee: {  	[sflag:s17] =	ssyncadd.s32 $0xFFFFFE00  }
0x2ef: {  	_ =	sfence.sel $0x180000  }
0x2f0: {  	[bflag:$0x0] =	sbarrier.arrive $0xFFFF  }
0x2f1: {  	_ =	strace $0x90000047  }
0x2f2: {  	s0 =	stileid.u32;
	[bflag:$0x2] =	sbarrier.arrive $0xFFFF  }
0x2f3: {  	p0 =	sne.s32 s0, $0x0;
	s0 =	rddreg [dreg:$0x4]  }
0x2f4: {  	s0 =	sadd.s32 @!p0 $0x100000, s0  }
0x2f5: {  	[sflag:s0] =	ssyncadd.tile.s32 @!p0 $0x1;
	_ =	shalt  }
.Lfunc_end2:
_tile_overlayer_lowered:
.L_overlay_start_2:
0x2f6: {  	(tag) =	ssettag $0x2  }
0x2f7: {  	s0 =	rddreg [dreg:$0x0];
	s2 =	stileid.u32  }
0x2f8: {  	s1 =	rddreg [dreg:$0x1];
	p0 =	sne.s32 s2, $0x0  }
0x2f9: {  	s3 =	rddreg [dreg:$0x2];
	[bflag:$0x3] =	sbarrier.arrive $0xFFFF;
	s2 =	simm.s32 @!p0 $0x1C02  }
0x2fa: {  	[timem:s3], [sflag:s2] =	dma.local @!p0 [hbm:s0], s1  }
0x2fb: {  	s0 =	simm.s32 @!p0 $0x2  }
0x2fc: {  	_ =	swait.ge @!p0 [sflag:s0], s1  }
0x2fd: {  	s1 =	ssub.s32 @!p0 $0x0, s1;
	[sflag:s0] =	ssyncset.done @!p0 $0x0  }
0x2fe: {  	[sflag:s0] =	ssyncadd.s32 @!p0 s1  }
0x2ff: {  	[bflag:$0x3] =	sbarrier.arrive $0xFFFF  }
0x300: {  	_ =	shalt  }

</sc_bundles>
